<compile_context>
chip_gen: v7x
topology: tpu7x:2x2x1
jax: 0.10.2.dev20260603
libtpu: 0.0.44.dev20260713+nightly
codegen_flags: <defaults>
</compile_context>

<pallas_src>
import functools

import jax
import jax.numpy as jnp
from jax import lax
from jax.experimental import pallas as pl
from jax.experimental.pallas import tpu as pltpu
from jax.experimental.pallas import tpu_sc as plsc

_EPS = 1e-5
_L = 16
_UN = 16
_NC = 2
_NS = 16
_CHUNK_OFFS = (0, 16, 24)
_R = 256


def _sc_head(x0_hbm, x1_hbm, x2_hbm, w_hbm, out_hbm,
             x0v, x1v, x2v, wv, ov0, ov1, sem0, sem1):
    B, N = x0_hbm.shape
    O = out_hbm.shape[2]
    slices_per_b = 2
    sl = N // slices_per_b
    wid = lax.axis_index("s") * _NC + lax.axis_index("c")
    b = wid // slices_per_b
    h = wid % slices_per_b
    n0 = h * sl
    pltpu.sync_copy(x0_hbm.at[b, pl.ds(n0, sl)], x0v)
    pltpu.sync_copy(x1_hbm.at[b, pl.ds(n0, sl)], x1v)
    pltpu.sync_copy(x2_hbm.at[b, pl.ds(n0, sl)], x2v)
    pltpu.sync_copy(w_hbm, wv)

    wchunks = []
    for lo in _CHUNK_OFFS:
        wchunks.append((lo,
                        wv[pl.ds(lo, _L)],
                        wv[pl.ds(O + lo, _L)],
                        wv[pl.ds(2 * O + lo, _L)],
                        wv[pl.ds(3 * O + lo, _L)]))
    zero = jnp.zeros((_L,), jnp.float32)
    bufs = (ov0, ov1)
    sems = (sem0, sem1)

    def mk_body(buf, base):
        def body(i, carry):
            nb = i * _UN
            x0vec = x0v[pl.ds(base + nb, _UN)]
            x1vec = x1v[pl.ds(base + nb, _UN)]
            x2vec = x2v[pl.ds(base + nb, _UN)]
            for j in range(_UN):
                x0b = lax.broadcast_in_dim(x0vec[j], (_L,), ())
                x1b = lax.broadcast_in_dim(x1vec[j], (_L,), ())
                x2b = lax.broadcast_in_dim(x2vec[j], (_L,), ())
                for lo, w0, w1, w2, tv in wchunks:
                    acc = x0b * w0 + tv
                    acc = acc + x1b * w1
                    acc = acc + x2b * w2
                    buf[nb + j, pl.ds(lo, _L)] = jnp.maximum(acc, zero)
            return carry
        return body

    copies = [None, None]
    n_chunks = sl // _R
    for ch in range(n_chunks):
        k = ch % 2
        if copies[k] is not None:
            copies[k].wait()
        lax.fori_loop(0, _R // _UN, mk_body(bufs[k], ch * _R), jnp.int32(0))
        copies[k] = pltpu.make_async_copy(
            bufs[k], out_hbm.at[b, pl.ds(n0 + ch * _R, _R), :], sems[k])
        copies[k].start()
    for c in copies:
        if c is not None:
            c.wait()


def kernel(xyz, params):
    W, bb, g, be = params["head"][0]
    s = g / jnp.sqrt(1.0 + _EPS)
    wt = W * s[:, None]
    t = bb * s + be
    B, C, N = xyz.shape
    O = W.shape[0]
    wflat = jnp.concatenate([wt[:, 0], wt[:, 1], wt[:, 2], t])
    x0, x1, x2 = xyz[:, 0, :], xyz[:, 1, :], xyz[:, 2, :]

    sl = N // 2
    mesh = plsc.VectorSubcoreMesh(core_axis_name="c", subcore_axis_name="s",
                                  num_cores=_NC, num_subcores=_NS)
    run = functools.partial(
        pl.kernel,
        out_type=jax.ShapeDtypeStruct((B, N, O), jnp.float32),
        mesh=mesh,
        scratch_types=[
            pltpu.VMEM((sl,), jnp.float32),
            pltpu.VMEM((sl,), jnp.float32),
            pltpu.VMEM((sl,), jnp.float32),
            pltpu.VMEM((4 * O,), jnp.float32),
            pltpu.VMEM((_R, O), jnp.float32),
            pltpu.VMEM((_R, O), jnp.float32),
            pltpu.SemaphoreType.DMA,
            pltpu.SemaphoreType.DMA,
        ],
    )(_sc_head)
    return run(x0, x1, x2, wflat)

# --- scband reference (transcript-rebuilt; emitter-appended) ---
"""Pipeline reference for scband-point-net-desc-40699110097105 (READ-ONLY COPY).

The authoritative reference and input builder live on the scoring server;
editing this copy changes nothing except your own understanding.
"""

import jax, jax.numpy as jnp
import numpy as np

_EPS = 1e-5

def _square_distance(src, dst):
    return (jnp.sum(src * src, -1)[:, :, None]
            + jnp.sum(dst * dst, -1)[:, None, :]
            - 2.0 * jnp.einsum('bnc,bmc->bnm', src, dst))

def _index_points(points, idx):
    return jax.vmap(lambda p, i: p[i])(points, idx)

def _fps(xyz, npoint):
    xyz = jax.lax.stop_gradient(xyz)
    B, N, _ = xyz.shape
    def step(carry, _):
        distance, farthest = carry
        centroid = jnp.take_along_axis(xyz, farthest[:, None, None], axis=1)
        d = jnp.sum((xyz - centroid) ** 2, -1)
        distance = jnp.minimum(distance, d)
        return (distance, jnp.argmax(distance, -1).astype(jnp.int32)), farthest
    init = (jnp.full((B, N), 1e10, xyz.dtype), jnp.zeros((B,), jnp.int32))
    _, cent = jax.lax.scan(step, init, None, length=npoint)
    return jnp.transpose(cent, (1, 0))

def _query_ball(radius, nsample, xyz, new_xyz):
    B, N, _ = xyz.shape
    S = new_xyz.shape[1]
    sqr = jax.lax.stop_gradient(_square_distance(new_xyz, xyz))
    gi = jnp.broadcast_to(jnp.arange(N, dtype=jnp.int32), (B, S, N))
    gi = jnp.where(sqr > radius ** 2, N, gi)
    gi = jnp.sort(gi, axis=-1)[:, :, :nsample]
    first = gi[:, :, :1]
    return jnp.where(gi == N, first, gi)

def _bn_relu(x, g, b):
    shp = (1, -1) + (1,) * (x.ndim - 2)
    return jax.nn.relu(x * (g / jnp.sqrt(1.0 + _EPS)).reshape(shp) + b.reshape(shp))

def _sa(xyz, points, npoint, radius, nsample, layers):
    xt = jnp.transpose(xyz, (0, 2, 1))
    fps_idx = _fps(xt, npoint)
    new_xyz = _index_points(xt, fps_idx)
    idx = _query_ball(radius, nsample, xt, new_xyz)
    grouped = _index_points(xt, idx) - new_xyz[:, :, None, :]
    if points is not None:
        pt = jnp.transpose(points, (0, 2, 1))
        grouped = jnp.concatenate([grouped, _index_points(pt, idx)], axis=-1)
    x = jnp.transpose(grouped, (0, 3, 2, 1))
    for (W, bb, g, be) in layers:
        x = jnp.einsum('oc,bckn->bokn', W, x) + bb[None, :, None, None]
        x = _bn_relu(x, g, be)
    x = jnp.max(x, axis=2)
    return jnp.transpose(new_xyz, (0, 2, 1)), x

def _fp(xyz1, xyz2, points1, points2, layers):
    x1 = jnp.transpose(xyz1, (0, 2, 1))
    x2 = jnp.transpose(xyz2, (0, 2, 1))
    p2 = jnp.transpose(points2, (0, 2, 1))
    S = x2.shape[1]
    if S == 1:
        interp = jnp.repeat(p2, x1.shape[1], axis=1)
    else:
        dists = _square_distance(x1, x2)
        idx = jnp.argsort(dists, axis=-1)[:, :, :3]
        d3 = jnp.take_along_axis(dists, idx, axis=-1)
        rec = 1.0 / (d3 + 1e-8)
        w = rec / jnp.sum(rec, axis=2, keepdims=True)
        interp = jnp.sum(_index_points(p2, idx) * w[..., None], axis=2)
    if points1 is not None:
        interp = jnp.concatenate([jnp.transpose(points1, (0, 2, 1)), interp], axis=-1)
    x = jnp.transpose(interp, (0, 2, 1))
    for (W, bb, g, be) in layers:
        x = jnp.einsum('oc,bcn->bon', W, x) + bb[None, :, None]
        x = _bn_relu(x, g, be)
    return x

def _forward(xyz, params):
    l0_xyz = xyz
    l0_points = xyz
    l1_xyz, l1_points = _sa(l0_xyz, l0_points, 512, 0.1, 32, params['sa1'])
    l2_xyz, l2_points = _sa(l1_xyz, l1_points, 256, 0.2, 32, params['sa2'])
    l3_xyz, l3_points = _sa(l2_xyz, l2_points, 64, 0.4, 32, params['sa3'])
    l4_xyz, l4_points = _sa(l3_xyz, l3_points, 16, 0.8, 32, params['sa4'])
    l3_points = _fp(l3_xyz, l4_xyz, l3_points, l4_points, params['fp4'])
    l2_points = _fp(l2_xyz, l3_xyz, l2_points, l3_points, params['fp3'])
    l1_points = _fp(l1_xyz, l2_xyz, l1_points, l2_points, params['fp2'])
    _x_dead = _fp(l0_xyz, l1_xyz, None, l1_points, params['fp1'])
    W, bb, g, be = params['head'][0]
    x = jnp.einsum('oc,bcn->bon', W, l0_points) + bb[None, :, None]
    x = _bn_relu(x, g, be)
    return jnp.transpose(x, (0, 2, 1))

def _mk_layer(key, cin, cout):
    W = jax.random.normal(key, (cout, cin), dtype=jnp.float32) / np.sqrt(cin)
    return (W, jnp.zeros((cout,), jnp.float32), jnp.ones((cout,), jnp.float32), jnp.zeros((cout,), jnp.float32))

def _mk_mlp(key, cin, mlp):
    layers = []
    for cout in mlp:
        key, sub = jax.random.split(key)
        layers.append(_mk_layer(sub, cin, cout))
        cin = cout
    return layers

def setup_inputs(seed: int = 0):
    key = jax.random.key(seed)
    ks = jax.random.split(key, 10)
    xyz = jax.random.uniform(ks[0], (16, 3, 2048), dtype=jnp.float32)
    params = {
        'sa1': _mk_mlp(ks[1], 6, [32, 32, 64]),
        'sa2': _mk_mlp(ks[2], 67, [64, 64, 128]),
        'sa3': _mk_mlp(ks[3], 131, [128, 128, 256]),
        'sa4': _mk_mlp(ks[4], 259, [256, 256, 512]),
        'fp4': _mk_mlp(ks[5], 768, [256, 256]),
        'fp3': _mk_mlp(ks[6], 384, [256, 256]),
        'fp2': _mk_mlp(ks[7], 320, [256, 128]),
        'fp1': _mk_mlp(ks[8], 128, [128, 128, 40]),
        'head': _mk_mlp(ks[9], 3, [40]),
    }
    return {'xyz': xyz, 'params': params}

def reference(xyz, params):
    return _forward(xyz, params)

if __name__ == "__main__":
    import jax
    _d = setup_inputs()
    print(jax.jit(kernel)(*tuple(_d.values())))

</pallas_src>

<mosaic_0001>
#map = affine_map<(d0, d1) -> (0, 0)>
#map1 = affine_map<(d0, d1) -> (0)>
#map2 = affine_map<(d0, d1) -> (0, 0, 0)>
module attributes {stable_mosaic.version = 14 : i64} {
  func.func @_sc_head(%arg0: i32, %arg1: i32, %arg2: memref<16x2048xf32, #tpu.memory_space<hbm>>, %arg3: memref<16x2048xf32, #tpu.memory_space<hbm>>, %arg4: memref<16x2048xf32, #tpu.memory_space<hbm>>, %arg5: memref<160xf32, #tpu.memory_space<hbm>>, %arg6: memref<16x2048x40xf32, #tpu.memory_space<hbm>>, %arg7: memref<1024xf32, #tpu.memory_space<vmem>>, %arg8: memref<1024xf32, #tpu.memory_space<vmem>>, %arg9: memref<1024xf32, #tpu.memory_space<vmem>>, %arg10: memref<160xf32, #tpu.memory_space<vmem>>, %arg11: memref<256x40xf32, #tpu.memory_space<vmem>>, %arg12: memref<256x40xf32, #tpu.memory_space<vmem>>, %arg13: memref<!tpu.dma_semaphore, #tpu.memory_space<semaphore_mem>>, %arg14: memref<!tpu.dma_semaphore, #tpu.memory_space<semaphore_mem>>) attributes {dimension_semantics = [#tpu.dimension_semantics<core_parallel>, #tpu.dimension_semantics<subcore_parallel>], iteration_bounds = array<i64: 2, 16>, scalar_prefetch = 0 : i64, scratch_operands = 8 : i64, tpu.core_type = #tpu.core_type<sc_vector_subcore>, window_params = [{transform_indices = #map}, {transform_indices = #map}, {transform_indices = #map}, {transform_indices = #map1}, {transform_indices = #map2}]} {
    %mul3A = arith.constant 2 : i32
    %mul3A_0 = arith.muli %arg1, %mul3A : i32
    %add3A = arith.addi %mul3A_0, %arg0 : i32
    %jit3A = arith.constant 2 : i32
    %div3A = arith.divsi %add3A, %jit3A : i32
    %sign3A = arith.constant 0 : i32
    %sign3A_1 = arith.cmpi sgt, %add3A, %sign3A : i32
    %sign3A_2 = arith.extui %sign3A_1 : i1 to i32
    %sign3A_3 = arith.constant 0 : i32
    %sign3A_4 = arith.cmpi slt, %add3A, %sign3A_3 : i32
    %sign3A_5 = arith.extui %sign3A_4 : i1 to i32
    %sign3A_6 = arith.subi %sign3A_2, %sign3A_5 : i32
    %sign3A_7 = arith.constant 0 : i32
    %sign3A_8 = arith.cmpi sgt, %jit3A, %sign3A_7 : i32
    %sign3A_9 = arith.extui %sign3A_8 : i1 to i32
    %sign3A_10 = arith.constant 0 : i32
    %sign3A_11 = arith.cmpi slt, %jit3A, %sign3A_10 : i32
    %sign3A_12 = arith.extui %sign3A_11 : i1 to i32
    %sign3A_13 = arith.subi %sign3A_9, %sign3A_12 : i32
    %ne3A = arith.cmpi ne, %sign3A_6, %sign3A_13 : i32
    %rem3A = arith.remsi %add3A, %jit3A : i32
    %ne3A_14 = arith.constant 0 : i32
    %ne3A_15 = arith.cmpi ne, %rem3A, %ne3A_14 : i32
    %and3A = arith.andi %ne3A, %ne3A_15 : i1
    %sub3A = arith.constant 1 : i32
    %sub3A_16 = arith.subi %div3A, %sub3A : i32
    %select_n3A = arith.select %and3A, %sub3A_16, %div3A : i32
    %jit3A_17 = arith.constant 2 : i32
    %eq3A = arith.constant 0 : i32
    %eq3A_18 = arith.cmpi eq, %jit3A_17, %eq3A : i32
    %jit3A_19 = arith.constant 1 : i32
    %select_n3A_20 = arith.select %eq3A_18, %jit3A_19, %jit3A_17 : i32
    %rem3A_21 = arith.remsi %add3A, %select_n3A_20 : i32
    %ne3A_22 = arith.constant 0 : i32
    %ne3A_23 = arith.cmpi ne, %rem3A_21, %ne3A_22 : i32
    %lt3A = arith.constant 0 : i32
    %lt3A_24 = arith.cmpi slt, %rem3A_21, %lt3A : i32
    %lt3A_25 = arith.constant 0 : i32
    %lt3A_26 = arith.cmpi slt, %select_n3A_20, %lt3A_25 : i32
    %ne3A_27 = arith.xori %lt3A_24, %lt3A_26 : i1
    %and3A_28 = arith.andi %ne3A_27, %ne3A_23 : i1
    %add3A_29 = arith.addi %rem3A_21, %select_n3A_20 : i32
    %select_n3A_30 = arith.select %and3A_28, %add3A_29, %rem3A_21 : i32
    %mul3A_31 = arith.constant 1024 : i32
    %mul3A_32 = arith.muli %select_n3A_30, %mul3A_31 : i32
    "tpu.region"() ({
      %run_scoped3A = tpu.sem_alloc : memref<!tpu.dma_semaphore, #tpu.memory_space<semaphore_mem>>
      %dma_start3A_146 = tpu.memref_slice %arg2[%select_n3A, %mul3A_32] : memref<16x2048xf32, #tpu.memory_space<hbm>> -> memref<1x1024xf32, #tpu.memory_space<hbm>>
      %dma_start3A_147 = tpu.memref_squeeze %dma_start3A_146 : memref<1x1024xf32, #tpu.memory_space<hbm>> -> memref<1024xf32, #tpu.memory_space<hbm>>
      %dma_start3A_148 = tpu.memref_slice %arg2[%select_n3A, %mul3A_32] : memref<16x2048xf32, #tpu.memory_space<hbm>> -> memref<1x1024xf32, #tpu.memory_space<hbm>>
      %dma_start3A_149 = tpu.memref_squeeze %dma_start3A_148 : memref<1x1024xf32, #tpu.memory_space<hbm>> -> memref<1024xf32, #tpu.memory_space<hbm>>
      tpu.enqueue_dma source(%dma_start3A_149 : memref<1024xf32, #tpu.memory_space<hbm>>) target(%arg7 : memref<1024xf32, #tpu.memory_space<vmem>>) target_semaphore(%run_scoped3A : memref<!tpu.dma_semaphore, #tpu.memory_space<semaphore_mem>>)
      %dma_wait3A_150 = tpu.memref_slice %arg2[%select_n3A, %mul3A_32] : memref<16x2048xf32, #tpu.memory_space<hbm>> -> memref<1x1024xf32, #tpu.memory_space<hbm>>
      %dma_wait3A_151 = tpu.memref_squeeze %dma_wait3A_150 : memref<1x1024xf32, #tpu.memory_space<hbm>> -> memref<1024xf32, #tpu.memory_space<hbm>>
      %dma_wait3A_152 = tpu.memref_slice %arg2[%select_n3A, %mul3A_32] : memref<16x2048xf32, #tpu.memory_space<hbm>> -> memref<1x1024xf32, #tpu.memory_space<hbm>>
      %dma_wait3A_153 = tpu.memref_squeeze %dma_wait3A_152 : memref<1x1024xf32, #tpu.memory_space<hbm>> -> memref<1024xf32, #tpu.memory_space<hbm>>
      tpu.wait_dma2 semaphore(%run_scoped3A : memref<!tpu.dma_semaphore, #tpu.memory_space<semaphore_mem>>) src(%dma_wait3A_153 : memref<1024xf32, #tpu.memory_space<hbm>>) dst(%arg7 : memref<1024xf32, #tpu.memory_space<vmem>>)
      tpu.yield
    }) : () -> ()
    "tpu.region"() ({
      %run_scoped3A = tpu.sem_alloc : memref<!tpu.dma_semaphore, #tpu.memory_space<semaphore_mem>>
      %dma_start3A_146 = tpu.memref_slice %arg3[%select_n3A, %mul3A_32] : memref<16x2048xf32, #tpu.memory_space<hbm>> -> memref<1x1024xf32, #tpu.memory_space<hbm>>
      %dma_start3A_147 = tpu.memref_squeeze %dma_start3A_146 : memref<1x1024xf32, #tpu.memory_space<hbm>> -> memref<1024xf32, #tpu.memory_space<hbm>>
      %dma_start3A_148 = tpu.memref_slice %arg3[%select_n3A, %mul3A_32] : memref<16x2048xf32, #tpu.memory_space<hbm>> -> memref<1x1024xf32, #tpu.memory_space<hbm>>
      %dma_start3A_149 = tpu.memref_squeeze %dma_start3A_148 : memref<1x1024xf32, #tpu.memory_space<hbm>> -> memref<1024xf32, #tpu.memory_space<hbm>>
      tpu.enqueue_dma source(%dma_start3A_149 : memref<1024xf32, #tpu.memory_space<hbm>>) target(%arg8 : memref<1024xf32, #tpu.memory_space<vmem>>) target_semaphore(%run_scoped3A : memref<!tpu.dma_semaphore, #tpu.memory_space<semaphore_mem>>)
      %dma_wait3A_150 = tpu.memref_slice %arg3[%select_n3A, %mul3A_32] : memref<16x2048xf32, #tpu.memory_space<hbm>> -> memref<1x1024xf32, #tpu.memory_space<hbm>>
      %dma_wait3A_151 = tpu.memref_squeeze %dma_wait3A_150 : memref<1x1024xf32, #tpu.memory_space<hbm>> -> memref<1024xf32, #tpu.memory_space<hbm>>
      %dma_wait3A_152 = tpu.memref_slice %arg3[%select_n3A, %mul3A_32] : memref<16x2048xf32, #tpu.memory_space<hbm>> -> memref<1x1024xf32, #tpu.memory_space<hbm>>
      %dma_wait3A_153 = tpu.memref_squeeze %dma_wait3A_152 : memref<1x1024xf32, #tpu.memory_space<hbm>> -> memref<1024xf32, #tpu.memory_space<hbm>>
      tpu.wait_dma2 semaphore(%run_scoped3A : memref<!tpu.dma_semaphore, #tpu.memory_space<semaphore_mem>>) src(%dma_wait3A_153 : memref<1024xf32, #tpu.memory_space<hbm>>) dst(%arg8 : memref<1024xf32, #tpu.memory_space<vmem>>)
      tpu.yield
    }) : () -> ()
    "tpu.region"() ({
      %run_scoped3A = tpu.sem_alloc : memref<!tpu.dma_semaphore, #tpu.memory_space<semaphore_mem>>
      %dma_start3A_146 = tpu.memref_slice %arg4[%select_n3A, %mul3A_32] : memref<16x2048xf32, #tpu.memory_space<hbm>> -> memref<1x1024xf32, #tpu.memory_space<hbm>>
      %dma_start3A_147 = tpu.memref_squeeze %dma_start3A_146 : memref<1x1024xf32, #tpu.memory_space<hbm>> -> memref<1024xf32, #tpu.memory_space<hbm>>
      %dma_start3A_148 = tpu.memref_slice %arg4[%select_n3A, %mul3A_32] : memref<16x2048xf32, #tpu.memory_space<hbm>> -> memref<1x1024xf32, #tpu.memory_space<hbm>>
      %dma_start3A_149 = tpu.memref_squeeze %dma_start3A_148 : memref<1x1024xf32, #tpu.memory_space<hbm>> -> memref<1024xf32, #tpu.memory_space<hbm>>
      tpu.enqueue_dma source(%dma_start3A_149 : memref<1024xf32, #tpu.memory_space<hbm>>) target(%arg9 : memref<1024xf32, #tpu.memory_space<vmem>>) target_semaphore(%run_scoped3A : memref<!tpu.dma_semaphore, #tpu.memory_space<semaphore_mem>>)
      %dma_wait3A_150 = tpu.memref_slice %arg4[%select_n3A, %mul3A_32] : memref<16x2048xf32, #tpu.memory_space<hbm>> -> memref<1x1024xf32, #tpu.memory_space<hbm>>
      %dma_wait3A_151 = tpu.memref_squeeze %dma_wait3A_150 : memref<1x1024xf32, #tpu.memory_space<hbm>> -> memref<1024xf32, #tpu.memory_space<hbm>>
      %dma_wait3A_152 = tpu.memref_slice %arg4[%select_n3A, %mul3A_32] : memref<16x2048xf32, #tpu.memory_space<hbm>> -> memref<1x1024xf32, #tpu.memory_space<hbm>>
      %dma_wait3A_153 = tpu.memref_squeeze %dma_wait3A_152 : memref<1x1024xf32, #tpu.memory_space<hbm>> -> memref<1024xf32, #tpu.memory_space<hbm>>
      tpu.wait_dma2 semaphore(%run_scoped3A : memref<!tpu.dma_semaphore, #tpu.memory_space<semaphore_mem>>) src(%dma_wait3A_153 : memref<1024xf32, #tpu.memory_space<hbm>>) dst(%arg9 : memref<1024xf32, #tpu.memory_space<vmem>>)
      tpu.yield
    }) : () -> ()
    "tpu.region"() ({
      %run_scoped3A = tpu.sem_alloc : memref<!tpu.dma_semaphore, #tpu.memory_space<semaphore_mem>>
      tpu.enqueue_dma source(%arg5 : memref<160xf32, #tpu.memory_space<hbm>>) target(%arg10 : memref<160xf32, #tpu.memory_space<vmem>>) target_semaphore(%run_scoped3A : memref<!tpu.dma_semaphore, #tpu.memory_space<semaphore_mem>>)
      tpu.wait_dma2 semaphore(%run_scoped3A : memref<!tpu.dma_semaphore, #tpu.memory_space<semaphore_mem>>) src(%arg5 : memref<160xf32, #tpu.memory_space<hbm>>) dst(%arg10 : memref<160xf32, #tpu.memory_space<vmem>>)
      tpu.yield
    }) : () -> ()
    %get3A = arith.constant 0 : index
    %get3A_33 = tpu.vector_load %arg10[%get3A] {strides = array<i32>} : memref<160xf32, #tpu.memory_space<vmem>>, vector<16xf32>,
    %get3A_34 = vector.shape_cast %get3A_33 : vector<16xf32> to vector<16xf32>
    %get3A_35 = arith.constant 40 : index
    %get3A_36 = tpu.vector_load %arg10[%get3A_35] {strides = array<i32>} : memref<160xf32, #tpu.memory_space<vmem>>, vector<16xf32>,
    %get3A_37 = vector.shape_cast %get3A_36 : vector<16xf32> to vector<16xf32>
    %get3A_38 = arith.constant 80 : index
    %get3A_39 = tpu.vector_load %arg10[%get3A_38] {strides = array<i32>} : memref<160xf32, #tpu.memory_space<vmem>>, vector<16xf32>,
    %get3A_40 = vector.shape_cast %get3A_39 : vector<16xf32> to vector<16xf32>
    %get3A_41 = arith.constant 120 : index
    %get3A_42 = tpu.vector_load %arg10[%get3A_41] {strides = array<i32>} : memref<160xf32, #tpu.memory_space<vmem>>, vector<16xf32>,
    %get3A_43 = vector.shape_cast %get3A_42 : vector<16xf32> to vector<16xf32>
    %get3A_44 = arith.constant 16 : index
    %get3A_45 = tpu.vector_load %arg10[%get3A_44] {strides = array<i32>} : memref<160xf32, #tpu.memory_space<vmem>>, vector<16xf32>,
    %get3A_46 = vector.shape_cast %get3A_45 : vector<16xf32> to vector<16xf32>
    %get3A_47 = arith.constant 56 : index
    %get3A_48 = tpu.vector_load %arg10[%get3A_47] {strides = array<i32>} : memref<160xf32, #tpu.memory_space<vmem>>, vector<16xf32>,
    %get3A_49 = vector.shape_cast %get3A_48 : vector<16xf32> to vector<16xf32>
    %get3A_50 = arith.constant 96 : index
    %get3A_51 = tpu.vector_load %arg10[%get3A_50] {strides = array<i32>} : memref<160xf32, #tpu.memory_space<vmem>>, vector<16xf32>,
    %get3A_52 = vector.shape_cast %get3A_51 : vector<16xf32> to vector<16xf32>
    %get3A_53 = arith.constant 136 : index
    %get3A_54 = tpu.vector_load %arg10[%get3A_53] {strides = array<i32>} : memref<160xf32, #tpu.memory_space<vmem>>, vector<16xf32>,
    %get3A_55 = vector.shape_cast %get3A_54 : vector<16xf32> to vector<16xf32>
    %get3A_56 = arith.constant 24 : index
    %get3A_57 = tpu.vector_load %arg10[%get3A_56] {strides = array<i32>} : memref<160xf32, #tpu.memory_space<vmem>>, vector<16xf32>,
    %get3A_58 = vector.shape_cast %get3A_57 : vector<16xf32> to vector<16xf32>
    %get3A_59 = arith.constant 64 : index
    %get3A_60 = tpu.vector_load %arg10[%get3A_59] {strides = array<i32>} : memref<160xf32, #tpu.memory_space<vmem>>, vector<16xf32>,
    %get3A_61 = vector.shape_cast %get3A_60 : vector<16xf32> to vector<16xf32>
    %get3A_62 = arith.constant 104 : index
    %get3A_63 = tpu.vector_load %arg10[%get3A_62] {strides = array<i32>} : memref<160xf32, #tpu.memory_space<vmem>>, vector<16xf32>,
    %get3A_64 = vector.shape_cast %get3A_63 : vector<16xf32> to vector<16xf32>
    %get3A_65 = arith.constant 144 : index
    %get3A_66 = tpu.vector_load %arg10[%get3A_65] {strides = array<i32>} : memref<160xf32, #tpu.memory_space<vmem>>, vector<16xf32>,
    %get3A_67 = vector.shape_cast %get3A_66 : vector<16xf32> to vector<16xf32>
    %broadcast_in_dim3A = arith.constant 0.000000e+00 : f32
    %broadcast_in_dim3A_68 = vector.broadcast %broadcast_in_dim3A : f32 to vector<16xf32>
    %scan3A = arith.constant 0 : i32
    %scan3A_69 = arith.constant 0 : i32
    %scan3A_70 = arith.constant 16 : i32
    %scan3A_71 = arith.addi %scan3A_69, %scan3A_70 : i32
    %scan3A_72 = arith.constant 1 : i32
    scf.for %scan3A_146 = %scan3A_69 to %scan3A_71 step %scan3A_72  : i32 {
      %mul3A_147 = arith.constant 16 : i32
      %mul3A_148 = arith.muli %scan3A_146, %mul3A_147 : i32
      %add3A_149 = arith.constant 0 : i32
      %add3A_150 = arith.addi %add3A_149, %mul3A_148 : i32
      %get3A_151 = arith.index_cast %add3A_150 : i32 to index
      %get3A_152 = tpu.vector_load %arg7[%get3A_151] {strides = array<i32>} : memref<1024xf32, #tpu.memory_space<vmem>>, vector<16xf32>,
      %get3A_153 = vector.shape_cast %get3A_152 : vector<16xf32> to vector<16xf32>
      %add3A_154 = arith.constant 0 : i32
      %add3A_155 = arith.addi %add3A_154, %mul3A_148 : i32
      %get3A_156 = arith.index_cast %add3A_155 : i32 to index
      %get3A_157 = tpu.vector_load %arg8[%get3A_156] {strides = array<i32>} : memref<1024xf32, #tpu.memory_space<vmem>>, vector<16xf32>,
      %get3A_158 = vector.shape_cast %get3A_157 : vector<16xf32> to vector<16xf32>
      %add3A_159 = arith.constant 0 : i32
      %add3A_160 = arith.addi %add3A_159, %mul3A_148 : i32
      %get3A_161 = arith.index_cast %add3A_160 : i32 to index
      %get3A_162 = tpu.vector_load %arg9[%get3A_161] {strides = array<i32>} : memref<1024xf32, #tpu.memory_space<vmem>>, vector<16xf32>,
      %get3A_163 = vector.shape_cast %get3A_162 : vector<16xf32> to vector<16xf32>
      %slice3A = vector.extract_strided_slice %get3A_153 {offsets = [0], sizes = [1], strides = [1]} : vector<16xf32> to vector<1xf32>
      %squeeze3A = vector.extract %slice3A[0] : f32 from vector<1xf32>
      %broadcast_in_dim3A_164 = vector.broadcast %squeeze3A : f32 to vector<16xf32>
      %slice3A_165 = vector.extract_strided_slice %get3A_158 {offsets = [0], sizes = [1], strides = [1]} : vector<16xf32> to vector<1xf32>
      %squeeze3A_166 = vector.extract %slice3A_165[0] : f32 from vector<1xf32>
      %broadcast_in_dim3A_167 = vector.broadcast %squeeze3A_166 : f32 to vector<16xf32>
      %slice3A_168 = vector.extract_strided_slice %get3A_163 {offsets = [0], sizes = [1], strides = [1]} : vector<16xf32> to vector<1xf32>
      %squeeze3A_169 = vector.extract %slice3A_168[0] : f32 from vector<1xf32>
      %broadcast_in_dim3A_170 = vector.broadcast %squeeze3A_169 : f32 to vector<16xf32>
      %mul3A_171 = arith.mulf %broadcast_in_dim3A_164, %get3A_34 : vector<16xf32>
      %add3A_172 = arith.addf %mul3A_171, %get3A_43 : vector<16xf32>
      %mul3A_173 = arith.mulf %broadcast_in_dim3A_167, %get3A_37 : vector<16xf32>
      %add3A_174 = arith.addf %add3A_172, %mul3A_173 : vector<16xf32>
      %mul3A_175 = arith.mulf %broadcast_in_dim3A_170, %get3A_40 : vector<16xf32>
      %add3A_176 = arith.addf %add3A_174, %mul3A_175 : vector<16xf32>
      %max3A = arith.maximumf %add3A_176, %broadcast_in_dim3A_68 : vector<16xf32>
      %add3A_177 = arith.constant 0 : i32
      %add3A_178 = arith.addi %mul3A_148, %add3A_177 : i32
      %swap3A = arith.index_cast %add3A_178 : i32 to index
      %swap3A_179 = arith.constant 0 : index
      %swap3A_180 = tpu.vector_load %arg11[%swap3A, %swap3A_179] {strides = array<i32>} : memref<256x40xf32, #tpu.memory_space<vmem>>, vector<1x16xf32>,
      %swap3A_181 = vector.shape_cast %swap3A_180 : vector<1x16xf32> to vector<16xf32>
      %swap3A_182 = vector.shape_cast %max3A : vector<16xf32> to vector<1x16xf32>
      tpu.vector_store %arg11[%swap3A, %swap3A_179], %swap3A_182 {strides = array<i32>} : memref<256x40xf32, #tpu.memory_space<vmem>>, vector<1x16xf32>,
      %mul3A_183 = arith.mulf %broadcast_in_dim3A_164, %get3A_46 : vector<16xf32>
      %add3A_184 = arith.addf %mul3A_183, %get3A_55 : vector<16xf32>
      %mul3A_185 = arith.mulf %broadcast_in_dim3A_167, %get3A_49 : vector<16xf32>
      %add3A_186 = arith.addf %add3A_184, %mul3A_185 : vector<16xf32>
      %mul3A_187 = arith.mulf %broadcast_in_dim3A_170, %get3A_52 : vector<16xf32>
      %add3A_188 = arith.addf %add3A_186, %mul3A_187 : vector<16xf32>
      %max3A_189 = arith.maximumf %add3A_188, %broadcast_in_dim3A_68 : vector<16xf32>
      %add3A_190 = arith.constant 0 : i32
      %add3A_191 = arith.addi %mul3A_148, %add3A_190 : i32
      %swap3A_192 = arith.index_cast %add3A_191 : i32 to index
      %swap3A_193 = arith.constant 16 : index
      %swap3A_194 = tpu.vector_load %arg11[%swap3A_192, %swap3A_193] {strides = array<i32>} : memref<256x40xf32, #tpu.memory_space<vmem>>, vector<1x16xf32>,
      %swap3A_195 = vector.shape_cast %swap3A_194 : vector<1x16xf32> to vector<16xf32>
      %swap3A_196 = vector.shape_cast %max3A_189 : vector<16xf32> to vector<1x16xf32>
      tpu.vector_store %arg11[%swap3A_192, %swap3A_193], %swap3A_196 {strides = array<i32>} : memref<256x40xf32, #tpu.memory_space<vmem>>, vector<1x16xf32>,
      %mul3A_197 = arith.mulf %broadcast_in_dim3A_164, %get3A_58 : vector<16xf32>
      %add3A_198 = arith.addf %mul3A_197, %get3A_67 : vector<16xf32>
      %mul3A_199 = arith.mulf %broadcast_in_dim3A_167, %get3A_61 : vector<16xf32>
      %add3A_200 = arith.addf %add3A_198, %mul3A_199 : vector<16xf32>
      %mul3A_201 = arith.mulf %broadcast_in_dim3A_170, %get3A_64 : vector<16xf32>
      %add3A_202 = arith.addf %add3A_200, %mul3A_201 : vector<16xf32>
      %max3A_203 = arith.maximumf %add3A_202, %broadcast_in_dim3A_68 : vector<16xf32>
      %add3A_204 = arith.constant 0 : i32
      %add3A_205 = arith.addi %mul3A_148, %add3A_204 : i32
      %swap3A_206 = arith.index_cast %add3A_205 : i32 to index
      %swap3A_207 = arith.constant 24 : index
      %swap3A_208 = tpu.vector_load %arg11[%swap3A_206, %swap3A_207] {strides = array<i32>} : memref<256x40xf32, #tpu.memory_space<vmem>>, vector<1x16xf32>,
      %swap3A_209 = vector.shape_cast %swap3A_208 : vector<1x16xf32> to vector<16xf32>
      %swap3A_210 = vector.shape_cast %max3A_203 : vector<16xf32> to vector<1x16xf32>
      tpu.vector_store %arg11[%swap3A_206, %swap3A_207], %swap3A_210 {strides = array<i32>} : memref<256x40xf32, #tpu.memory_space<vmem>>, vector<1x16xf32>,
      %slice3A_211 = vector.extract_strided_slice %get3A_153 {offsets = [1], sizes = [1], strides = [1]} : vector<16xf32> to vector<1xf32>
      %squeeze3A_212 = vector.extract %slice3A_211[0] : f32 from vector<1xf32>
      %broadcast_in_dim3A_213 = vector.broadcast %squeeze3A_212 : f32 to vector<16xf32>
      %slice3A_214 = vector.extract_strided_slice %get3A_158 {offsets = [1], sizes = [1], strides = [1]} : vector<16xf32> to vector<1xf32>
      %squeeze3A_215 = vector.extract %slice3A_214[0] : f32 from vector<1xf32>
      %broadcast_in_dim3A_216 = vector.broadcast %squeeze3A_215 : f32 to vector<16xf32>
      %slice3A_217 = vector.extract_strided_slice %get3A_163 {offsets = [1], sizes = [1], strides = [1]} : vector<16xf32> to vector<1xf32>
      %squeeze3A_218 = vector.extract %slice3A_217[0] : f32 from vector<1xf32>
      %broadcast_in_dim3A_219 = vector.broadcast %squeeze3A_218 : f32 to vector<16xf32>
      %mul3A_220 = arith.mulf %broadcast_in_dim3A_213, %get3A_34 : vector<16xf32>
      %add3A_221 = arith.addf %mul3A_220, %get3A_43 : vector<16xf32>
      %mul3A_222 = arith.mulf %broadcast_in_dim3A_216, %get3A_37 : vector<16xf32>
      %add3A_223 = arith.addf %add3A_221, %mul3A_222 : vector<16xf32>
      %mul3A_224 = arith.mulf %broadcast_in_dim3A_219, %get3A_40 : vector<16xf32>
      %add3A_225 = arith.addf %add3A_223, %mul3A_224 : vector<16xf32>
      %max3A_226 = arith.maximumf %add3A_225, %broadcast_in_dim3A_68 : vector<16xf32>
      %add3A_227 = arith.constant 1 : i32
      %add3A_228 = arith.addi %mul3A_148, %add3A_227 : i32
      %swap3A_229 = arith.index_cast %add3A_228 : i32 to index
      %swap3A_230 = arith.constant 0 : index
      %swap3A_231 = tpu.vector_load %arg11[%swap3A_229, %swap3A_230] {strides = array<i32>} : memref<256x40xf32, #tpu.memory_space<vmem>>, vector<1x16xf32>,
      %swap3A_232 = vector.shape_cast %swap3A_231 : vector<1x16xf32> to vector<16xf32>
      %swap3A_233 = vector.shape_cast %max3A_226 : vector<16xf32> to vector<1x16xf32>
      tpu.vector_store %arg11[%swap3A_229, %swap3A_230], %swap3A_233 {strides = array<i32>} : memref<256x40xf32, #tpu.memory_space<vmem>>, vector<1x16xf32>,
      %mul3A_234 = arith.mulf %broadcast_in_dim3A_213, %get3A_46 : vector<16xf32>
      %add3A_235 = arith.addf %mul3A_234, %get3A_55 : vector<16xf32>
      %mul3A_236 = arith.mulf %broadcast_in_dim3A_216, %get3A_49 : vector<16xf32>
      %add3A_237 = arith.addf %add3A_235, %mul3A_236 : vector<16xf32>
      %mul3A_238 = arith.mulf %broadcast_in_dim3A_219, %get3A_52 : vector<16xf32>
      %add3A_239 = arith.addf %add3A_237, %mul3A_238 : vector<16xf32>
      %max3A_240 = arith.maximumf %add3A_239, %broadcast_in_dim3A_68 : vector<16xf32>
      %add3A_241 = arith.constant 1 : i32
      %add3A_242 = arith.addi %mul3A_148, %add3A_241 : i32
      %swap3A_243 = arith.index_cast %add3A_242 : i32 to index
      %swap3A_244 = arith.constant 16 : index
      %swap3A_245 = tpu.vector_load %arg11[%swap3A_243, %swap3A_244] {strides = array<i32>} : memref<256x40xf32, #tpu.memory_space<vmem>>, vector<1x16xf32>,
      %swap3A_246 = vector.shape_cast %swap3A_245 : vector<1x16xf32> to vector<16xf32>
      %swap3A_247 = vector.shape_cast %max3A_240 : vector<16xf32> to vector<1x16xf32>
      tpu.vector_store %arg11[%swap3A_243, %swap3A_244], %swap3A_247 {strides = array<i32>} : memref<256x40xf32, #tpu.memory_space<vmem>>, vector<1x16xf32>,
      %mul3A_248 = arith.mulf %broadcast_in_dim3A_213, %get3A_58 : vector<16xf32>
      %add3A_249 = arith.addf %mul3A_248, %get3A_67 : vector<16xf32>
      %mul3A_250 = arith.mulf %broadcast_in_dim3A_216, %get3A_61 : vector<16xf32>
      %add3A_251 = arith.addf %add3A_249, %mul3A_250 : vector<16xf32>
      %mul3A_252 = arith.mulf %broadcast_in_dim3A_219, %get3A_64 : vector<16xf32>
      %add3A_253 = arith.addf %add3A_251, %mul3A_252 : vector<16xf32>
      %max3A_254 = arith.maximumf %add3A_253, %broadcast_in_dim3A_68 : vector<16xf32>
      %add3A_255 = arith.constant 1 : i32
      %add3A_256 = arith.addi %mul3A_148, %add3A_255 : i32
      %swap3A_257 = arith.index_cast %add3A_256 : i32 to index
      %swap3A_258 = arith.constant 24 : index
      %swap3A_259 = tpu.vector_load %arg11[%swap3A_257, %swap3A_258] {strides = array<i32>} : memref<256x40xf32, #tpu.memory_space<vmem>>, vector<1x16xf32>,
      %swap3A_260 = vector.shape_cast %swap3A_259 : vector<1x16xf32> to vector<16xf32>
      %swap3A_261 = vector.shape_cast %max3A_254 : vector<16xf32> to vector<1x16xf32>
      tpu.vector_store %arg11[%swap3A_257, %swap3A_258], %swap3A_261 {strides = array<i32>} : memref<256x40xf32, #tpu.memory_space<vmem>>, vector<1x16xf32>,
      %slice3A_262 = vector.extract_strided_slice %get3A_153 {offsets = [2], sizes = [1], strides = [1]} : vector<16xf32> to vector<1xf32>
      %squeeze3A_263 = vector.extract %slice3A_262[0] : f32 from vector<1xf32>
      %broadcast_in_dim3A_264 = vector.broadcast %squeeze3A_263 : f32 to vector<16xf32>
      %slice3A_265 = vector.extract_strided_slice %get3A_158 {offsets = [2], sizes = [1], strides = [1]} : vector<16xf32> to vector<1xf32>
      %squeeze3A_266 = vector.extract %slice3A_265[0] : f32 from vector<1xf32>
      %broadcast_in_dim3A_267 = vector.broadcast %squeeze3A_266 : f32 to vector<16xf32>
      %slice3A_268 = vector.extract_strided_slice %get3A_163 {offsets = [2], sizes = [1], strides = [1]} : vector<16xf32> to vector<1xf32>
      %squeeze3A_269 = vector.extract %slice3A_268[0] : f32 from vector<1xf32>
      %broadcast_in_dim3A_270 = vector.broadcast %squeeze3A_269 : f32 to vector<16xf32>
      %mul3A_271 = arith.mulf %broadcast_in_dim3A_264, %get3A_34 : vector<16xf32>
      %add3A_272 = arith.addf %mul3A_271, %get3A_43 : vector<16xf32>
      %mul3A_273 = arith.mulf %broadcast_in_dim3A_267, %get3A_37 : vector<16xf32>
      %add3A_274 = arith.addf %add3A_272, %mul3A_273 : vector<16xf32>
      %mul3A_275 = arith.mulf %broadcast_in_dim3A_270, %get3A_40 : vector<16xf32>
      %add3A_276 = arith.addf %add3A_274, %mul3A_275 : vector<16xf32>
      %max3A_277 = arith.maximumf %add3A_276, %broadcast_in_dim3A_68 : vector<16xf32>
      %add3A_278 = arith.constant 2 : i32
      %add3A_279 = arith.addi %mul3A_148, %add3A_278 : i32
      %swap3A_280 = arith.index_cast %add3A_279 : i32 to index
      %swap3A_281 = arith.constant 0 : index
      %swap3A_282 = tpu.vector_load %arg11[%swap3A_280, %swap3A_281] {strides = array<i32>} : memref<256x40xf32, #tpu.memory_space<vmem>>, vector<1x16xf32>,
      %swap3A_283 = vector.shape_cast %swap3A_282 : vector<1x16xf32> to vector<16xf32>
      %swap3A_284 = vector.shape_cast %max3A_277 : vector<16xf32> to vector<1x16xf32>
      tpu.vector_store %arg11[%swap3A_280, %swap3A_281], %swap3A_284 {strides = array<i32>} : memref<256x40xf32, #tpu.memory_space<vmem>>, vector<1x16xf32>,
      %mul3A_285 = arith.mulf %broadcast_in_dim3A_264, %get3A_46 : vector<16xf32>
      %add3A_286 = arith.addf %mul3A_285, %get3A_55 : vector<16xf32>
      %mul3A_287 = arith.mulf %broadcast_in_dim3A_267, %get3A_49 : vector<16xf32>
      %add3A_288 = arith.addf %add3A_286, %mul3A_287 : vector<16xf32>
      %mul3A_289 = arith.mulf %broadcast_in_dim3A_270, %get3A_52 : vector<16xf32>
      %add3A_290 = arith.addf %add3A_288, %mul3A_289 : vector<16xf32>
      %max3A_291 = arith.maximumf %add3A_290, %broadcast_in_dim3A_68 : vector<16xf32>
      %add3A_292 = arith.constant 2 : i32
      %add3A_293 = arith.addi %mul3A_148, %add3A_292 : i32
      %swap3A_294 = arith.index_cast %add3A_293 : i32 to index
      %swap3A_295 = arith.constant 16 : index
      %swap3A_296 = tpu.vector_load %arg11[%swap3A_294, %swap3A_295] {strides = array<i32>} : memref<256x40xf32, #tpu.memory_space<vmem>>, vector<1x16xf32>,
      %swap3A_297 = vector.shape_cast %swap3A_296 : vector<1x16xf32> to vector<16xf32>
      %swap3A_298 = vector.shape_cast %max3A_291 : vector<16xf32> to vector<1x16xf32>
      tpu.vector_store %arg11[%swap3A_294, %swap3A_295], %swap3A_298 {strides = array<i32>} : memref<256x40xf32, #tpu.memory_space<vmem>>, vector<1x16xf32>,
      %mul3A_299 = arith.mulf %broadcast_in_dim3A_264, %get3A_58 : vector<16xf32>
      %add3A_300 = arith.addf %mul3A_299, %get3A_67 : vector<16xf32>
      %mul3A_301 = arith.mulf %broadcast_in_dim3A_267, %get3A_61 : vector<16xf32>
      %add3A_302 = arith.addf %add3A_300, %mul3A_301 : vector<16xf32>
      %mul3A_303 = arith.mulf %broadcast_in_dim3A_270, %get3A_64 : vector<16xf32>
      %add3A_304 = arith.addf %add3A_302, %mul3A_303 : vector<16xf32>
      %max3A_305 = arith.maximumf %add3A_304, %broadcast_in_dim3A_68 : vector<16xf32>
      %add3A_306 = arith.constant 2 : i32
      %add3A_307 = arith.addi %mul3A_148, %add3A_306 : i32
      %swap3A_308 = arith.index_cast %add3A_307 : i32 to index
      %swap3A_309 = arith.constant 24 : index
      %swap3A_310 = tpu.vector_load %arg11[%swap3A_308, %swap3A_309] {strides = array<i32>} : memref<256x40xf32, #tpu.memory_space<vmem>>, vector<1x16xf32>,
      %swap3A_311 = vector.shape_cast %swap3A_310 : vector<1x16xf32> to vector<16xf32>
      %swap3A_312 = vector.shape_cast %max3A_305 : vector<16xf32> to vector<1x16xf32>
      tpu.vector_store %arg11[%swap3A_308, %swap3A_309], %swap3A_312 {strides = array<i32>} : memref<256x40xf32, #tpu.memory_space<vmem>>, vector<1x16xf32>,
      %slice3A_313 = vector.extract_strided_slice %get3A_153 {offsets = [3], sizes = [1], strides = [1]} : vector<16xf32> to vector<1xf32>
      %squeeze3A_314 = vector.extract %slice3A_313[0] : f32 from vector<1xf32>
      %broadcast_in_dim3A_315 = vector.broadcast %squeeze3A_314 : f32 to vector<16xf32>
      %slice3A_316 = vector.extract_strided_slice %get3A_158 {offsets = [3], sizes = [1], strides = [1]} : vector<16xf32> to vector<1xf32>
      %squeeze3A_317 = vector.extract %slice3A_316[0] : f32 from vector<1xf32>
      %broadcast_in_dim3A_318 = vector.broadcast %squeeze3A_317 : f32 to vector<16xf32>
      %slice3A_319 = vector.extract_strided_slice %get3A_163 {offsets = [3], sizes = [1], strides = [1]} : vector<16xf32> to vector<1xf32>
      %squeeze3A_320 = vector.extract %slice3A_319[0] : f32 from vector<1xf32>
      %broadcast_in_dim3A_321 = vector.broadcast %squeeze3A_320 : f32 to vector<16xf32>
      %mul3A_322 = arith.mulf %broadcast_in_dim3A_315, %get3A_34 : vector<16xf32>
      %add3A_323 = arith.addf %mul3A_322, %get3A_43 : vector<16xf32>
      %mul3A_324 = arith.mulf %broadcast_in_dim3A_318, %get3A_37 : vector<16xf32>
      %add3A_325 = arith.addf %add3A_323, %mul3A_324 : vector<16xf32>
      %mul3A_326 = arith.mulf %broadcast_in_dim3A_321, %get3A_40 : vector<16xf32>
      %add3A_327 = arith.addf %add3A_325, %mul3A_326 : vector<16xf32>
      %max3A_328 = arith.maximumf %add3A_327, %broadcast_in_dim3A_68 : vector<16xf32>
      %add3A_329 = arith.constant 3 : i32
      %add3A_330 = arith.addi %mul3A_148, %add3A_329 : i32
      %swap3A_331 = arith.index_cast %add3A_330 : i32 to index
      %swap3A_332 = arith.constant 0 : index
      %swap3A_333 = tpu.vector_load %arg11[%swap3A_331, %swap3A_332] {strides = array<i32>} : memref<256x40xf32, #tpu.memory_space<vmem>>, vector<1x16xf32>,
      %swap3A_334 = vector.shape_cast %swap3A_333 : vector<1x16xf32> to vector<16xf32>
      %swap3A_335 = vector.shape_cast %max3A_328 : vector<16xf32> to vector<1x16xf32>
      tpu.vector_store %arg11[%swap3A_331, %swap3A_332], %swap3A_335 {strides = array<i32>} : memref<256x40xf32, #tpu.memory_space<vmem>>, vector<1x16xf32>,
      %mul3A_336 = arith.mulf %broadcast_in_dim3A_315, %get3A_46 : vector<16xf32>
      %add3A_337 = arith.addf %mul3A_336, %get3A_55 : vector<16xf32>
      %mul3A_338 = arith.mulf %broadcast_in_dim3A_318, %get3A_49 : vector<16xf32>
      %add3A_339 = arith.addf %add3A_337, %mul3A_338 : vector<16xf32>
      %mul3A_340 = arith.mulf %broadcast_in_dim3A_321, %get3A_52 : vector<16xf32>
      %add3A_341 = arith.addf %add3A_339, %mul3A_340 : vector<16xf32>
      %max3A_342 = arith.maximumf %add3A_341, %broadcast_in_dim3A_68 : vector<16xf32>
      %add3A_343 = arith.constant 3 : i32
      %add3A_344 = arith.addi %mul3A_148, %add3A_343 : i32
      %swap3A_345 = arith.index_cast %add3A_344 : i32 to index
      %swap3A_346 = arith.constant 16 : index
      %swap3A_347 = tpu.vector_load %arg11[%swap3A_345, %swap3A_346] {strides = array<i32>} : memref<256x40xf32, #tpu.memory_space<vmem>>, vector<1x16xf32>,
      %swap3A_348 = vector.shape_cast %swap3A_347 : vector<1x16xf32> to vector<16xf32>
      %swap3A_349 = vector.shape_cast %max3A_342 : vector<16xf32> to vector<1x16xf32>
      tpu.vector_store %arg11[%swap3A_345, %swap3A_346], %swap3A_349 {strides = array<i32>} : memref<256x40xf32, #tpu.memory_space<vmem>>, vector<1x16xf32>,
      %mul3A_350 = arith.mulf %broadcast_in_dim3A_315, %get3A_58 : vector<16xf32>
      %add3A_351 = arith.addf %mul3A_350, %get3A_67 : vector<16xf32>
      %mul3A_352 = arith.mulf %broadcast_in_dim3A_318, %get3A_61 : vector<16xf32>
      %add3A_353 = arith.addf %add3A_351, %mul3A_352 : vector<16xf32>
      %mul3A_354 = arith.mulf %broadcast_in_dim3A_321, %get3A_64 : vector<16xf32>
      %add3A_355 = arith.addf %add3A_353, %mul3A_354 : vector<16xf32>
      %max3A_356 = arith.maximumf %add3A_355, %broadcast_in_dim3A_68 : vector<16xf32>
      %add3A_357 = arith.constant 3 : i32
      %add3A_358 = arith.addi %mul3A_148, %add3A_357 : i32
      %swap3A_359 = arith.index_cast %add3A_358 : i32 to index
      %swap3A_360 = arith.constant 24 : index
      %swap3A_361 = tpu.vector_load %arg11[%swap3A_359, %swap3A_360] {strides = array<i32>} : memref<256x40xf32, #tpu.memory_space<vmem>>, vector<1x16xf32>,
      %swap3A_362 = vector.shape_cast %swap3A_361 : vector<1x16xf32> to vector<16xf32>
      %swap3A_363 = vector.shape_cast %max3A_356 : vector<16xf32> to vector<1x16xf32>
      tpu.vector_store %arg11[%swap3A_359, %swap3A_360], %swap3A_363 {strides = array<i32>} : memref<256x40xf32, #tpu.memory_space<vmem>>, vector<1x16xf32>,
      %slice3A_364 = vector.extract_strided_slice %get3A_153 {offsets = [4], sizes = [1], strides = [1]} : vector<16xf32> to vector<1xf32>
      %squeeze3A_365 = vector.extract %slice3A_364[0] : f32 from vector<1xf32>
      %broadcast_in_dim3A_366 = vector.broadcast %squeeze3A_365 : f32 to vector<16xf32>
      %slice3A_367 = vector.extract_strided_slice %get3A_158 {offsets = [4], sizes = [1], strides = [1]} : vector<16xf32> to vector<1xf32>
      %squeeze3A_368 = vector.extract %slice3A_367[0] : f32 from vector<1xf32>
      %broadcast_in_dim3A_369 = vector.broadcast %squeeze3A_368 : f32 to vector<16xf32>
      %slice3A_370 = vector.extract_strided_slice %get3A_163 {offsets = [4], sizes = [1], strides = [1]} : vector<16xf32> to vector<1xf32>
      %squeeze3A_371 = vector.extract %slice3A_370[0] : f32 from vector<1xf32>
      %broadcast_in_dim3A_372 = vector.broadcast %squeeze3A_371 : f32 to vector<16xf32>
      %mul3A_373 = arith.mulf %broadcast_in_dim3A_366, %get3A_34 : vector<16xf32>
      %add3A_374 = arith.addf %mul3A_373, %get3A_43 : vector<16xf32>
      %mul3A_375 = arith.mulf %broadcast_in_dim3A_369, %get3A_37 : vector<16xf32>
      %add3A_376 = arith.addf %add3A_374, %mul3A_375 : vector<16xf32>
      %mul3A_377 = arith.mulf %broadcast_in_dim3A_372, %get3A_40 : vector<16xf32>
      %add3A_378 = arith.addf %add3A_376, %mul3A_377 : vector<16xf32>
      %max3A_379 = arith.maximumf %add3A_378, %broadcast_in_dim3A_68 : vector<16xf32>
      %add3A_380 = arith.constant 4 : i32
      %add3A_381 = arith.addi %mul3A_148, %add3A_380 : i32
      %swap3A_382 = arith.index_cast %add3A_381 : i32 to index
      %swap3A_383 = arith.constant 0 : index
      %swap3A_384 = tpu.vector_load %arg11[%swap3A_382, %swap3A_383] {strides = array<i32>} : memref<256x40xf32, #tpu.memory_space<vmem>>, vector<1x16xf32>,
      %swap3A_385 = vector.shape_cast %swap3A_384 : vector<1x16xf32> to vector<16xf32>
      %swap3A_386 = vector.shape_cast %max3A_379 : vector<16xf32> to vector<1x16xf32>
      tpu.vector_store %arg11[%swap3A_382, %swap3A_383], %swap3A_386 {strides = array<i32>} : memref<256x40xf32, #tpu.memory_space<vmem>>, vector<1x16xf32>,
      %mul3A_387 = arith.mulf %broadcast_in_dim3A_366, %get3A_46 : vector<16xf32>
      %add3A_388 = arith.addf %mul3A_387, %get3A_55 : vector<16xf32>
      %mul3A_389 = arith.mulf %broadcast_in_dim3A_369, %get3A_49 : vector<16xf32>
      %add3A_390 = arith.addf %add3A_388, %mul3A_389 : vector<16xf32>
      %mul3A_391 = arith.mulf %broadcast_in_dim3A_372, %get3A_52 : vector<16xf32>
      %add3A_392 = arith.addf %add3A_390, %mul3A_391 : vector<16xf32>
      %max3A_393 = arith.maximumf %add3A_392, %broadcast_in_dim3A_68 : vector<16xf32>
      %add3A_394 = arith.constant 4 : i32
      %add3A_395 = arith.addi %mul3A_148, %add3A_394 : i32
      %swap3A_396 = arith.index_cast %add3A_395 : i32 to index
      %swap3A_397 = arith.constant 16 : index
      %swap3A_398 = tpu.vector_load %arg11[%swap3A_396, %swap3A_397] {strides = array<i32>} : memref<256x40xf32, #tpu.memory_space<vmem>>, vector<1x16xf32>,
      %swap3A_399 = vector.shape_cast %swap3A_398 : vector<1x16xf32> to vector<16xf32>
      %swap3A_400 = vector.shape_cast %max3A_393 : vector<16xf32> to vector<1x16xf32>
      tpu.vector_store %arg11[%swap3A_396, %swap3A_397], %swap3A_400 {strides = array<i32>} : memref<256x40xf32, #tpu.memory_space<vmem>>, vector<1x16xf32>,
      %mul3A_401 = arith.mulf %broadcast_in_dim3A_366, %get3A_58 : vector<16xf32>
      %add3A_402 = arith.addf %mul3A_401, %get3A_67 : vector<16xf32>
      %mul3A_403 = arith.mulf %broadcast_in_dim3A_369, %get3A_61 : vector<16xf32>
      %add3A_404 = arith.addf %add3A_402, %mul3A_403 : vector<16xf32>
      %mul3A_405 = arith.mulf %broadcast_in_dim3A_372, %get3A_64 : vector<16xf32>
      %add3A_406 = arith.addf %add3A_404, %mul3A_405 : vector<16xf32>
      %max3A_407 = arith.maximumf %add3A_406, %broadcast_in_dim3A_68 : vector<16xf32>
      %add3A_408 = arith.constant 4 : i32
      %add3A_409 = arith.addi %mul3A_148, %add3A_408 : i32
      %swap3A_410 = arith.index_cast %add3A_409 : i32 to index
      %swap3A_411 = arith.constant 24 : index
      %swap3A_412 = tpu.vector_load %arg11[%swap3A_410, %swap3A_411] {strides = array<i32>} : memref<256x40xf32, #tpu.memory_space<vmem>>, vector<1x16xf32>,
      %swap3A_413 = vector.shape_cast %swap3A_412 : vector<1x16xf32> to vector<16xf32>
      %swap3A_414 = vector.shape_cast %max3A_407 : vector<16xf32> to vector<1x16xf32>
      tpu.vector_store %arg11[%swap3A_410, %swap3A_411], %swap3A_414 {strides = array<i32>} : memref<256x40xf32, #tpu.memory_space<vmem>>, vector<1x16xf32>,
      %slice3A_415 = vector.extract_strided_slice %get3A_153 {offsets = [5], sizes = [1], strides = [1]} : vector<16xf32> to vector<1xf32>
      %squeeze3A_416 = vector.extract %slice3A_415[0] : f32 from vector<1xf32>
      %broadcast_in_dim3A_417 = vector.broadcast %squeeze3A_416 : f32 to vector<16xf32>
      %slice3A_418 = vector.extract_strided_slice %get3A_158 {offsets = [5], sizes = [1], strides = [1]} : vector<16xf32> to vector<1xf32>
      %squeeze3A_419 = vector.extract %slice3A_418[0] : f32 from vector<1xf32>
      %broadcast_in_dim3A_420 = vector.broadcast %squeeze3A_419 : f32 to vector<16xf32>
      %slice3A_421 = vector.extract_strided_slice %get3A_163 {offsets = [5], sizes = [1], strides = [1]} : vector<16xf32> to vector<1xf32>
      %squeeze3A_422 = vector.extract %slice3A_421[0] : f32 from vector<1xf32>
      %broadcast_in_dim3A_423 = vector.broadcast %squeeze3A_422 : f32 to vector<16xf32>
      %mul3A_424 = arith.mulf %broadcast_in_dim3A_417, %get3A_34 : vector<16xf32>
      %add3A_425 = arith.addf %mul3A_424, %get3A_43 : vector<16xf32>
      %mul3A_426 = arith.mulf %broadcast_in_dim3A_420, %get3A_37 : vector<16xf32>
      %add3A_427 = arith.addf %add3A_425, %mul3A_426 : vector<16xf32>
      %mul3A_428 = arith.mulf %broadcast_in_dim3A_423, %get3A_40 : vector<16xf32>
      %add3A_429 = arith.addf %add3A_427, %mul3A_428 : vector<16xf32>
      %max3A_430 = arith.maximumf %add3A_429, %broadcast_in_dim3A_68 : vector<16xf32>
      %add3A_431 = arith.constant 5 : i32
      %add3A_432 = arith.addi %mul3A_148, %add3A_431 : i32
      %swap3A_433 = arith.index_cast %add3A_432 : i32 to index
      %swap3A_434 = arith.constant 0 : index
      %swap3A_435 = tpu.vector_load %arg11[%swap3A_433, %swap3A_434] {strides = array<i32>} : memref<256x40xf32, #tpu.memory_space<vmem>>, vector<1x16xf32>,
      %swap3A_436 = vector.shape_cast %swap3A_435 : vector<1x16xf32> to vector<16xf32>
      %swap3A_437 = vector.shape_cast %max3A_430 : vector<16xf32> to vector<1x16xf32>
      tpu.vector_store %arg11[%swap3A_433, %swap3A_434], %swap3A_437 {strides = array<i32>} : memref<256x40xf32, #tpu.memory_space<vmem>>, vector<1x16xf32>,
      %mul3A_438 = arith.mulf %broadcast_in_dim3A_417, %get3A_46 : vector<16xf32>
      %add3A_439 = arith.addf %mul3A_438, %get3A_55 : vector<16xf32>
      %mul3A_440 = arith.mulf %broadcast_in_dim3A_420, %get3A_49 : vector<16xf32>
      %add3A_441 = arith.addf %add3A_439, %mul3A_440 : vector<16xf32>
      %mul3A_442 = arith.mulf %broadcast_in_dim3A_423, %get3A_52 : vector<16xf32>
      %add3A_443 = arith.addf %add3A_441, %mul3A_442 : vector<16xf32>
      %max3A_444 = arith.maximumf %add3A_443, %broadcast_in_dim3A_68 : vector<16xf32>
      %add3A_445 = arith.constant 5 : i32
      %add3A_446 = arith.addi %mul3A_148, %add3A_445 : i32
      %swap3A_447 = arith.index_cast %add3A_446 : i32 to index
      %swap3A_448 = arith.constant 16 : index
      %swap3A_449 = tpu.vector_load %arg11[%swap3A_447, %swap3A_448] {strides = array<i32>} : memref<256x40xf32, #tpu.memory_space<vmem>>, vector<1x16xf32>,
      %swap3A_450 = vector.shape_cast %swap3A_449 : vector<1x16xf32> to vector<16xf32>
      %swap3A_451 = vector.shape_cast %max3A_444 : vector<16xf32> to vector<1x16xf32>
      tpu.vector_store %arg11[%swap3A_447, %swap3A_448], %swap3A_451 {strides = array<i32>} : memref<256x40xf32, #tpu.memory_space<vmem>>, vector<1x16xf32>,
      %mul3A_452 = arith.mulf %broadcast_in_dim3A_417, %get3A_58 : vector<16xf32>
      %add3A_453 = arith.addf %mul3A_452, %get3A_67 : vector<16xf32>
      %mul3A_454 = arith.mulf %broadcast_in_dim3A_420, %get3A_61 : vector<16xf32>
      %add3A_455 = arith.addf %add3A_453, %mul3A_454 : vector<16xf32>
      %mul3A_456 = arith.mulf %broadcast_in_dim3A_423, %get3A_64 : vector<16xf32>
      %add3A_457 = arith.addf %add3A_455, %mul3A_456 : vector<16xf32>
      %max3A_458 = arith.maximumf %add3A_457, %broadcast_in_dim3A_68 : vector<16xf32>
      %add3A_459 = arith.constant 5 : i32
      %add3A_460 = arith.addi %mul3A_148, %add3A_459 : i32
      %swap3A_461 = arith.index_cast %add3A_460 : i32 to index
      %swap3A_462 = arith.constant 24 : index
      %swap3A_463 = tpu.vector_load %arg11[%swap3A_461, %swap3A_462] {strides = array<i32>} : memref<256x40xf32, #tpu.memory_space<vmem>>, vector<1x16xf32>,
      %swap3A_464 = vector.shape_cast %swap3A_463 : vector<1x16xf32> to vector<16xf32>
      %swap3A_465 = vector.shape_cast %max3A_458 : vector<16xf32> to vector<1x16xf32>
      tpu.vector_store %arg11[%swap3A_461, %swap3A_462], %swap3A_465 {strides = array<i32>} : memref<256x40xf32, #tpu.memory_space<vmem>>, vector<1x16xf32>,
      %slice3A_466 = vector.extract_strided_slice %get3A_153 {offsets = [6], sizes = [1], strides = [1]} : vector<16xf32> to vector<1xf32>
      %squeeze3A_467 = vector.extract %slice3A_466[0] : f32 from vector<1xf32>
      %broadcast_in_dim3A_468 = vector.broadcast %squeeze3A_467 : f32 to vector<16xf32>
      %slice3A_469 = vector.extract_strided_slice %get3A_158 {offsets = [6], sizes = [1], strides = [1]} : vector<16xf32> to vector<1xf32>
      %squeeze3A_470 = vector.extract %slice3A_469[0] : f32 from vector<1xf32>
      %broadcast_in_dim3A_471 = vector.broadcast %squeeze3A_470 : f32 to vector<16xf32>
      %slice3A_472 = vector.extract_strided_slice %get3A_163 {offsets = [6], sizes = [1], strides = [1]} : vector<16xf32> to vector<1xf32>
      %squeeze3A_473 = vector.extract %slice3A_472[0] : f32 from vector<1xf32>
      %broadcast_in_dim3A_474 = vector.broadcast %squeeze3A_473 : f32 to vector<16xf32>
      %mul3A_475 = arith.mulf %broadcast_in_dim3A_468, %get3A_34 : vector<16xf32>
      %add3A_476 = arith.addf %mul3A_475, %get3A_43 : vector<16xf32>
      %mul3A_477 = arith.mulf %broadcast_in_dim3A_471, %get3A_37 : vector<16xf32>
      %add3A_478 = arith.addf %add3A_476, %mul3A_477 : vector<16xf32>
      %mul3A_479 = arith.mulf %broadcast_in_dim3A_474, %get3A_40 : vector<16xf32>
      %add3A_480 = arith.addf %add3A_478, %mul3A_479 : vector<16xf32>
      %max3A_481 = arith.maximumf %add3A_480, %broadcast_in_dim3A_68 : vector<16xf32>
      %add3A_482 = arith.constant 6 : i32
      %add3A_483 = arith.addi %mul3A_148, %add3A_482 : i32
      %swap3A_484 = arith.index_cast %add3A_483 : i32 to index
      %swap3A_485 = arith.constant 0 : index
      %swap3A_486 = tpu.vector_load %arg11[%swap3A_484, %swap3A_485] {strides = array<i32>} : memref<256x40xf32, #tpu.memory_space<vmem>>, vector<1x16xf32>,
      %swap3A_487 = vector.shape_cast %swap3A_486 : vector<1x16xf32> to vector<16xf32>
      %swap3A_488 = vector.shape_cast %max3A_481 : vector<16xf32> to vector<1x16xf32>
      tpu.vector_store %arg11[%swap3A_484, %swap3A_485], %swap3A_488 {strides = array<i32>} : memref<256x40xf32, #tpu.memory_space<vmem>>, vector<1x16xf32>,
      %mul3A_489 = arith.mulf %broadcast_in_dim3A_468, %get3A_46 : vector<16xf32>
      %add3A_490 = arith.addf %mul3A_489, %get3A_55 : vector<16xf32>
      %mul3A_491 = arith.mulf %broadcast_in_dim3A_471, %get3A_49 : vector<16xf32>
      %add3A_492 = arith.addf %add3A_490, %mul3A_491 : vector<16xf32>
      %mul3A_493 = arith.mulf %broadcast_in_dim3A_474, %get3A_52 : vector<16xf32>
      %add3A_494 = arith.addf %add3A_492, %mul3A_493 : vector<16xf32>
      %max3A_495 = arith.maximumf %add3A_494, %broadcast_in_dim3A_68 : vector<16xf32>
      %add3A_496 = arith.constant 6 : i32
      %add3A_497 = arith.addi %mul3A_148, %add3A_496 : i32
      %swap3A_498 = arith.index_cast %add3A_497 : i32 to index
      %swap3A_499 = arith.constant 16 : index
      %swap3A_500 = tpu.vector_load %arg11[%swap3A_498, %swap3A_499] {strides = array<i32>} : memref<256x40xf32, #tpu.memory_space<vmem>>, vector<1x16xf32>,
      %swap3A_501 = vector.shape_cast %swap3A_500 : vector<1x16xf32> to vector<16xf32>
      %swap3A_502 = vector.shape_cast %max3A_495 : vector<16xf32> to vector<1x16xf32>
      tpu.vector_store %arg11[%swap3A_498, %swap3A_499], %swap3A_502 {strides = array<i32>} : memref<256x40xf32, #tpu.memory_space<vmem>>, vector<1x16xf32>,
      %mul3A_503 = arith.mulf %broadcast_in_dim3A_468, %get3A_58 : vector<16xf32>
      %add3A_504 = arith.addf %mul3A_503, %get3A_67 : vector<16xf32>
      %mul3A_505 = arith.mulf %broadcast_in_dim3A_471, %get3A_61 : vector<16xf32>
      %add3A_506 = arith.addf %add3A_504, %mul3A_505 : vector<16xf32>
      %mul3A_507 = arith.mulf %broadcast_in_dim3A_474, %get3A_64 : vector<16xf32>
      %add3A_508 = arith.addf %add3A_506, %mul3A_507 : vector<16xf32>
      %max3A_509 = arith.maximumf %add3A_508, %broadcast_in_dim3A_68 : vector<16xf32>
      %add3A_510 = arith.constant 6 : i32
      %add3A_511 = arith.addi %mul3A_148, %add3A_510 : i32
      %swap3A_512 = arith.index_cast %add3A_511 : i32 to index
      %swap3A_513 = arith.constant 24 : index
      %swap3A_514 = tpu.vector_load %arg11[%swap3A_512, %swap3A_513] {strides = array<i32>} : memref<256x40xf32, #tpu.memory_space<vmem>>, vector<1x16xf32>,
      %swap3A_515 = vector.shape_cast %swap3A_514 : vector<1x16xf32> to vector<16xf32>
      %swap3A_516 = vector.shape_cast %max3A_509 : vector<16xf32> to vector<1x16xf32>
      tpu.vector_store %arg11[%swap3A_512, %swap3A_513], %swap3A_516 {strides = array<i32>} : memref<256x40xf32, #tpu.memory_space<vmem>>, vector<1x16xf32>,
      %slice3A_517 = vector.extract_strided_slice %get3A_153 {offsets = [7], sizes = [1], strides = [1]} : vector<16xf32> to vector<1xf32>
      %squeeze3A_518 = vector.extract %slice3A_517[0] : f32 from vector<1xf32>
      %broadcast_in_dim3A_519 = vector.broadcast %squeeze3A_518 : f32 to vector<16xf32>
      %slice3A_520 = vector.extract_strided_slice %get3A_158 {offsets = [7], sizes = [1], strides = [1]} : vector<16xf32> to vector<1xf32>
      %squeeze3A_521 = vector.extract %slice3A_520[0] : f32 from vector<1xf32>
      %broadcast_in_dim3A_522 = vector.broadcast %squeeze3A_521 : f32 to vector<16xf32>
      %slice3A_523 = vector.extract_strided_slice %get3A_163 {offsets = [7], sizes = [1], strides = [1]} : vector<16xf32> to vector<1xf32>
      %squeeze3A_524 = vector.extract %slice3A_523[0] : f32 from vector<1xf32>
      %broadcast_in_dim3A_525 = vector.broadcast %squeeze3A_524 : f32 to vector<16xf32>
      %mul3A_526 = arith.mulf %broadcast_in_dim3A_519, %get3A_34 : vector<16xf32>
      %add3A_527 = arith.addf %mul3A_526, %get3A_43 : vector<16xf32>
      %mul3A_528 = arith.mulf %broadcast_in_dim3A_522, %get3A_37 : vector<16xf32>
      %add3A_529 = arith.addf %add3A_527, %mul3A_528 : vector<16xf32>
      %mul3A_530 = arith.mulf %broadcast_in_dim3A_525, %get3A_40 : vector<16xf32>
      %add3A_531 = arith.addf %add3A_529, %mul3A_530 : vector<16xf32>
      %max3A_532 = arith.maximumf %add3A_531, %broadcast_in_dim3A_68 : vector<16xf32>
      %add3A_533 = arith.constant 7 : i32
      %add3A_534 = arith.addi %mul3A_148, %add3A_533 : i32
      %swap3A_535 = arith.index_cast %add3A_534 : i32 to index
      %swap3A_536 = arith.constant 0 : index
      %swap3A_537 = tpu.vector_load %arg11[%swap3A_535, %swap3A_536] {strides = array<i32>} : memref<256x40xf32, #tpu.memory_space<vmem>>, vector<1x16xf32>,
      %swap3A_538 = vector.shape_cast %swap3A_537 : vector<1x16xf32> to vector<16xf32>
      %swap3A_539 = vector.shape_cast %max3A_532 : vector<16xf32> to vector<1x16xf32>
      tpu.vector_store %arg11[%swap3A_535, %swap3A_536], %swap3A_539 {strides = array<i32>} : memref<256x40xf32, #tpu.memory_space<vmem>>, vector<1x16xf32>,
      %mul3A_540 = arith.mulf %broadcast_in_dim3A_519, %get3A_46 : vector<16xf32>
      %add3A_541 = arith.addf %mul3A_540, %get3A_55 : vector<16xf32>
      %mul3A_542 = arith.mulf %broadcast_in_dim3A_522, %get3A_49 : vector<16xf32>
      %add3A_543 = arith.addf %add3A_541, %mul3A_542 : vector<16xf32>
      %mul3A_544 = arith.mulf %broadcast_in_dim3A_525, %get3A_52 : vector<16xf32>
      %add3A_545 = arith.addf %add3A_543, %mul3A_544 : vector<16xf32>
      %max3A_546 = arith.maximumf %add3A_545, %broadcast_in_dim3A_68 : vector<16xf32>
      %add3A_547 = arith.constant 7 : i32
      %add3A_548 = arith.addi %mul3A_148, %add3A_547 : i32
      %swap3A_549 = arith.index_cast %add3A_548 : i32 to index
      %swap3A_550 = arith.constant 16 : index
      %swap3A_551 = tpu.vector_load %arg11[%swap3A_549, %swap3A_550] {strides = array<i32>} : memref<256x40xf32, #tpu.memory_space<vmem>>, vector<1x16xf32>,
      %swap3A_552 = vector.shape_cast %swap3A_551 : vector<1x16xf32> to vector<16xf32>
      %swap3A_553 = vector.shape_cast %max3A_546 : vector<16xf32> to vector<1x16xf32>
      tpu.vector_store %arg11[%swap3A_549, %swap3A_550], %swap3A_553 {strides = array<i32>} : memref<256x40xf32, #tpu.memory_space<vmem>>, vector<1x16xf32>,
      %mul3A_554 = arith.mulf %broadcast_in_dim3A_519, %get3A_58 : vector<16xf32>
      %add3A_555 = arith.addf %mul3A_554, %get3A_67 : vector<16xf32>
      %mul3A_556 = arith.mulf %broadcast_in_dim3A_522, %get3A_61 : vector<16xf32>
      %add3A_557 = arith.addf %add3A_555, %mul3A_556 : vector<16xf32>
      %mul3A_558 = arith.mulf %broadcast_in_dim3A_525, %get3A_64 : vector<16xf32>
      %add3A_559 = arith.addf %add3A_557, %mul3A_558 : vector<16xf32>
      %max3A_560 = arith.maximumf %add3A_559, %broadcast_in_dim3A_68 : vector<16xf32>
      %add3A_561 = arith.constant 7 : i32
      %add3A_562 = arith.addi %mul3A_148, %add3A_561 : i32
      %swap3A_563 = arith.index_cast %add3A_562 : i32 to index
      %swap3A_564 = arith.constant 24 : index
      %swap3A_565 = tpu.vector_load %arg11[%swap3A_563, %swap3A_564] {strides = array<i32>} : memref<256x40xf32, #tpu.memory_space<vmem>>, vector<1x16xf32>,
      %swap3A_566 = vector.shape_cast %swap3A_565 : vector<1x16xf32> to vector<16xf32>
      %swap3A_567 = vector.shape_cast %max3A_560 : vector<16xf32> to vector<1x16xf32>
      tpu.vector_store %arg11[%swap3A_563, %swap3A_564], %swap3A_567 {strides = array<i32>} : memref<256x40xf32, #tpu.memory_space<vmem>>, vector<1x16xf32>,
      %slice3A_568 = vector.extract_strided_slice %get3A_153 {offsets = [8], sizes = [1], strides = [1]} : vector<16xf32> to vector<1xf32>
      %squeeze3A_569 = vector.extract %slice3A_568[0] : f32 from vector<1xf32>
      %broadcast_in_dim3A_570 = vector.broadcast %squeeze3A_569 : f32 to vector<16xf32>
      %slice3A_571 = vector.extract_strided_slice %get3A_158 {offsets = [8], sizes = [1], strides = [1]} : vector<16xf32> to vector<1xf32>
      %squeeze3A_572 = vector.extract %slice3A_571[0] : f32 from vector<1xf32>
      %broadcast_in_dim3A_573 = vector.broadcast %squeeze3A_572 : f32 to vector<16xf32>
      %slice3A_574 = vector.extract_strided_slice %get3A_163 {offsets = [8], sizes = [1], strides = [1]} : vector<16xf32> to vector<1xf32>
      %squeeze3A_575 = vector.extract %slice3A_574[0] : f32 from vector<1xf32>
      %broadcast_in_dim3A_576 = vector.broadcast %squeeze3A_575 : f32 to vector<16xf32>
      %mul3A_577 = arith.mulf %broadcast_in_dim3A_570, %get3A_34 : vector<16xf32>
      %add3A_578 = arith.addf %mul3A_577, %get3A_43 : vector<16xf32>
      %mul3A_579 = arith.mulf %broadcast_in_dim3A_573, %get3A_37 : vector<16xf32>
      %add3A_580 = arith.addf %add3A_578, %mul3A_579 : vector<16xf32>
      %mul3A_581 = arith.mulf %broadcast_in_dim3A_576, %get3A_40 : vector<16xf32>
      %add3A_582 = arith.addf %add3A_580, %mul3A_581 : vector<16xf32>
      %max3A_583 = arith.maximumf %add3A_582, %broadcast_in_dim3A_68 : vector<16xf32>
      %add3A_584 = arith.constant 8 : i32
      %add3A_585 = arith.addi %mul3A_148, %add3A_584 : i32
      %swap3A_586 = arith.index_cast %add3A_585 : i32 to index
      %swap3A_587 = arith.constant 0 : index
      %swap3A_588 = tpu.vector_load %arg11[%swap3A_586, %swap3A_587] {strides = array<i32>} : memref<256x40xf32, #tpu.memory_space<vmem>>, vector<1x16xf32>,
      %swap3A_589 = vector.shape_cast %swap3A_588 : vector<1x16xf32> to vector<16xf32>
      %swap3A_590 = vector.shape_cast %max3A_583 : vector<16xf32> to vector<1x16xf32>
      tpu.vector_store %arg11[%swap3A_586, %swap3A_587], %swap3A_590 {strides = array<i32>} : memref<256x40xf32, #tpu.memory_space<vmem>>, vector<1x16xf32>,
      %mul3A_591 = arith.mulf %broadcast_in_dim3A_570, %get3A_46 : vector<16xf32>
      %add3A_592 = arith.addf %mul3A_591, %get3A_55 : vector<16xf32>
      %mul3A_593 = arith.mulf %broadcast_in_dim3A_573, %get3A_49 : vector<16xf32>
      %add3A_594 = arith.addf %add3A_592, %mul3A_593 : vector<16xf32>
      %mul3A_595 = arith.mulf %broadcast_in_dim3A_576, %get3A_52 : vector<16xf32>
      %add3A_596 = arith.addf %add3A_594, %mul3A_595 : vector<16xf32>
      %max3A_597 = arith.maximumf %add3A_596, %broadcast_in_dim3A_68 : vector<16xf32>
      %add3A_598 = arith.constant 8 : i32
      %add3A_599 = arith.addi %mul3A_148, %add3A_598 : i32
      %swap3A_600 = arith.index_cast %add3A_599 : i32 to index
      %swap3A_601 = arith.constant 16 : index
      %swap3A_602 = tpu.vector_load %arg11[%swap3A_600, %swap3A_601] {strides = array<i32>} : memref<256x40xf32, #tpu.memory_space<vmem>>, vector<1x16xf32>,
      %swap3A_603 = vector.shape_cast %swap3A_602 : vector<1x16xf32> to vector<16xf32>
      %swap3A_604 = vector.shape_cast %max3A_597 : vector<16xf32> to vector<1x16xf32>
      tpu.vector_store %arg11[%swap3A_600, %swap3A_601], %swap3A_604 {strides = array<i32>} : memref<256x40xf32, #tpu.memory_space<vmem>>, vector<1x16xf32>,
      %mul3A_605 = arith.mulf %broadcast_in_dim3A_570, %get3A_58 : vector<16xf32>
      %add3A_606 = arith.addf %mul3A_605, %get3A_67 : vector<16xf32>
      %mul3A_607 = arith.mulf %broadcast_in_dim3A_573, %get3A_61 : vector<16xf32>
      %add3A_608 = arith.addf %add3A_606, %mul3A_607 : vector<16xf32>
      %mul3A_609 = arith.mulf %broadcast_in_dim3A_576, %get3A_64 : vector<16xf32>
      %add3A_610 = arith.addf %add3A_608, %mul3A_609 : vector<16xf32>
      %max3A_611 = arith.maximumf %add3A_610, %broadcast_in_dim3A_68 : vector<16xf32>
      %add3A_612 = arith.constant 8 : i32
      %add3A_613 = arith.addi %mul3A_148, %add3A_612 : i32
      %swap3A_614 = arith.index_cast %add3A_613 : i32 to index
      %swap3A_615 = arith.constant 24 : index
      %swap3A_616 = tpu.vector_load %arg11[%swap3A_614, %swap3A_615] {strides = array<i32>} : memref<256x40xf32, #tpu.memory_space<vmem>>, vector<1x16xf32>,
      %swap3A_617 = vector.shape_cast %swap3A_616 : vector<1x16xf32> to vector<16xf32>
      %swap3A_618 = vector.shape_cast %max3A_611 : vector<16xf32> to vector<1x16xf32>
      tpu.vector_store %arg11[%swap3A_614, %swap3A_615], %swap3A_618 {strides = array<i32>} : memref<256x40xf32, #tpu.memory_space<vmem>>, vector<1x16xf32>,
      %slice3A_619 = vector.extract_strided_slice %get3A_153 {offsets = [9], sizes = [1], strides = [1]} : vector<16xf32> to vector<1xf32>
      %squeeze3A_620 = vector.extract %slice3A_619[0] : f32 from vector<1xf32>
      %broadcast_in_dim3A_621 = vector.broadcast %squeeze3A_620 : f32 to vector<16xf32>
      %slice3A_622 = vector.extract_strided_slice %get3A_158 {offsets = [9], sizes = [1], strides = [1]} : vector<16xf32> to vector<1xf32>
      %squeeze3A_623 = vector.extract %slice3A_622[0] : f32 from vector<1xf32>
      %broadcast_in_dim3A_624 = vector.broadcast %squeeze3A_623 : f32 to vector<16xf32>
      %slice3A_625 = vector.extract_strided_slice %get3A_163 {offsets = [9], sizes = [1], strides = [1]} : vector<16xf32> to vector<1xf32>
      %squeeze3A_626 = vector.extract %slice3A_625[0] : f32 from vector<1xf32>
      %broadcast_in_dim3A_627 = vector.broadcast %squeeze3A_626 : f32 to vector<16xf32>
      %mul3A_628 = arith.mulf %broadcast_in_dim3A_621, %get3A_34 : vector<16xf32>
      %add3A_629 = arith.addf %mul3A_628, %get3A_43 : vector<16xf32>
      %mul3A_630 = arith.mulf %broadcast_in_dim3A_624, %get3A_37 : vector<16xf32>
      %add3A_631 = arith.addf %add3A_629, %mul3A_630 : vector<16xf32>
      %mul3A_632 = arith.mulf %broadcast_in_dim3A_627, %get3A_40 : vector<16xf32>
      %add3A_633 = arith.addf %add3A_631, %mul3A_632 : vector<16xf32>
      %max3A_634 = arith.maximumf %add3A_633, %broadcast_in_dim3A_68 : vector<16xf32>
      %add3A_635 = arith.constant 9 : i32
      %add3A_636 = arith.addi %mul3A_148, %add3A_635 : i32
      %swap3A_637 = arith.index_cast %add3A_636 : i32 to index
      %swap3A_638 = arith.constant 0 : index
      %swap3A_639 = tpu.vector_load %arg11[%swap3A_637, %swap3A_638] {strides = array<i32>} : memref<256x40xf32, #tpu.memory_space<vmem>>, vector<1x16xf32>,
      %swap3A_640 = vector.shape_cast %swap3A_639 : vector<1x16xf32> to vector<16xf32>
      %swap3A_641 = vector.shape_cast %max3A_634 : vector<16xf32> to vector<1x16xf32>
      tpu.vector_store %arg11[%swap3A_637, %swap3A_638], %swap3A_641 {strides = array<i32>} : memref<256x40xf32, #tpu.memory_space<vmem>>, vector<1x16xf32>,
      %mul3A_642 = arith.mulf %broadcast_in_dim3A_621, %get3A_46 : vector<16xf32>
      %add3A_643 = arith.addf %mul3A_642, %get3A_55 : vector<16xf32>
      %mul3A_644 = arith.mulf %broadcast_in_dim3A_624, %get3A_49 : vector<16xf32>
      %add3A_645 = arith.addf %add3A_643, %mul3A_644 : vector<16xf32>
      %mul3A_646 = arith.mulf %broadcast_in_dim3A_627, %get3A_52 : vector<16xf32>
      %add3A_647 = arith.addf %add3A_645, %mul3A_646 : vector<16xf32>
      %max3A_648 = arith.maximumf %add3A_647, %broadcast_in_dim3A_68 : vector<16xf32>
      %add3A_649 = arith.constant 9 : i32
      %add3A_650 = arith.addi %mul3A_148, %add3A_649 : i32
      %swap3A_651 = arith.index_cast %add3A_650 : i32 to index
      %swap3A_652 = arith.constant 16 : index
      %swap3A_653 = tpu.vector_load %arg11[%swap3A_651, %swap3A_652] {strides = array<i32>} : memref<256x40xf32, #tpu.memory_space<vmem>>, vector<1x16xf32>,
      %swap3A_654 = vector.shape_cast %swap3A_653 : vector<1x16xf32> to vector<16xf32>
      %swap3A_655 = vector.shape_cast %max3A_648 : vector<16xf32> to vector<1x16xf32>
      tpu.vector_store %arg11[%swap3A_651, %swap3A_652], %swap3A_655 {strides = array<i32>} : memref<256x40xf32, #tpu.memory_space<vmem>>, vector<1x16xf32>,
      %mul3A_656 = arith.mulf %broadcast_in_dim3A_621, %get3A_58 : vector<16xf32>
      %add3A_657 = arith.addf %mul3A_656, %get3A_67 : vector<16xf32>
      %mul3A_658 = arith.mulf %broadcast_in_dim3A_624, %get3A_61 : vector<16xf32>
      %add3A_659 = arith.addf %add3A_657, %mul3A_658 : vector<16xf32>
      %mul3A_660 = arith.mulf %broadcast_in_dim3A_627, %get3A_64 : vector<16xf32>
      %add3A_661 = arith.addf %add3A_659, %mul3A_660 : vector<16xf32>
      %max3A_662 = arith.maximumf %add3A_661, %broadcast_in_dim3A_68 : vector<16xf32>
      %add3A_663 = arith.constant 9 : i32
      %add3A_664 = arith.addi %mul3A_148, %add3A_663 : i32
      %swap3A_665 = arith.index_cast %add3A_664 : i32 to index
      %swap3A_666 = arith.constant 24 : index
      %swap3A_667 = tpu.vector_load %arg11[%swap3A_665, %swap3A_666] {strides = array<i32>} : memref<256x40xf32, #tpu.memory_space<vmem>>, vector<1x16xf32>,
      %swap3A_668 = vector.shape_cast %swap3A_667 : vector<1x16xf32> to vector<16xf32>
      %swap3A_669 = vector.shape_cast %max3A_662 : vector<16xf32> to vector<1x16xf32>
      tpu.vector_store %arg11[%swap3A_665, %swap3A_666], %swap3A_669 {strides = array<i32>} : memref<256x40xf32, #tpu.memory_space<vmem>>, vector<1x16xf32>,
      %slice3A_670 = vector.extract_strided_slice %get3A_153 {offsets = [10], sizes = [1], strides = [1]} : vector<16xf32> to vector<1xf32>
      %squeeze3A_671 = vector.extract %slice3A_670[0] : f32 from vector<1xf32>
      %broadcast_in_dim3A_672 = vector.broadcast %squeeze3A_671 : f32 to vector<16xf32>
      %slice3A_673 = vector.extract_strided_slice %get3A_158 {offsets = [10], sizes = [1], strides = [1]} : vector<16xf32> to vector<1xf32>
      %squeeze3A_674 = vector.extract %slice3A_673[0] : f32 from vector<1xf32>
      %broadcast_in_dim3A_675 = vector.broadcast %squeeze3A_674 : f32 to vector<16xf32>
      %slice3A_676 = vector.extract_strided_slice %get3A_163 {offsets = [10], sizes = [1], strides = [1]} : vector<16xf32> to vector<1xf32>
      %squeeze3A_677 = vector.extract %slice3A_676[0] : f32 from vector<1xf32>
      %broadcast_in_dim3A_678 = vector.broadcast %squeeze3A_677 : f32 to vector<16xf32>
      %mul3A_679 = arith.mulf %broadcast_in_dim3A_672, %get3A_34 : vector<16xf32>
      %add3A_680 = arith.addf %mul3A_679, %get3A_43 : vector<16xf32>
      %mul3A_681 = arith.mulf %broadcast_in_dim3A_675, %get3A_37 : vector<16xf32>
      %add3A_682 = arith.addf %add3A_680, %mul3A_681 : vector<16xf32>
      %mul3A_683 = arith.mulf %broadcast_in_dim3A_678, %get3A_40 : vector<16xf32>
      %add3A_684 = arith.addf %add3A_682, %mul3A_683 : vector<16xf32>
      %max3A_685 = arith.maximumf %add3A_684, %broadcast_in_dim3A_68 : vector<16xf32>
      %add3A_686 = arith.constant 10 : i32
      %add3A_687 = arith.addi %mul3A_148, %add3A_686 : i32
      %swap3A_688 = arith.index_cast %add3A_687 : i32 to index
      %swap3A_689 = arith.constant 0 : index
      %swap3A_690 = tpu.vector_load %arg11[%swap3A_688, %swap3A_689] {strides = array<i32>} : memref<256x40xf32, #tpu.memory_space<vmem>>, vector<1x16xf32>,
      %swap3A_691 = vector.shape_cast %swap3A_690 : vector<1x16xf32> to vector<16xf32>
      %swap3A_692 = vector.shape_cast %max3A_685 : vector<16xf32> to vector<1x16xf32>
      tpu.vector_store %arg11[%swap3A_688, %swap3A_689], %swap3A_692 {strides = array<i32>} : memref<256x40xf32, #tpu.memory_space<vmem>>, vector<1x16xf32>,
      %mul3A_693 = arith.mulf %broadcast_in_dim3A_672, %get3A_46 : vector<16xf32>
      %add3A_694 = arith.addf %mul3A_693, %get3A_55 : vector<16xf32>
      %mul3A_695 = arith.mulf %broadcast_in_dim3A_675, %get3A_49 : vector<16xf32>
      %add3A_696 = arith.addf %add3A_694, %mul3A_695 : vector<16xf32>
      %mul3A_697 = arith.mulf %broadcast_in_dim3A_678, %get3A_52 : vector<16xf32>
      %add3A_698 = arith.addf %add3A_696, %mul3A_697 : vector<16xf32>
      %max3A_699 = arith.maximumf %add3A_698, %broadcast_in_dim3A_68 : vector<16xf32>
      %add3A_700 = arith.constant 10 : i32
      %add3A_701 = arith.addi %mul3A_148, %add3A_700 : i32
      %swap3A_702 = arith.index_cast %add3A_701 : i32 to index
      %swap3A_703 = arith.constant 16 : index
      %swap3A_704 = tpu.vector_load %arg11[%swap3A_702, %swap3A_703] {strides = array<i32>} : memref<256x40xf32, #tpu.memory_space<vmem>>, vector<1x16xf32>,
      %swap3A_705 = vector.shape_cast %swap3A_704 : vector<1x16xf32> to vector<16xf32>
      %swap3A_706 = vector.shape_cast %max3A_699 : vector<16xf32> to vector<1x16xf32>
      tpu.vector_store %arg11[%swap3A_702, %swap3A_703], %swap3A_706 {strides = array<i32>} : memref<256x40xf32, #tpu.memory_space<vmem>>, vector<1x16xf32>,
      %mul3A_707 = arith.mulf %broadcast_in_dim3A_672, %get3A_58 : vector<16xf32>
      %add3A_708 = arith.addf %mul3A_707, %get3A_67 : vector<16xf32>
      %mul3A_709 = arith.mulf %broadcast_in_dim3A_675, %get3A_61 : vector<16xf32>
      %add3A_710 = arith.addf %add3A_708, %mul3A_709 : vector<16xf32>
      %mul3A_711 = arith.mulf %broadcast_in_dim3A_678, %get3A_64 : vector<16xf32>
      %add3A_712 = arith.addf %add3A_710, %mul3A_711 : vector<16xf32>
      %max3A_713 = arith.maximumf %add3A_712, %broadcast_in_dim3A_68 : vector<16xf32>
      %add3A_714 = arith.constant 10 : i32
      %add3A_715 = arith.addi %mul3A_148, %add3A_714 : i32
      %swap3A_716 = arith.index_cast %add3A_715 : i32 to index
      %swap3A_717 = arith.constant 24 : index
      %swap3A_718 = tpu.vector_load %arg11[%swap3A_716, %swap3A_717] {strides = array<i32>} : memref<256x40xf32, #tpu.memory_space<vmem>>, vector<1x16xf32>,
      %swap3A_719 = vector.shape_cast %swap3A_718 : vector<1x16xf32> to vector<16xf32>
      %swap3A_720 = vector.shape_cast %max3A_713 : vector<16xf32> to vector<1x16xf32>
      tpu.vector_store %arg11[%swap3A_716, %swap3A_717], %swap3A_720 {strides = array<i32>} : memref<256x40xf32, #tpu.memory_space<vmem>>, vector<1x16xf32>,
      %slice3A_721 = vector.extract_strided_slice %get3A_153 {offsets = [11], sizes = [1], strides = [1]} : vector<16xf32> to vector<1xf32>
      %squeeze3A_722 = vector.extract %slice3A_721[0] : f32 from vector<1xf32>
      %broadcast_in_dim3A_723 = vector.broadcast %squeeze3A_722 : f32 to vector<16xf32>
      %slice3A_724 = vector.extract_strided_slice %get3A_158 {offsets = [11], sizes = [1], strides = [1]} : vector<16xf32> to vector<1xf32>
      %squeeze3A_725 = vector.extract %slice3A_724[0] : f32 from vector<1xf32>
      %broadcast_in_dim3A_726 = vector.broadcast %squeeze3A_725 : f32 to vector<16xf32>
      %slice3A_727 = vector.extract_strided_slice %get3A_163 {offsets = [11], sizes = [1], strides = [1]} : vector<16xf32> to vector<1xf32>
      %squeeze3A_728 = vector.extract %slice3A_727[0] : f32 from vector<1xf32>
      %broadcast_in_dim3A_729 = vector.broadcast %squeeze3A_728 : f32 to vector<16xf32>
      %mul3A_730 = arith.mulf %broadcast_in_dim3A_723, %get3A_34 : vector<16xf32>
      %add3A_731 = arith.addf %mul3A_730, %get3A_43 : vector<16xf32>
      %mul3A_732 = arith.mulf %broadcast_in_dim3A_726, %get3A_37 : vector<16xf32>
      %add3A_733 = arith.addf %add3A_731, %mul3A_732 : vector<16xf32>
      %mul3A_734 = arith.mulf %broadcast_in_dim3A_729, %get3A_40 : vector<16xf32>
      %add3A_735 = arith.addf %add3A_733, %mul3A_734 : vector<16xf32>
      %max3A_736 = arith.maximumf %add3A_735, %broadcast_in_dim3A_68 : vector<16xf32>
      %add3A_737 = arith.constant 11 : i32
      %add3A_738 = arith.addi %mul3A_148, %add3A_737 : i32
      %swap3A_739 = arith.index_cast %add3A_738 : i32 to index
      %swap3A_740 = arith.constant 0 : index
      %swap3A_741 = tpu.vector_load %arg11[%swap3A_739, %swap3A_740] {strides = array<i32>} : memref<256x40xf32, #tpu.memory_space<vmem>>, vector<1x16xf32>,
      %swap3A_742 = vector.shape_cast %swap3A_741 : vector<1x16xf32> to vector<16xf32>
      %swap3A_743 = vector.shape_cast %max3A_736 : vector<16xf32> to vector<1x16xf32>
      tpu.vector_store %arg11[%swap3A_739, %swap3A_740], %swap3A_743 {strides = array<i32>} : memref<256x40xf32, #tpu.memory_space<vmem>>, vector<1x16xf32>,
      %mul3A_744 = arith.mulf %broadcast_in_dim3A_723, %get3A_46 : vector<16xf32>
      %add3A_745 = arith.addf %mul3A_744, %get3A_55 : vector<16xf32>
      %mul3A_746 = arith.mulf %broadcast_in_dim3A_726, %get3A_49 : vector<16xf32>
      %add3A_747 = arith.addf %add3A_745, %mul3A_746 : vector<16xf32>
      %mul3A_748 = arith.mulf %broadcast_in_dim3A_729, %get3A_52 : vector<16xf32>
      %add3A_749 = arith.addf %add3A_747, %mul3A_748 : vector<16xf32>
      %max3A_750 = arith.maximumf %add3A_749, %broadcast_in_dim3A_68 : vector<16xf32>
      %add3A_751 = arith.constant 11 : i32
      %add3A_752 = arith.addi %mul3A_148, %add3A_751 : i32
      %swap3A_753 = arith.index_cast %add3A_752 : i32 to index
      %swap3A_754 = arith.constant 16 : index
      %swap3A_755 = tpu.vector_load %arg11[%swap3A_753, %swap3A_754] {strides = array<i32>} : memref<256x40xf32, #tpu.memory_space<vmem>>, vector<1x16xf32>,
      %swap3A_756 = vector.shape_cast %swap3A_755 : vector<1x16xf32> to vector<16xf32>
      %swap3A_757 = vector.shape_cast %max3A_750 : vector<16xf32> to vector<1x16xf32>
      tpu.vector_store %arg11[%swap3A_753, %swap3A_754], %swap3A_757 {strides = array<i32>} : memref<256x40xf32, #tpu.memory_space<vmem>>, vector<1x16xf32>,
      %mul3A_758 = arith.mulf %broadcast_in_dim3A_723, %get3A_58 : vector<16xf32>
      %add3A_759 = arith.addf %mul3A_758, %get3A_67 : vector<16xf32>
      %mul3A_760 = arith.mulf %broadcast_in_dim3A_726, %get3A_61 : vector<16xf32>
      %add3A_761 = arith.addf %add3A_759, %mul3A_760 : vector<16xf32>
      %mul3A_762 = arith.mulf %broadcast_in_dim3A_729, %get3A_64 : vector<16xf32>
      %add3A_763 = arith.addf %add3A_761, %mul3A_762 : vector<16xf32>
      %max3A_764 = arith.maximumf %add3A_763, %broadcast_in_dim3A_68 : vector<16xf32>
      %add3A_765 = arith.constant 11 : i32
      %add3A_766 = arith.addi %mul3A_148, %add3A_765 : i32
      %swap3A_767 = arith.index_cast %add3A_766 : i32 to index
      %swap3A_768 = arith.constant 24 : index
      %swap3A_769 = tpu.vector_load %arg11[%swap3A_767, %swap3A_768] {strides = array<i32>} : memref<256x40xf32, #tpu.memory_space<vmem>>, vector<1x16xf32>,
      %swap3A_770 = vector.shape_cast %swap3A_769 : vector<1x16xf32> to vector<16xf32>
      %swap3A_771 = vector.shape_cast %max3A_764 : vector<16xf32> to vector<1x16xf32>
      tpu.vector_store %arg11[%swap3A_767, %swap3A_768], %swap3A_771 {strides = array<i32>} : memref<256x40xf32, #tpu.memory_space<vmem>>, vector<1x16xf32>,
      %slice3A_772 = vector.extract_strided_slice %get3A_153 {offsets = [12], sizes = [1], strides = [1]} : vector<16xf32> to vector<1xf32>
      %squeeze3A_773 = vector.extract %slice3A_772[0] : f32 from vector<1xf32>
      %broadcast_in_dim3A_774 = vector.broadcast %squeeze3A_773 : f32 to vector<16xf32>
      %slice3A_775 = vector.extract_strided_slice %get3A_158 {offsets = [12], sizes = [1], strides = [1]} : vector<16xf32> to vector<1xf32>
      %squeeze3A_776 = vector.extract %slice3A_775[0] : f32 from vector<1xf32>
      %broadcast_in_dim3A_777 = vector.broadcast %squeeze3A_776 : f32 to vector<16xf32>
      %slice3A_778 = vector.extract_strided_slice %get3A_163 {offsets = [12], sizes = [1], strides = [1]} : vector<16xf32> to vector<1xf32>
      %squeeze3A_779 = vector.extract %slice3A_778[0] : f32 from vector<1xf32>
      %broadcast_in_dim3A_780 = vector.broadcast %squeeze3A_779 : f32 to vector<16xf32>
      %mul3A_781 = arith.mulf %broadcast_in_dim3A_774, %get3A_34 : vector<16xf32>
      %add3A_782 = arith.addf %mul3A_781, %get3A_43 : vector<16xf32>
      %mul3A_783 = arith.mulf %broadcast_in_dim3A_777, %get3A_37 : vector<16xf32>
      %add3A_784 = arith.addf %add3A_782, %mul3A_783 : vector<16xf32>
      %mul3A_785 = arith.mulf %broadcast_in_dim3A_780, %get3A_40 : vector<16xf32>
      %add3A_786 = arith.addf %add3A_784, %mul3A_785 : vector<16xf32>
      %max3A_787 = arith.maximumf %add3A_786, %broadcast_in_dim3A_68 : vector<16xf32>
      %add3A_788 = arith.constant 12 : i32
      %add3A_789 = arith.addi %mul3A_148, %add3A_788 : i32
      %swap3A_790 = arith.index_cast %add3A_789 : i32 to index
      %swap3A_791 = arith.constant 0 : index
      %swap3A_792 = tpu.vector_load %arg11[%swap3A_790, %swap3A_791] {strides = array<i32>} : memref<256x40xf32, #tpu.memory_space<vmem>>, vector<1x16xf32>,
      %swap3A_793 = vector.shape_cast %swap3A_792 : vector<1x16xf32> to vector<16xf32>
      %swap3A_794 = vector.shape_cast %max3A_787 : vector<16xf32> to vector<1x16xf32>
      tpu.vector_store %arg11[%swap3A_790, %swap3A_791], %swap3A_794 {strides = array<i32>} : memref<256x40xf32, #tpu.memory_space<vmem>>, vector<1x16xf32>,
      %mul3A_795 = arith.mulf %broadcast_in_dim3A_774, %get3A_46 : vector<16xf32>
      %add3A_796 = arith.addf %mul3A_795, %get3A_55 : vector<16xf32>
      %mul3A_797 = arith.mulf %broadcast_in_dim3A_777, %get3A_49 : vector<16xf32>
      %add3A_798 = arith.addf %add3A_796, %mul3A_797 : vector<16xf32>
      %mul3A_799 = arith.mulf %broadcast_in_dim3A_780, %get3A_52 : vector<16xf32>
      %add3A_800 = arith.addf %add3A_798, %mul3A_799 : vector<16xf32>
      %max3A_801 = arith.maximumf %add3A_800, %broadcast_in_dim3A_68 : vector<16xf32>
      %add3A_802 = arith.constant 12 : i32
      %add3A_803 = arith.addi %mul3A_148, %add3A_802 : i32
      %swap3A_804 = arith.index_cast %add3A_803 : i32 to index
      %swap3A_805 = arith.constant 16 : index
      %swap3A_806 = tpu.vector_load %arg11[%swap3A_804, %swap3A_805] {strides = array<i32>} : memref<256x40xf32, #tpu.memory_space<vmem>>, vector<1x16xf32>,
      %swap3A_807 = vector.shape_cast %swap3A_806 : vector<1x16xf32> to vector<16xf32>
      %swap3A_808 = vector.shape_cast %max3A_801 : vector<16xf32> to vector<1x16xf32>
      tpu.vector_store %arg11[%swap3A_804, %swap3A_805], %swap3A_808 {strides = array<i32>} : memref<256x40xf32, #tpu.memory_space<vmem>>, vector<1x16xf32>,
      %mul3A_809 = arith.mulf %broadcast_in_dim3A_774, %get3A_58 : vector<16xf32>
      %add3A_810 = arith.addf %mul3A_809, %get3A_67 : vector<16xf32>
      %mul3A_811 = arith.mulf %broadcast_in_dim3A_777, %get3A_61 : vector<16xf32>
      %add3A_812 = arith.addf %add3A_810, %mul3A_811 : vector<16xf32>
      %mul3A_813 = arith.mulf %broadcast_in_dim3A_780, %get3A_64 : vector<16xf32>
      %add3A_814 = arith.addf %add3A_812, %mul3A_813 : vector<16xf32>
      %max3A_815 = arith.maximumf %add3A_814, %broadcast_in_dim3A_68 : vector<16xf32>
      %add3A_816 = arith.constant 12 : i32
      %add3A_817 = arith.addi %mul3A_148, %add3A_816 : i32
      %swap3A_818 = arith.index_cast %add3A_817 : i32 to index
      %swap3A_819 = arith.constant 24 : index
      %swap3A_820 = tpu.vector_load %arg11[%swap3A_818, %swap3A_819] {strides = array<i32>} : memref<256x40xf32, #tpu.memory_space<vmem>>, vector<1x16xf32>,
      %swap3A_821 = vector.shape_cast %swap3A_820 : vector<1x16xf32> to vector<16xf32>
      %swap3A_822 = vector.shape_cast %max3A_815 : vector<16xf32> to vector<1x16xf32>
      tpu.vector_store %arg11[%swap3A_818, %swap3A_819], %swap3A_822 {strides = array<i32>} : memref<256x40xf32, #tpu.memory_space<vmem>>, vector<1x16xf32>,
      %slice3A_823 = vector.extract_strided_slice %get3A_153 {offsets = [13], sizes = [1], strides = [1]} : vector<16xf32> to vector<1xf32>
      %squeeze3A_824 = vector.extract %slice3A_823[0] : f32 from vector<1xf32>
      %broadcast_in_dim3A_825 = vector.broadcast %squeeze3A_824 : f32 to vector<16xf32>
      %slice3A_826 = vector.extract_strided_slice %get3A_158 {offsets = [13], sizes = [1], strides = [1]} : vector<16xf32> to vector<1xf32>
      %squeeze3A_827 = vector.extract %slice3A_826[0] : f32 from vector<1xf32>
      %broadcast_in_dim3A_828 = vector.broadcast %squeeze3A_827 : f32 to vector<16xf32>
      %slice3A_829 = vector.extract_strided_slice %get3A_163 {offsets = [13], sizes = [1], strides = [1]} : vector<16xf32> to vector<1xf32>
      %squeeze3A_830 = vector.extract %slice3A_829[0] : f32 from vector<1xf32>
      %broadcast_in_dim3A_831 = vector.broadcast %squeeze3A_830 : f32 to vector<16xf32>
      %mul3A_832 = arith.mulf %broadcast_in_dim3A_825, %get3A_34 : vector<16xf32>
      %add3A_833 = arith.addf %mul3A_832, %get3A_43 : vector<16xf32>
      %mul3A_834 = arith.mulf %broadcast_in_dim3A_828, %get3A_37 : vector<16xf32>
      %add3A_835 = arith.addf %add3A_833, %mul3A_834 : vector<16xf32>
      %mul3A_836 = arith.mulf %broadcast_in_dim3A_831, %get3A_40 : vector<16xf32>
      %add3A_837 = arith.addf %add3A_835, %mul3A_836 : vector<16xf32>
      %max3A_838 = arith.maximumf %add3A_837, %broadcast_in_dim3A_68 : vector<16xf32>
      %add3A_839 = arith.constant 13 : i32
      %add3A_840 = arith.addi %mul3A_148, %add3A_839 : i32
      %swap3A_841 = arith.index_cast %add3A_840 : i32 to index
      %swap3A_842 = arith.constant 0 : index
      %swap3A_843 = tpu.vector_load %arg11[%swap3A_841, %swap3A_842] {strides = array<i32>} : memref<256x40xf32, #tpu.memory_space<vmem>>, vector<1x16xf32>,
      %swap3A_844 = vector.shape_cast %swap3A_843 : vector<1x16xf32> to vector<16xf32>
      %swap3A_845 = vector.shape_cast %max3A_838 : vector<16xf32> to vector<1x16xf32>
      tpu.vector_store %arg11[%swap3A_841, %swap3A_842], %swap3A_845 {strides = array<i32>} : memref<256x40xf32, #tpu.memory_space<vmem>>, vector<1x16xf32>,
      %mul3A_846 = arith.mulf %broadcast_in_dim3A_825, %get3A_46 : vector<16xf32>
      %add3A_847 = arith.addf %mul3A_846, %get3A_55 : vector<16xf32>
      %mul3A_848 = arith.mulf %broadcast_in_dim3A_828, %get3A_49 : vector<16xf32>
      %add3A_849 = arith.addf %add3A_847, %mul3A_848 : vector<16xf32>
      %mul3A_850 = arith.mulf %broadcast_in_dim3A_831, %get3A_52 : vector<16xf32>
      %add3A_851 = arith.addf %add3A_849, %mul3A_850 : vector<16xf32>
      %max3A_852 = arith.maximumf %add3A_851, %broadcast_in_dim3A_68 : vector<16xf32>
      %add3A_853 = arith.constant 13 : i32
      %add3A_854 = arith.addi %mul3A_148, %add3A_853 : i32
      %swap3A_855 = arith.index_cast %add3A_854 : i32 to index
      %swap3A_856 = arith.constant 16 : index
      %swap3A_857 = tpu.vector_load %arg11[%swap3A_855, %swap3A_856] {strides = array<i32>} : memref<256x40xf32, #tpu.memory_space<vmem>>, vector<1x16xf32>,
      %swap3A_858 = vector.shape_cast %swap3A_857 : vector<1x16xf32> to vector<16xf32>
      %swap3A_859 = vector.shape_cast %max3A_852 : vector<16xf32> to vector<1x16xf32>
      tpu.vector_store %arg11[%swap3A_855, %swap3A_856], %swap3A_859 {strides = array<i32>} : memref<256x40xf32, #tpu.memory_space<vmem>>, vector<1x16xf32>,
      %mul3A_860 = arith.mulf %broadcast_in_dim3A_825, %get3A_58 : vector<16xf32>
      %add3A_861 = arith.addf %mul3A_860, %get3A_67 : vector<16xf32>
      %mul3A_862 = arith.mulf %broadcast_in_dim3A_828, %get3A_61 : vector<16xf32>
      %add3A_863 = arith.addf %add3A_861, %mul3A_862 : vector<16xf32>
      %mul3A_864 = arith.mulf %broadcast_in_dim3A_831, %get3A_64 : vector<16xf32>
      %add3A_865 = arith.addf %add3A_863, %mul3A_864 : vector<16xf32>
      %max3A_866 = arith.maximumf %add3A_865, %broadcast_in_dim3A_68 : vector<16xf32>
      %add3A_867 = arith.constant 13 : i32
      %add3A_868 = arith.addi %mul3A_148, %add3A_867 : i32
      %swap3A_869 = arith.index_cast %add3A_868 : i32 to index
      %swap3A_870 = arith.constant 24 : index
      %swap3A_871 = tpu.vector_load %arg11[%swap3A_869, %swap3A_870] {strides = array<i32>} : memref<256x40xf32, #tpu.memory_space<vmem>>, vector<1x16xf32>,
      %swap3A_872 = vector.shape_cast %swap3A_871 : vector<1x16xf32> to vector<16xf32>
      %swap3A_873 = vector.shape_cast %max3A_866 : vector<16xf32> to vector<1x16xf32>
      tpu.vector_store %arg11[%swap3A_869, %swap3A_870], %swap3A_873 {strides = array<i32>} : memref<256x40xf32, #tpu.memory_space<vmem>>, vector<1x16xf32>,
      %slice3A_874 = vector.extract_strided_slice %get3A_153 {offsets = [14], sizes = [1], strides = [1]} : vector<16xf32> to vector<1xf32>
      %squeeze3A_875 = vector.extract %slice3A_874[0] : f32 from vector<1xf32>
      %broadcast_in_dim3A_876 = vector.broadcast %squeeze3A_875 : f32 to vector<16xf32>
      %slice3A_877 = vector.extract_strided_slice %get3A_158 {offsets = [14], sizes = [1], strides = [1]} : vector<16xf32> to vector<1xf32>
      %squeeze3A_878 = vector.extract %slice3A_877[0] : f32 from vector<1xf32>
      %broadcast_in_dim3A_879 = vector.broadcast %squeeze3A_878 : f32 to vector<16xf32>
      %slice3A_880 = vector.extract_strided_slice %get3A_163 {offsets = [14], sizes = [1], strides = [1]} : vector<16xf32> to vector<1xf32>
      %squeeze3A_881 = vector.extract %slice3A_880[0] : f32 from vector<1xf32>
      %broadcast_in_dim3A_882 = vector.broadcast %squeeze3A_881 : f32 to vector<16xf32>
      %mul3A_883 = arith.mulf %broadcast_in_dim3A_876, %get3A_34 : vector<16xf32>
      %add3A_884 = arith.addf %mul3A_883, %get3A_43 : vector<16xf32>
      %mul3A_885 = arith.mulf %broadcast_in_dim3A_879, %get3A_37 : vector<16xf32>
      %add3A_886 = arith.addf %add3A_884, %mul3A_885 : vector<16xf32>
      %mul3A_887 = arith.mulf %broadcast_in_dim3A_882, %get3A_40 : vector<16xf32>
      %add3A_888 = arith.addf %add3A_886, %mul3A_887 : vector<16xf32>
      %max3A_889 = arith.maximumf %add3A_888, %broadcast_in_dim3A_68 : vector<16xf32>
      %add3A_890 = arith.constant 14 : i32
      %add3A_891 = arith.addi %mul3A_148, %add3A_890 : i32
      %swap3A_892 = arith.index_cast %add3A_891 : i32 to index
      %swap3A_893 = arith.constant 0 : index
      %swap3A_894 = tpu.vector_load %arg11[%swap3A_892, %swap3A_893] {strides = array<i32>} : memref<256x40xf32, #tpu.memory_space<vmem>>, vector<1x16xf32>,
      %swap3A_895 = vector.shape_cast %swap3A_894 : vector<1x16xf32> to vector<16xf32>
      %swap3A_896 = vector.shape_cast %max3A_889 : vector<16xf32> to vector<1x16xf32>
      tpu.vector_store %arg11[%swap3A_892, %swap3A_893], %swap3A_896 {strides = array<i32>} : memref<256x40xf32, #tpu.memory_space<vmem>>, vector<1x16xf32>,
      %mul3A_897 = arith.mulf %broadcast_in_dim3A_876, %get3A_46 : vector<16xf32>
      %add3A_898 = arith.addf %mul3A_897, %get3A_55 : vector<16xf32>
      %mul3A_899 = arith.mulf %broadcast_in_dim3A_879, %get3A_49 : vector<16xf32>
      %add3A_900 = arith.addf %add3A_898, %mul3A_899 : vector<16xf32>
      %mul3A_901 = arith.mulf %broadcast_in_dim3A_882, %get3A_52 : vector<16xf32>
      %add3A_902 = arith.addf %add3A_900, %mul3A_901 : vector<16xf32>
      %max3A_903 = arith.maximumf %add3A_902, %broadcast_in_dim3A_68 : vector<16xf32>
      %add3A_904 = arith.constant 14 : i32
      %add3A_905 = arith.addi %mul3A_148, %add3A_904 : i32
      %swap3A_906 = arith.index_cast %add3A_905 : i32 to index
      %swap3A_907 = arith.constant 16 : index
      %swap3A_908 = tpu.vector_load %arg11[%swap3A_906, %swap3A_907] {strides = array<i32>} : memref<256x40xf32, #tpu.memory_space<vmem>>, vector<1x16xf32>,
      %swap3A_909 = vector.shape_cast %swap3A_908 : vector<1x16xf32> to vector<16xf32>
      %swap3A_910 = vector.shape_cast %max3A_903 : vector<16xf32> to vector<1x16xf32>
      tpu.vector_store %arg11[%swap3A_906, %swap3A_907], %swap3A_910 {strides = array<i32>} : memref<256x40xf32, #tpu.memory_space<vmem>>, vector<1x16xf32>,
      %mul3A_911 = arith.mulf %broadcast_in_dim3A_876, %get3A_58 : vector<16xf32>
      %add3A_912 = arith.addf %mul3A_911, %get3A_67 : vector<16xf32>
      %mul3A_913 = arith.mulf %broadcast_in_dim3A_879, %get3A_61 : vector<16xf32>
      %add3A_914 = arith.addf %add3A_912, %mul3A_913 : vector<16xf32>
      %mul3A_915 = arith.mulf %broadcast_in_dim3A_882, %get3A_64 : vector<16xf32>
      %add3A_916 = arith.addf %add3A_914, %mul3A_915 : vector<16xf32>
      %max3A_917 = arith.maximumf %add3A_916, %broadcast_in_dim3A_68 : vector<16xf32>
      %add3A_918 = arith.constant 14 : i32
      %add3A_919 = arith.addi %mul3A_148, %add3A_918 : i32
      %swap3A_920 = arith.index_cast %add3A_919 : i32 to index
      %swap3A_921 = arith.constant 24 : index
      %swap3A_922 = tpu.vector_load %arg11[%swap3A_920, %swap3A_921] {strides = array<i32>} : memref<256x40xf32, #tpu.memory_space<vmem>>, vector<1x16xf32>,
      %swap3A_923 = vector.shape_cast %swap3A_922 : vector<1x16xf32> to vector<16xf32>
      %swap3A_924 = vector.shape_cast %max3A_917 : vector<16xf32> to vector<1x16xf32>
      tpu.vector_store %arg11[%swap3A_920, %swap3A_921], %swap3A_924 {strides = array<i32>} : memref<256x40xf32, #tpu.memory_space<vmem>>, vector<1x16xf32>,
      %slice3A_925 = vector.extract_strided_slice %get3A_153 {offsets = [15], sizes = [1], strides = [1]} : vector<16xf32> to vector<1xf32>
      %squeeze3A_926 = vector.extract %slice3A_925[0] : f32 from vector<1xf32>
      %broadcast_in_dim3A_927 = vector.broadcast %squeeze3A_926 : f32 to vector<16xf32>
      %slice3A_928 = vector.extract_strided_slice %get3A_158 {offsets = [15], sizes = [1], strides = [1]} : vector<16xf32> to vector<1xf32>
      %squeeze3A_929 = vector.extract %slice3A_928[0] : f32 from vector<1xf32>
      %broadcast_in_dim3A_930 = vector.broadcast %squeeze3A_929 : f32 to vector<16xf32>
      %slice3A_931 = vector.extract_strided_slice %get3A_163 {offsets = [15], sizes = [1], strides = [1]} : vector<16xf32> to vector<1xf32>
      %squeeze3A_932 = vector.extract %slice3A_931[0] : f32 from vector<1xf32>
      %broadcast_in_dim3A_933 = vector.broadcast %squeeze3A_932 : f32 to vector<16xf32>
      %mul3A_934 = arith.mulf %broadcast_in_dim3A_927, %get3A_34 : vector<16xf32>
      %add3A_935 = arith.addf %mul3A_934, %get3A_43 : vector<16xf32>
      %mul3A_936 = arith.mulf %broadcast_in_dim3A_930, %get3A_37 : vector<16xf32>
      %add3A_937 = arith.addf %add3A_935, %mul3A_936 : vector<16xf32>
      %mul3A_938 = arith.mulf %broadcast_in_dim3A_933, %get3A_40 : vector<16xf32>
      %add3A_939 = arith.addf %add3A_937, %mul3A_938 : vector<16xf32>
      %max3A_940 = arith.maximumf %add3A_939, %broadcast_in_dim3A_68 : vector<16xf32>
      %add3A_941 = arith.constant 15 : i32
      %add3A_942 = arith.addi %mul3A_148, %add3A_941 : i32
      %swap3A_943 = arith.index_cast %add3A_942 : i32 to index
      %swap3A_944 = arith.constant 0 : index
      %swap3A_945 = tpu.vector_load %arg11[%swap3A_943, %swap3A_944] {strides = array<i32>} : memref<256x40xf32, #tpu.memory_space<vmem>>, vector<1x16xf32>,
      %swap3A_946 = vector.shape_cast %swap3A_945 : vector<1x16xf32> to vector<16xf32>
      %swap3A_947 = vector.shape_cast %max3A_940 : vector<16xf32> to vector<1x16xf32>
      tpu.vector_store %arg11[%swap3A_943, %swap3A_944], %swap3A_947 {strides = array<i32>} : memref<256x40xf32, #tpu.memory_space<vmem>>, vector<1x16xf32>,
      %mul3A_948 = arith.mulf %broadcast_in_dim3A_927, %get3A_46 : vector<16xf32>
      %add3A_949 = arith.addf %mul3A_948, %get3A_55 : vector<16xf32>
      %mul3A_950 = arith.mulf %broadcast_in_dim3A_930, %get3A_49 : vector<16xf32>
      %add3A_951 = arith.addf %add3A_949, %mul3A_950 : vector<16xf32>
      %mul3A_952 = arith.mulf %broadcast_in_dim3A_933, %get3A_52 : vector<16xf32>
      %add3A_953 = arith.addf %add3A_951, %mul3A_952 : vector<16xf32>
      %max3A_954 = arith.maximumf %add3A_953, %broadcast_in_dim3A_68 : vector<16xf32>
      %add3A_955 = arith.constant 15 : i32
      %add3A_956 = arith.addi %mul3A_148, %add3A_955 : i32
      %swap3A_957 = arith.index_cast %add3A_956 : i32 to index
      %swap3A_958 = arith.constant 16 : index
      %swap3A_959 = tpu.vector_load %arg11[%swap3A_957, %swap3A_958] {strides = array<i32>} : memref<256x40xf32, #tpu.memory_space<vmem>>, vector<1x16xf32>,
      %swap3A_960 = vector.shape_cast %swap3A_959 : vector<1x16xf32> to vector<16xf32>
      %swap3A_961 = vector.shape_cast %max3A_954 : vector<16xf32> to vector<1x16xf32>
      tpu.vector_store %arg11[%swap3A_957, %swap3A_958], %swap3A_961 {strides = array<i32>} : memref<256x40xf32, #tpu.memory_space<vmem>>, vector<1x16xf32>,
      %mul3A_962 = arith.mulf %broadcast_in_dim3A_927, %get3A_58 : vector<16xf32>
      %add3A_963 = arith.addf %mul3A_962, %get3A_67 : vector<16xf32>
      %mul3A_964 = arith.mulf %broadcast_in_dim3A_930, %get3A_61 : vector<16xf32>
      %add3A_965 = arith.addf %add3A_963, %mul3A_964 : vector<16xf32>
      %mul3A_966 = arith.mulf %broadcast_in_dim3A_933, %get3A_64 : vector<16xf32>
      %add3A_967 = arith.addf %add3A_965, %mul3A_966 : vector<16xf32>
      %max3A_968 = arith.maximumf %add3A_967, %broadcast_in_dim3A_68 : vector<16xf32>
      %add3A_969 = arith.constant 15 : i32
      %add3A_970 = arith.addi %mul3A_148, %add3A_969 : i32
      %swap3A_971 = arith.index_cast %add3A_970 : i32 to index
      %swap3A_972 = arith.constant 24 : index
      %swap3A_973 = tpu.vector_load %arg11[%swap3A_971, %swap3A_972] {strides = array<i32>} : memref<256x40xf32, #tpu.memory_space<vmem>>, vector<1x16xf32>,
      %swap3A_974 = vector.shape_cast %swap3A_973 : vector<1x16xf32> to vector<16xf32>
      %swap3A_975 = vector.shape_cast %max3A_968 : vector<16xf32> to vector<1x16xf32>
      tpu.vector_store %arg11[%swap3A_971, %swap3A_972], %swap3A_975 {strides = array<i32>} : memref<256x40xf32, #tpu.memory_space<vmem>>, vector<1x16xf32>,
    }
    %scan3A_73 = arith.constant 16 : i32
    %add3A_74 = arith.constant 0 : i32
    %add3A_75 = arith.addi %mul3A_32, %add3A_74 : i32
    %dma_start3A = arith.constant 0 : i32
    %dma_start3A_76 = tpu.memref_slice %arg6[%select_n3A, %add3A_75, %dma_start3A] : memref<16x2048x40xf32, #tpu.memory_space<hbm>> -> memref<1x256x40xf32, #tpu.memory_space<hbm>>
    %dma_start3A_77 = tpu.memref_squeeze %dma_start3A_76 : memref<1x256x40xf32, #tpu.memory_space<hbm>> -> memref<256x40xf32, #tpu.memory_space<hbm>>
    %dma_start3A_78 = arith.constant 0 : i32
    %dma_start3A_79 = tpu.memref_slice %arg6[%select_n3A, %add3A_75, %dma_start3A_78] : memref<16x2048x40xf32, #tpu.memory_space<hbm>> -> memref<1x256x40xf32, #tpu.memory_space<hbm>>
    %dma_start3A_80 = tpu.memref_squeeze %dma_start3A_79 : memref<1x256x40xf32, #tpu.memory_space<hbm>> -> memref<256x40xf32, #tpu.memory_space<hbm>>
    tpu.enqueue_dma source(%arg11 : memref<256x40xf32, #tpu.memory_space<vmem>>) target(%dma_start3A_80 : memref<256x40xf32, #tpu.memory_space<hbm>>) target_semaphore(%arg13 : memref<!tpu.dma_semaphore, #tpu.memory_space<semaphore_mem>>)
    %scan3A_81 = arith.constant 0 : i32
    %scan3A_82 = arith.constant 0 : i32
    %scan3A_83 = arith.constant 16 : i32
    %scan3A_84 = arith.addi %scan3A_82, %scan3A_83 : i32
    %scan3A_85 = arith.constant 1 : i32
    scf.for %scan3A_146 = %scan3A_82 to %scan3A_84 step %scan3A_85  : i32 {
      %mul3A_147 = arith.constant 16 : i32
      %mul3A_148 = arith.muli %scan3A_146, %mul3A_147 : i32
      %add3A_149 = arith.constant 256 : i32
      %add3A_150 = arith.addi %add3A_149, %mul3A_148 : i32
      %get3A_151 = arith.index_cast %add3A_150 : i32 to index
      %get3A_152 = tpu.vector_load %arg7[%get3A_151] {strides = array<i32>} : memref<1024xf32, #tpu.memory_space<vmem>>, vector<16xf32>,
      %get3A_153 = vector.shape_cast %get3A_152 : vector<16xf32> to vector<16xf32>
      %add3A_154 = arith.constant 256 : i32
      %add3A_155 = arith.addi %add3A_154, %mul3A_148 : i32
      %get3A_156 = arith.index_cast %add3A_155 : i32 to index
      %get3A_157 = tpu.vector_load %arg8[%get3A_156] {strides = array<i32>} : memref<1024xf32, #tpu.memory_space<vmem>>, vector<16xf32>,
      %get3A_158 = vector.shape_cast %get3A_157 : vector<16xf32> to vector<16xf32>
      %add3A_159 = arith.constant 256 : i32
      %add3A_160 = arith.addi %add3A_159, %mul3A_148 : i32
      %get3A_161 = arith.index_cast %add3A_160 : i32 to index
      %get3A_162 = tpu.vector_load %arg9[%get3A_161] {strides = array<i32>} : memref<1024xf32, #tpu.memory_space<vmem>>, vector<16xf32>,
      %get3A_163 = vector.shape_cast %get3A_162 : vector<16xf32> to vector<16xf32>
      %slice3A = vector.extract_strided_slice %get3A_153 {offsets = [0], sizes = [1], strides = [1]} : vector<16xf32> to vector<1xf32>
      %squeeze3A = vector.extract %slice3A[0] : f32 from vector<1xf32>
      %broadcast_in_dim3A_164 = vector.broadcast %squeeze3A : f32 to vector<16xf32>
      %slice3A_165 = vector.extract_strided_slice %get3A_158 {offsets = [0], sizes = [1], strides = [1]} : vector<16xf32> to vector<1xf32>
      %squeeze3A_166 = vector.extract %slice3A_165[0] : f32 from vector<1xf32>
      %broadcast_in_dim3A_167 = vector.broadcast %squeeze3A_166 : f32 to vector<16xf32>
      %slice3A_168 = vector.extract_strided_slice %get3A_163 {offsets = [0], sizes = [1], strides = [1]} : vector<16xf32> to vector<1xf32>
      %squeeze3A_169 = vector.extract %slice3A_168[0] : f32 from vector<1xf32>
      %broadcast_in_dim3A_170 = vector.broadcast %squeeze3A_169 : f32 to vector<16xf32>
      %mul3A_171 = arith.mulf %broadcast_in_dim3A_164, %get3A_34 : vector<16xf32>
      %add3A_172 = arith.addf %mul3A_171, %get3A_43 : vector<16xf32>
      %mul3A_173 = arith.mulf %broadcast_in_dim3A_167, %get3A_37 : vector<16xf32>
      %add3A_174 = arith.addf %add3A_172, %mul3A_173 : vector<16xf32>
      %mul3A_175 = arith.mulf %broadcast_in_dim3A_170, %get3A_40 : vector<16xf32>
      %add3A_176 = arith.addf %add3A_174, %mul3A_175 : vector<16xf32>
      %max3A = arith.maximumf %add3A_176, %broadcast_in_dim3A_68 : vector<16xf32>
      %add3A_177 = arith.constant 0 : i32
      %add3A_178 = arith.addi %mul3A_148, %add3A_177 : i32
      %swap3A = arith.index_cast %add3A_178 : i32 to index
      %swap3A_179 = arith.constant 0 : index
      %swap3A_180 = tpu.vector_load %arg12[%swap3A, %swap3A_179] {strides = array<i32>} : memref<256x40xf32, #tpu.memory_space<vmem>>, vector<1x16xf32>,
      %swap3A_181 = vector.shape_cast %swap3A_180 : vector<1x16xf32> to vector<16xf32>
      %swap3A_182 = vector.shape_cast %max3A : vector<16xf32> to vector<1x16xf32>
      tpu.vector_store %arg12[%swap3A, %swap3A_179], %swap3A_182 {strides = array<i32>} : memref<256x40xf32, #tpu.memory_space<vmem>>, vector<1x16xf32>,
      %mul3A_183 = arith.mulf %broadcast_in_dim3A_164, %get3A_46 : vector<16xf32>
      %add3A_184 = arith.addf %mul3A_183, %get3A_55 : vector<16xf32>
      %mul3A_185 = arith.mulf %broadcast_in_dim3A_167, %get3A_49 : vector<16xf32>
      %add3A_186 = arith.addf %add3A_184, %mul3A_185 : vector<16xf32>
      %mul3A_187 = arith.mulf %broadcast_in_dim3A_170, %get3A_52 : vector<16xf32>
      %add3A_188 = arith.addf %add3A_186, %mul3A_187 : vector<16xf32>
      %max3A_189 = arith.maximumf %add3A_188, %broadcast_in_dim3A_68 : vector<16xf32>
      %add3A_190 = arith.constant 0 : i32
      %add3A_191 = arith.addi %mul3A_148, %add3A_190 : i32
      %swap3A_192 = arith.index_cast %add3A_191 : i32 to index
      %swap3A_193 = arith.constant 16 : index
      %swap3A_194 = tpu.vector_load %arg12[%swap3A_192, %swap3A_193] {strides = array<i32>} : memref<256x40xf32, #tpu.memory_space<vmem>>, vector<1x16xf32>,
      %swap3A_195 = vector.shape_cast %swap3A_194 : vector<1x16xf32> to vector<16xf32>
      %swap3A_196 = vector.shape_cast %max3A_189 : vector<16xf32> to vector<1x16xf32>
      tpu.vector_store %arg12[%swap3A_192, %swap3A_193], %swap3A_196 {strides = array<i32>} : memref<256x40xf32, #tpu.memory_space<vmem>>, vector<1x16xf32>,
      %mul3A_197 = arith.mulf %broadcast_in_dim3A_164, %get3A_58 : vector<16xf32>
      %add3A_198 = arith.addf %mul3A_197, %get3A_67 : vector<16xf32>
      %mul3A_199 = arith.mulf %broadcast_in_dim3A_167, %get3A_61 : vector<16xf32>
      %add3A_200 = arith.addf %add3A_198, %mul3A_199 : vector<16xf32>
      %mul3A_201 = arith.mulf %broadcast_in_dim3A_170, %get3A_64 : vector<16xf32>
      %add3A_202 = arith.addf %add3A_200, %mul3A_201 : vector<16xf32>
      %max3A_203 = arith.maximumf %add3A_202, %broadcast_in_dim3A_68 : vector<16xf32>
      %add3A_204 = arith.constant 0 : i32
      %add3A_205 = arith.addi %mul3A_148, %add3A_204 : i32
      %swap3A_206 = arith.index_cast %add3A_205 : i32 to index
      %swap3A_207 = arith.constant 24 : index
      %swap3A_208 = tpu.vector_load %arg12[%swap3A_206, %swap3A_207] {strides = array<i32>} : memref<256x40xf32, #tpu.memory_space<vmem>>, vector<1x16xf32>,
      %swap3A_209 = vector.shape_cast %swap3A_208 : vector<1x16xf32> to vector<16xf32>
      %swap3A_210 = vector.shape_cast %max3A_203 : vector<16xf32> to vector<1x16xf32>
      tpu.vector_store %arg12[%swap3A_206, %swap3A_207], %swap3A_210 {strides = array<i32>} : memref<256x40xf32, #tpu.memory_space<vmem>>, vector<1x16xf32>,
      %slice3A_211 = vector.extract_strided_slice %get3A_153 {offsets = [1], sizes = [1], strides = [1]} : vector<16xf32> to vector<1xf32>
      %squeeze3A_212 = vector.extract %slice3A_211[0] : f32 from vector<1xf32>
      %broadcast_in_dim3A_213 = vector.broadcast %squeeze3A_212 : f32 to vector<16xf32>
      %slice3A_214 = vector.extract_strided_slice %get3A_158 {offsets = [1], sizes = [1], strides = [1]} : vector<16xf32> to vector<1xf32>
      %squeeze3A_215 = vector.extract %slice3A_214[0] : f32 from vector<1xf32>
      %broadcast_in_dim3A_216 = vector.broadcast %squeeze3A_215 : f32 to vector<16xf32>
      %slice3A_217 = vector.extract_strided_slice %get3A_163 {offsets = [1], sizes = [1], strides = [1]} : vector<16xf32> to vector<1xf32>
      %squeeze3A_218 = vector.extract %slice3A_217[0] : f32 from vector<1xf32>
      %broadcast_in_dim3A_219 = vector.broadcast %squeeze3A_218 : f32 to vector<16xf32>
      %mul3A_220 = arith.mulf %broadcast_in_dim3A_213, %get3A_34 : vector<16xf32>
      %add3A_221 = arith.addf %mul3A_220, %get3A_43 : vector<16xf32>
      %mul3A_222 = arith.mulf %broadcast_in_dim3A_216, %get3A_37 : vector<16xf32>
      %add3A_223 = arith.addf %add3A_221, %mul3A_222 : vector<16xf32>
      %mul3A_224 = arith.mulf %broadcast_in_dim3A_219, %get3A_40 : vector<16xf32>
      %add3A_225 = arith.addf %add3A_223, %mul3A_224 : vector<16xf32>
      %max3A_226 = arith.maximumf %add3A_225, %broadcast_in_dim3A_68 : vector<16xf32>
      %add3A_227 = arith.constant 1 : i32
      %add3A_228 = arith.addi %mul3A_148, %add3A_227 : i32
      %swap3A_229 = arith.index_cast %add3A_228 : i32 to index
      %swap3A_230 = arith.constant 0 : index
      %swap3A_231 = tpu.vector_load %arg12[%swap3A_229, %swap3A_230] {strides = array<i32>} : memref<256x40xf32, #tpu.memory_space<vmem>>, vector<1x16xf32>,
      %swap3A_232 = vector.shape_cast %swap3A_231 : vector<1x16xf32> to vector<16xf32>
      %swap3A_233 = vector.shape_cast %max3A_226 : vector<16xf32> to vector<1x16xf32>
      tpu.vector_store %arg12[%swap3A_229, %swap3A_230], %swap3A_233 {strides = array<i32>} : memref<256x40xf32, #tpu.memory_space<vmem>>, vector<1x16xf32>,
      %mul3A_234 = arith.mulf %broadcast_in_dim3A_213, %get3A_46 : vector<16xf32>
      %add3A_235 = arith.addf %mul3A_234, %get3A_55 : vector<16xf32>
      %mul3A_236 = arith.mulf %broadcast_in_dim3A_216, %get3A_49 : vector<16xf32>
      %add3A_237 = arith.addf %add3A_235, %mul3A_236 : vector<16xf32>
      %mul3A_238 = arith.mulf %broadcast_in_dim3A_219, %get3A_52 : vector<16xf32>
      %add3A_239 = arith.addf %add3A_237, %mul3A_238 : vector<16xf32>
      %max3A_240 = arith.maximumf %add3A_239, %broadcast_in_dim3A_68 : vector<16xf32>
      %add3A_241 = arith.constant 1 : i32
      %add3A_242 = arith.addi %mul3A_148, %add3A_241 : i32
      %swap3A_243 = arith.index_cast %add3A_242 : i32 to index
      %swap3A_244 = arith.constant 16 : index
      %swap3A_245 = tpu.vector_load %arg12[%swap3A_243, %swap3A_244] {strides = array<i32>} : memref<256x40xf32, #tpu.memory_space<vmem>>, vector<1x16xf32>,
      %swap3A_246 = vector.shape_cast %swap3A_245 : vector<1x16xf32> to vector<16xf32>
      %swap3A_247 = vector.shape_cast %max3A_240 : vector<16xf32> to vector<1x16xf32>
      tpu.vector_store %arg12[%swap3A_243, %swap3A_244], %swap3A_247 {strides = array<i32>} : memref<256x40xf32, #tpu.memory_space<vmem>>, vector<1x16xf32>,
      %mul3A_248 = arith.mulf %broadcast_in_dim3A_213, %get3A_58 : vector<16xf32>
      %add3A_249 = arith.addf %mul3A_248, %get3A_67 : vector<16xf32>
      %mul3A_250 = arith.mulf %broadcast_in_dim3A_216, %get3A_61 : vector<16xf32>
      %add3A_251 = arith.addf %add3A_249, %mul3A_250 : vector<16xf32>
      %mul3A_252 = arith.mulf %broadcast_in_dim3A_219, %get3A_64 : vector<16xf32>
      %add3A_253 = arith.addf %add3A_251, %mul3A_252 : vector<16xf32>
      %max3A_254 = arith.maximumf %add3A_253, %broadcast_in_dim3A_68 : vector<16xf32>
      %add3A_255 = arith.constant 1 : i32
      %add3A_256 = arith.addi %mul3A_148, %add3A_255 : i32
      %swap3A_257 = arith.index_cast %add3A_256 : i32 to index
      %swap3A_258 = arith.constant 24 : index
      %swap3A_259 = tpu.vector_load %arg12[%swap3A_257, %swap3A_258] {strides = array<i32>} : memref<256x40xf32, #tpu.memory_space<vmem>>, vector<1x16xf32>,
      %swap3A_260 = vector.shape_cast %swap3A_259 : vector<1x16xf32> to vector<16xf32>
      %swap3A_261 = vector.shape_cast %max3A_254 : vector<16xf32> to vector<1x16xf32>
      tpu.vector_store %arg12[%swap3A_257, %swap3A_258], %swap3A_261 {strides = array<i32>} : memref<256x40xf32, #tpu.memory_space<vmem>>, vector<1x16xf32>,
      %slice3A_262 = vector.extract_strided_slice %get3A_153 {offsets = [2], sizes = [1], strides = [1]} : vector<16xf32> to vector<1xf32>
      %squeeze3A_263 = vector.extract %slice3A_262[0] : f32 from vector<1xf32>
      %broadcast_in_dim3A_264 = vector.broadcast %squeeze3A_263 : f32 to vector<16xf32>
      %slice3A_265 = vector.extract_strided_slice %get3A_158 {offsets = [2], sizes = [1], strides = [1]} : vector<16xf32> to vector<1xf32>
      %squeeze3A_266 = vector.extract %slice3A_265[0] : f32 from vector<1xf32>
      %broadcast_in_dim3A_267 = vector.broadcast %squeeze3A_266 : f32 to vector<16xf32>
      %slice3A_268 = vector.extract_strided_slice %get3A_163 {offsets = [2], sizes = [1], strides = [1]} : vector<16xf32> to vector<1xf32>
      %squeeze3A_269 = vector.extract %slice3A_268[0] : f32 from vector<1xf32>
      %broadcast_in_dim3A_270 = vector.broadcast %squeeze3A_269 : f32 to vector<16xf32>
      %mul3A_271 = arith.mulf %broadcast_in_dim3A_264, %get3A_34 : vector<16xf32>
      %add3A_272 = arith.addf %mul3A_271, %get3A_43 : vector<16xf32>
      %mul3A_273 = arith.mulf %broadcast_in_dim3A_267, %get3A_37 : vector<16xf32>
      %add3A_274 = arith.addf %add3A_272, %mul3A_273 : vector<16xf32>
      %mul3A_275 = arith.mulf %broadcast_in_dim3A_270, %get3A_40 : vector<16xf32>
      %add3A_276 = arith.addf %add3A_274, %mul3A_275 : vector<16xf32>
      %max3A_277 = arith.maximumf %add3A_276, %broadcast_in_dim3A_68 : vector<16xf32>
      %add3A_278 = arith.constant 2 : i32
      %add3A_279 = arith.addi %mul3A_148, %add3A_278 : i32
      %swap3A_280 = arith.index_cast %add3A_279 : i32 to index
      %swap3A_281 = arith.constant 0 : index
      %swap3A_282 = tpu.vector_load %arg12[%swap3A_280, %swap3A_281] {strides = array<i32>} : memref<256x40xf32, #tpu.memory_space<vmem>>, vector<1x16xf32>,
      %swap3A_283 = vector.shape_cast %swap3A_282 : vector<1x16xf32> to vector<16xf32>
      %swap3A_284 = vector.shape_cast %max3A_277 : vector<16xf32> to vector<1x16xf32>
      tpu.vector_store %arg12[%swap3A_280, %swap3A_281], %swap3A_284 {strides = array<i32>} : memref<256x40xf32, #tpu.memory_space<vmem>>, vector<1x16xf32>,
      %mul3A_285 = arith.mulf %broadcast_in_dim3A_264, %get3A_46 : vector<16xf32>
      %add3A_286 = arith.addf %mul3A_285, %get3A_55 : vector<16xf32>
      %mul3A_287 = arith.mulf %broadcast_in_dim3A_267, %get3A_49 : vector<16xf32>
      %add3A_288 = arith.addf %add3A_286, %mul3A_287 : vector<16xf32>
      %mul3A_289 = arith.mulf %broadcast_in_dim3A_270, %get3A_52 : vector<16xf32>
      %add3A_290 = arith.addf %add3A_288, %mul3A_289 : vector<16xf32>
      %max3A_291 = arith.maximumf %add3A_290, %broadcast_in_dim3A_68 : vector<16xf32>
      %add3A_292 = arith.constant 2 : i32
      %add3A_293 = arith.addi %mul3A_148, %add3A_292 : i32
      %swap3A_294 = arith.index_cast %add3A_293 : i32 to index
      %swap3A_295 = arith.constant 16 : index
      %swap3A_296 = tpu.vector_load %arg12[%swap3A_294, %swap3A_295] {strides = array<i32>} : memref<256x40xf32, #tpu.memory_space<vmem>>, vector<1x16xf32>,
      %swap3A_297 = vector.shape_cast %swap3A_296 : vector<1x16xf32> to vector<16xf32>
      %swap3A_298 = vector.shape_cast %max3A_291 : vector<16xf32> to vector<1x16xf32>
      tpu.vector_store %arg12[%swap3A_294, %swap3A_295], %swap3A_298 {strides = array<i32>} : memref<256x40xf32, #tpu.memory_space<vmem>>, vector<1x16xf32>,
      %mul3A_299 = arith.mulf %broadcast_in_dim3A_264, %get3A_58 : vector<16xf32>
      %add3A_300 = arith.addf %mul3A_299, %get3A_67 : vector<16xf32>
      %mul3A_301 = arith.mulf %broadcast_in_dim3A_267, %get3A_61 : vector<16xf32>
      %add3A_302 = arith.addf %add3A_300, %mul3A_301 : vector<16xf32>
      %mul3A_303 = arith.mulf %broadcast_in_dim3A_270, %get3A_64 : vector<16xf32>
      %add3A_304 = arith.addf %add3A_302, %mul3A_303 : vector<16xf32>
      %max3A_305 = arith.maximumf %add3A_304, %broadcast_in_dim3A_68 : vector<16xf32>
      %add3A_306 = arith.constant 2 : i32
      %add3A_307 = arith.addi %mul3A_148, %add3A_306 : i32
      %swap3A_308 = arith.index_cast %add3A_307 : i32 to index
      %swap3A_309 = arith.constant 24 : index
      %swap3A_310 = tpu.vector_load %arg12[%swap3A_308, %swap3A_309] {strides = array<i32>} : memref<256x40xf32, #tpu.memory_space<vmem>>, vector<1x16xf32>,
      %swap3A_311 = vector.shape_cast %swap3A_310 : vector<1x16xf32> to vector<16xf32>
      %swap3A_312 = vector.shape_cast %max3A_305 : vector<16xf32> to vector<1x16xf32>
      tpu.vector_store %arg12[%swap3A_308, %swap3A_309], %swap3A_312 {strides = array<i32>} : memref<256x40xf32, #tpu.memory_space<vmem>>, vector<1x16xf32>,
      %slice3A_313 = vector.extract_strided_slice %get3A_153 {offsets = [3], sizes = [1], strides = [1]} : vector<16xf32> to vector<1xf32>
      %squeeze3A_314 = vector.extract %slice3A_313[0] : f32 from vector<1xf32>
      %broadcast_in_dim3A_315 = vector.broadcast %squeeze3A_314 : f32 to vector<16xf32>
      %slice3A_316 = vector.extract_strided_slice %get3A_158 {offsets = [3], sizes = [1], strides = [1]} : vector<16xf32> to vector<1xf32>
      %squeeze3A_317 = vector.extract %slice3A_316[0] : f32 from vector<1xf32>
      %broadcast_in_dim3A_318 = vector.broadcast %squeeze3A_317 : f32 to vector<16xf32>
      %slice3A_319 = vector.extract_strided_slice %get3A_163 {offsets = [3], sizes = [1], strides = [1]} : vector<16xf32> to vector<1xf32>
      %squeeze3A_320 = vector.extract %slice3A_319[0] : f32 from vector<1xf32>
      %broadcast_in_dim3A_321 = vector.broadcast %squeeze3A_320 : f32 to vector<16xf32>
      %mul3A_322 = arith.mulf %broadcast_in_dim3A_315, %get3A_34 : vector<16xf32>
      %add3A_323 = arith.addf %mul3A_322, %get3A_43 : vector<16xf32>
      %mul3A_324 = arith.mulf %broadcast_in_dim3A_318, %get3A_37 : vector<16xf32>
      %add3A_325 = arith.addf %add3A_323, %mul3A_324 : vector<16xf32>
      %mul3A_326 = arith.mulf %broadcast_in_dim3A_321, %get3A_40 : vector<16xf32>
      %add3A_327 = arith.addf %add3A_325, %mul3A_326 : vector<16xf32>
      %max3A_328 = arith.maximumf %add3A_327, %broadcast_in_dim3A_68 : vector<16xf32>
      %add3A_329 = arith.constant 3 : i32
      %add3A_330 = arith.addi %mul3A_148, %add3A_329 : i32
      %swap3A_331 = arith.index_cast %add3A_330 : i32 to index
      %swap3A_332 = arith.constant 0 : index
      %swap3A_333 = tpu.vector_load %arg12[%swap3A_331, %swap3A_332] {strides = array<i32>} : memref<256x40xf32, #tpu.memory_space<vmem>>, vector<1x16xf32>,
      %swap3A_334 = vector.shape_cast %swap3A_333 : vector<1x16xf32> to vector<16xf32>
      %swap3A_335 = vector.shape_cast %max3A_328 : vector<16xf32> to vector<1x16xf32>
      tpu.vector_store %arg12[%swap3A_331, %swap3A_332], %swap3A_335 {strides = array<i32>} : memref<256x40xf32, #tpu.memory_space<vmem>>, vector<1x16xf32>,
      %mul3A_336 = arith.mulf %broadcast_in_dim3A_315, %get3A_46 : vector<16xf32>
      %add3A_337 = arith.addf %mul3A_336, %get3A_55 : vector<16xf32>
      %mul3A_338 = arith.mulf %broadcast_in_dim3A_318, %get3A_49 : vector<16xf32>
      %add3A_339 = arith.addf %add3A_337, %mul3A_338 : vector<16xf32>
      %mul3A_340 = arith.mulf %broadcast_in_dim3A_321, %get3A_52 : vector<16xf32>
      %add3A_341 = arith.addf %add3A_339, %mul3A_340 : vector<16xf32>
      %max3A_342 = arith.maximumf %add3A_341, %broadcast_in_dim3A_68 : vector<16xf32>
      %add3A_343 = arith.constant 3 : i32
      %add3A_344 = arith.addi %mul3A_148, %add3A_343 : i32
      %swap3A_345 = arith.index_cast %add3A_344 : i32 to index
      %swap3A_346 = arith.constant 16 : index
      %swap3A_347 = tpu.vector_load %arg12[%swap3A_345, %swap3A_346] {strides = array<i32>} : memref<256x40xf32, #tpu.memory_space<vmem>>, vector<1x16xf32>,
      %swap3A_348 = vector.shape_cast %swap3A_347 : vector<1x16xf32> to vector<16xf32>
      %swap3A_349 = vector.shape_cast %max3A_342 : vector<16xf32> to vector<1x16xf32>
      tpu.vector_store %arg12[%swap3A_345, %swap3A_346], %swap3A_349 {strides = array<i32>} : memref<256x40xf32, #tpu.memory_space<vmem>>, vector<1x16xf32>,
      %mul3A_350 = arith.mulf %broadcast_in_dim3A_315, %get3A_58 : vector<16xf32>
      %add3A_351 = arith.addf %mul3A_350, %get3A_67 : vector<16xf32>
      %mul3A_352 = arith.mulf %broadcast_in_dim3A_318, %get3A_61 : vector<16xf32>
      %add3A_353 = arith.addf %add3A_351, %mul3A_352 : vector<16xf32>
      %mul3A_354 = arith.mulf %broadcast_in_dim3A_321, %get3A_64 : vector<16xf32>
      %add3A_355 = arith.addf %add3A_353, %mul3A_354 : vector<16xf32>
      %max3A_356 = arith.maximumf %add3A_355, %broadcast_in_dim3A_68 : vector<16xf32>
      %add3A_357 = arith.constant 3 : i32
      %add3A_358 = arith.addi %mul3A_148, %add3A_357 : i32
      %swap3A_359 = arith.index_cast %add3A_358 : i32 to index
      %swap3A_360 = arith.constant 24 : index
      %swap3A_361 = tpu.vector_load %arg12[%swap3A_359, %swap3A_360] {strides = array<i32>} : memref<256x40xf32, #tpu.memory_space<vmem>>, vector<1x16xf32>,
      %swap3A_362 = vector.shape_cast %swap3A_361 : vector<1x16xf32> to vector<16xf32>
      %swap3A_363 = vector.shape_cast %max3A_356 : vector<16xf32> to vector<1x16xf32>
      tpu.vector_store %arg12[%swap3A_359, %swap3A_360], %swap3A_363 {strides = array<i32>} : memref<256x40xf32, #tpu.memory_space<vmem>>, vector<1x16xf32>,
      %slice3A_364 = vector.extract_strided_slice %get3A_153 {offsets = [4], sizes = [1], strides = [1]} : vector<16xf32> to vector<1xf32>
      %squeeze3A_365 = vector.extract %slice3A_364[0] : f32 from vector<1xf32>
      %broadcast_in_dim3A_366 = vector.broadcast %squeeze3A_365 : f32 to vector<16xf32>
      %slice3A_367 = vector.extract_strided_slice %get3A_158 {offsets = [4], sizes = [1], strides = [1]} : vector<16xf32> to vector<1xf32>
      %squeeze3A_368 = vector.extract %slice3A_367[0] : f32 from vector<1xf32>
      %broadcast_in_dim3A_369 = vector.broadcast %squeeze3A_368 : f32 to vector<16xf32>
      %slice3A_370 = vector.extract_strided_slice %get3A_163 {offsets = [4], sizes = [1], strides = [1]} : vector<16xf32> to vector<1xf32>
      %squeeze3A_371 = vector.extract %slice3A_370[0] : f32 from vector<1xf32>
      %broadcast_in_dim3A_372 = vector.broadcast %squeeze3A_371 : f32 to vector<16xf32>
      %mul3A_373 = arith.mulf %broadcast_in_dim3A_366, %get3A_34 : vector<16xf32>
      %add3A_374 = arith.addf %mul3A_373, %get3A_43 : vector<16xf32>
      %mul3A_375 = arith.mulf %broadcast_in_dim3A_369, %get3A_37 : vector<16xf32>
      %add3A_376 = arith.addf %add3A_374, %mul3A_375 : vector<16xf32>
      %mul3A_377 = arith.mulf %broadcast_in_dim3A_372, %get3A_40 : vector<16xf32>
      %add3A_378 = arith.addf %add3A_376, %mul3A_377 : vector<16xf32>
      %max3A_379 = arith.maximumf %add3A_378, %broadcast_in_dim3A_68 : vector<16xf32>
      %add3A_380 = arith.constant 4 : i32
      %add3A_381 = arith.addi %mul3A_148, %add3A_380 : i32
      %swap3A_382 = arith.index_cast %add3A_381 : i32 to index
      %swap3A_383 = arith.constant 0 : index
      %swap3A_384 = tpu.vector_load %arg12[%swap3A_382, %swap3A_383] {strides = array<i32>} : memref<256x40xf32, #tpu.memory_space<vmem>>, vector<1x16xf32>,
      %swap3A_385 = vector.shape_cast %swap3A_384 : vector<1x16xf32> to vector<16xf32>
      %swap3A_386 = vector.shape_cast %max3A_379 : vector<16xf32> to vector<1x16xf32>
      tpu.vector_store %arg12[%swap3A_382, %swap3A_383], %swap3A_386 {strides = array<i32>} : memref<256x40xf32, #tpu.memory_space<vmem>>, vector<1x16xf32>,
      %mul3A_387 = arith.mulf %broadcast_in_dim3A_366, %get3A_46 : vector<16xf32>
      %add3A_388 = arith.addf %mul3A_387, %get3A_55 : vector<16xf32>
      %mul3A_389 = arith.mulf %broadcast_in_dim3A_369, %get3A_49 : vector<16xf32>
      %add3A_390 = arith.addf %add3A_388, %mul3A_389 : vector<16xf32>
      %mul3A_391 = arith.mulf %broadcast_in_dim3A_372, %get3A_52 : vector<16xf32>
      %add3A_392 = arith.addf %add3A_390, %mul3A_391 : vector<16xf32>
      %max3A_393 = arith.maximumf %add3A_392, %broadcast_in_dim3A_68 : vector<16xf32>
      %add3A_394 = arith.constant 4 : i32
      %add3A_395 = arith.addi %mul3A_148, %add3A_394 : i32
      %swap3A_396 = arith.index_cast %add3A_395 : i32 to index
      %swap3A_397 = arith.constant 16 : index
      %swap3A_398 = tpu.vector_load %arg12[%swap3A_396, %swap3A_397] {strides = array<i32>} : memref<256x40xf32, #tpu.memory_space<vmem>>, vector<1x16xf32>,
      %swap3A_399 = vector.shape_cast %swap3A_398 : vector<1x16xf32> to vector<16xf32>
      %swap3A_400 = vector.shape_cast %max3A_393 : vector<16xf32> to vector<1x16xf32>
      tpu.vector_store %arg12[%swap3A_396, %swap3A_397], %swap3A_400 {strides = array<i32>} : memref<256x40xf32, #tpu.memory_space<vmem>>, vector<1x16xf32>,
      %mul3A_401 = arith.mulf %broadcast_in_dim3A_366, %get3A_58 : vector<16xf32>
      %add3A_402 = arith.addf %mul3A_401, %get3A_67 : vector<16xf32>
      %mul3A_403 = arith.mulf %broadcast_in_dim3A_369, %get3A_61 : vector<16xf32>
      %add3A_404 = arith.addf %add3A_402, %mul3A_403 : vector<16xf32>
      %mul3A_405 = arith.mulf %broadcast_in_dim3A_372, %get3A_64 : vector<16xf32>
      %add3A_406 = arith.addf %add3A_404, %mul3A_405 : vector<16xf32>
      %max3A_407 = arith.maximumf %add3A_406, %broadcast_in_dim3A_68 : vector<16xf32>
      %add3A_408 = arith.constant 4 : i32
      %add3A_409 = arith.addi %mul3A_148, %add3A_408 : i32
      %swap3A_410 = arith.index_cast %add3A_409 : i32 to index
      %swap3A_411 = arith.constant 24 : index
      %swap3A_412 = tpu.vector_load %arg12[%swap3A_410, %swap3A_411] {strides = array<i32>} : memref<256x40xf32, #tpu.memory_space<vmem>>, vector<1x16xf32>,
      %swap3A_413 = vector.shape_cast %swap3A_412 : vector<1x16xf32> to vector<16xf32>
      %swap3A_414 = vector.shape_cast %max3A_407 : vector<16xf32> to vector<1x16xf32>
      tpu.vector_store %arg12[%swap3A_410, %swap3A_411], %swap3A_414 {strides = array<i32>} : memref<256x40xf32, #tpu.memory_space<vmem>>, vector<1x16xf32>,
      %slice3A_415 = vector.extract_strided_slice %get3A_153 {offsets = [5], sizes = [1], strides = [1]} : vector<16xf32> to vector<1xf32>
      %squeeze3A_416 = vector.extract %slice3A_415[0] : f32 from vector<1xf32>
      %broadcast_in_dim3A_417 = vector.broadcast %squeeze3A_416 : f32 to vector<16xf32>
      %slice3A_418 = vector.extract_strided_slice %get3A_158 {offsets = [5], sizes = [1], strides = [1]} : vector<16xf32> to vector<1xf32>
      %squeeze3A_419 = vector.extract %slice3A_418[0] : f32 from vector<1xf32>
      %broadcast_in_dim3A_420 = vector.broadcast %squeeze3A_419 : f32 to vector<16xf32>
      %slice3A_421 = vector.extract_strided_slice %get3A_163 {offsets = [5], sizes = [1], strides = [1]} : vector<16xf32> to vector<1xf32>
      %squeeze3A_422 = vector.extract %slice3A_421[0] : f32 from vector<1xf32>
      %broadcast_in_dim3A_423 = vector.broadcast %squeeze3A_422 : f32 to vector<16xf32>
      %mul3A_424 = arith.mulf %broadcast_in_dim3A_417, %get3A_34 : vector<16xf32>
      %add3A_425 = arith.addf %mul3A_424, %get3A_43 : vector<16xf32>
      %mul3A_426 = arith.mulf %broadcast_in_dim3A_420, %get3A_37 : vector<16xf32>
      %add3A_427 = arith.addf %add3A_425, %mul3A_426 : vector<16xf32>
      %mul3A_428 = arith.mulf %broadcast_in_dim3A_423, %get3A_40 : vector<16xf32>
      %add3A_429 = arith.addf %add3A_427, %mul3A_428 : vector<16xf32>
      %max3A_430 = arith.maximumf %add3A_429, %broadcast_in_dim3A_68 : vector<16xf32>
      %add3A_431 = arith.constant 5 : i32
      %add3A_432 = arith.addi %mul3A_148, %add3A_431 : i32
      %swap3A_433 = arith.index_cast %add3A_432 : i32 to index
      %swap3A_434 = arith.constant 0 : index
      %swap3A_435 = tpu.vector_load %arg12[%swap3A_433, %swap3A_434] {strides = array<i32>} : memref<256x40xf32, #tpu.memory_space<vmem>>, vector<1x16xf32>,
      %swap3A_436 = vector.shape_cast %swap3A_435 : vector<1x16xf32> to vector<16xf32>
      %swap3A_437 = vector.shape_cast %max3A_430 : vector<16xf32> to vector<1x16xf32>
      tpu.vector_store %arg12[%swap3A_433, %swap3A_434], %swap3A_437 {strides = array<i32>} : memref<256x40xf32, #tpu.memory_space<vmem>>, vector<1x16xf32>,
      %mul3A_438 = arith.mulf %broadcast_in_dim3A_417, %get3A_46 : vector<16xf32>
      %add3A_439 = arith.addf %mul3A_438, %get3A_55 : vector<16xf32>
      %mul3A_440 = arith.mulf %broadcast_in_dim3A_420, %get3A_49 : vector<16xf32>
      %add3A_441 = arith.addf %add3A_439, %mul3A_440 : vector<16xf32>
      %mul3A_442 = arith.mulf %broadcast_in_dim3A_423, %get3A_52 : vector<16xf32>
      %add3A_443 = arith.addf %add3A_441, %mul3A_442 : vector<16xf32>
      %max3A_444 = arith.maximumf %add3A_443, %broadcast_in_dim3A_68 : vector<16xf32>
      %add3A_445 = arith.constant 5 : i32
      %add3A_446 = arith.addi %mul3A_148, %add3A_445 : i32
      %swap3A_447 = arith.index_cast %add3A_446 : i32 to index
      %swap3A_448 = arith.constant 16 : index
      %swap3A_449 = tpu.vector_load %arg12[%swap3A_447, %swap3A_448] {strides = array<i32>} : memref<256x40xf32, #tpu.memory_space<vmem>>, vector<1x16xf32>,
      %swap3A_450 = vector.shape_cast %swap3A_449 : vector<1x16xf32> to vector<16xf32>
      %swap3A_451 = vector.shape_cast %max3A_444 : vector<16xf32> to vector<1x16xf32>
      tpu.vector_store %arg12[%swap3A_447, %swap3A_448], %swap3A_451 {strides = array<i32>} : memref<256x40xf32, #tpu.memory_space<vmem>>, vector<1x16xf32>,
      %mul3A_452 = arith.mulf %broadcast_in_dim3A_417, %get3A_58 : vector<16xf32>
      %add3A_453 = arith.addf %mul3A_452, %get3A_67 : vector<16xf32>
      %mul3A_454 = arith.mulf %broadcast_in_dim3A_420, %get3A_61 : vector<16xf32>
      %add3A_455 = arith.addf %add3A_453, %mul3A_454 : vector<16xf32>
      %mul3A_456 = arith.mulf %broadcast_in_dim3A_423, %get3A_64 : vector<16xf32>
      %add3A_457 = arith.addf %add3A_455, %mul3A_456 : vector<16xf32>
      %max3A_458 = arith.maximumf %add3A_457, %broadcast_in_dim3A_68 : vector<16xf32>
      %add3A_459 = arith.constant 5 : i32
      %add3A_460 = arith.addi %mul3A_148, %add3A_459 : i32
      %swap3A_461 = arith.index_cast %add3A_460 : i32 to index
      %swap3A_462 = arith.constant 24 : index
      %swap3A_463 = tpu.vector_load %arg12[%swap3A_461, %swap3A_462] {strides = array<i32>} : memref<256x40xf32, #tpu.memory_space<vmem>>, vector<1x16xf32>,
      %swap3A_464 = vector.shape_cast %swap3A_463 : vector<1x16xf32> to vector<16xf32>
      %swap3A_465 = vector.shape_cast %max3A_458 : vector<16xf32> to vector<1x16xf32>
      tpu.vector_store %arg12[%swap3A_461, %swap3A_462], %swap3A_465 {strides = array<i32>} : memref<256x40xf32, #tpu.memory_space<vmem>>, vector<1x16xf32>,
      %slice3A_466 = vector.extract_strided_slice %get3A_153 {offsets = [6], sizes = [1], strides = [1]} : vector<16xf32> to vector<1xf32>
      %squeeze3A_467 = vector.extract %slice3A_466[0] : f32 from vector<1xf32>
      %broadcast_in_dim3A_468 = vector.broadcast %squeeze3A_467 : f32 to vector<16xf32>
      %slice3A_469 = vector.extract_strided_slice %get3A_158 {offsets = [6], sizes = [1], strides = [1]} : vector<16xf32> to vector<1xf32>
      %squeeze3A_470 = vector.extract %slice3A_469[0] : f32 from vector<1xf32>
      %broadcast_in_dim3A_471 = vector.broadcast %squeeze3A_470 : f32 to vector<16xf32>
      %slice3A_472 = vector.extract_strided_slice %get3A_163 {offsets = [6], sizes = [1], strides = [1]} : vector<16xf32> to vector<1xf32>
      %squeeze3A_473 = vector.extract %slice3A_472[0] : f32 from vector<1xf32>
      %broadcast_in_dim3A_474 = vector.broadcast %squeeze3A_473 : f32 to vector<16xf32>
      %mul3A_475 = arith.mulf %broadcast_in_dim3A_468, %get3A_34 : vector<16xf32>
      %add3A_476 = arith.addf %mul3A_475, %get3A_43 : vector<16xf32>
      %mul3A_477 = arith.mulf %broadcast_in_dim3A_471, %get3A_37 : vector<16xf32>
      %add3A_478 = arith.addf %add3A_476, %mul3A_477 : vector<16xf32>
      %mul3A_479 = arith.mulf %broadcast_in_dim3A_474, %get3A_40 : vector<16xf32>
      %add3A_480 = arith.addf %add3A_478, %mul3A_479 : vector<16xf32>
      %max3A_481 = arith.maximumf %add3A_480, %broadcast_in_dim3A_68 : vector<16xf32>
      %add3A_482 = arith.constant 6 : i32
      %add3A_483 = arith.addi %mul3A_148, %add3A_482 : i32
      %swap3A_484 = arith.index_cast %add3A_483 : i32 to index
      %swap3A_485 = arith.constant 0 : index
      %swap3A_486 = tpu.vector_load %arg12[%swap3A_484, %swap3A_485] {strides = array<i32>} : memref<256x40xf32, #tpu.memory_space<vmem>>, vector<1x16xf32>,
      %swap3A_487 = vector.shape_cast %swap3A_486 : vector<1x16xf32> to vector<16xf32>
      %swap3A_488 = vector.shape_cast %max3A_481 : vector<16xf32> to vector<1x16xf32>
      tpu.vector_store %arg12[%swap3A_484, %swap3A_485], %swap3A_488 {strides = array<i32>} : memref<256x40xf32, #tpu.memory_space<vmem>>, vector<1x16xf32>,
      %mul3A_489 = arith.mulf %broadcast_in_dim3A_468, %get3A_46 : vector<16xf32>
      %add3A_490 = arith.addf %mul3A_489, %get3A_55 : vector<16xf32>
      %mul3A_491 = arith.mulf %broadcast_in_dim3A_471, %get3A_49 : vector<16xf32>
      %add3A_492 = arith.addf %add3A_490, %mul3A_491 : vector<16xf32>
      %mul3A_493 = arith.mulf %broadcast_in_dim3A_474, %get3A_52 : vector<16xf32>
      %add3A_494 = arith.addf %add3A_492, %mul3A_493 : vector<16xf32>
      %max3A_495 = arith.maximumf %add3A_494, %broadcast_in_dim3A_68 : vector<16xf32>
      %add3A_496 = arith.constant 6 : i32
      %add3A_497 = arith.addi %mul3A_148, %add3A_496 : i32
      %swap3A_498 = arith.index_cast %add3A_497 : i32 to index
      %swap3A_499 = arith.constant 16 : index
      %swap3A_500 = tpu.vector_load %arg12[%swap3A_498, %swap3A_499] {strides = array<i32>} : memref<256x40xf32, #tpu.memory_space<vmem>>, vector<1x16xf32>,
      %swap3A_501 = vector.shape_cast %swap3A_500 : vector<1x16xf32> to vector<16xf32>
      %swap3A_502 = vector.shape_cast %max3A_495 : vector<16xf32> to vector<1x16xf32>
      tpu.vector_store %arg12[%swap3A_498, %swap3A_499], %swap3A_502 {strides = array<i32>} : memref<256x40xf32, #tpu.memory_space<vmem>>, vector<1x16xf32>,
      %mul3A_503 = arith.mulf %broadcast_in_dim3A_468, %get3A_58 : vector<16xf32>
      %add3A_504 = arith.addf %mul3A_503, %get3A_67 : vector<16xf32>
      %mul3A_505 = arith.mulf %broadcast_in_dim3A_471, %get3A_61 : vector<16xf32>
      %add3A_506 = arith.addf %add3A_504, %mul3A_505 : vector<16xf32>
      %mul3A_507 = arith.mulf %broadcast_in_dim3A_474, %get3A_64 : vector<16xf32>
      %add3A_508 = arith.addf %add3A_506, %mul3A_507 : vector<16xf32>
      %max3A_509 = arith.maximumf %add3A_508, %broadcast_in_dim3A_68 : vector<16xf32>
      %add3A_510 = arith.constant 6 : i32
      %add3A_511 = arith.addi %mul3A_148, %add3A_510 : i32
      %swap3A_512 = arith.index_cast %add3A_511 : i32 to index
      %swap3A_513 = arith.constant 24 : index
      %swap3A_514 = tpu.vector_load %arg12[%swap3A_512, %swap3A_513] {strides = array<i32>} : memref<256x40xf32, #tpu.memory_space<vmem>>, vector<1x16xf32>,
      %swap3A_515 = vector.shape_cast %swap3A_514 : vector<1x16xf32> to vector<16xf32>
      %swap3A_516 = vector.shape_cast %max3A_509 : vector<16xf32> to vector<1x16xf32>
      tpu.vector_store %arg12[%swap3A_512, %swap3A_513], %swap3A_516 {strides = array<i32>} : memref<256x40xf32, #tpu.memory_space<vmem>>, vector<1x16xf32>,
      %slice3A_517 = vector.extract_strided_slice %get3A_153 {offsets = [7], sizes = [1], strides = [1]} : vector<16xf32> to vector<1xf32>
      %squeeze3A_518 = vector.extract %slice3A_517[0] : f32 from vector<1xf32>
      %broadcast_in_dim3A_519 = vector.broadcast %squeeze3A_518 : f32 to vector<16xf32>
      %slice3A_520 = vector.extract_strided_slice %get3A_158 {offsets = [7], sizes = [1], strides = [1]} : vector<16xf32> to vector<1xf32>
      %squeeze3A_521 = vector.extract %slice3A_520[0] : f32 from vector<1xf32>
      %broadcast_in_dim3A_522 = vector.broadcast %squeeze3A_521 : f32 to vector<16xf32>
      %slice3A_523 = vector.extract_strided_slice %get3A_163 {offsets = [7], sizes = [1], strides = [1]} : vector<16xf32> to vector<1xf32>
      %squeeze3A_524 = vector.extract %slice3A_523[0] : f32 from vector<1xf32>
      %broadcast_in_dim3A_525 = vector.broadcast %squeeze3A_524 : f32 to vector<16xf32>
      %mul3A_526 = arith.mulf %broadcast_in_dim3A_519, %get3A_34 : vector<16xf32>
      %add3A_527 = arith.addf %mul3A_526, %get3A_43 : vector<16xf32>
      %mul3A_528 = arith.mulf %broadcast_in_dim3A_522, %get3A_37 : vector<16xf32>
      %add3A_529 = arith.addf %add3A_527, %mul3A_528 : vector<16xf32>
      %mul3A_530 = arith.mulf %broadcast_in_dim3A_525, %get3A_40 : vector<16xf32>
      %add3A_531 = arith.addf %add3A_529, %mul3A_530 : vector<16xf32>
      %max3A_532 = arith.maximumf %add3A_531, %broadcast_in_dim3A_68 : vector<16xf32>
      %add3A_533 = arith.constant 7 : i32
      %add3A_534 = arith.addi %mul3A_148, %add3A_533 : i32
      %swap3A_535 = arith.index_cast %add3A_534 : i32 to index
      %swap3A_536 = arith.constant 0 : index
      %swap3A_537 = tpu.vector_load %arg12[%swap3A_535, %swap3A_536] {strides = array<i32>} : memref<256x40xf32, #tpu.memory_space<vmem>>, vector<1x16xf32>,
      %swap3A_538 = vector.shape_cast %swap3A_537 : vector<1x16xf32> to vector<16xf32>
      %swap3A_539 = vector.shape_cast %max3A_532 : vector<16xf32> to vector<1x16xf32>
      tpu.vector_store %arg12[%swap3A_535, %swap3A_536], %swap3A_539 {strides = array<i32>} : memref<256x40xf32, #tpu.memory_space<vmem>>, vector<1x16xf32>,
      %mul3A_540 = arith.mulf %broadcast_in_dim3A_519, %get3A_46 : vector<16xf32>
      %add3A_541 = arith.addf %mul3A_540, %get3A_55 : vector<16xf32>
      %mul3A_542 = arith.mulf %broadcast_in_dim3A_522, %get3A_49 : vector<16xf32>
      %add3A_543 = arith.addf %add3A_541, %mul3A_542 : vector<16xf32>
      %mul3A_544 = arith.mulf %broadcast_in_dim3A_525, %get3A_52 : vector<16xf32>
      %add3A_545 = arith.addf %add3A_543, %mul3A_544 : vector<16xf32>
      %max3A_546 = arith.maximumf %add3A_545, %broadcast_in_dim3A_68 : vector<16xf32>
      %add3A_547 = arith.constant 7 : i32
      %add3A_548 = arith.addi %mul3A_148, %add3A_547 : i32
      %swap3A_549 = arith.index_cast %add3A_548 : i32 to index
      %swap3A_550 = arith.constant 16 : index
      %swap3A_551 = tpu.vector_load %arg12[%swap3A_549, %swap3A_550] {strides = array<i32>} : memref<256x40xf32, #tpu.memory_space<vmem>>, vector<1x16xf32>,
      %swap3A_552 = vector.shape_cast %swap3A_551 : vector<1x16xf32> to vector<16xf32>
      %swap3A_553 = vector.shape_cast %max3A_546 : vector<16xf32> to vector<1x16xf32>
      tpu.vector_store %arg12[%swap3A_549, %swap3A_550], %swap3A_553 {strides = array<i32>} : memref<256x40xf32, #tpu.memory_space<vmem>>, vector<1x16xf32>,
      %mul3A_554 = arith.mulf %broadcast_in_dim3A_519, %get3A_58 : vector<16xf32>
      %add3A_555 = arith.addf %mul3A_554, %get3A_67 : vector<16xf32>
      %mul3A_556 = arith.mulf %broadcast_in_dim3A_522, %get3A_61 : vector<16xf32>
      %add3A_557 = arith.addf %add3A_555, %mul3A_556 : vector<16xf32>
      %mul3A_558 = arith.mulf %broadcast_in_dim3A_525, %get3A_64 : vector<16xf32>
      %add3A_559 = arith.addf %add3A_557, %mul3A_558 : vector<16xf32>
      %max3A_560 = arith.maximumf %add3A_559, %broadcast_in_dim3A_68 : vector<16xf32>
      %add3A_561 = arith.constant 7 : i32
      %add3A_562 = arith.addi %mul3A_148, %add3A_561 : i32
      %swap3A_563 = arith.index_cast %add3A_562 : i32 to index
      %swap3A_564 = arith.constant 24 : index
      %swap3A_565 = tpu.vector_load %arg12[%swap3A_563, %swap3A_564] {strides = array<i32>} : memref<256x40xf32, #tpu.memory_space<vmem>>, vector<1x16xf32>,
      %swap3A_566 = vector.shape_cast %swap3A_565 : vector<1x16xf32> to vector<16xf32>
      %swap3A_567 = vector.shape_cast %max3A_560 : vector<16xf32> to vector<1x16xf32>
      tpu.vector_store %arg12[%swap3A_563, %swap3A_564], %swap3A_567 {strides = array<i32>} : memref<256x40xf32, #tpu.memory_space<vmem>>, vector<1x16xf32>,
      %slice3A_568 = vector.extract_strided_slice %get3A_153 {offsets = [8], sizes = [1], strides = [1]} : vector<16xf32> to vector<1xf32>
      %squeeze3A_569 = vector.extract %slice3A_568[0] : f32 from vector<1xf32>
      %broadcast_in_dim3A_570 = vector.broadcast %squeeze3A_569 : f32 to vector<16xf32>
      %slice3A_571 = vector.extract_strided_slice %get3A_158 {offsets = [8], sizes = [1], strides = [1]} : vector<16xf32> to vector<1xf32>
      %squeeze3A_572 = vector.extract %slice3A_571[0] : f32 from vector<1xf32>
      %broadcast_in_dim3A_573 = vector.broadcast %squeeze3A_572 : f32 to vector<16xf32>
      %slice3A_574 = vector.extract_strided_slice %get3A_163 {offsets = [8], sizes = [1], strides = [1]} : vector<16xf32> to vector<1xf32>
      %squeeze3A_575 = vector.extract %slice3A_574[0] : f32 from vector<1xf32>
      %broadcast_in_dim3A_576 = vector.broadcast %squeeze3A_575 : f32 to vector<16xf32>
      %mul3A_577 = arith.mulf %broadcast_in_dim3A_570, %get3A_34 : vector<16xf32>
      %add3A_578 = arith.addf %mul3A_577, %get3A_43 : vector<16xf32>
      %mul3A_579 = arith.mulf %broadcast_in_dim3A_573, %get3A_37 : vector<16xf32>
      %add3A_580 = arith.addf %add3A_578, %mul3A_579 : vector<16xf32>
      %mul3A_581 = arith.mulf %broadcast_in_dim3A_576, %get3A_40 : vector<16xf32>
      %add3A_582 = arith.addf %add3A_580, %mul3A_581 : vector<16xf32>
      %max3A_583 = arith.maximumf %add3A_582, %broadcast_in_dim3A_68 : vector<16xf32>
      %add3A_584 = arith.constant 8 : i32
      %add3A_585 = arith.addi %mul3A_148, %add3A_584 : i32
      %swap3A_586 = arith.index_cast %add3A_585 : i32 to index
      %swap3A_587 = arith.constant 0 : index
      %swap3A_588 = tpu.vector_load %arg12[%swap3A_586, %swap3A_587] {strides = array<i32>} : memref<256x40xf32, #tpu.memory_space<vmem>>, vector<1x16xf32>,
      %swap3A_589 = vector.shape_cast %swap3A_588 : vector<1x16xf32> to vector<16xf32>
      %swap3A_590 = vector.shape_cast %max3A_583 : vector<16xf32> to vector<1x16xf32>
      tpu.vector_store %arg12[%swap3A_586, %swap3A_587], %swap3A_590 {strides = array<i32>} : memref<256x40xf32, #tpu.memory_space<vmem>>, vector<1x16xf32>,
      %mul3A_591 = arith.mulf %broadcast_in_dim3A_570, %get3A_46 : vector<16xf32>
      %add3A_592 = arith.addf %mul3A_591, %get3A_55 : vector<16xf32>
      %mul3A_593 = arith.mulf %broadcast_in_dim3A_573, %get3A_49 : vector<16xf32>
      %add3A_594 = arith.addf %add3A_592, %mul3A_593 : vector<16xf32>
      %mul3A_595 = arith.mulf %broadcast_in_dim3A_576, %get3A_52 : vector<16xf32>
      %add3A_596 = arith.addf %add3A_594, %mul3A_595 : vector<16xf32>
      %max3A_597 = arith.maximumf %add3A_596, %broadcast_in_dim3A_68 : vector<16xf32>
      %add3A_598 = arith.constant 8 : i32
      %add3A_599 = arith.addi %mul3A_148, %add3A_598 : i32
      %swap3A_600 = arith.index_cast %add3A_599 : i32 to index
      %swap3A_601 = arith.constant 16 : index
      %swap3A_602 = tpu.vector_load %arg12[%swap3A_600, %swap3A_601] {strides = array<i32>} : memref<256x40xf32, #tpu.memory_space<vmem>>, vector<1x16xf32>,
      %swap3A_603 = vector.shape_cast %swap3A_602 : vector<1x16xf32> to vector<16xf32>
      %swap3A_604 = vector.shape_cast %max3A_597 : vector<16xf32> to vector<1x16xf32>
      tpu.vector_store %arg12[%swap3A_600, %swap3A_601], %swap3A_604 {strides = array<i32>} : memref<256x40xf32, #tpu.memory_space<vmem>>, vector<1x16xf32>,
      %mul3A_605 = arith.mulf %broadcast_in_dim3A_570, %get3A_58 : vector<16xf32>
      %add3A_606 = arith.addf %mul3A_605, %get3A_67 : vector<16xf32>
      %mul3A_607 = arith.mulf %broadcast_in_dim3A_573, %get3A_61 : vector<16xf32>
      %add3A_608 = arith.addf %add3A_606, %mul3A_607 : vector<16xf32>
      %mul3A_609 = arith.mulf %broadcast_in_dim3A_576, %get3A_64 : vector<16xf32>
      %add3A_610 = arith.addf %add3A_608, %mul3A_609 : vector<16xf32>
      %max3A_611 = arith.maximumf %add3A_610, %broadcast_in_dim3A_68 : vector<16xf32>
      %add3A_612 = arith.constant 8 : i32
      %add3A_613 = arith.addi %mul3A_148, %add3A_612 : i32
      %swap3A_614 = arith.index_cast %add3A_613 : i32 to index
      %swap3A_615 = arith.constant 24 : index
      %swap3A_616 = tpu.vector_load %arg12[%swap3A_614, %swap3A_615] {strides = array<i32>} : memref<256x40xf32, #tpu.memory_space<vmem>>, vector<1x16xf32>,
      %swap3A_617 = vector.shape_cast %swap3A_616 : vector<1x16xf32> to vector<16xf32>
      %swap3A_618 = vector.shape_cast %max3A_611 : vector<16xf32> to vector<1x16xf32>
      tpu.vector_store %arg12[%swap3A_614, %swap3A_615], %swap3A_618 {strides = array<i32>} : memref<256x40xf32, #tpu.memory_space<vmem>>, vector<1x16xf32>,
      %slice3A_619 = vector.extract_strided_slice %get3A_153 {offsets = [9], sizes = [1], strides = [1]} : vector<16xf32> to vector<1xf32>
      %squeeze3A_620 = vector.extract %slice3A_619[0] : f32 from vector<1xf32>
      %broadcast_in_dim3A_621 = vector.broadcast %squeeze3A_620 : f32 to vector<16xf32>
      %slice3A_622 = vector.extract_strided_slice %get3A_158 {offsets = [9], sizes = [1], strides = [1]} : vector<16xf32> to vector<1xf32>
      %squeeze3A_623 = vector.extract %slice3A_622[0] : f32 from vector<1xf32>
      %broadcast_in_dim3A_624 = vector.broadcast %squeeze3A_623 : f32 to vector<16xf32>
      %slice3A_625 = vector.extract_strided_slice %get3A_163 {offsets = [9], sizes = [1], strides = [1]} : vector<16xf32> to vector<1xf32>
      %squeeze3A_626 = vector.extract %slice3A_625[0] : f32 from vector<1xf32>
      %broadcast_in_dim3A_627 = vector.broadcast %squeeze3A_626 : f32 to vector<16xf32>
      %mul3A_628 = arith.mulf %broadcast_in_dim3A_621, %get3A_34 : vector<16xf32>
      %add3A_629 = arith.addf %mul3A_628, %get3A_43 : vector<16xf32>
      %mul3A_630 = arith.mulf %broadcast_in_dim3A_624, %get3A_37 : vector<16xf32>
      %add3A_631 = arith.addf %add3A_629, %mul3A_630 : vector<16xf32>
      %mul3A_632 = arith.mulf %broadcast_in_dim3A_627, %get3A_40 : vector<16xf32>
      %add3A_633 = arith.addf %add3A_631, %mul3A_632 : vector<16xf32>
      %max3A_634 = arith.maximumf %add3A_633, %broadcast_in_dim3A_68 : vector<16xf32>
      %add3A_635 = arith.constant 9 : i32
      %add3A_636 = arith.addi %mul3A_148, %add3A_635 : i32
      %swap3A_637 = arith.index_cast %add3A_636 : i32 to index
      %swap3A_638 = arith.constant 0 : index
      %swap3A_639 = tpu.vector_load %arg12[%swap3A_637, %swap3A_638] {strides = array<i32>} : memref<256x40xf32, #tpu.memory_space<vmem>>, vector<1x16xf32>,
      %swap3A_640 = vector.shape_cast %swap3A_639 : vector<1x16xf32> to vector<16xf32>
      %swap3A_641 = vector.shape_cast %max3A_634 : vector<16xf32> to vector<1x16xf32>
      tpu.vector_store %arg12[%swap3A_637, %swap3A_638], %swap3A_641 {strides = array<i32>} : memref<256x40xf32, #tpu.memory_space<vmem>>, vector<1x16xf32>,
      %mul3A_642 = arith.mulf %broadcast_in_dim3A_621, %get3A_46 : vector<16xf32>
      %add3A_643 = arith.addf %mul3A_642, %get3A_55 : vector<16xf32>
      %mul3A_644 = arith.mulf %broadcast_in_dim3A_624, %get3A_49 : vector<16xf32>
      %add3A_645 = arith.addf %add3A_643, %mul3A_644 : vector<16xf32>
      %mul3A_646 = arith.mulf %broadcast_in_dim3A_627, %get3A_52 : vector<16xf32>
      %add3A_647 = arith.addf %add3A_645, %mul3A_646 : vector<16xf32>
      %max3A_648 = arith.maximumf %add3A_647, %broadcast_in_dim3A_68 : vector<16xf32>
      %add3A_649 = arith.constant 9 : i32
      %add3A_650 = arith.addi %mul3A_148, %add3A_649 : i32
      %swap3A_651 = arith.index_cast %add3A_650 : i32 to index
      %swap3A_652 = arith.constant 16 : index
      %swap3A_653 = tpu.vector_load %arg12[%swap3A_651, %swap3A_652] {strides = array<i32>} : memref<256x40xf32, #tpu.memory_space<vmem>>, vector<1x16xf32>,
      %swap3A_654 = vector.shape_cast %swap3A_653 : vector<1x16xf32> to vector<16xf32>
      %swap3A_655 = vector.shape_cast %max3A_648 : vector<16xf32> to vector<1x16xf32>
      tpu.vector_store %arg12[%swap3A_651, %swap3A_652], %swap3A_655 {strides = array<i32>} : memref<256x40xf32, #tpu.memory_space<vmem>>, vector<1x16xf32>,
      %mul3A_656 = arith.mulf %broadcast_in_dim3A_621, %get3A_58 : vector<16xf32>
      %add3A_657 = arith.addf %mul3A_656, %get3A_67 : vector<16xf32>
      %mul3A_658 = arith.mulf %broadcast_in_dim3A_624, %get3A_61 : vector<16xf32>
      %add3A_659 = arith.addf %add3A_657, %mul3A_658 : vector<16xf32>
      %mul3A_660 = arith.mulf %broadcast_in_dim3A_627, %get3A_64 : vector<16xf32>
      %add3A_661 = arith.addf %add3A_659, %mul3A_660 : vector<16xf32>
      %max3A_662 = arith.maximumf %add3A_661, %broadcast_in_dim3A_68 : vector<16xf32>
      %add3A_663 = arith.constant 9 : i32
      %add3A_664 = arith.addi %mul3A_148, %add3A_663 : i32
      %swap3A_665 = arith.index_cast %add3A_664 : i32 to index
      %swap3A_666 = arith.constant 24 : index
      %swap3A_667 = tpu.vector_load %arg12[%swap3A_665, %swap3A_666] {strides = array<i32>} : memref<256x40xf32, #tpu.memory_space<vmem>>, vector<1x16xf32>,
      %swap3A_668 = vector.shape_cast %swap3A_667 : vector<1x16xf32> to vector<16xf32>
      %swap3A_669 = vector.shape_cast %max3A_662 : vector<16xf32> to vector<1x16xf32>
      tpu.vector_store %arg12[%swap3A_665, %swap3A_666], %swap3A_669 {strides = array<i32>} : memref<256x40xf32, #tpu.memory_space<vmem>>, vector<1x16xf32>,
      %slice3A_670 = vector.extract_strided_slice %get3A_153 {offsets = [10], sizes = [1], strides = [1]} : vector<16xf32> to vector<1xf32>
      %squeeze3A_671 = vector.extract %slice3A_670[0] : f32 from vector<1xf32>
      %broadcast_in_dim3A_672 = vector.broadcast %squeeze3A_671 : f32 to vector<16xf32>
      %slice3A_673 = vector.extract_strided_slice %get3A_158 {offsets = [10], sizes = [1], strides = [1]} : vector<16xf32> to vector<1xf32>
      %squeeze3A_674 = vector.extract %slice3A_673[0] : f32 from vector<1xf32>
      %broadcast_in_dim3A_675 = vector.broadcast %squeeze3A_674 : f32 to vector<16xf32>
      %slice3A_676 = vector.extract_strided_slice %get3A_163 {offsets = [10], sizes = [1], strides = [1]} : vector<16xf32> to vector<1xf32>
      %squeeze3A_677 = vector.extract %slice3A_676[0] : f32 from vector<1xf32>
      %broadcast_in_dim3A_678 = vector.broadcast %squeeze3A_677 : f32 to vector<16xf32>
      %mul3A_679 = arith.mulf %broadcast_in_dim3A_672, %get3A_34 : vector<16xf32>
      %add3A_680 = arith.addf %mul3A_679, %get3A_43 : vector<16xf32>
      %mul3A_681 = arith.mulf %broadcast_in_dim3A_675, %get3A_37 : vector<16xf32>
      %add3A_682 = arith.addf %add3A_680, %mul3A_681 : vector<16xf32>
      %mul3A_683 = arith.mulf %broadcast_in_dim3A_678, %get3A_40 : vector<16xf32>
      %add3A_684 = arith.addf %add3A_682, %mul3A_683 : vector<16xf32>
      %max3A_685 = arith.maximumf %add3A_684, %broadcast_in_dim3A_68 : vector<16xf32>
      %add3A_686 = arith.constant 10 : i32
      %add3A_687 = arith.addi %mul3A_148, %add3A_686 : i32
      %swap3A_688 = arith.index_cast %add3A_687 : i32 to index
      %swap3A_689 = arith.constant 0 : index
      %swap3A_690 = tpu.vector_load %arg12[%swap3A_688, %swap3A_689] {strides = array<i32>} : memref<256x40xf32, #tpu.memory_space<vmem>>, vector<1x16xf32>,
      %swap3A_691 = vector.shape_cast %swap3A_690 : vector<1x16xf32> to vector<16xf32>
      %swap3A_692 = vector.shape_cast %max3A_685 : vector<16xf32> to vector<1x16xf32>
      tpu.vector_store %arg12[%swap3A_688, %swap3A_689], %swap3A_692 {strides = array<i32>} : memref<256x40xf32, #tpu.memory_space<vmem>>, vector<1x16xf32>,
      %mul3A_693 = arith.mulf %broadcast_in_dim3A_672, %get3A_46 : vector<16xf32>
      %add3A_694 = arith.addf %mul3A_693, %get3A_55 : vector<16xf32>
      %mul3A_695 = arith.mulf %broadcast_in_dim3A_675, %get3A_49 : vector<16xf32>
      %add3A_696 = arith.addf %add3A_694, %mul3A_695 : vector<16xf32>
      %mul3A_697 = arith.mulf %broadcast_in_dim3A_678, %get3A_52 : vector<16xf32>
      %add3A_698 = arith.addf %add3A_696, %mul3A_697 : vector<16xf32>
      %max3A_699 = arith.maximumf %add3A_698, %broadcast_in_dim3A_68 : vector<16xf32>
      %add3A_700 = arith.constant 10 : i32
      %add3A_701 = arith.addi %mul3A_148, %add3A_700 : i32
      %swap3A_702 = arith.index_cast %add3A_701 : i32 to index
      %swap3A_703 = arith.constant 16 : index
      %swap3A_704 = tpu.vector_load %arg12[%swap3A_702, %swap3A_703] {strides = array<i32>} : memref<256x40xf32, #tpu.memory_space<vmem>>, vector<1x16xf32>,
      %swap3A_705 = vector.shape_cast %swap3A_704 : vector<1x16xf32> to vector<16xf32>
      %swap3A_706 = vector.shape_cast %max3A_699 : vector<16xf32> to vector<1x16xf32>
      tpu.vector_store %arg12[%swap3A_702, %swap3A_703], %swap3A_706 {strides = array<i32>} : memref<256x40xf32, #tpu.memory_space<vmem>>, vector<1x16xf32>,
      %mul3A_707 = arith.mulf %broadcast_in_dim3A_672, %get3A_58 : vector<16xf32>
      %add3A_708 = arith.addf %mul3A_707, %get3A_67 : vector<16xf32>
      %mul3A_709 = arith.mulf %broadcast_in_dim3A_675, %get3A_61 : vector<16xf32>
      %add3A_710 = arith.addf %add3A_708, %mul3A_709 : vector<16xf32>
      %mul3A_711 = arith.mulf %broadcast_in_dim3A_678, %get3A_64 : vector<16xf32>
      %add3A_712 = arith.addf %add3A_710, %mul3A_711 : vector<16xf32>
      %max3A_713 = arith.maximumf %add3A_712, %broadcast_in_dim3A_68 : vector<16xf32>
      %add3A_714 = arith.constant 10 : i32
      %add3A_715 = arith.addi %mul3A_148, %add3A_714 : i32
      %swap3A_716 = arith.index_cast %add3A_715 : i32 to index
      %swap3A_717 = arith.constant 24 : index
      %swap3A_718 = tpu.vector_load %arg12[%swap3A_716, %swap3A_717] {strides = array<i32>} : memref<256x40xf32, #tpu.memory_space<vmem>>, vector<1x16xf32>,
      %swap3A_719 = vector.shape_cast %swap3A_718 : vector<1x16xf32> to vector<16xf32>
      %swap3A_720 = vector.shape_cast %max3A_713 : vector<16xf32> to vector<1x16xf32>
      tpu.vector_store %arg12[%swap3A_716, %swap3A_717], %swap3A_720 {strides = array<i32>} : memref<256x40xf32, #tpu.memory_space<vmem>>, vector<1x16xf32>,
      %slice3A_721 = vector.extract_strided_slice %get3A_153 {offsets = [11], sizes = [1], strides = [1]} : vector<16xf32> to vector<1xf32>
      %squeeze3A_722 = vector.extract %slice3A_721[0] : f32 from vector<1xf32>
      %broadcast_in_dim3A_723 = vector.broadcast %squeeze3A_722 : f32 to vector<16xf32>
      %slice3A_724 = vector.extract_strided_slice %get3A_158 {offsets = [11], sizes = [1], strides = [1]} : vector<16xf32> to vector<1xf32>
      %squeeze3A_725 = vector.extract %slice3A_724[0] : f32 from vector<1xf32>
      %broadcast_in_dim3A_726 = vector.broadcast %squeeze3A_725 : f32 to vector<16xf32>
      %slice3A_727 = vector.extract_strided_slice %get3A_163 {offsets = [11], sizes = [1], strides = [1]} : vector<16xf32> to vector<1xf32>
      %squeeze3A_728 = vector.extract %slice3A_727[0] : f32 from vector<1xf32>
      %broadcast_in_dim3A_729 = vector.broadcast %squeeze3A_728 : f32 to vector<16xf32>
      %mul3A_730 = arith.mulf %broadcast_in_dim3A_723, %get3A_34 : vector<16xf32>
      %add3A_731 = arith.addf %mul3A_730, %get3A_43 : vector<16xf32>
      %mul3A_732 = arith.mulf %broadcast_in_dim3A_726, %get3A_37 : vector<16xf32>
      %add3A_733 = arith.addf %add3A_731, %mul3A_732 : vector<16xf32>
      %mul3A_734 = arith.mulf %broadcast_in_dim3A_729, %get3A_40 : vector<16xf32>
      %add3A_735 = arith.addf %add3A_733, %mul3A_734 : vector<16xf32>
      %max3A_736 = arith.maximumf %add3A_735, %broadcast_in_dim3A_68 : vector<16xf32>
      %add3A_737 = arith.constant 11 : i32
      %add3A_738 = arith.addi %mul3A_148, %add3A_737 : i32
      %swap3A_739 = arith.index_cast %add3A_738 : i32 to index
      %swap3A_740 = arith.constant 0 : index
      %swap3A_741 = tpu.vector_load %arg12[%swap3A_739, %swap3A_740] {strides = array<i32>} : memref<256x40xf32, #tpu.memory_space<vmem>>, vector<1x16xf32>,
      %swap3A_742 = vector.shape_cast %swap3A_741 : vector<1x16xf32> to vector<16xf32>
      %swap3A_743 = vector.shape_cast %max3A_736 : vector<16xf32> to vector<1x16xf32>
      tpu.vector_store %arg12[%swap3A_739, %swap3A_740], %swap3A_743 {strides = array<i32>} : memref<256x40xf32, #tpu.memory_space<vmem>>, vector<1x16xf32>,
      %mul3A_744 = arith.mulf %broadcast_in_dim3A_723, %get3A_46 : vector<16xf32>
      %add3A_745 = arith.addf %mul3A_744, %get3A_55 : vector<16xf32>
      %mul3A_746 = arith.mulf %broadcast_in_dim3A_726, %get3A_49 : vector<16xf32>
      %add3A_747 = arith.addf %add3A_745, %mul3A_746 : vector<16xf32>
      %mul3A_748 = arith.mulf %broadcast_in_dim3A_729, %get3A_52 : vector<16xf32>
      %add3A_749 = arith.addf %add3A_747, %mul3A_748 : vector<16xf32>
      %max3A_750 = arith.maximumf %add3A_749, %broadcast_in_dim3A_68 : vector<16xf32>
      %add3A_751 = arith.constant 11 : i32
      %add3A_752 = arith.addi %mul3A_148, %add3A_751 : i32
      %swap3A_753 = arith.index_cast %add3A_752 : i32 to index
      %swap3A_754 = arith.constant 16 : index
      %swap3A_755 = tpu.vector_load %arg12[%swap3A_753, %swap3A_754] {strides = array<i32>} : memref<256x40xf32, #tpu.memory_space<vmem>>, vector<1x16xf32>,
      %swap3A_756 = vector.shape_cast %swap3A_755 : vector<1x16xf32> to vector<16xf32>
      %swap3A_757 = vector.shape_cast %max3A_750 : vector<16xf32> to vector<1x16xf32>
      tpu.vector_store %arg12[%swap3A_753, %swap3A_754], %swap3A_757 {strides = array<i32>} : memref<256x40xf32, #tpu.memory_space<vmem>>, vector<1x16xf32>,
      %mul3A_758 = arith.mulf %broadcast_in_dim3A_723, %get3A_58 : vector<16xf32>
      %add3A_759 = arith.addf %mul3A_758, %get3A_67 : vector<16xf32>
      %mul3A_760 = arith.mulf %broadcast_in_dim3A_726, %get3A_61 : vector<16xf32>
      %add3A_761 = arith.addf %add3A_759, %mul3A_760 : vector<16xf32>
      %mul3A_762 = arith.mulf %broadcast_in_dim3A_729, %get3A_64 : vector<16xf32>
      %add3A_763 = arith.addf %add3A_761, %mul3A_762 : vector<16xf32>
      %max3A_764 = arith.maximumf %add3A_763, %broadcast_in_dim3A_68 : vector<16xf32>
      %add3A_765 = arith.constant 11 : i32
      %add3A_766 = arith.addi %mul3A_148, %add3A_765 : i32
      %swap3A_767 = arith.index_cast %add3A_766 : i32 to index
      %swap3A_768 = arith.constant 24 : index
      %swap3A_769 = tpu.vector_load %arg12[%swap3A_767, %swap3A_768] {strides = array<i32>} : memref<256x40xf32, #tpu.memory_space<vmem>>, vector<1x16xf32>,
      %swap3A_770 = vector.shape_cast %swap3A_769 : vector<1x16xf32> to vector<16xf32>
      %swap3A_771 = vector.shape_cast %max3A_764 : vector<16xf32> to vector<1x16xf32>
      tpu.vector_store %arg12[%swap3A_767, %swap3A_768], %swap3A_771 {strides = array<i32>} : memref<256x40xf32, #tpu.memory_space<vmem>>, vector<1x16xf32>,
      %slice3A_772 = vector.extract_strided_slice %get3A_153 {offsets = [12], sizes = [1], strides = [1]} : vector<16xf32> to vector<1xf32>
      %squeeze3A_773 = vector.extract %slice3A_772[0] : f32 from vector<1xf32>
      %broadcast_in_dim3A_774 = vector.broadcast %squeeze3A_773 : f32 to vector<16xf32>
      %slice3A_775 = vector.extract_strided_slice %get3A_158 {offsets = [12], sizes = [1], strides = [1]} : vector<16xf32> to vector<1xf32>
      %squeeze3A_776 = vector.extract %slice3A_775[0] : f32 from vector<1xf32>
      %broadcast_in_dim3A_777 = vector.broadcast %squeeze3A_776 : f32 to vector<16xf32>
      %slice3A_778 = vector.extract_strided_slice %get3A_163 {offsets = [12], sizes = [1], strides = [1]} : vector<16xf32> to vector<1xf32>
      %squeeze3A_779 = vector.extract %slice3A_778[0] : f32 from vector<1xf32>
      %broadcast_in_dim3A_780 = vector.broadcast %squeeze3A_779 : f32 to vector<16xf32>
      %mul3A_781 = arith.mulf %broadcast_in_dim3A_774, %get3A_34 : vector<16xf32>
      %add3A_782 = arith.addf %mul3A_781, %get3A_43 : vector<16xf32>
      %mul3A_783 = arith.mulf %broadcast_in_dim3A_777, %get3A_37 : vector<16xf32>
      %add3A_784 = arith.addf %add3A_782, %mul3A_783 : vector<16xf32>
      %mul3A_785 = arith.mulf %broadcast_in_dim3A_780, %get3A_40 : vector<16xf32>
      %add3A_786 = arith.addf %add3A_784, %mul3A_785 : vector<16xf32>
      %max3A_787 = arith.maximumf %add3A_786, %broadcast_in_dim3A_68 : vector<16xf32>
      %add3A_788 = arith.constant 12 : i32
      %add3A_789 = arith.addi %mul3A_148, %add3A_788 : i32
      %swap3A_790 = arith.index_cast %add3A_789 : i32 to index
      %swap3A_791 = arith.constant 0 : index
      %swap3A_792 = tpu.vector_load %arg12[%swap3A_790, %swap3A_791] {strides = array<i32>} : memref<256x40xf32, #tpu.memory_space<vmem>>, vector<1x16xf32>,
      %swap3A_793 = vector.shape_cast %swap3A_792 : vector<1x16xf32> to vector<16xf32>
      %swap3A_794 = vector.shape_cast %max3A_787 : vector<16xf32> to vector<1x16xf32>
      tpu.vector_store %arg12[%swap3A_790, %swap3A_791], %swap3A_794 {strides = array<i32>} : memref<256x40xf32, #tpu.memory_space<vmem>>, vector<1x16xf32>,
      %mul3A_795 = arith.mulf %broadcast_in_dim3A_774, %get3A_46 : vector<16xf32>
      %add3A_796 = arith.addf %mul3A_795, %get3A_55 : vector<16xf32>
      %mul3A_797 = arith.mulf %broadcast_in_dim3A_777, %get3A_49 : vector<16xf32>
      %add3A_798 = arith.addf %add3A_796, %mul3A_797 : vector<16xf32>
      %mul3A_799 = arith.mulf %broadcast_in_dim3A_780, %get3A_52 : vector<16xf32>
      %add3A_800 = arith.addf %add3A_798, %mul3A_799 : vector<16xf32>
      %max3A_801 = arith.maximumf %add3A_800, %broadcast_in_dim3A_68 : vector<16xf32>
      %add3A_802 = arith.constant 12 : i32
      %add3A_803 = arith.addi %mul3A_148, %add3A_802 : i32
      %swap3A_804 = arith.index_cast %add3A_803 : i32 to index
      %swap3A_805 = arith.constant 16 : index
      %swap3A_806 = tpu.vector_load %arg12[%swap3A_804, %swap3A_805] {strides = array<i32>} : memref<256x40xf32, #tpu.memory_space<vmem>>, vector<1x16xf32>,
      %swap3A_807 = vector.shape_cast %swap3A_806 : vector<1x16xf32> to vector<16xf32>
      %swap3A_808 = vector.shape_cast %max3A_801 : vector<16xf32> to vector<1x16xf32>
      tpu.vector_store %arg12[%swap3A_804, %swap3A_805], %swap3A_808 {strides = array<i32>} : memref<256x40xf32, #tpu.memory_space<vmem>>, vector<1x16xf32>,
      %mul3A_809 = arith.mulf %broadcast_in_dim3A_774, %get3A_58 : vector<16xf32>
      %add3A_810 = arith.addf %mul3A_809, %get3A_67 : vector<16xf32>
      %mul3A_811 = arith.mulf %broadcast_in_dim3A_777, %get3A_61 : vector<16xf32>
      %add3A_812 = arith.addf %add3A_810, %mul3A_811 : vector<16xf32>
      %mul3A_813 = arith.mulf %broadcast_in_dim3A_780, %get3A_64 : vector<16xf32>
      %add3A_814 = arith.addf %add3A_812, %mul3A_813 : vector<16xf32>
      %max3A_815 = arith.maximumf %add3A_814, %broadcast_in_dim3A_68 : vector<16xf32>
      %add3A_816 = arith.constant 12 : i32
      %add3A_817 = arith.addi %mul3A_148, %add3A_816 : i32
      %swap3A_818 = arith.index_cast %add3A_817 : i32 to index
      %swap3A_819 = arith.constant 24 : index
      %swap3A_820 = tpu.vector_load %arg12[%swap3A_818, %swap3A_819] {strides = array<i32>} : memref<256x40xf32, #tpu.memory_space<vmem>>, vector<1x16xf32>,
      %swap3A_821 = vector.shape_cast %swap3A_820 : vector<1x16xf32> to vector<16xf32>
      %swap3A_822 = vector.shape_cast %max3A_815 : vector<16xf32> to vector<1x16xf32>
      tpu.vector_store %arg12[%swap3A_818, %swap3A_819], %swap3A_822 {strides = array<i32>} : memref<256x40xf32, #tpu.memory_space<vmem>>, vector<1x16xf32>,
      %slice3A_823 = vector.extract_strided_slice %get3A_153 {offsets = [13], sizes = [1], strides = [1]} : vector<16xf32> to vector<1xf32>
      %squeeze3A_824 = vector.extract %slice3A_823[0] : f32 from vector<1xf32>
      %broadcast_in_dim3A_825 = vector.broadcast %squeeze3A_824 : f32 to vector<16xf32>
      %slice3A_826 = vector.extract_strided_slice %get3A_158 {offsets = [13], sizes = [1], strides = [1]} : vector<16xf32> to vector<1xf32>
      %squeeze3A_827 = vector.extract %slice3A_826[0] : f32 from vector<1xf32>
      %broadcast_in_dim3A_828 = vector.broadcast %squeeze3A_827 : f32 to vector<16xf32>
      %slice3A_829 = vector.extract_strided_slice %get3A_163 {offsets = [13], sizes = [1], strides = [1]} : vector<16xf32> to vector<1xf32>
      %squeeze3A_830 = vector.extract %slice3A_829[0] : f32 from vector<1xf32>
      %broadcast_in_dim3A_831 = vector.broadcast %squeeze3A_830 : f32 to vector<16xf32>
      %mul3A_832 = arith.mulf %broadcast_in_dim3A_825, %get3A_34 : vector<16xf32>
      %add3A_833 = arith.addf %mul3A_832, %get3A_43 : vector<16xf32>
      %mul3A_834 = arith.mulf %broadcast_in_dim3A_828, %get3A_37 : vector<16xf32>
      %add3A_835 = arith.addf %add3A_833, %mul3A_834 : vector<16xf32>
      %mul3A_836 = arith.mulf %broadcast_in_dim3A_831, %get3A_40 : vector<16xf32>
      %add3A_837 = arith.addf %add3A_835, %mul3A_836 : vector<16xf32>
      %max3A_838 = arith.maximumf %add3A_837, %broadcast_in_dim3A_68 : vector<16xf32>
      %add3A_839 = arith.constant 13 : i32
      %add3A_840 = arith.addi %mul3A_148, %add3A_839 : i32
      %swap3A_841 = arith.index_cast %add3A_840 : i32 to index
      %swap3A_842 = arith.constant 0 : index
      %swap3A_843 = tpu.vector_load %arg12[%swap3A_841, %swap3A_842] {strides = array<i32>} : memref<256x40xf32, #tpu.memory_space<vmem>>, vector<1x16xf32>,
      %swap3A_844 = vector.shape_cast %swap3A_843 : vector<1x16xf32> to vector<16xf32>
      %swap3A_845 = vector.shape_cast %max3A_838 : vector<16xf32> to vector<1x16xf32>
      tpu.vector_store %arg12[%swap3A_841, %swap3A_842], %swap3A_845 {strides = array<i32>} : memref<256x40xf32, #tpu.memory_space<vmem>>, vector<1x16xf32>,
      %mul3A_846 = arith.mulf %broadcast_in_dim3A_825, %get3A_46 : vector<16xf32>
      %add3A_847 = arith.addf %mul3A_846, %get3A_55 : vector<16xf32>
      %mul3A_848 = arith.mulf %broadcast_in_dim3A_828, %get3A_49 : vector<16xf32>
      %add3A_849 = arith.addf %add3A_847, %mul3A_848 : vector<16xf32>
      %mul3A_850 = arith.mulf %broadcast_in_dim3A_831, %get3A_52 : vector<16xf32>
      %add3A_851 = arith.addf %add3A_849, %mul3A_850 : vector<16xf32>
      %max3A_852 = arith.maximumf %add3A_851, %broadcast_in_dim3A_68 : vector<16xf32>
      %add3A_853 = arith.constant 13 : i32
      %add3A_854 = arith.addi %mul3A_148, %add3A_853 : i32
      %swap3A_855 = arith.index_cast %add3A_854 : i32 to index
      %swap3A_856 = arith.constant 16 : index
      %swap3A_857 = tpu.vector_load %arg12[%swap3A_855, %swap3A_856] {strides = array<i32>} : memref<256x40xf32, #tpu.memory_space<vmem>>, vector<1x16xf32>,
      %swap3A_858 = vector.shape_cast %swap3A_857 : vector<1x16xf32> to vector<16xf32>
      %swap3A_859 = vector.shape_cast %max3A_852 : vector<16xf32> to vector<1x16xf32>
      tpu.vector_store %arg12[%swap3A_855, %swap3A_856], %swap3A_859 {strides = array<i32>} : memref<256x40xf32, #tpu.memory_space<vmem>>, vector<1x16xf32>,
      %mul3A_860 = arith.mulf %broadcast_in_dim3A_825, %get3A_58 : vector<16xf32>
      %add3A_861 = arith.addf %mul3A_860, %get3A_67 : vector<16xf32>
      %mul3A_862 = arith.mulf %broadcast_in_dim3A_828, %get3A_61 : vector<16xf32>
      %add3A_863 = arith.addf %add3A_861, %mul3A_862 : vector<16xf32>
      %mul3A_864 = arith.mulf %broadcast_in_dim3A_831, %get3A_64 : vector<16xf32>
      %add3A_865 = arith.addf %add3A_863, %mul3A_864 : vector<16xf32>
      %max3A_866 = arith.maximumf %add3A_865, %broadcast_in_dim3A_68 : vector<16xf32>
      %add3A_867 = arith.constant 13 : i32
      %add3A_868 = arith.addi %mul3A_148, %add3A_867 : i32
      %swap3A_869 = arith.index_cast %add3A_868 : i32 to index
      %swap3A_870 = arith.constant 24 : index
      %swap3A_871 = tpu.vector_load %arg12[%swap3A_869, %swap3A_870] {strides = array<i32>} : memref<256x40xf32, #tpu.memory_space<vmem>>, vector<1x16xf32>,
      %swap3A_872 = vector.shape_cast %swap3A_871 : vector<1x16xf32> to vector<16xf32>
      %swap3A_873 = vector.shape_cast %max3A_866 : vector<16xf32> to vector<1x16xf32>
      tpu.vector_store %arg12[%swap3A_869, %swap3A_870], %swap3A_873 {strides = array<i32>} : memref<256x40xf32, #tpu.memory_space<vmem>>, vector<1x16xf32>,
      %slice3A_874 = vector.extract_strided_slice %get3A_153 {offsets = [14], sizes = [1], strides = [1]} : vector<16xf32> to vector<1xf32>
      %squeeze3A_875 = vector.extract %slice3A_874[0] : f32 from vector<1xf32>
      %broadcast_in_dim3A_876 = vector.broadcast %squeeze3A_875 : f32 to vector<16xf32>
      %slice3A_877 = vector.extract_strided_slice %get3A_158 {offsets = [14], sizes = [1], strides = [1]} : vector<16xf32> to vector<1xf32>
      %squeeze3A_878 = vector.extract %slice3A_877[0] : f32 from vector<1xf32>
      %broadcast_in_dim3A_879 = vector.broadcast %squeeze3A_878 : f32 to vector<16xf32>
      %slice3A_880 = vector.extract_strided_slice %get3A_163 {offsets = [14], sizes = [1], strides = [1]} : vector<16xf32> to vector<1xf32>
      %squeeze3A_881 = vector.extract %slice3A_880[0] : f32 from vector<1xf32>
      %broadcast_in_dim3A_882 = vector.broadcast %squeeze3A_881 : f32 to vector<16xf32>
      %mul3A_883 = arith.mulf %broadcast_in_dim3A_876, %get3A_34 : vector<16xf32>
      %add3A_884 = arith.addf %mul3A_883, %get3A_43 : vector<16xf32>
      %mul3A_885 = arith.mulf %broadcast_in_dim3A_879, %get3A_37 : vector<16xf32>
      %add3A_886 = arith.addf %add3A_884, %mul3A_885 : vector<16xf32>
      %mul3A_887 = arith.mulf %broadcast_in_dim3A_882, %get3A_40 : vector<16xf32>
      %add3A_888 = arith.addf %add3A_886, %mul3A_887 : vector<16xf32>
      %max3A_889 = arith.maximumf %add3A_888, %broadcast_in_dim3A_68 : vector<16xf32>
      %add3A_890 = arith.constant 14 : i32
      %add3A_891 = arith.addi %mul3A_148, %add3A_890 : i32
      %swap3A_892 = arith.index_cast %add3A_891 : i32 to index
      %swap3A_893 = arith.constant 0 : index
      %swap3A_894 = tpu.vector_load %arg12[%swap3A_892, %swap3A_893] {strides = array<i32>} : memref<256x40xf32, #tpu.memory_space<vmem>>, vector<1x16xf32>,
      %swap3A_895 = vector.shape_cast %swap3A_894 : vector<1x16xf32> to vector<16xf32>
      %swap3A_896 = vector.shape_cast %max3A_889 : vector<16xf32> to vector<1x16xf32>
      tpu.vector_store %arg12[%swap3A_892, %swap3A_893], %swap3A_896 {strides = array<i32>} : memref<256x40xf32, #tpu.memory_space<vmem>>, vector<1x16xf32>,
      %mul3A_897 = arith.mulf %broadcast_in_dim3A_876, %get3A_46 : vector<16xf32>
      %add3A_898 = arith.addf %mul3A_897, %get3A_55 : vector<16xf32>
      %mul3A_899 = arith.mulf %broadcast_in_dim3A_879, %get3A_49 : vector<16xf32>
      %add3A_900 = arith.addf %add3A_898, %mul3A_899 : vector<16xf32>
      %mul3A_901 = arith.mulf %broadcast_in_dim3A_882, %get3A_52 : vector<16xf32>
      %add3A_902 = arith.addf %add3A_900, %mul3A_901 : vector<16xf32>
      %max3A_903 = arith.maximumf %add3A_902, %broadcast_in_dim3A_68 : vector<16xf32>
      %add3A_904 = arith.constant 14 : i32
      %add3A_905 = arith.addi %mul3A_148, %add3A_904 : i32
      %swap3A_906 = arith.index_cast %add3A_905 : i32 to index
      %swap3A_907 = arith.constant 16 : index
      %swap3A_908 = tpu.vector_load %arg12[%swap3A_906, %swap3A_907] {strides = array<i32>} : memref<256x40xf32, #tpu.memory_space<vmem>>, vector<1x16xf32>,
      %swap3A_909 = vector.shape_cast %swap3A_908 : vector<1x16xf32> to vector<16xf32>
      %swap3A_910 = vector.shape_cast %max3A_903 : vector<16xf32> to vector<1x16xf32>
      tpu.vector_store %arg12[%swap3A_906, %swap3A_907], %swap3A_910 {strides = array<i32>} : memref<256x40xf32, #tpu.memory_space<vmem>>, vector<1x16xf32>,
      %mul3A_911 = arith.mulf %broadcast_in_dim3A_876, %get3A_58 : vector<16xf32>
      %add3A_912 = arith.addf %mul3A_911, %get3A_67 : vector<16xf32>
      %mul3A_913 = arith.mulf %broadcast_in_dim3A_879, %get3A_61 : vector<16xf32>
      %add3A_914 = arith.addf %add3A_912, %mul3A_913 : vector<16xf32>
      %mul3A_915 = arith.mulf %broadcast_in_dim3A_882, %get3A_64 : vector<16xf32>
      %add3A_916 = arith.addf %add3A_914, %mul3A_915 : vector<16xf32>
      %max3A_917 = arith.maximumf %add3A_916, %broadcast_in_dim3A_68 : vector<16xf32>
      %add3A_918 = arith.constant 14 : i32
      %add3A_919 = arith.addi %mul3A_148, %add3A_918 : i32
      %swap3A_920 = arith.index_cast %add3A_919 : i32 to index
      %swap3A_921 = arith.constant 24 : index
      %swap3A_922 = tpu.vector_load %arg12[%swap3A_920, %swap3A_921] {strides = array<i32>} : memref<256x40xf32, #tpu.memory_space<vmem>>, vector<1x16xf32>,
      %swap3A_923 = vector.shape_cast %swap3A_922 : vector<1x16xf32> to vector<16xf32>
      %swap3A_924 = vector.shape_cast %max3A_917 : vector<16xf32> to vector<1x16xf32>
      tpu.vector_store %arg12[%swap3A_920, %swap3A_921], %swap3A_924 {strides = array<i32>} : memref<256x40xf32, #tpu.memory_space<vmem>>, vector<1x16xf32>,
      %slice3A_925 = vector.extract_strided_slice %get3A_153 {offsets = [15], sizes = [1], strides = [1]} : vector<16xf32> to vector<1xf32>
      %squeeze3A_926 = vector.extract %slice3A_925[0] : f32 from vector<1xf32>
      %broadcast_in_dim3A_927 = vector.broadcast %squeeze3A_926 : f32 to vector<16xf32>
      %slice3A_928 = vector.extract_strided_slice %get3A_158 {offsets = [15], sizes = [1], strides = [1]} : vector<16xf32> to vector<1xf32>
      %squeeze3A_929 = vector.extract %slice3A_928[0] : f32 from vector<1xf32>
      %broadcast_in_dim3A_930 = vector.broadcast %squeeze3A_929 : f32 to vector<16xf32>
      %slice3A_931 = vector.extract_strided_slice %get3A_163 {offsets = [15], sizes = [1], strides = [1]} : vector<16xf32> to vector<1xf32>
      %squeeze3A_932 = vector.extract %slice3A_931[0] : f32 from vector<1xf32>
      %broadcast_in_dim3A_933 = vector.broadcast %squeeze3A_932 : f32 to vector<16xf32>
      %mul3A_934 = arith.mulf %broadcast_in_dim3A_927, %get3A_34 : vector<16xf32>
      %add3A_935 = arith.addf %mul3A_934, %get3A_43 : vector<16xf32>
      %mul3A_936 = arith.mulf %broadcast_in_dim3A_930, %get3A_37 : vector<16xf32>
      %add3A_937 = arith.addf %add3A_935, %mul3A_936 : vector<16xf32>
      %mul3A_938 = arith.mulf %broadcast_in_dim3A_933, %get3A_40 : vector<16xf32>
      %add3A_939 = arith.addf %add3A_937, %mul3A_938 : vector<16xf32>
      %max3A_940 = arith.maximumf %add3A_939, %broadcast_in_dim3A_68 : vector<16xf32>
      %add3A_941 = arith.constant 15 : i32
      %add3A_942 = arith.addi %mul3A_148, %add3A_941 : i32
      %swap3A_943 = arith.index_cast %add3A_942 : i32 to index
      %swap3A_944 = arith.constant 0 : index
      %swap3A_945 = tpu.vector_load %arg12[%swap3A_943, %swap3A_944] {strides = array<i32>} : memref<256x40xf32, #tpu.memory_space<vmem>>, vector<1x16xf32>,
      %swap3A_946 = vector.shape_cast %swap3A_945 : vector<1x16xf32> to vector<16xf32>
      %swap3A_947 = vector.shape_cast %max3A_940 : vector<16xf32> to vector<1x16xf32>
      tpu.vector_store %arg12[%swap3A_943, %swap3A_944], %swap3A_947 {strides = array<i32>} : memref<256x40xf32, #tpu.memory_space<vmem>>, vector<1x16xf32>,
      %mul3A_948 = arith.mulf %broadcast_in_dim3A_927, %get3A_46 : vector<16xf32>
      %add3A_949 = arith.addf %mul3A_948, %get3A_55 : vector<16xf32>
      %mul3A_950 = arith.mulf %broadcast_in_dim3A_930, %get3A_49 : vector<16xf32>
      %add3A_951 = arith.addf %add3A_949, %mul3A_950 : vector<16xf32>
      %mul3A_952 = arith.mulf %broadcast_in_dim3A_933, %get3A_52 : vector<16xf32>
      %add3A_953 = arith.addf %add3A_951, %mul3A_952 : vector<16xf32>
      %max3A_954 = arith.maximumf %add3A_953, %broadcast_in_dim3A_68 : vector<16xf32>
      %add3A_955 = arith.constant 15 : i32
      %add3A_956 = arith.addi %mul3A_148, %add3A_955 : i32
      %swap3A_957 = arith.index_cast %add3A_956 : i32 to index
      %swap3A_958 = arith.constant 16 : index
      %swap3A_959 = tpu.vector_load %arg12[%swap3A_957, %swap3A_958] {strides = array<i32>} : memref<256x40xf32, #tpu.memory_space<vmem>>, vector<1x16xf32>,
      %swap3A_960 = vector.shape_cast %swap3A_959 : vector<1x16xf32> to vector<16xf32>
      %swap3A_961 = vector.shape_cast %max3A_954 : vector<16xf32> to vector<1x16xf32>
      tpu.vector_store %arg12[%swap3A_957, %swap3A_958], %swap3A_961 {strides = array<i32>} : memref<256x40xf32, #tpu.memory_space<vmem>>, vector<1x16xf32>,
      %mul3A_962 = arith.mulf %broadcast_in_dim3A_927, %get3A_58 : vector<16xf32>
      %add3A_963 = arith.addf %mul3A_962, %get3A_67 : vector<16xf32>
      %mul3A_964 = arith.mulf %broadcast_in_dim3A_930, %get3A_61 : vector<16xf32>
      %add3A_965 = arith.addf %add3A_963, %mul3A_964 : vector<16xf32>
      %mul3A_966 = arith.mulf %broadcast_in_dim3A_933, %get3A_64 : vector<16xf32>
      %add3A_967 = arith.addf %add3A_965, %mul3A_966 : vector<16xf32>
      %max3A_968 = arith.maximumf %add3A_967, %broadcast_in_dim3A_68 : vector<16xf32>
      %add3A_969 = arith.constant 15 : i32
      %add3A_970 = arith.addi %mul3A_148, %add3A_969 : i32
      %swap3A_971 = arith.index_cast %add3A_970 : i32 to index
      %swap3A_972 = arith.constant 24 : index
      %swap3A_973 = tpu.vector_load %arg12[%swap3A_971, %swap3A_972] {strides = array<i32>} : memref<256x40xf32, #tpu.memory_space<vmem>>, vector<1x16xf32>,
      %swap3A_974 = vector.shape_cast %swap3A_973 : vector<1x16xf32> to vector<16xf32>
      %swap3A_975 = vector.shape_cast %max3A_968 : vector<16xf32> to vector<1x16xf32>
      tpu.vector_store %arg12[%swap3A_971, %swap3A_972], %swap3A_975 {strides = array<i32>} : memref<256x40xf32, #tpu.memory_space<vmem>>, vector<1x16xf32>,
    }
    %scan3A_86 = arith.constant 16 : i32
    %add3A_87 = arith.constant 256 : i32
    %add3A_88 = arith.addi %mul3A_32, %add3A_87 : i32
    %dma_start3A_89 = arith.constant 0 : i32
    %dma_start3A_90 = tpu.memref_slice %arg6[%select_n3A, %add3A_88, %dma_start3A_89] : memref<16x2048x40xf32, #tpu.memory_space<hbm>> -> memref<1x256x40xf32, #tpu.memory_space<hbm>>
    %dma_start3A_91 = tpu.memref_squeeze %dma_start3A_90 : memref<1x256x40xf32, #tpu.memory_space<hbm>> -> memref<256x40xf32, #tpu.memory_space<hbm>>
    %dma_start3A_92 = arith.constant 0 : i32
    %dma_start3A_93 = tpu.memref_slice %arg6[%select_n3A, %add3A_88, %dma_start3A_92] : memref<16x2048x40xf32, #tpu.memory_space<hbm>> -> memref<1x256x40xf32, #tpu.memory_space<hbm>>
    %dma_start3A_94 = tpu.memref_squeeze %dma_start3A_93 : memref<1x256x40xf32, #tpu.memory_space<hbm>> -> memref<256x40xf32, #tpu.memory_space<hbm>>
    tpu.enqueue_dma source(%arg12 : memref<256x40xf32, #tpu.memory_space<vmem>>) target(%dma_start3A_94 : memref<256x40xf32, #tpu.memory_space<hbm>>) target_semaphore(%arg14 : memref<!tpu.dma_semaphore, #tpu.memory_space<semaphore_mem>>)
    %dma_wait3A = arith.constant 0 : i32
    %dma_wait3A_95 = tpu.memref_slice %arg6[%select_n3A, %add3A_75, %dma_wait3A] : memref<16x2048x40xf32, #tpu.memory_space<hbm>> -> memref<1x256x40xf32, #tpu.memory_space<hbm>>
    %dma_wait3A_96 = tpu.memref_squeeze %dma_wait3A_95 : memref<1x256x40xf32, #tpu.memory_space<hbm>> -> memref<256x40xf32, #tpu.memory_space<hbm>>
    %dma_wait3A_97 = arith.constant 0 : i32
    %dma_wait3A_98 = tpu.memref_slice %arg6[%select_n3A, %add3A_75, %dma_wait3A_97] : memref<16x2048x40xf32, #tpu.memory_space<hbm>> -> memref<1x256x40xf32, #tpu.memory_space<hbm>>
    %dma_wait3A_99 = tpu.memref_squeeze %dma_wait3A_98 : memref<1x256x40xf32, #tpu.memory_space<hbm>> -> memref<256x40xf32, #tpu.memory_space<hbm>>
    tpu.wait_dma2 semaphore(%arg13 : memref<!tpu.dma_semaphore, #tpu.memory_space<semaphore_mem>>) src(%arg11 : memref<256x40xf32, #tpu.memory_space<vmem>>) dst(%dma_wait3A_99 : memref<256x40xf32, #tpu.memory_space<hbm>>)
    %scan3A_100 = arith.constant 0 : i32
    %scan3A_101 = arith.constant 0 : i32
    %scan3A_102 = arith.constant 16 : i32
    %scan3A_103 = arith.addi %scan3A_101, %scan3A_102 : i32
    %scan3A_104 = arith.constant 1 : i32
    scf.for %scan3A_146 = %scan3A_101 to %scan3A_103 step %scan3A_104  : i32 {
      %mul3A_147 = arith.constant 16 : i32
      %mul3A_148 = arith.muli %scan3A_146, %mul3A_147 : i32
      %add3A_149 = arith.constant 512 : i32
      %add3A_150 = arith.addi %add3A_149, %mul3A_148 : i32
      %get3A_151 = arith.index_cast %add3A_150 : i32 to index
      %get3A_152 = tpu.vector_load %arg7[%get3A_151] {strides = array<i32>} : memref<1024xf32, #tpu.memory_space<vmem>>, vector<16xf32>,
      %get3A_153 = vector.shape_cast %get3A_152 : vector<16xf32> to vector<16xf32>
      %add3A_154 = arith.constant 512 : i32
      %add3A_155 = arith.addi %add3A_154, %mul3A_148 : i32
      %get3A_156 = arith.index_cast %add3A_155 : i32 to index
      %get3A_157 = tpu.vector_load %arg8[%get3A_156] {strides = array<i32>} : memref<1024xf32, #tpu.memory_space<vmem>>, vector<16xf32>,
      %get3A_158 = vector.shape_cast %get3A_157 : vector<16xf32> to vector<16xf32>
      %add3A_159 = arith.constant 512 : i32
      %add3A_160 = arith.addi %add3A_159, %mul3A_148 : i32
      %get3A_161 = arith.index_cast %add3A_160 : i32 to index
      %get3A_162 = tpu.vector_load %arg9[%get3A_161] {strides = array<i32>} : memref<1024xf32, #tpu.memory_space<vmem>>, vector<16xf32>,
      %get3A_163 = vector.shape_cast %get3A_162 : vector<16xf32> to vector<16xf32>
      %slice3A = vector.extract_strided_slice %get3A_153 {offsets = [0], sizes = [1], strides = [1]} : vector<16xf32> to vector<1xf32>
      %squeeze3A = vector.extract %slice3A[0] : f32 from vector<1xf32>
      %broadcast_in_dim3A_164 = vector.broadcast %squeeze3A : f32 to vector<16xf32>
      %slice3A_165 = vector.extract_strided_slice %get3A_158 {offsets = [0], sizes = [1], strides = [1]} : vector<16xf32> to vector<1xf32>
      %squeeze3A_166 = vector.extract %slice3A_165[0] : f32 from vector<1xf32>
      %broadcast_in_dim3A_167 = vector.broadcast %squeeze3A_166 : f32 to vector<16xf32>
      %slice3A_168 = vector.extract_strided_slice %get3A_163 {offsets = [0], sizes = [1], strides = [1]} : vector<16xf32> to vector<1xf32>
      %squeeze3A_169 = vector.extract %slice3A_168[0] : f32 from vector<1xf32>
      %broadcast_in_dim3A_170 = vector.broadcast %squeeze3A_169 : f32 to vector<16xf32>
      %mul3A_171 = arith.mulf %broadcast_in_dim3A_164, %get3A_34 : vector<16xf32>
      %add3A_172 = arith.addf %mul3A_171, %get3A_43 : vector<16xf32>
      %mul3A_173 = arith.mulf %broadcast_in_dim3A_167, %get3A_37 : vector<16xf32>
      %add3A_174 = arith.addf %add3A_172, %mul3A_173 : vector<16xf32>
      %mul3A_175 = arith.mulf %broadcast_in_dim3A_170, %get3A_40 : vector<16xf32>
      %add3A_176 = arith.addf %add3A_174, %mul3A_175 : vector<16xf32>
      %max3A = arith.maximumf %add3A_176, %broadcast_in_dim3A_68 : vector<16xf32>
      %add3A_177 = arith.constant 0 : i32
      %add3A_178 = arith.addi %mul3A_148, %add3A_177 : i32
      %swap3A = arith.index_cast %add3A_178 : i32 to index
      %swap3A_179 = arith.constant 0 : index
      %swap3A_180 = tpu.vector_load %arg11[%swap3A, %swap3A_179] {strides = array<i32>} : memref<256x40xf32, #tpu.memory_space<vmem>>, vector<1x16xf32>,
      %swap3A_181 = vector.shape_cast %swap3A_180 : vector<1x16xf32> to vector<16xf32>
      %swap3A_182 = vector.shape_cast %max3A : vector<16xf32> to vector<1x16xf32>
      tpu.vector_store %arg11[%swap3A, %swap3A_179], %swap3A_182 {strides = array<i32>} : memref<256x40xf32, #tpu.memory_space<vmem>>, vector<1x16xf32>,
      %mul3A_183 = arith.mulf %broadcast_in_dim3A_164, %get3A_46 : vector<16xf32>
      %add3A_184 = arith.addf %mul3A_183, %get3A_55 : vector<16xf32>
      %mul3A_185 = arith.mulf %broadcast_in_dim3A_167, %get3A_49 : vector<16xf32>
      %add3A_186 = arith.addf %add3A_184, %mul3A_185 : vector<16xf32>
      %mul3A_187 = arith.mulf %broadcast_in_dim3A_170, %get3A_52 : vector<16xf32>
      %add3A_188 = arith.addf %add3A_186, %mul3A_187 : vector<16xf32>
      %max3A_189 = arith.maximumf %add3A_188, %broadcast_in_dim3A_68 : vector<16xf32>
      %add3A_190 = arith.constant 0 : i32
      %add3A_191 = arith.addi %mul3A_148, %add3A_190 : i32
      %swap3A_192 = arith.index_cast %add3A_191 : i32 to index
      %swap3A_193 = arith.constant 16 : index
      %swap3A_194 = tpu.vector_load %arg11[%swap3A_192, %swap3A_193] {strides = array<i32>} : memref<256x40xf32, #tpu.memory_space<vmem>>, vector<1x16xf32>,
      %swap3A_195 = vector.shape_cast %swap3A_194 : vector<1x16xf32> to vector<16xf32>
      %swap3A_196 = vector.shape_cast %max3A_189 : vector<16xf32> to vector<1x16xf32>
      tpu.vector_store %arg11[%swap3A_192, %swap3A_193], %swap3A_196 {strides = array<i32>} : memref<256x40xf32, #tpu.memory_space<vmem>>, vector<1x16xf32>,
      %mul3A_197 = arith.mulf %broadcast_in_dim3A_164, %get3A_58 : vector<16xf32>
      %add3A_198 = arith.addf %mul3A_197, %get3A_67 : vector<16xf32>
      %mul3A_199 = arith.mulf %broadcast_in_dim3A_167, %get3A_61 : vector<16xf32>
      %add3A_200 = arith.addf %add3A_198, %mul3A_199 : vector<16xf32>
      %mul3A_201 = arith.mulf %broadcast_in_dim3A_170, %get3A_64 : vector<16xf32>
      %add3A_202 = arith.addf %add3A_200, %mul3A_201 : vector<16xf32>
      %max3A_203 = arith.maximumf %add3A_202, %broadcast_in_dim3A_68 : vector<16xf32>
      %add3A_204 = arith.constant 0 : i32
      %add3A_205 = arith.addi %mul3A_148, %add3A_204 : i32
      %swap3A_206 = arith.index_cast %add3A_205 : i32 to index
      %swap3A_207 = arith.constant 24 : index
      %swap3A_208 = tpu.vector_load %arg11[%swap3A_206, %swap3A_207] {strides = array<i32>} : memref<256x40xf32, #tpu.memory_space<vmem>>, vector<1x16xf32>,
      %swap3A_209 = vector.shape_cast %swap3A_208 : vector<1x16xf32> to vector<16xf32>
      %swap3A_210 = vector.shape_cast %max3A_203 : vector<16xf32> to vector<1x16xf32>
      tpu.vector_store %arg11[%swap3A_206, %swap3A_207], %swap3A_210 {strides = array<i32>} : memref<256x40xf32, #tpu.memory_space<vmem>>, vector<1x16xf32>,
      %slice3A_211 = vector.extract_strided_slice %get3A_153 {offsets = [1], sizes = [1], strides = [1]} : vector<16xf32> to vector<1xf32>
      %squeeze3A_212 = vector.extract %slice3A_211[0] : f32 from vector<1xf32>
      %broadcast_in_dim3A_213 = vector.broadcast %squeeze3A_212 : f32 to vector<16xf32>
      %slice3A_214 = vector.extract_strided_slice %get3A_158 {offsets = [1], sizes = [1], strides = [1]} : vector<16xf32> to vector<1xf32>
      %squeeze3A_215 = vector.extract %slice3A_214[0] : f32 from vector<1xf32>
      %broadcast_in_dim3A_216 = vector.broadcast %squeeze3A_215 : f32 to vector<16xf32>
      %slice3A_217 = vector.extract_strided_slice %get3A_163 {offsets = [1], sizes = [1], strides = [1]} : vector<16xf32> to vector<1xf32>
      %squeeze3A_218 = vector.extract %slice3A_217[0] : f32 from vector<1xf32>
      %broadcast_in_dim3A_219 = vector.broadcast %squeeze3A_218 : f32 to vector<16xf32>
      %mul3A_220 = arith.mulf %broadcast_in_dim3A_213, %get3A_34 : vector<16xf32>
      %add3A_221 = arith.addf %mul3A_220, %get3A_43 : vector<16xf32>
      %mul3A_222 = arith.mulf %broadcast_in_dim3A_216, %get3A_37 : vector<16xf32>
      %add3A_223 = arith.addf %add3A_221, %mul3A_222 : vector<16xf32>
      %mul3A_224 = arith.mulf %broadcast_in_dim3A_219, %get3A_40 : vector<16xf32>
      %add3A_225 = arith.addf %add3A_223, %mul3A_224 : vector<16xf32>
      %max3A_226 = arith.maximumf %add3A_225, %broadcast_in_dim3A_68 : vector<16xf32>
      %add3A_227 = arith.constant 1 : i32
      %add3A_228 = arith.addi %mul3A_148, %add3A_227 : i32
      %swap3A_229 = arith.index_cast %add3A_228 : i32 to index
      %swap3A_230 = arith.constant 0 : index
      %swap3A_231 = tpu.vector_load %arg11[%swap3A_229, %swap3A_230] {strides = array<i32>} : memref<256x40xf32, #tpu.memory_space<vmem>>, vector<1x16xf32>,
      %swap3A_232 = vector.shape_cast %swap3A_231 : vector<1x16xf32> to vector<16xf32>
      %swap3A_233 = vector.shape_cast %max3A_226 : vector<16xf32> to vector<1x16xf32>
      tpu.vector_store %arg11[%swap3A_229, %swap3A_230], %swap3A_233 {strides = array<i32>} : memref<256x40xf32, #tpu.memory_space<vmem>>, vector<1x16xf32>,
      %mul3A_234 = arith.mulf %broadcast_in_dim3A_213, %get3A_46 : vector<16xf32>
      %add3A_235 = arith.addf %mul3A_234, %get3A_55 : vector<16xf32>
      %mul3A_236 = arith.mulf %broadcast_in_dim3A_216, %get3A_49 : vector<16xf32>
      %add3A_237 = arith.addf %add3A_235, %mul3A_236 : vector<16xf32>
      %mul3A_238 = arith.mulf %broadcast_in_dim3A_219, %get3A_52 : vector<16xf32>
      %add3A_239 = arith.addf %add3A_237, %mul3A_238 : vector<16xf32>
      %max3A_240 = arith.maximumf %add3A_239, %broadcast_in_dim3A_68 : vector<16xf32>
      %add3A_241 = arith.constant 1 : i32
      %add3A_242 = arith.addi %mul3A_148, %add3A_241 : i32
      %swap3A_243 = arith.index_cast %add3A_242 : i32 to index
      %swap3A_244 = arith.constant 16 : index
      %swap3A_245 = tpu.vector_load %arg11[%swap3A_243, %swap3A_244] {strides = array<i32>} : memref<256x40xf32, #tpu.memory_space<vmem>>, vector<1x16xf32>,
      %swap3A_246 = vector.shape_cast %swap3A_245 : vector<1x16xf32> to vector<16xf32>
      %swap3A_247 = vector.shape_cast %max3A_240 : vector<16xf32> to vector<1x16xf32>
      tpu.vector_store %arg11[%swap3A_243, %swap3A_244], %swap3A_247 {strides = array<i32>} : memref<256x40xf32, #tpu.memory_space<vmem>>, vector<1x16xf32>,
      %mul3A_248 = arith.mulf %broadcast_in_dim3A_213, %get3A_58 : vector<16xf32>
      %add3A_249 = arith.addf %mul3A_248, %get3A_67 : vector<16xf32>
      %mul3A_250 = arith.mulf %broadcast_in_dim3A_216, %get3A_61 : vector<16xf32>
      %add3A_251 = arith.addf %add3A_249, %mul3A_250 : vector<16xf32>
      %mul3A_252 = arith.mulf %broadcast_in_dim3A_219, %get3A_64 : vector<16xf32>
      %add3A_253 = arith.addf %add3A_251, %mul3A_252 : vector<16xf32>
      %max3A_254 = arith.maximumf %add3A_253, %broadcast_in_dim3A_68 : vector<16xf32>
      %add3A_255 = arith.constant 1 : i32
      %add3A_256 = arith.addi %mul3A_148, %add3A_255 : i32
      %swap3A_257 = arith.index_cast %add3A_256 : i32 to index
      %swap3A_258 = arith.constant 24 : index
      %swap3A_259 = tpu.vector_load %arg11[%swap3A_257, %swap3A_258] {strides = array<i32>} : memref<256x40xf32, #tpu.memory_space<vmem>>, vector<1x16xf32>,
      %swap3A_260 = vector.shape_cast %swap3A_259 : vector<1x16xf32> to vector<16xf32>
      %swap3A_261 = vector.shape_cast %max3A_254 : vector<16xf32> to vector<1x16xf32>
      tpu.vector_store %arg11[%swap3A_257, %swap3A_258], %swap3A_261 {strides = array<i32>} : memref<256x40xf32, #tpu.memory_space<vmem>>, vector<1x16xf32>,
      %slice3A_262 = vector.extract_strided_slice %get3A_153 {offsets = [2], sizes = [1], strides = [1]} : vector<16xf32> to vector<1xf32>
      %squeeze3A_263 = vector.extract %slice3A_262[0] : f32 from vector<1xf32>
      %broadcast_in_dim3A_264 = vector.broadcast %squeeze3A_263 : f32 to vector<16xf32>
      %slice3A_265 = vector.extract_strided_slice %get3A_158 {offsets = [2], sizes = [1], strides = [1]} : vector<16xf32> to vector<1xf32>
      %squeeze3A_266 = vector.extract %slice3A_265[0] : f32 from vector<1xf32>
      %broadcast_in_dim3A_267 = vector.broadcast %squeeze3A_266 : f32 to vector<16xf32>
      %slice3A_268 = vector.extract_strided_slice %get3A_163 {offsets = [2], sizes = [1], strides = [1]} : vector<16xf32> to vector<1xf32>
      %squeeze3A_269 = vector.extract %slice3A_268[0] : f32 from vector<1xf32>
      %broadcast_in_dim3A_270 = vector.broadcast %squeeze3A_269 : f32 to vector<16xf32>
      %mul3A_271 = arith.mulf %broadcast_in_dim3A_264, %get3A_34 : vector<16xf32>
      %add3A_272 = arith.addf %mul3A_271, %get3A_43 : vector<16xf32>
      %mul3A_273 = arith.mulf %broadcast_in_dim3A_267, %get3A_37 : vector<16xf32>
      %add3A_274 = arith.addf %add3A_272, %mul3A_273 : vector<16xf32>
      %mul3A_275 = arith.mulf %broadcast_in_dim3A_270, %get3A_40 : vector<16xf32>
      %add3A_276 = arith.addf %add3A_274, %mul3A_275 : vector<16xf32>
      %max3A_277 = arith.maximumf %add3A_276, %broadcast_in_dim3A_68 : vector<16xf32>
      %add3A_278 = arith.constant 2 : i32
      %add3A_279 = arith.addi %mul3A_148, %add3A_278 : i32
      %swap3A_280 = arith.index_cast %add3A_279 : i32 to index
      %swap3A_281 = arith.constant 0 : index
      %swap3A_282 = tpu.vector_load %arg11[%swap3A_280, %swap3A_281] {strides = array<i32>} : memref<256x40xf32, #tpu.memory_space<vmem>>, vector<1x16xf32>,
      %swap3A_283 = vector.shape_cast %swap3A_282 : vector<1x16xf32> to vector<16xf32>
      %swap3A_284 = vector.shape_cast %max3A_277 : vector<16xf32> to vector<1x16xf32>
      tpu.vector_store %arg11[%swap3A_280, %swap3A_281], %swap3A_284 {strides = array<i32>} : memref<256x40xf32, #tpu.memory_space<vmem>>, vector<1x16xf32>,
      %mul3A_285 = arith.mulf %broadcast_in_dim3A_264, %get3A_46 : vector<16xf32>
      %add3A_286 = arith.addf %mul3A_285, %get3A_55 : vector<16xf32>
      %mul3A_287 = arith.mulf %broadcast_in_dim3A_267, %get3A_49 : vector<16xf32>
      %add3A_288 = arith.addf %add3A_286, %mul3A_287 : vector<16xf32>
      %mul3A_289 = arith.mulf %broadcast_in_dim3A_270, %get3A_52 : vector<16xf32>
      %add3A_290 = arith.addf %add3A_288, %mul3A_289 : vector<16xf32>
      %max3A_291 = arith.maximumf %add3A_290, %broadcast_in_dim3A_68 : vector<16xf32>
      %add3A_292 = arith.constant 2 : i32
      %add3A_293 = arith.addi %mul3A_148, %add3A_292 : i32
      %swap3A_294 = arith.index_cast %add3A_293 : i32 to index
      %swap3A_295 = arith.constant 16 : index
      %swap3A_296 = tpu.vector_load %arg11[%swap3A_294, %swap3A_295] {strides = array<i32>} : memref<256x40xf32, #tpu.memory_space<vmem>>, vector<1x16xf32>,
      %swap3A_297 = vector.shape_cast %swap3A_296 : vector<1x16xf32> to vector<16xf32>
      %swap3A_298 = vector.shape_cast %max3A_291 : vector<16xf32> to vector<1x16xf32>
      tpu.vector_store %arg11[%swap3A_294, %swap3A_295], %swap3A_298 {strides = array<i32>} : memref<256x40xf32, #tpu.memory_space<vmem>>, vector<1x16xf32>,
      %mul3A_299 = arith.mulf %broadcast_in_dim3A_264, %get3A_58 : vector<16xf32>
      %add3A_300 = arith.addf %mul3A_299, %get3A_67 : vector<16xf32>
      %mul3A_301 = arith.mulf %broadcast_in_dim3A_267, %get3A_61 : vector<16xf32>
      %add3A_302 = arith.addf %add3A_300, %mul3A_301 : vector<16xf32>
      %mul3A_303 = arith.mulf %broadcast_in_dim3A_270, %get3A_64 : vector<16xf32>
      %add3A_304 = arith.addf %add3A_302, %mul3A_303 : vector<16xf32>
      %max3A_305 = arith.maximumf %add3A_304, %broadcast_in_dim3A_68 : vector<16xf32>
      %add3A_306 = arith.constant 2 : i32
      %add3A_307 = arith.addi %mul3A_148, %add3A_306 : i32
      %swap3A_308 = arith.index_cast %add3A_307 : i32 to index
      %swap3A_309 = arith.constant 24 : index
      %swap3A_310 = tpu.vector_load %arg11[%swap3A_308, %swap3A_309] {strides = array<i32>} : memref<256x40xf32, #tpu.memory_space<vmem>>, vector<1x16xf32>,
      %swap3A_311 = vector.shape_cast %swap3A_310 : vector<1x16xf32> to vector<16xf32>
      %swap3A_312 = vector.shape_cast %max3A_305 : vector<16xf32> to vector<1x16xf32>
      tpu.vector_store %arg11[%swap3A_308, %swap3A_309], %swap3A_312 {strides = array<i32>} : memref<256x40xf32, #tpu.memory_space<vmem>>, vector<1x16xf32>,
      %slice3A_313 = vector.extract_strided_slice %get3A_153 {offsets = [3], sizes = [1], strides = [1]} : vector<16xf32> to vector<1xf32>
      %squeeze3A_314 = vector.extract %slice3A_313[0] : f32 from vector<1xf32>
      %broadcast_in_dim3A_315 = vector.broadcast %squeeze3A_314 : f32 to vector<16xf32>
      %slice3A_316 = vector.extract_strided_slice %get3A_158 {offsets = [3], sizes = [1], strides = [1]} : vector<16xf32> to vector<1xf32>
      %squeeze3A_317 = vector.extract %slice3A_316[0] : f32 from vector<1xf32>
      %broadcast_in_dim3A_318 = vector.broadcast %squeeze3A_317 : f32 to vector<16xf32>
      %slice3A_319 = vector.extract_strided_slice %get3A_163 {offsets = [3], sizes = [1], strides = [1]} : vector<16xf32> to vector<1xf32>
      %squeeze3A_320 = vector.extract %slice3A_319[0] : f32 from vector<1xf32>
      %broadcast_in_dim3A_321 = vector.broadcast %squeeze3A_320 : f32 to vector<16xf32>
      %mul3A_322 = arith.mulf %broadcast_in_dim3A_315, %get3A_34 : vector<16xf32>
      %add3A_323 = arith.addf %mul3A_322, %get3A_43 : vector<16xf32>
      %mul3A_324 = arith.mulf %broadcast_in_dim3A_318, %get3A_37 : vector<16xf32>
      %add3A_325 = arith.addf %add3A_323, %mul3A_324 : vector<16xf32>
      %mul3A_326 = arith.mulf %broadcast_in_dim3A_321, %get3A_40 : vector<16xf32>
      %add3A_327 = arith.addf %add3A_325, %mul3A_326 : vector<16xf32>
      %max3A_328 = arith.maximumf %add3A_327, %broadcast_in_dim3A_68 : vector<16xf32>
      %add3A_329 = arith.constant 3 : i32
      %add3A_330 = arith.addi %mul3A_148, %add3A_329 : i32
      %swap3A_331 = arith.index_cast %add3A_330 : i32 to index
      %swap3A_332 = arith.constant 0 : index
      %swap3A_333 = tpu.vector_load %arg11[%swap3A_331, %swap3A_332] {strides = array<i32>} : memref<256x40xf32, #tpu.memory_space<vmem>>, vector<1x16xf32>,
      %swap3A_334 = vector.shape_cast %swap3A_333 : vector<1x16xf32> to vector<16xf32>
      %swap3A_335 = vector.shape_cast %max3A_328 : vector<16xf32> to vector<1x16xf32>
      tpu.vector_store %arg11[%swap3A_331, %swap3A_332], %swap3A_335 {strides = array<i32>} : memref<256x40xf32, #tpu.memory_space<vmem>>, vector<1x16xf32>,
      %mul3A_336 = arith.mulf %broadcast_in_dim3A_315, %get3A_46 : vector<16xf32>
      %add3A_337 = arith.addf %mul3A_336, %get3A_55 : vector<16xf32>
      %mul3A_338 = arith.mulf %broadcast_in_dim3A_318, %get3A_49 : vector<16xf32>
      %add3A_339 = arith.addf %add3A_337, %mul3A_338 : vector<16xf32>
      %mul3A_340 = arith.mulf %broadcast_in_dim3A_321, %get3A_52 : vector<16xf32>
      %add3A_341 = arith.addf %add3A_339, %mul3A_340 : vector<16xf32>
      %max3A_342 = arith.maximumf %add3A_341, %broadcast_in_dim3A_68 : vector<16xf32>
      %add3A_343 = arith.constant 3 : i32
      %add3A_344 = arith.addi %mul3A_148, %add3A_343 : i32
      %swap3A_345 = arith.index_cast %add3A_344 : i32 to index
      %swap3A_346 = arith.constant 16 : index
      %swap3A_347 = tpu.vector_load %arg11[%swap3A_345, %swap3A_346] {strides = array<i32>} : memref<256x40xf32, #tpu.memory_space<vmem>>, vector<1x16xf32>,
      %swap3A_348 = vector.shape_cast %swap3A_347 : vector<1x16xf32> to vector<16xf32>
      %swap3A_349 = vector.shape_cast %max3A_342 : vector<16xf32> to vector<1x16xf32>
      tpu.vector_store %arg11[%swap3A_345, %swap3A_346], %swap3A_349 {strides = array<i32>} : memref<256x40xf32, #tpu.memory_space<vmem>>, vector<1x16xf32>,
      %mul3A_350 = arith.mulf %broadcast_in_dim3A_315, %get3A_58 : vector<16xf32>
      %add3A_351 = arith.addf %mul3A_350, %get3A_67 : vector<16xf32>
      %mul3A_352 = arith.mulf %broadcast_in_dim3A_318, %get3A_61 : vector<16xf32>
      %add3A_353 = arith.addf %add3A_351, %mul3A_352 : vector<16xf32>
      %mul3A_354 = arith.mulf %broadcast_in_dim3A_321, %get3A_64 : vector<16xf32>
      %add3A_355 = arith.addf %add3A_353, %mul3A_354 : vector<16xf32>
      %max3A_356 = arith.maximumf %add3A_355, %broadcast_in_dim3A_68 : vector<16xf32>
      %add3A_357 = arith.constant 3 : i32
      %add3A_358 = arith.addi %mul3A_148, %add3A_357 : i32
      %swap3A_359 = arith.index_cast %add3A_358 : i32 to index
      %swap3A_360 = arith.constant 24 : index
      %swap3A_361 = tpu.vector_load %arg11[%swap3A_359, %swap3A_360] {strides = array<i32>} : memref<256x40xf32, #tpu.memory_space<vmem>>, vector<1x16xf32>,
      %swap3A_362 = vector.shape_cast %swap3A_361 : vector<1x16xf32> to vector<16xf32>
      %swap3A_363 = vector.shape_cast %max3A_356 : vector<16xf32> to vector<1x16xf32>
      tpu.vector_store %arg11[%swap3A_359, %swap3A_360], %swap3A_363 {strides = array<i32>} : memref<256x40xf32, #tpu.memory_space<vmem>>, vector<1x16xf32>,
      %slice3A_364 = vector.extract_strided_slice %get3A_153 {offsets = [4], sizes = [1], strides = [1]} : vector<16xf32> to vector<1xf32>
      %squeeze3A_365 = vector.extract %slice3A_364[0] : f32 from vector<1xf32>
      %broadcast_in_dim3A_366 = vector.broadcast %squeeze3A_365 : f32 to vector<16xf32>
      %slice3A_367 = vector.extract_strided_slice %get3A_158 {offsets = [4], sizes = [1], strides = [1]} : vector<16xf32> to vector<1xf32>
      %squeeze3A_368 = vector.extract %slice3A_367[0] : f32 from vector<1xf32>
      %broadcast_in_dim3A_369 = vector.broadcast %squeeze3A_368 : f32 to vector<16xf32>
      %slice3A_370 = vector.extract_strided_slice %get3A_163 {offsets = [4], sizes = [1], strides = [1]} : vector<16xf32> to vector<1xf32>
      %squeeze3A_371 = vector.extract %slice3A_370[0] : f32 from vector<1xf32>
      %broadcast_in_dim3A_372 = vector.broadcast %squeeze3A_371 : f32 to vector<16xf32>
      %mul3A_373 = arith.mulf %broadcast_in_dim3A_366, %get3A_34 : vector<16xf32>
      %add3A_374 = arith.addf %mul3A_373, %get3A_43 : vector<16xf32>
      %mul3A_375 = arith.mulf %broadcast_in_dim3A_369, %get3A_37 : vector<16xf32>
      %add3A_376 = arith.addf %add3A_374, %mul3A_375 : vector<16xf32>
      %mul3A_377 = arith.mulf %broadcast_in_dim3A_372, %get3A_40 : vector<16xf32>
      %add3A_378 = arith.addf %add3A_376, %mul3A_377 : vector<16xf32>
      %max3A_379 = arith.maximumf %add3A_378, %broadcast_in_dim3A_68 : vector<16xf32>
      %add3A_380 = arith.constant 4 : i32
      %add3A_381 = arith.addi %mul3A_148, %add3A_380 : i32
      %swap3A_382 = arith.index_cast %add3A_381 : i32 to index
      %swap3A_383 = arith.constant 0 : index
      %swap3A_384 = tpu.vector_load %arg11[%swap3A_382, %swap3A_383] {strides = array<i32>} : memref<256x40xf32, #tpu.memory_space<vmem>>, vector<1x16xf32>,
      %swap3A_385 = vector.shape_cast %swap3A_384 : vector<1x16xf32> to vector<16xf32>
      %swap3A_386 = vector.shape_cast %max3A_379 : vector<16xf32> to vector<1x16xf32>
      tpu.vector_store %arg11[%swap3A_382, %swap3A_383], %swap3A_386 {strides = array<i32>} : memref<256x40xf32, #tpu.memory_space<vmem>>, vector<1x16xf32>,
      %mul3A_387 = arith.mulf %broadcast_in_dim3A_366, %get3A_46 : vector<16xf32>
      %add3A_388 = arith.addf %mul3A_387, %get3A_55 : vector<16xf32>
      %mul3A_389 = arith.mulf %broadcast_in_dim3A_369, %get3A_49 : vector<16xf32>
      %add3A_390 = arith.addf %add3A_388, %mul3A_389 : vector<16xf32>
      %mul3A_391 = arith.mulf %broadcast_in_dim3A_372, %get3A_52 : vector<16xf32>
      %add3A_392 = arith.addf %add3A_390, %mul3A_391 : vector<16xf32>
      %max3A_393 = arith.maximumf %add3A_392, %broadcast_in_dim3A_68 : vector<16xf32>
      %add3A_394 = arith.constant 4 : i32
      %add3A_395 = arith.addi %mul3A_148, %add3A_394 : i32
      %swap3A_396 = arith.index_cast %add3A_395 : i32 to index
      %swap3A_397 = arith.constant 16 : index
      %swap3A_398 = tpu.vector_load %arg11[%swap3A_396, %swap3A_397] {strides = array<i32>} : memref<256x40xf32, #tpu.memory_space<vmem>>, vector<1x16xf32>,
      %swap3A_399 = vector.shape_cast %swap3A_398 : vector<1x16xf32> to vector<16xf32>
      %swap3A_400 = vector.shape_cast %max3A_393 : vector<16xf32> to vector<1x16xf32>
      tpu.vector_store %arg11[%swap3A_396, %swap3A_397], %swap3A_400 {strides = array<i32>} : memref<256x40xf32, #tpu.memory_space<vmem>>, vector<1x16xf32>,
      %mul3A_401 = arith.mulf %broadcast_in_dim3A_366, %get3A_58 : vector<16xf32>
      %add3A_402 = arith.addf %mul3A_401, %get3A_67 : vector<16xf32>
      %mul3A_403 = arith.mulf %broadcast_in_dim3A_369, %get3A_61 : vector<16xf32>
      %add3A_404 = arith.addf %add3A_402, %mul3A_403 : vector<16xf32>
      %mul3A_405 = arith.mulf %broadcast_in_dim3A_372, %get3A_64 : vector<16xf32>
      %add3A_406 = arith.addf %add3A_404, %mul3A_405 : vector<16xf32>
      %max3A_407 = arith.maximumf %add3A_406, %broadcast_in_dim3A_68 : vector<16xf32>
      %add3A_408 = arith.constant 4 : i32
      %add3A_409 = arith.addi %mul3A_148, %add3A_408 : i32
      %swap3A_410 = arith.index_cast %add3A_409 : i32 to index
      %swap3A_411 = arith.constant 24 : index
      %swap3A_412 = tpu.vector_load %arg11[%swap3A_410, %swap3A_411] {strides = array<i32>} : memref<256x40xf32, #tpu.memory_space<vmem>>, vector<1x16xf32>,
      %swap3A_413 = vector.shape_cast %swap3A_412 : vector<1x16xf32> to vector<16xf32>
      %swap3A_414 = vector.shape_cast %max3A_407 : vector<16xf32> to vector<1x16xf32>
      tpu.vector_store %arg11[%swap3A_410, %swap3A_411], %swap3A_414 {strides = array<i32>} : memref<256x40xf32, #tpu.memory_space<vmem>>, vector<1x16xf32>,
      %slice3A_415 = vector.extract_strided_slice %get3A_153 {offsets = [5], sizes = [1], strides = [1]} : vector<16xf32> to vector<1xf32>
      %squeeze3A_416 = vector.extract %slice3A_415[0] : f32 from vector<1xf32>
      %broadcast_in_dim3A_417 = vector.broadcast %squeeze3A_416 : f32 to vector<16xf32>
      %slice3A_418 = vector.extract_strided_slice %get3A_158 {offsets = [5], sizes = [1], strides = [1]} : vector<16xf32> to vector<1xf32>
      %squeeze3A_419 = vector.extract %slice3A_418[0] : f32 from vector<1xf32>
      %broadcast_in_dim3A_420 = vector.broadcast %squeeze3A_419 : f32 to vector<16xf32>
      %slice3A_421 = vector.extract_strided_slice %get3A_163 {offsets = [5], sizes = [1], strides = [1]} : vector<16xf32> to vector<1xf32>
      %squeeze3A_422 = vector.extract %slice3A_421[0] : f32 from vector<1xf32>
      %broadcast_in_dim3A_423 = vector.broadcast %squeeze3A_422 : f32 to vector<16xf32>
      %mul3A_424 = arith.mulf %broadcast_in_dim3A_417, %get3A_34 : vector<16xf32>
      %add3A_425 = arith.addf %mul3A_424, %get3A_43 : vector<16xf32>
      %mul3A_426 = arith.mulf %broadcast_in_dim3A_420, %get3A_37 : vector<16xf32>
      %add3A_427 = arith.addf %add3A_425, %mul3A_426 : vector<16xf32>
      %mul3A_428 = arith.mulf %broadcast_in_dim3A_423, %get3A_40 : vector<16xf32>
      %add3A_429 = arith.addf %add3A_427, %mul3A_428 : vector<16xf32>
      %max3A_430 = arith.maximumf %add3A_429, %broadcast_in_dim3A_68 : vector<16xf32>
      %add3A_431 = arith.constant 5 : i32
      %add3A_432 = arith.addi %mul3A_148, %add3A_431 : i32
      %swap3A_433 = arith.index_cast %add3A_432 : i32 to index
      %swap3A_434 = arith.constant 0 : index
      %swap3A_435 = tpu.vector_load %arg11[%swap3A_433, %swap3A_434] {strides = array<i32>} : memref<256x40xf32, #tpu.memory_space<vmem>>, vector<1x16xf32>,
      %swap3A_436 = vector.shape_cast %swap3A_435 : vector<1x16xf32> to vector<16xf32>
      %swap3A_437 = vector.shape_cast %max3A_430 : vector<16xf32> to vector<1x16xf32>
      tpu.vector_store %arg11[%swap3A_433, %swap3A_434], %swap3A_437 {strides = array<i32>} : memref<256x40xf32, #tpu.memory_space<vmem>>, vector<1x16xf32>,
      %mul3A_438 = arith.mulf %broadcast_in_dim3A_417, %get3A_46 : vector<16xf32>
      %add3A_439 = arith.addf %mul3A_438, %get3A_55 : vector<16xf32>
      %mul3A_440 = arith.mulf %broadcast_in_dim3A_420, %get3A_49 : vector<16xf32>
      %add3A_441 = arith.addf %add3A_439, %mul3A_440 : vector<16xf32>
      %mul3A_442 = arith.mulf %broadcast_in_dim3A_423, %get3A_52 : vector<16xf32>
      %add3A_443 = arith.addf %add3A_441, %mul3A_442 : vector<16xf32>
      %max3A_444 = arith.maximumf %add3A_443, %broadcast_in_dim3A_68 : vector<16xf32>
      %add3A_445 = arith.constant 5 : i32
      %add3A_446 = arith.addi %mul3A_148, %add3A_445 : i32
      %swap3A_447 = arith.index_cast %add3A_446 : i32 to index
      %swap3A_448 = arith.constant 16 : index
      %swap3A_449 = tpu.vector_load %arg11[%swap3A_447, %swap3A_448] {strides = array<i32>} : memref<256x40xf32, #tpu.memory_space<vmem>>, vector<1x16xf32>,
      %swap3A_450 = vector.shape_cast %swap3A_449 : vector<1x16xf32> to vector<16xf32>
      %swap3A_451 = vector.shape_cast %max3A_444 : vector<16xf32> to vector<1x16xf32>
      tpu.vector_store %arg11[%swap3A_447, %swap3A_448], %swap3A_451 {strides = array<i32>} : memref<256x40xf32, #tpu.memory_space<vmem>>, vector<1x16xf32>,
      %mul3A_452 = arith.mulf %broadcast_in_dim3A_417, %get3A_58 : vector<16xf32>
      %add3A_453 = arith.addf %mul3A_452, %get3A_67 : vector<16xf32>
      %mul3A_454 = arith.mulf %broadcast_in_dim3A_420, %get3A_61 : vector<16xf32>
      %add3A_455 = arith.addf %add3A_453, %mul3A_454 : vector<16xf32>
      %mul3A_456 = arith.mulf %broadcast_in_dim3A_423, %get3A_64 : vector<16xf32>
      %add3A_457 = arith.addf %add3A_455, %mul3A_456 : vector<16xf32>
      %max3A_458 = arith.maximumf %add3A_457, %broadcast_in_dim3A_68 : vector<16xf32>
      %add3A_459 = arith.constant 5 : i32
      %add3A_460 = arith.addi %mul3A_148, %add3A_459 : i32
      %swap3A_461 = arith.index_cast %add3A_460 : i32 to index
      %swap3A_462 = arith.constant 24 : index
      %swap3A_463 = tpu.vector_load %arg11[%swap3A_461, %swap3A_462] {strides = array<i32>} : memref<256x40xf32, #tpu.memory_space<vmem>>, vector<1x16xf32>,
      %swap3A_464 = vector.shape_cast %swap3A_463 : vector<1x16xf32> to vector<16xf32>
      %swap3A_465 = vector.shape_cast %max3A_458 : vector<16xf32> to vector<1x16xf32>
      tpu.vector_store %arg11[%swap3A_461, %swap3A_462], %swap3A_465 {strides = array<i32>} : memref<256x40xf32, #tpu.memory_space<vmem>>, vector<1x16xf32>,
      %slice3A_466 = vector.extract_strided_slice %get3A_153 {offsets = [6], sizes = [1], strides = [1]} : vector<16xf32> to vector<1xf32>
      %squeeze3A_467 = vector.extract %slice3A_466[0] : f32 from vector<1xf32>
      %broadcast_in_dim3A_468 = vector.broadcast %squeeze3A_467 : f32 to vector<16xf32>
      %slice3A_469 = vector.extract_strided_slice %get3A_158 {offsets = [6], sizes = [1], strides = [1]} : vector<16xf32> to vector<1xf32>
      %squeeze3A_470 = vector.extract %slice3A_469[0] : f32 from vector<1xf32>
      %broadcast_in_dim3A_471 = vector.broadcast %squeeze3A_470 : f32 to vector<16xf32>
      %slice3A_472 = vector.extract_strided_slice %get3A_163 {offsets = [6], sizes = [1], strides = [1]} : vector<16xf32> to vector<1xf32>
      %squeeze3A_473 = vector.extract %slice3A_472[0] : f32 from vector<1xf32>
      %broadcast_in_dim3A_474 = vector.broadcast %squeeze3A_473 : f32 to vector<16xf32>
      %mul3A_475 = arith.mulf %broadcast_in_dim3A_468, %get3A_34 : vector<16xf32>
      %add3A_476 = arith.addf %mul3A_475, %get3A_43 : vector<16xf32>
      %mul3A_477 = arith.mulf %broadcast_in_dim3A_471, %get3A_37 : vector<16xf32>
      %add3A_478 = arith.addf %add3A_476, %mul3A_477 : vector<16xf32>
      %mul3A_479 = arith.mulf %broadcast_in_dim3A_474, %get3A_40 : vector<16xf32>
      %add3A_480 = arith.addf %add3A_478, %mul3A_479 : vector<16xf32>
      %max3A_481 = arith.maximumf %add3A_480, %broadcast_in_dim3A_68 : vector<16xf32>
      %add3A_482 = arith.constant 6 : i32
      %add3A_483 = arith.addi %mul3A_148, %add3A_482 : i32
      %swap3A_484 = arith.index_cast %add3A_483 : i32 to index
      %swap3A_485 = arith.constant 0 : index
      %swap3A_486 = tpu.vector_load %arg11[%swap3A_484, %swap3A_485] {strides = array<i32>} : memref<256x40xf32, #tpu.memory_space<vmem>>, vector<1x16xf32>,
      %swap3A_487 = vector.shape_cast %swap3A_486 : vector<1x16xf32> to vector<16xf32>
      %swap3A_488 = vector.shape_cast %max3A_481 : vector<16xf32> to vector<1x16xf32>
      tpu.vector_store %arg11[%swap3A_484, %swap3A_485], %swap3A_488 {strides = array<i32>} : memref<256x40xf32, #tpu.memory_space<vmem>>, vector<1x16xf32>,
      %mul3A_489 = arith.mulf %broadcast_in_dim3A_468, %get3A_46 : vector<16xf32>
      %add3A_490 = arith.addf %mul3A_489, %get3A_55 : vector<16xf32>
      %mul3A_491 = arith.mulf %broadcast_in_dim3A_471, %get3A_49 : vector<16xf32>
      %add3A_492 = arith.addf %add3A_490, %mul3A_491 : vector<16xf32>
      %mul3A_493 = arith.mulf %broadcast_in_dim3A_474, %get3A_52 : vector<16xf32>
      %add3A_494 = arith.addf %add3A_492, %mul3A_493 : vector<16xf32>
      %max3A_495 = arith.maximumf %add3A_494, %broadcast_in_dim3A_68 : vector<16xf32>
      %add3A_496 = arith.constant 6 : i32
      %add3A_497 = arith.addi %mul3A_148, %add3A_496 : i32
      %swap3A_498 = arith.index_cast %add3A_497 : i32 to index
      %swap3A_499 = arith.constant 16 : index
      %swap3A_500 = tpu.vector_load %arg11[%swap3A_498, %swap3A_499] {strides = array<i32>} : memref<256x40xf32, #tpu.memory_space<vmem>>, vector<1x16xf32>,
      %swap3A_501 = vector.shape_cast %swap3A_500 : vector<1x16xf32> to vector<16xf32>
      %swap3A_502 = vector.shape_cast %max3A_495 : vector<16xf32> to vector<1x16xf32>
      tpu.vector_store %arg11[%swap3A_498, %swap3A_499], %swap3A_502 {strides = array<i32>} : memref<256x40xf32, #tpu.memory_space<vmem>>, vector<1x16xf32>,
      %mul3A_503 = arith.mulf %broadcast_in_dim3A_468, %get3A_58 : vector<16xf32>
      %add3A_504 = arith.addf %mul3A_503, %get3A_67 : vector<16xf32>
      %mul3A_505 = arith.mulf %broadcast_in_dim3A_471, %get3A_61 : vector<16xf32>
      %add3A_506 = arith.addf %add3A_504, %mul3A_505 : vector<16xf32>
      %mul3A_507 = arith.mulf %broadcast_in_dim3A_474, %get3A_64 : vector<16xf32>
      %add3A_508 = arith.addf %add3A_506, %mul3A_507 : vector<16xf32>
      %max3A_509 = arith.maximumf %add3A_508, %broadcast_in_dim3A_68 : vector<16xf32>
      %add3A_510 = arith.constant 6 : i32
      %add3A_511 = arith.addi %mul3A_148, %add3A_510 : i32
      %swap3A_512 = arith.index_cast %add3A_511 : i32 to index
      %swap3A_513 = arith.constant 24 : index
      %swap3A_514 = tpu.vector_load %arg11[%swap3A_512, %swap3A_513] {strides = array<i32>} : memref<256x40xf32, #tpu.memory_space<vmem>>, vector<1x16xf32>,
      %swap3A_515 = vector.shape_cast %swap3A_514 : vector<1x16xf32> to vector<16xf32>
      %swap3A_516 = vector.shape_cast %max3A_509 : vector<16xf32> to vector<1x16xf32>
      tpu.vector_store %arg11[%swap3A_512, %swap3A_513], %swap3A_516 {strides = array<i32>} : memref<256x40xf32, #tpu.memory_space<vmem>>, vector<1x16xf32>,
      %slice3A_517 = vector.extract_strided_slice %get3A_153 {offsets = [7], sizes = [1], strides = [1]} : vector<16xf32> to vector<1xf32>
      %squeeze3A_518 = vector.extract %slice3A_517[0] : f32 from vector<1xf32>
      %broadcast_in_dim3A_519 = vector.broadcast %squeeze3A_518 : f32 to vector<16xf32>
      %slice3A_520 = vector.extract_strided_slice %get3A_158 {offsets = [7], sizes = [1], strides = [1]} : vector<16xf32> to vector<1xf32>
      %squeeze3A_521 = vector.extract %slice3A_520[0] : f32 from vector<1xf32>
      %broadcast_in_dim3A_522 = vector.broadcast %squeeze3A_521 : f32 to vector<16xf32>
      %slice3A_523 = vector.extract_strided_slice %get3A_163 {offsets = [7], sizes = [1], strides = [1]} : vector<16xf32> to vector<1xf32>
      %squeeze3A_524 = vector.extract %slice3A_523[0] : f32 from vector<1xf32>
      %broadcast_in_dim3A_525 = vector.broadcast %squeeze3A_524 : f32 to vector<16xf32>
      %mul3A_526 = arith.mulf %broadcast_in_dim3A_519, %get3A_34 : vector<16xf32>
      %add3A_527 = arith.addf %mul3A_526, %get3A_43 : vector<16xf32>
      %mul3A_528 = arith.mulf %broadcast_in_dim3A_522, %get3A_37 : vector<16xf32>
      %add3A_529 = arith.addf %add3A_527, %mul3A_528 : vector<16xf32>
      %mul3A_530 = arith.mulf %broadcast_in_dim3A_525, %get3A_40 : vector<16xf32>
      %add3A_531 = arith.addf %add3A_529, %mul3A_530 : vector<16xf32>
      %max3A_532 = arith.maximumf %add3A_531, %broadcast_in_dim3A_68 : vector<16xf32>
      %add3A_533 = arith.constant 7 : i32
      %add3A_534 = arith.addi %mul3A_148, %add3A_533 : i32
      %swap3A_535 = arith.index_cast %add3A_534 : i32 to index
      %swap3A_536 = arith.constant 0 : index
      %swap3A_537 = tpu.vector_load %arg11[%swap3A_535, %swap3A_536] {strides = array<i32>} : memref<256x40xf32, #tpu.memory_space<vmem>>, vector<1x16xf32>,
      %swap3A_538 = vector.shape_cast %swap3A_537 : vector<1x16xf32> to vector<16xf32>
      %swap3A_539 = vector.shape_cast %max3A_532 : vector<16xf32> to vector<1x16xf32>
      tpu.vector_store %arg11[%swap3A_535, %swap3A_536], %swap3A_539 {strides = array<i32>} : memref<256x40xf32, #tpu.memory_space<vmem>>, vector<1x16xf32>,
      %mul3A_540 = arith.mulf %broadcast_in_dim3A_519, %get3A_46 : vector<16xf32>
      %add3A_541 = arith.addf %mul3A_540, %get3A_55 : vector<16xf32>
      %mul3A_542 = arith.mulf %broadcast_in_dim3A_522, %get3A_49 : vector<16xf32>
      %add3A_543 = arith.addf %add3A_541, %mul3A_542 : vector<16xf32>
      %mul3A_544 = arith.mulf %broadcast_in_dim3A_525, %get3A_52 : vector<16xf32>
      %add3A_545 = arith.addf %add3A_543, %mul3A_544 : vector<16xf32>
      %max3A_546 = arith.maximumf %add3A_545, %broadcast_in_dim3A_68 : vector<16xf32>
      %add3A_547 = arith.constant 7 : i32
      %add3A_548 = arith.addi %mul3A_148, %add3A_547 : i32
      %swap3A_549 = arith.index_cast %add3A_548 : i32 to index
      %swap3A_550 = arith.constant 16 : index
      %swap3A_551 = tpu.vector_load %arg11[%swap3A_549, %swap3A_550] {strides = array<i32>} : memref<256x40xf32, #tpu.memory_space<vmem>>, vector<1x16xf32>,
      %swap3A_552 = vector.shape_cast %swap3A_551 : vector<1x16xf32> to vector<16xf32>
      %swap3A_553 = vector.shape_cast %max3A_546 : vector<16xf32> to vector<1x16xf32>
      tpu.vector_store %arg11[%swap3A_549, %swap3A_550], %swap3A_553 {strides = array<i32>} : memref<256x40xf32, #tpu.memory_space<vmem>>, vector<1x16xf32>,
      %mul3A_554 = arith.mulf %broadcast_in_dim3A_519, %get3A_58 : vector<16xf32>
      %add3A_555 = arith.addf %mul3A_554, %get3A_67 : vector<16xf32>
      %mul3A_556 = arith.mulf %broadcast_in_dim3A_522, %get3A_61 : vector<16xf32>
      %add3A_557 = arith.addf %add3A_555, %mul3A_556 : vector<16xf32>
      %mul3A_558 = arith.mulf %broadcast_in_dim3A_525, %get3A_64 : vector<16xf32>
      %add3A_559 = arith.addf %add3A_557, %mul3A_558 : vector<16xf32>
      %max3A_560 = arith.maximumf %add3A_559, %broadcast_in_dim3A_68 : vector<16xf32>
      %add3A_561 = arith.constant 7 : i32
      %add3A_562 = arith.addi %mul3A_148, %add3A_561 : i32
      %swap3A_563 = arith.index_cast %add3A_562 : i32 to index
      %swap3A_564 = arith.constant 24 : index
      %swap3A_565 = tpu.vector_load %arg11[%swap3A_563, %swap3A_564] {strides = array<i32>} : memref<256x40xf32, #tpu.memory_space<vmem>>, vector<1x16xf32>,
      %swap3A_566 = vector.shape_cast %swap3A_565 : vector<1x16xf32> to vector<16xf32>
      %swap3A_567 = vector.shape_cast %max3A_560 : vector<16xf32> to vector<1x16xf32>
      tpu.vector_store %arg11[%swap3A_563, %swap3A_564], %swap3A_567 {strides = array<i32>} : memref<256x40xf32, #tpu.memory_space<vmem>>, vector<1x16xf32>,
      %slice3A_568 = vector.extract_strided_slice %get3A_153 {offsets = [8], sizes = [1], strides = [1]} : vector<16xf32> to vector<1xf32>
      %squeeze3A_569 = vector.extract %slice3A_568[0] : f32 from vector<1xf32>
      %broadcast_in_dim3A_570 = vector.broadcast %squeeze3A_569 : f32 to vector<16xf32>
      %slice3A_571 = vector.extract_strided_slice %get3A_158 {offsets = [8], sizes = [1], strides = [1]} : vector<16xf32> to vector<1xf32>
      %squeeze3A_572 = vector.extract %slice3A_571[0] : f32 from vector<1xf32>
      %broadcast_in_dim3A_573 = vector.broadcast %squeeze3A_572 : f32 to vector<16xf32>
      %slice3A_574 = vector.extract_strided_slice %get3A_163 {offsets = [8], sizes = [1], strides = [1]} : vector<16xf32> to vector<1xf32>
      %squeeze3A_575 = vector.extract %slice3A_574[0] : f32 from vector<1xf32>
      %broadcast_in_dim3A_576 = vector.broadcast %squeeze3A_575 : f32 to vector<16xf32>
      %mul3A_577 = arith.mulf %broadcast_in_dim3A_570, %get3A_34 : vector<16xf32>
      %add3A_578 = arith.addf %mul3A_577, %get3A_43 : vector<16xf32>
      %mul3A_579 = arith.mulf %broadcast_in_dim3A_573, %get3A_37 : vector<16xf32>
      %add3A_580 = arith.addf %add3A_578, %mul3A_579 : vector<16xf32>
      %mul3A_581 = arith.mulf %broadcast_in_dim3A_576, %get3A_40 : vector<16xf32>
      %add3A_582 = arith.addf %add3A_580, %mul3A_581 : vector<16xf32>
      %max3A_583 = arith.maximumf %add3A_582, %broadcast_in_dim3A_68 : vector<16xf32>
      %add3A_584 = arith.constant 8 : i32
      %add3A_585 = arith.addi %mul3A_148, %add3A_584 : i32
      %swap3A_586 = arith.index_cast %add3A_585 : i32 to index
      %swap3A_587 = arith.constant 0 : index
      %swap3A_588 = tpu.vector_load %arg11[%swap3A_586, %swap3A_587] {strides = array<i32>} : memref<256x40xf32, #tpu.memory_space<vmem>>, vector<1x16xf32>,
      %swap3A_589 = vector.shape_cast %swap3A_588 : vector<1x16xf32> to vector<16xf32>
      %swap3A_590 = vector.shape_cast %max3A_583 : vector<16xf32> to vector<1x16xf32>
      tpu.vector_store %arg11[%swap3A_586, %swap3A_587], %swap3A_590 {strides = array<i32>} : memref<256x40xf32, #tpu.memory_space<vmem>>, vector<1x16xf32>,
      %mul3A_591 = arith.mulf %broadcast_in_dim3A_570, %get3A_46 : vector<16xf32>
      %add3A_592 = arith.addf %mul3A_591, %get3A_55 : vector<16xf32>
      %mul3A_593 = arith.mulf %broadcast_in_dim3A_573, %get3A_49 : vector<16xf32>
      %add3A_594 = arith.addf %add3A_592, %mul3A_593 : vector<16xf32>
      %mul3A_595 = arith.mulf %broadcast_in_dim3A_576, %get3A_52 : vector<16xf32>
      %add3A_596 = arith.addf %add3A_594, %mul3A_595 : vector<16xf32>
      %max3A_597 = arith.maximumf %add3A_596, %broadcast_in_dim3A_68 : vector<16xf32>
      %add3A_598 = arith.constant 8 : i32
      %add3A_599 = arith.addi %mul3A_148, %add3A_598 : i32
      %swap3A_600 = arith.index_cast %add3A_599 : i32 to index
      %swap3A_601 = arith.constant 16 : index
      %swap3A_602 = tpu.vector_load %arg11[%swap3A_600, %swap3A_601] {strides = array<i32>} : memref<256x40xf32, #tpu.memory_space<vmem>>, vector<1x16xf32>,
      %swap3A_603 = vector.shape_cast %swap3A_602 : vector<1x16xf32> to vector<16xf32>
      %swap3A_604 = vector.shape_cast %max3A_597 : vector<16xf32> to vector<1x16xf32>
      tpu.vector_store %arg11[%swap3A_600, %swap3A_601], %swap3A_604 {strides = array<i32>} : memref<256x40xf32, #tpu.memory_space<vmem>>, vector<1x16xf32>,
      %mul3A_605 = arith.mulf %broadcast_in_dim3A_570, %get3A_58 : vector<16xf32>
      %add3A_606 = arith.addf %mul3A_605, %get3A_67 : vector<16xf32>
      %mul3A_607 = arith.mulf %broadcast_in_dim3A_573, %get3A_61 : vector<16xf32>
      %add3A_608 = arith.addf %add3A_606, %mul3A_607 : vector<16xf32>
      %mul3A_609 = arith.mulf %broadcast_in_dim3A_576, %get3A_64 : vector<16xf32>
      %add3A_610 = arith.addf %add3A_608, %mul3A_609 : vector<16xf32>
      %max3A_611 = arith.maximumf %add3A_610, %broadcast_in_dim3A_68 : vector<16xf32>
      %add3A_612 = arith.constant 8 : i32
      %add3A_613 = arith.addi %mul3A_148, %add3A_612 : i32
      %swap3A_614 = arith.index_cast %add3A_613 : i32 to index
      %swap3A_615 = arith.constant 24 : index
      %swap3A_616 = tpu.vector_load %arg11[%swap3A_614, %swap3A_615] {strides = array<i32>} : memref<256x40xf32, #tpu.memory_space<vmem>>, vector<1x16xf32>,
      %swap3A_617 = vector.shape_cast %swap3A_616 : vector<1x16xf32> to vector<16xf32>
      %swap3A_618 = vector.shape_cast %max3A_611 : vector<16xf32> to vector<1x16xf32>
      tpu.vector_store %arg11[%swap3A_614, %swap3A_615], %swap3A_618 {strides = array<i32>} : memref<256x40xf32, #tpu.memory_space<vmem>>, vector<1x16xf32>,
      %slice3A_619 = vector.extract_strided_slice %get3A_153 {offsets = [9], sizes = [1], strides = [1]} : vector<16xf32> to vector<1xf32>
      %squeeze3A_620 = vector.extract %slice3A_619[0] : f32 from vector<1xf32>
      %broadcast_in_dim3A_621 = vector.broadcast %squeeze3A_620 : f32 to vector<16xf32>
      %slice3A_622 = vector.extract_strided_slice %get3A_158 {offsets = [9], sizes = [1], strides = [1]} : vector<16xf32> to vector<1xf32>
      %squeeze3A_623 = vector.extract %slice3A_622[0] : f32 from vector<1xf32>
      %broadcast_in_dim3A_624 = vector.broadcast %squeeze3A_623 : f32 to vector<16xf32>
      %slice3A_625 = vector.extract_strided_slice %get3A_163 {offsets = [9], sizes = [1], strides = [1]} : vector<16xf32> to vector<1xf32>
      %squeeze3A_626 = vector.extract %slice3A_625[0] : f32 from vector<1xf32>
      %broadcast_in_dim3A_627 = vector.broadcast %squeeze3A_626 : f32 to vector<16xf32>
      %mul3A_628 = arith.mulf %broadcast_in_dim3A_621, %get3A_34 : vector<16xf32>
      %add3A_629 = arith.addf %mul3A_628, %get3A_43 : vector<16xf32>
      %mul3A_630 = arith.mulf %broadcast_in_dim3A_624, %get3A_37 : vector<16xf32>
      %add3A_631 = arith.addf %add3A_629, %mul3A_630 : vector<16xf32>
      %mul3A_632 = arith.mulf %broadcast_in_dim3A_627, %get3A_40 : vector<16xf32>
      %add3A_633 = arith.addf %add3A_631, %mul3A_632 : vector<16xf32>
      %max3A_634 = arith.maximumf %add3A_633, %broadcast_in_dim3A_68 : vector<16xf32>
      %add3A_635 = arith.constant 9 : i32
      %add3A_636 = arith.addi %mul3A_148, %add3A_635 : i32
      %swap3A_637 = arith.index_cast %add3A_636 : i32 to index
      %swap3A_638 = arith.constant 0 : index
      %swap3A_639 = tpu.vector_load %arg11[%swap3A_637, %swap3A_638] {strides = array<i32>} : memref<256x40xf32, #tpu.memory_space<vmem>>, vector<1x16xf32>,
      %swap3A_640 = vector.shape_cast %swap3A_639 : vector<1x16xf32> to vector<16xf32>
      %swap3A_641 = vector.shape_cast %max3A_634 : vector<16xf32> to vector<1x16xf32>
      tpu.vector_store %arg11[%swap3A_637, %swap3A_638], %swap3A_641 {strides = array<i32>} : memref<256x40xf32, #tpu.memory_space<vmem>>, vector<1x16xf32>,
      %mul3A_642 = arith.mulf %broadcast_in_dim3A_621, %get3A_46 : vector<16xf32>
      %add3A_643 = arith.addf %mul3A_642, %get3A_55 : vector<16xf32>
      %mul3A_644 = arith.mulf %broadcast_in_dim3A_624, %get3A_49 : vector<16xf32>
      %add3A_645 = arith.addf %add3A_643, %mul3A_644 : vector<16xf32>
      %mul3A_646 = arith.mulf %broadcast_in_dim3A_627, %get3A_52 : vector<16xf32>
      %add3A_647 = arith.addf %add3A_645, %mul3A_646 : vector<16xf32>
      %max3A_648 = arith.maximumf %add3A_647, %broadcast_in_dim3A_68 : vector<16xf32>
      %add3A_649 = arith.constant 9 : i32
      %add3A_650 = arith.addi %mul3A_148, %add3A_649 : i32
      %swap3A_651 = arith.index_cast %add3A_650 : i32 to index
      %swap3A_652 = arith.constant 16 : index
      %swap3A_653 = tpu.vector_load %arg11[%swap3A_651, %swap3A_652] {strides = array<i32>} : memref<256x40xf32, #tpu.memory_space<vmem>>, vector<1x16xf32>,
      %swap3A_654 = vector.shape_cast %swap3A_653 : vector<1x16xf32> to vector<16xf32>
      %swap3A_655 = vector.shape_cast %max3A_648 : vector<16xf32> to vector<1x16xf32>
      tpu.vector_store %arg11[%swap3A_651, %swap3A_652], %swap3A_655 {strides = array<i32>} : memref<256x40xf32, #tpu.memory_space<vmem>>, vector<1x16xf32>,
      %mul3A_656 = arith.mulf %broadcast_in_dim3A_621, %get3A_58 : vector<16xf32>
      %add3A_657 = arith.addf %mul3A_656, %get3A_67 : vector<16xf32>
      %mul3A_658 = arith.mulf %broadcast_in_dim3A_624, %get3A_61 : vector<16xf32>
      %add3A_659 = arith.addf %add3A_657, %mul3A_658 : vector<16xf32>
      %mul3A_660 = arith.mulf %broadcast_in_dim3A_627, %get3A_64 : vector<16xf32>
      %add3A_661 = arith.addf %add3A_659, %mul3A_660 : vector<16xf32>
      %max3A_662 = arith.maximumf %add3A_661, %broadcast_in_dim3A_68 : vector<16xf32>
      %add3A_663 = arith.constant 9 : i32
      %add3A_664 = arith.addi %mul3A_148, %add3A_663 : i32
      %swap3A_665 = arith.index_cast %add3A_664 : i32 to index
      %swap3A_666 = arith.constant 24 : index
      %swap3A_667 = tpu.vector_load %arg11[%swap3A_665, %swap3A_666] {strides = array<i32>} : memref<256x40xf32, #tpu.memory_space<vmem>>, vector<1x16xf32>,
      %swap3A_668 = vector.shape_cast %swap3A_667 : vector<1x16xf32> to vector<16xf32>
      %swap3A_669 = vector.shape_cast %max3A_662 : vector<16xf32> to vector<1x16xf32>
      tpu.vector_store %arg11[%swap3A_665, %swap3A_666], %swap3A_669 {strides = array<i32>} : memref<256x40xf32, #tpu.memory_space<vmem>>, vector<1x16xf32>,
      %slice3A_670 = vector.extract_strided_slice %get3A_153 {offsets = [10], sizes = [1], strides = [1]} : vector<16xf32> to vector<1xf32>
      %squeeze3A_671 = vector.extract %slice3A_670[0] : f32 from vector<1xf32>
      %broadcast_in_dim3A_672 = vector.broadcast %squeeze3A_671 : f32 to vector<16xf32>
      %slice3A_673 = vector.extract_strided_slice %get3A_158 {offsets = [10], sizes = [1], strides = [1]} : vector<16xf32> to vector<1xf32>
      %squeeze3A_674 = vector.extract %slice3A_673[0] : f32 from vector<1xf32>
      %broadcast_in_dim3A_675 = vector.broadcast %squeeze3A_674 : f32 to vector<16xf32>
      %slice3A_676 = vector.extract_strided_slice %get3A_163 {offsets = [10], sizes = [1], strides = [1]} : vector<16xf32> to vector<1xf32>
      %squeeze3A_677 = vector.extract %slice3A_676[0] : f32 from vector<1xf32>
      %broadcast_in_dim3A_678 = vector.broadcast %squeeze3A_677 : f32 to vector<16xf32>
      %mul3A_679 = arith.mulf %broadcast_in_dim3A_672, %get3A_34 : vector<16xf32>
      %add3A_680 = arith.addf %mul3A_679, %get3A_43 : vector<16xf32>
      %mul3A_681 = arith.mulf %broadcast_in_dim3A_675, %get3A_37 : vector<16xf32>
      %add3A_682 = arith.addf %add3A_680, %mul3A_681 : vector<16xf32>
      %mul3A_683 = arith.mulf %broadcast_in_dim3A_678, %get3A_40 : vector<16xf32>
      %add3A_684 = arith.addf %add3A_682, %mul3A_683 : vector<16xf32>
      %max3A_685 = arith.maximumf %add3A_684, %broadcast_in_dim3A_68 : vector<16xf32>
      %add3A_686 = arith.constant 10 : i32
      %add3A_687 = arith.addi %mul3A_148, %add3A_686 : i32
      %swap3A_688 = arith.index_cast %add3A_687 : i32 to index
      %swap3A_689 = arith.constant 0 : index
      %swap3A_690 = tpu.vector_load %arg11[%swap3A_688, %swap3A_689] {strides = array<i32>} : memref<256x40xf32, #tpu.memory_space<vmem>>, vector<1x16xf32>,
      %swap3A_691 = vector.shape_cast %swap3A_690 : vector<1x16xf32> to vector<16xf32>
      %swap3A_692 = vector.shape_cast %max3A_685 : vector<16xf32> to vector<1x16xf32>
      tpu.vector_store %arg11[%swap3A_688, %swap3A_689], %swap3A_692 {strides = array<i32>} : memref<256x40xf32, #tpu.memory_space<vmem>>, vector<1x16xf32>,
      %mul3A_693 = arith.mulf %broadcast_in_dim3A_672, %get3A_46 : vector<16xf32>
      %add3A_694 = arith.addf %mul3A_693, %get3A_55 : vector<16xf32>
      %mul3A_695 = arith.mulf %broadcast_in_dim3A_675, %get3A_49 : vector<16xf32>
      %add3A_696 = arith.addf %add3A_694, %mul3A_695 : vector<16xf32>
      %mul3A_697 = arith.mulf %broadcast_in_dim3A_678, %get3A_52 : vector<16xf32>
      %add3A_698 = arith.addf %add3A_696, %mul3A_697 : vector<16xf32>
      %max3A_699 = arith.maximumf %add3A_698, %broadcast_in_dim3A_68 : vector<16xf32>
      %add3A_700 = arith.constant 10 : i32
      %add3A_701 = arith.addi %mul3A_148, %add3A_700 : i32
      %swap3A_702 = arith.index_cast %add3A_701 : i32 to index
      %swap3A_703 = arith.constant 16 : index
      %swap3A_704 = tpu.vector_load %arg11[%swap3A_702, %swap3A_703] {strides = array<i32>} : memref<256x40xf32, #tpu.memory_space<vmem>>, vector<1x16xf32>,
      %swap3A_705 = vector.shape_cast %swap3A_704 : vector<1x16xf32> to vector<16xf32>
      %swap3A_706 = vector.shape_cast %max3A_699 : vector<16xf32> to vector<1x16xf32>
      tpu.vector_store %arg11[%swap3A_702, %swap3A_703], %swap3A_706 {strides = array<i32>} : memref<256x40xf32, #tpu.memory_space<vmem>>, vector<1x16xf32>,
      %mul3A_707 = arith.mulf %broadcast_in_dim3A_672, %get3A_58 : vector<16xf32>
      %add3A_708 = arith.addf %mul3A_707, %get3A_67 : vector<16xf32>
      %mul3A_709 = arith.mulf %broadcast_in_dim3A_675, %get3A_61 : vector<16xf32>
      %add3A_710 = arith.addf %add3A_708, %mul3A_709 : vector<16xf32>
      %mul3A_711 = arith.mulf %broadcast_in_dim3A_678, %get3A_64 : vector<16xf32>
      %add3A_712 = arith.addf %add3A_710, %mul3A_711 : vector<16xf32>
      %max3A_713 = arith.maximumf %add3A_712, %broadcast_in_dim3A_68 : vector<16xf32>
      %add3A_714 = arith.constant 10 : i32
      %add3A_715 = arith.addi %mul3A_148, %add3A_714 : i32
      %swap3A_716 = arith.index_cast %add3A_715 : i32 to index
      %swap3A_717 = arith.constant 24 : index
      %swap3A_718 = tpu.vector_load %arg11[%swap3A_716, %swap3A_717] {strides = array<i32>} : memref<256x40xf32, #tpu.memory_space<vmem>>, vector<1x16xf32>,
      %swap3A_719 = vector.shape_cast %swap3A_718 : vector<1x16xf32> to vector<16xf32>
      %swap3A_720 = vector.shape_cast %max3A_713 : vector<16xf32> to vector<1x16xf32>
      tpu.vector_store %arg11[%swap3A_716, %swap3A_717], %swap3A_720 {strides = array<i32>} : memref<256x40xf32, #tpu.memory_space<vmem>>, vector<1x16xf32>,
      %slice3A_721 = vector.extract_strided_slice %get3A_153 {offsets = [11], sizes = [1], strides = [1]} : vector<16xf32> to vector<1xf32>
      %squeeze3A_722 = vector.extract %slice3A_721[0] : f32 from vector<1xf32>
      %broadcast_in_dim3A_723 = vector.broadcast %squeeze3A_722 : f32 to vector<16xf32>
      %slice3A_724 = vector.extract_strided_slice %get3A_158 {offsets = [11], sizes = [1], strides = [1]} : vector<16xf32> to vector<1xf32>
      %squeeze3A_725 = vector.extract %slice3A_724[0] : f32 from vector<1xf32>
      %broadcast_in_dim3A_726 = vector.broadcast %squeeze3A_725 : f32 to vector<16xf32>
      %slice3A_727 = vector.extract_strided_slice %get3A_163 {offsets = [11], sizes = [1], strides = [1]} : vector<16xf32> to vector<1xf32>
      %squeeze3A_728 = vector.extract %slice3A_727[0] : f32 from vector<1xf32>
      %broadcast_in_dim3A_729 = vector.broadcast %squeeze3A_728 : f32 to vector<16xf32>
      %mul3A_730 = arith.mulf %broadcast_in_dim3A_723, %get3A_34 : vector<16xf32>
      %add3A_731 = arith.addf %mul3A_730, %get3A_43 : vector<16xf32>
      %mul3A_732 = arith.mulf %broadcast_in_dim3A_726, %get3A_37 : vector<16xf32>
      %add3A_733 = arith.addf %add3A_731, %mul3A_732 : vector<16xf32>
      %mul3A_734 = arith.mulf %broadcast_in_dim3A_729, %get3A_40 : vector<16xf32>
      %add3A_735 = arith.addf %add3A_733, %mul3A_734 : vector<16xf32>
      %max3A_736 = arith.maximumf %add3A_735, %broadcast_in_dim3A_68 : vector<16xf32>
      %add3A_737 = arith.constant 11 : i32
      %add3A_738 = arith.addi %mul3A_148, %add3A_737 : i32
      %swap3A_739 = arith.index_cast %add3A_738 : i32 to index
      %swap3A_740 = arith.constant 0 : index
      %swap3A_741 = tpu.vector_load %arg11[%swap3A_739, %swap3A_740] {strides = array<i32>} : memref<256x40xf32, #tpu.memory_space<vmem>>, vector<1x16xf32>,
      %swap3A_742 = vector.shape_cast %swap3A_741 : vector<1x16xf32> to vector<16xf32>
      %swap3A_743 = vector.shape_cast %max3A_736 : vector<16xf32> to vector<1x16xf32>
      tpu.vector_store %arg11[%swap3A_739, %swap3A_740], %swap3A_743 {strides = array<i32>} : memref<256x40xf32, #tpu.memory_space<vmem>>, vector<1x16xf32>,
      %mul3A_744 = arith.mulf %broadcast_in_dim3A_723, %get3A_46 : vector<16xf32>
      %add3A_745 = arith.addf %mul3A_744, %get3A_55 : vector<16xf32>
      %mul3A_746 = arith.mulf %broadcast_in_dim3A_726, %get3A_49 : vector<16xf32>
      %add3A_747 = arith.addf %add3A_745, %mul3A_746 : vector<16xf32>
      %mul3A_748 = arith.mulf %broadcast_in_dim3A_729, %get3A_52 : vector<16xf32>
      %add3A_749 = arith.addf %add3A_747, %mul3A_748 : vector<16xf32>
      %max3A_750 = arith.maximumf %add3A_749, %broadcast_in_dim3A_68 : vector<16xf32>
      %add3A_751 = arith.constant 11 : i32
      %add3A_752 = arith.addi %mul3A_148, %add3A_751 : i32
      %swap3A_753 = arith.index_cast %add3A_752 : i32 to index
      %swap3A_754 = arith.constant 16 : index
      %swap3A_755 = tpu.vector_load %arg11[%swap3A_753, %swap3A_754] {strides = array<i32>} : memref<256x40xf32, #tpu.memory_space<vmem>>, vector<1x16xf32>,
      %swap3A_756 = vector.shape_cast %swap3A_755 : vector<1x16xf32> to vector<16xf32>
      %swap3A_757 = vector.shape_cast %max3A_750 : vector<16xf32> to vector<1x16xf32>
      tpu.vector_store %arg11[%swap3A_753, %swap3A_754], %swap3A_757 {strides = array<i32>} : memref<256x40xf32, #tpu.memory_space<vmem>>, vector<1x16xf32>,
      %mul3A_758 = arith.mulf %broadcast_in_dim3A_723, %get3A_58 : vector<16xf32>
      %add3A_759 = arith.addf %mul3A_758, %get3A_67 : vector<16xf32>
      %mul3A_760 = arith.mulf %broadcast_in_dim3A_726, %get3A_61 : vector<16xf32>
      %add3A_761 = arith.addf %add3A_759, %mul3A_760 : vector<16xf32>
      %mul3A_762 = arith.mulf %broadcast_in_dim3A_729, %get3A_64 : vector<16xf32>
      %add3A_763 = arith.addf %add3A_761, %mul3A_762 : vector<16xf32>
      %max3A_764 = arith.maximumf %add3A_763, %broadcast_in_dim3A_68 : vector<16xf32>
      %add3A_765 = arith.constant 11 : i32
      %add3A_766 = arith.addi %mul3A_148, %add3A_765 : i32
      %swap3A_767 = arith.index_cast %add3A_766 : i32 to index
      %swap3A_768 = arith.constant 24 : index
      %swap3A_769 = tpu.vector_load %arg11[%swap3A_767, %swap3A_768] {strides = array<i32>} : memref<256x40xf32, #tpu.memory_space<vmem>>, vector<1x16xf32>,
      %swap3A_770 = vector.shape_cast %swap3A_769 : vector<1x16xf32> to vector<16xf32>
      %swap3A_771 = vector.shape_cast %max3A_764 : vector<16xf32> to vector<1x16xf32>
      tpu.vector_store %arg11[%swap3A_767, %swap3A_768], %swap3A_771 {strides = array<i32>} : memref<256x40xf32, #tpu.memory_space<vmem>>, vector<1x16xf32>,
      %slice3A_772 = vector.extract_strided_slice %get3A_153 {offsets = [12], sizes = [1], strides = [1]} : vector<16xf32> to vector<1xf32>
      %squeeze3A_773 = vector.extract %slice3A_772[0] : f32 from vector<1xf32>
      %broadcast_in_dim3A_774 = vector.broadcast %squeeze3A_773 : f32 to vector<16xf32>
      %slice3A_775 = vector.extract_strided_slice %get3A_158 {offsets = [12], sizes = [1], strides = [1]} : vector<16xf32> to vector<1xf32>
      %squeeze3A_776 = vector.extract %slice3A_775[0] : f32 from vector<1xf32>
      %broadcast_in_dim3A_777 = vector.broadcast %squeeze3A_776 : f32 to vector<16xf32>
      %slice3A_778 = vector.extract_strided_slice %get3A_163 {offsets = [12], sizes = [1], strides = [1]} : vector<16xf32> to vector<1xf32>
      %squeeze3A_779 = vector.extract %slice3A_778[0] : f32 from vector<1xf32>
      %broadcast_in_dim3A_780 = vector.broadcast %squeeze3A_779 : f32 to vector<16xf32>
      %mul3A_781 = arith.mulf %broadcast_in_dim3A_774, %get3A_34 : vector<16xf32>
      %add3A_782 = arith.addf %mul3A_781, %get3A_43 : vector<16xf32>
      %mul3A_783 = arith.mulf %broadcast_in_dim3A_777, %get3A_37 : vector<16xf32>
      %add3A_784 = arith.addf %add3A_782, %mul3A_783 : vector<16xf32>
      %mul3A_785 = arith.mulf %broadcast_in_dim3A_780, %get3A_40 : vector<16xf32>
      %add3A_786 = arith.addf %add3A_784, %mul3A_785 : vector<16xf32>
      %max3A_787 = arith.maximumf %add3A_786, %broadcast_in_dim3A_68 : vector<16xf32>
      %add3A_788 = arith.constant 12 : i32
      %add3A_789 = arith.addi %mul3A_148, %add3A_788 : i32
      %swap3A_790 = arith.index_cast %add3A_789 : i32 to index
      %swap3A_791 = arith.constant 0 : index
      %swap3A_792 = tpu.vector_load %arg11[%swap3A_790, %swap3A_791] {strides = array<i32>} : memref<256x40xf32, #tpu.memory_space<vmem>>, vector<1x16xf32>,
      %swap3A_793 = vector.shape_cast %swap3A_792 : vector<1x16xf32> to vector<16xf32>
      %swap3A_794 = vector.shape_cast %max3A_787 : vector<16xf32> to vector<1x16xf32>
      tpu.vector_store %arg11[%swap3A_790, %swap3A_791], %swap3A_794 {strides = array<i32>} : memref<256x40xf32, #tpu.memory_space<vmem>>, vector<1x16xf32>,
      %mul3A_795 = arith.mulf %broadcast_in_dim3A_774, %get3A_46 : vector<16xf32>
      %add3A_796 = arith.addf %mul3A_795, %get3A_55 : vector<16xf32>
      %mul3A_797 = arith.mulf %broadcast_in_dim3A_777, %get3A_49 : vector<16xf32>
      %add3A_798 = arith.addf %add3A_796, %mul3A_797 : vector<16xf32>
      %mul3A_799 = arith.mulf %broadcast_in_dim3A_780, %get3A_52 : vector<16xf32>
      %add3A_800 = arith.addf %add3A_798, %mul3A_799 : vector<16xf32>
      %max3A_801 = arith.maximumf %add3A_800, %broadcast_in_dim3A_68 : vector<16xf32>
      %add3A_802 = arith.constant 12 : i32
      %add3A_803 = arith.addi %mul3A_148, %add3A_802 : i32
      %swap3A_804 = arith.index_cast %add3A_803 : i32 to index
      %swap3A_805 = arith.constant 16 : index
      %swap3A_806 = tpu.vector_load %arg11[%swap3A_804, %swap3A_805] {strides = array<i32>} : memref<256x40xf32, #tpu.memory_space<vmem>>, vector<1x16xf32>,
      %swap3A_807 = vector.shape_cast %swap3A_806 : vector<1x16xf32> to vector<16xf32>
      %swap3A_808 = vector.shape_cast %max3A_801 : vector<16xf32> to vector<1x16xf32>
      tpu.vector_store %arg11[%swap3A_804, %swap3A_805], %swap3A_808 {strides = array<i32>} : memref<256x40xf32, #tpu.memory_space<vmem>>, vector<1x16xf32>,
      %mul3A_809 = arith.mulf %broadcast_in_dim3A_774, %get3A_58 : vector<16xf32>
      %add3A_810 = arith.addf %mul3A_809, %get3A_67 : vector<16xf32>
      %mul3A_811 = arith.mulf %broadcast_in_dim3A_777, %get3A_61 : vector<16xf32>
      %add3A_812 = arith.addf %add3A_810, %mul3A_811 : vector<16xf32>
      %mul3A_813 = arith.mulf %broadcast_in_dim3A_780, %get3A_64 : vector<16xf32>
      %add3A_814 = arith.addf %add3A_812, %mul3A_813 : vector<16xf32>
      %max3A_815 = arith.maximumf %add3A_814, %broadcast_in_dim3A_68 : vector<16xf32>
      %add3A_816 = arith.constant 12 : i32
      %add3A_817 = arith.addi %mul3A_148, %add3A_816 : i32
      %swap3A_818 = arith.index_cast %add3A_817 : i32 to index
      %swap3A_819 = arith.constant 24 : index
      %swap3A_820 = tpu.vector_load %arg11[%swap3A_818, %swap3A_819] {strides = array<i32>} : memref<256x40xf32, #tpu.memory_space<vmem>>, vector<1x16xf32>,
      %swap3A_821 = vector.shape_cast %swap3A_820 : vector<1x16xf32> to vector<16xf32>
      %swap3A_822 = vector.shape_cast %max3A_815 : vector<16xf32> to vector<1x16xf32>
      tpu.vector_store %arg11[%swap3A_818, %swap3A_819], %swap3A_822 {strides = array<i32>} : memref<256x40xf32, #tpu.memory_space<vmem>>, vector<1x16xf32>,
      %slice3A_823 = vector.extract_strided_slice %get3A_153 {offsets = [13], sizes = [1], strides = [1]} : vector<16xf32> to vector<1xf32>
      %squeeze3A_824 = vector.extract %slice3A_823[0] : f32 from vector<1xf32>
      %broadcast_in_dim3A_825 = vector.broadcast %squeeze3A_824 : f32 to vector<16xf32>
      %slice3A_826 = vector.extract_strided_slice %get3A_158 {offsets = [13], sizes = [1], strides = [1]} : vector<16xf32> to vector<1xf32>
      %squeeze3A_827 = vector.extract %slice3A_826[0] : f32 from vector<1xf32>
      %broadcast_in_dim3A_828 = vector.broadcast %squeeze3A_827 : f32 to vector<16xf32>
      %slice3A_829 = vector.extract_strided_slice %get3A_163 {offsets = [13], sizes = [1], strides = [1]} : vector<16xf32> to vector<1xf32>
      %squeeze3A_830 = vector.extract %slice3A_829[0] : f32 from vector<1xf32>
      %broadcast_in_dim3A_831 = vector.broadcast %squeeze3A_830 : f32 to vector<16xf32>
      %mul3A_832 = arith.mulf %broadcast_in_dim3A_825, %get3A_34 : vector<16xf32>
      %add3A_833 = arith.addf %mul3A_832, %get3A_43 : vector<16xf32>
      %mul3A_834 = arith.mulf %broadcast_in_dim3A_828, %get3A_37 : vector<16xf32>
      %add3A_835 = arith.addf %add3A_833, %mul3A_834 : vector<16xf32>
      %mul3A_836 = arith.mulf %broadcast_in_dim3A_831, %get3A_40 : vector<16xf32>
      %add3A_837 = arith.addf %add3A_835, %mul3A_836 : vector<16xf32>
      %max3A_838 = arith.maximumf %add3A_837, %broadcast_in_dim3A_68 : vector<16xf32>
      %add3A_839 = arith.constant 13 : i32
      %add3A_840 = arith.addi %mul3A_148, %add3A_839 : i32
      %swap3A_841 = arith.index_cast %add3A_840 : i32 to index
      %swap3A_842 = arith.constant 0 : index
      %swap3A_843 = tpu.vector_load %arg11[%swap3A_841, %swap3A_842] {strides = array<i32>} : memref<256x40xf32, #tpu.memory_space<vmem>>, vector<1x16xf32>,
      %swap3A_844 = vector.shape_cast %swap3A_843 : vector<1x16xf32> to vector<16xf32>
      %swap3A_845 = vector.shape_cast %max3A_838 : vector<16xf32> to vector<1x16xf32>
      tpu.vector_store %arg11[%swap3A_841, %swap3A_842], %swap3A_845 {strides = array<i32>} : memref<256x40xf32, #tpu.memory_space<vmem>>, vector<1x16xf32>,
      %mul3A_846 = arith.mulf %broadcast_in_dim3A_825, %get3A_46 : vector<16xf32>
      %add3A_847 = arith.addf %mul3A_846, %get3A_55 : vector<16xf32>
      %mul3A_848 = arith.mulf %broadcast_in_dim3A_828, %get3A_49 : vector<16xf32>
      %add3A_849 = arith.addf %add3A_847, %mul3A_848 : vector<16xf32>
      %mul3A_850 = arith.mulf %broadcast_in_dim3A_831, %get3A_52 : vector<16xf32>
      %add3A_851 = arith.addf %add3A_849, %mul3A_850 : vector<16xf32>
      %max3A_852 = arith.maximumf %add3A_851, %broadcast_in_dim3A_68 : vector<16xf32>
      %add3A_853 = arith.constant 13 : i32
      %add3A_854 = arith.addi %mul3A_148, %add3A_853 : i32
      %swap3A_855 = arith.index_cast %add3A_854 : i32 to index
      %swap3A_856 = arith.constant 16 : index
      %swap3A_857 = tpu.vector_load %arg11[%swap3A_855, %swap3A_856] {strides = array<i32>} : memref<256x40xf32, #tpu.memory_space<vmem>>, vector<1x16xf32>,
      %swap3A_858 = vector.shape_cast %swap3A_857 : vector<1x16xf32> to vector<16xf32>
      %swap3A_859 = vector.shape_cast %max3A_852 : vector<16xf32> to vector<1x16xf32>
      tpu.vector_store %arg11[%swap3A_855, %swap3A_856], %swap3A_859 {strides = array<i32>} : memref<256x40xf32, #tpu.memory_space<vmem>>, vector<1x16xf32>,
      %mul3A_860 = arith.mulf %broadcast_in_dim3A_825, %get3A_58 : vector<16xf32>
      %add3A_861 = arith.addf %mul3A_860, %get3A_67 : vector<16xf32>
      %mul3A_862 = arith.mulf %broadcast_in_dim3A_828, %get3A_61 : vector<16xf32>
      %add3A_863 = arith.addf %add3A_861, %mul3A_862 : vector<16xf32>
      %mul3A_864 = arith.mulf %broadcast_in_dim3A_831, %get3A_64 : vector<16xf32>
      %add3A_865 = arith.addf %add3A_863, %mul3A_864 : vector<16xf32>
      %max3A_866 = arith.maximumf %add3A_865, %broadcast_in_dim3A_68 : vector<16xf32>
      %add3A_867 = arith.constant 13 : i32
      %add3A_868 = arith.addi %mul3A_148, %add3A_867 : i32
      %swap3A_869 = arith.index_cast %add3A_868 : i32 to index
      %swap3A_870 = arith.constant 24 : index
      %swap3A_871 = tpu.vector_load %arg11[%swap3A_869, %swap3A_870] {strides = array<i32>} : memref<256x40xf32, #tpu.memory_space<vmem>>, vector<1x16xf32>,
      %swap3A_872 = vector.shape_cast %swap3A_871 : vector<1x16xf32> to vector<16xf32>
      %swap3A_873 = vector.shape_cast %max3A_866 : vector<16xf32> to vector<1x16xf32>
      tpu.vector_store %arg11[%swap3A_869, %swap3A_870], %swap3A_873 {strides = array<i32>} : memref<256x40xf32, #tpu.memory_space<vmem>>, vector<1x16xf32>,
      %slice3A_874 = vector.extract_strided_slice %get3A_153 {offsets = [14], sizes = [1], strides = [1]} : vector<16xf32> to vector<1xf32>
      %squeeze3A_875 = vector.extract %slice3A_874[0] : f32 from vector<1xf32>
      %broadcast_in_dim3A_876 = vector.broadcast %squeeze3A_875 : f32 to vector<16xf32>
      %slice3A_877 = vector.extract_strided_slice %get3A_158 {offsets = [14], sizes = [1], strides = [1]} : vector<16xf32> to vector<1xf32>
      %squeeze3A_878 = vector.extract %slice3A_877[0] : f32 from vector<1xf32>
      %broadcast_in_dim3A_879 = vector.broadcast %squeeze3A_878 : f32 to vector<16xf32>
      %slice3A_880 = vector.extract_strided_slice %get3A_163 {offsets = [14], sizes = [1], strides = [1]} : vector<16xf32> to vector<1xf32>
      %squeeze3A_881 = vector.extract %slice3A_880[0] : f32 from vector<1xf32>
      %broadcast_in_dim3A_882 = vector.broadcast %squeeze3A_881 : f32 to vector<16xf32>
      %mul3A_883 = arith.mulf %broadcast_in_dim3A_876, %get3A_34 : vector<16xf32>
      %add3A_884 = arith.addf %mul3A_883, %get3A_43 : vector<16xf32>
      %mul3A_885 = arith.mulf %broadcast_in_dim3A_879, %get3A_37 : vector<16xf32>
      %add3A_886 = arith.addf %add3A_884, %mul3A_885 : vector<16xf32>
      %mul3A_887 = arith.mulf %broadcast_in_dim3A_882, %get3A_40 : vector<16xf32>
      %add3A_888 = arith.addf %add3A_886, %mul3A_887 : vector<16xf32>
      %max3A_889 = arith.maximumf %add3A_888, %broadcast_in_dim3A_68 : vector<16xf32>
      %add3A_890 = arith.constant 14 : i32
      %add3A_891 = arith.addi %mul3A_148, %add3A_890 : i32
      %swap3A_892 = arith.index_cast %add3A_891 : i32 to index
      %swap3A_893 = arith.constant 0 : index
      %swap3A_894 = tpu.vector_load %arg11[%swap3A_892, %swap3A_893] {strides = array<i32>} : memref<256x40xf32, #tpu.memory_space<vmem>>, vector<1x16xf32>,
      %swap3A_895 = vector.shape_cast %swap3A_894 : vector<1x16xf32> to vector<16xf32>
      %swap3A_896 = vector.shape_cast %max3A_889 : vector<16xf32> to vector<1x16xf32>
      tpu.vector_store %arg11[%swap3A_892, %swap3A_893], %swap3A_896 {strides = array<i32>} : memref<256x40xf32, #tpu.memory_space<vmem>>, vector<1x16xf32>,
      %mul3A_897 = arith.mulf %broadcast_in_dim3A_876, %get3A_46 : vector<16xf32>
      %add3A_898 = arith.addf %mul3A_897, %get3A_55 : vector<16xf32>
      %mul3A_899 = arith.mulf %broadcast_in_dim3A_879, %get3A_49 : vector<16xf32>
      %add3A_900 = arith.addf %add3A_898, %mul3A_899 : vector<16xf32>
      %mul3A_901 = arith.mulf %broadcast_in_dim3A_882, %get3A_52 : vector<16xf32>
      %add3A_902 = arith.addf %add3A_900, %mul3A_901 : vector<16xf32>
      %max3A_903 = arith.maximumf %add3A_902, %broadcast_in_dim3A_68 : vector<16xf32>
      %add3A_904 = arith.constant 14 : i32
      %add3A_905 = arith.addi %mul3A_148, %add3A_904 : i32
      %swap3A_906 = arith.index_cast %add3A_905 : i32 to index
      %swap3A_907 = arith.constant 16 : index
      %swap3A_908 = tpu.vector_load %arg11[%swap3A_906, %swap3A_907] {strides = array<i32>} : memref<256x40xf32, #tpu.memory_space<vmem>>, vector<1x16xf32>,
      %swap3A_909 = vector.shape_cast %swap3A_908 : vector<1x16xf32> to vector<16xf32>
      %swap3A_910 = vector.shape_cast %max3A_903 : vector<16xf32> to vector<1x16xf32>
      tpu.vector_store %arg11[%swap3A_906, %swap3A_907], %swap3A_910 {strides = array<i32>} : memref<256x40xf32, #tpu.memory_space<vmem>>, vector<1x16xf32>,
      %mul3A_911 = arith.mulf %broadcast_in_dim3A_876, %get3A_58 : vector<16xf32>
      %add3A_912 = arith.addf %mul3A_911, %get3A_67 : vector<16xf32>
      %mul3A_913 = arith.mulf %broadcast_in_dim3A_879, %get3A_61 : vector<16xf32>
      %add3A_914 = arith.addf %add3A_912, %mul3A_913 : vector<16xf32>
      %mul3A_915 = arith.mulf %broadcast_in_dim3A_882, %get3A_64 : vector<16xf32>
      %add3A_916 = arith.addf %add3A_914, %mul3A_915 : vector<16xf32>
      %max3A_917 = arith.maximumf %add3A_916, %broadcast_in_dim3A_68 : vector<16xf32>
      %add3A_918 = arith.constant 14 : i32
      %add3A_919 = arith.addi %mul3A_148, %add3A_918 : i32
      %swap3A_920 = arith.index_cast %add3A_919 : i32 to index
      %swap3A_921 = arith.constant 24 : index
      %swap3A_922 = tpu.vector_load %arg11[%swap3A_920, %swap3A_921] {strides = array<i32>} : memref<256x40xf32, #tpu.memory_space<vmem>>, vector<1x16xf32>,
      %swap3A_923 = vector.shape_cast %swap3A_922 : vector<1x16xf32> to vector<16xf32>
      %swap3A_924 = vector.shape_cast %max3A_917 : vector<16xf32> to vector<1x16xf32>
      tpu.vector_store %arg11[%swap3A_920, %swap3A_921], %swap3A_924 {strides = array<i32>} : memref<256x40xf32, #tpu.memory_space<vmem>>, vector<1x16xf32>,
      %slice3A_925 = vector.extract_strided_slice %get3A_153 {offsets = [15], sizes = [1], strides = [1]} : vector<16xf32> to vector<1xf32>
      %squeeze3A_926 = vector.extract %slice3A_925[0] : f32 from vector<1xf32>
      %broadcast_in_dim3A_927 = vector.broadcast %squeeze3A_926 : f32 to vector<16xf32>
      %slice3A_928 = vector.extract_strided_slice %get3A_158 {offsets = [15], sizes = [1], strides = [1]} : vector<16xf32> to vector<1xf32>
      %squeeze3A_929 = vector.extract %slice3A_928[0] : f32 from vector<1xf32>
      %broadcast_in_dim3A_930 = vector.broadcast %squeeze3A_929 : f32 to vector<16xf32>
      %slice3A_931 = vector.extract_strided_slice %get3A_163 {offsets = [15], sizes = [1], strides = [1]} : vector<16xf32> to vector<1xf32>
      %squeeze3A_932 = vector.extract %slice3A_931[0] : f32 from vector<1xf32>
      %broadcast_in_dim3A_933 = vector.broadcast %squeeze3A_932 : f32 to vector<16xf32>
      %mul3A_934 = arith.mulf %broadcast_in_dim3A_927, %get3A_34 : vector<16xf32>
      %add3A_935 = arith.addf %mul3A_934, %get3A_43 : vector<16xf32>
      %mul3A_936 = arith.mulf %broadcast_in_dim3A_930, %get3A_37 : vector<16xf32>
      %add3A_937 = arith.addf %add3A_935, %mul3A_936 : vector<16xf32>
      %mul3A_938 = arith.mulf %broadcast_in_dim3A_933, %get3A_40 : vector<16xf32>
      %add3A_939 = arith.addf %add3A_937, %mul3A_938 : vector<16xf32>
      %max3A_940 = arith.maximumf %add3A_939, %broadcast_in_dim3A_68 : vector<16xf32>
      %add3A_941 = arith.constant 15 : i32
      %add3A_942 = arith.addi %mul3A_148, %add3A_941 : i32
      %swap3A_943 = arith.index_cast %add3A_942 : i32 to index
      %swap3A_944 = arith.constant 0 : index
      %swap3A_945 = tpu.vector_load %arg11[%swap3A_943, %swap3A_944] {strides = array<i32>} : memref<256x40xf32, #tpu.memory_space<vmem>>, vector<1x16xf32>,
      %swap3A_946 = vector.shape_cast %swap3A_945 : vector<1x16xf32> to vector<16xf32>
      %swap3A_947 = vector.shape_cast %max3A_940 : vector<16xf32> to vector<1x16xf32>
      tpu.vector_store %arg11[%swap3A_943, %swap3A_944], %swap3A_947 {strides = array<i32>} : memref<256x40xf32, #tpu.memory_space<vmem>>, vector<1x16xf32>,
      %mul3A_948 = arith.mulf %broadcast_in_dim3A_927, %get3A_46 : vector<16xf32>
      %add3A_949 = arith.addf %mul3A_948, %get3A_55 : vector<16xf32>
      %mul3A_950 = arith.mulf %broadcast_in_dim3A_930, %get3A_49 : vector<16xf32>
      %add3A_951 = arith.addf %add3A_949, %mul3A_950 : vector<16xf32>
      %mul3A_952 = arith.mulf %broadcast_in_dim3A_933, %get3A_52 : vector<16xf32>
      %add3A_953 = arith.addf %add3A_951, %mul3A_952 : vector<16xf32>
      %max3A_954 = arith.maximumf %add3A_953, %broadcast_in_dim3A_68 : vector<16xf32>
      %add3A_955 = arith.constant 15 : i32
      %add3A_956 = arith.addi %mul3A_148, %add3A_955 : i32
      %swap3A_957 = arith.index_cast %add3A_956 : i32 to index
      %swap3A_958 = arith.constant 16 : index
      %swap3A_959 = tpu.vector_load %arg11[%swap3A_957, %swap3A_958] {strides = array<i32>} : memref<256x40xf32, #tpu.memory_space<vmem>>, vector<1x16xf32>,
      %swap3A_960 = vector.shape_cast %swap3A_959 : vector<1x16xf32> to vector<16xf32>
      %swap3A_961 = vector.shape_cast %max3A_954 : vector<16xf32> to vector<1x16xf32>
      tpu.vector_store %arg11[%swap3A_957, %swap3A_958], %swap3A_961 {strides = array<i32>} : memref<256x40xf32, #tpu.memory_space<vmem>>, vector<1x16xf32>,
      %mul3A_962 = arith.mulf %broadcast_in_dim3A_927, %get3A_58 : vector<16xf32>
      %add3A_963 = arith.addf %mul3A_962, %get3A_67 : vector<16xf32>
      %mul3A_964 = arith.mulf %broadcast_in_dim3A_930, %get3A_61 : vector<16xf32>
      %add3A_965 = arith.addf %add3A_963, %mul3A_964 : vector<16xf32>
      %mul3A_966 = arith.mulf %broadcast_in_dim3A_933, %get3A_64 : vector<16xf32>
      %add3A_967 = arith.addf %add3A_965, %mul3A_966 : vector<16xf32>
      %max3A_968 = arith.maximumf %add3A_967, %broadcast_in_dim3A_68 : vector<16xf32>
      %add3A_969 = arith.constant 15 : i32
      %add3A_970 = arith.addi %mul3A_148, %add3A_969 : i32
      %swap3A_971 = arith.index_cast %add3A_970 : i32 to index
      %swap3A_972 = arith.constant 24 : index
      %swap3A_973 = tpu.vector_load %arg11[%swap3A_971, %swap3A_972] {strides = array<i32>} : memref<256x40xf32, #tpu.memory_space<vmem>>, vector<1x16xf32>,
      %swap3A_974 = vector.shape_cast %swap3A_973 : vector<1x16xf32> to vector<16xf32>
      %swap3A_975 = vector.shape_cast %max3A_968 : vector<16xf32> to vector<1x16xf32>
      tpu.vector_store %arg11[%swap3A_971, %swap3A_972], %swap3A_975 {strides = array<i32>} : memref<256x40xf32, #tpu.memory_space<vmem>>, vector<1x16xf32>,
    }
    %scan3A_105 = arith.constant 16 : i32
    %add3A_106 = arith.constant 512 : i32
    %add3A_107 = arith.addi %mul3A_32, %add3A_106 : i32
    %dma_start3A_108 = arith.constant 0 : i32
    %dma_start3A_109 = tpu.memref_slice %arg6[%select_n3A, %add3A_107, %dma_start3A_108] : memref<16x2048x40xf32, #tpu.memory_space<hbm>> -> memref<1x256x40xf32, #tpu.memory_space<hbm>>
    %dma_start3A_110 = tpu.memref_squeeze %dma_start3A_109 : memref<1x256x40xf32, #tpu.memory_space<hbm>> -> memref<256x40xf32, #tpu.memory_space<hbm>>
    %dma_start3A_111 = arith.constant 0 : i32
    %dma_start3A_112 = tpu.memref_slice %arg6[%select_n3A, %add3A_107, %dma_start3A_111] : memref<16x2048x40xf32, #tpu.memory_space<hbm>> -> memref<1x256x40xf32, #tpu.memory_space<hbm>>
    %dma_start3A_113 = tpu.memref_squeeze %dma_start3A_112 : memref<1x256x40xf32, #tpu.memory_space<hbm>> -> memref<256x40xf32, #tpu.memory_space<hbm>>
    tpu.enqueue_dma source(%arg11 : memref<256x40xf32, #tpu.memory_space<vmem>>) target(%dma_start3A_113 : memref<256x40xf32, #tpu.memory_space<hbm>>) target_semaphore(%arg13 : memref<!tpu.dma_semaphore, #tpu.memory_space<semaphore_mem>>)
    %dma_wait3A_114 = arith.constant 0 : i32
    %dma_wait3A_115 = tpu.memref_slice %arg6[%select_n3A, %add3A_88, %dma_wait3A_114] : memref<16x2048x40xf32, #tpu.memory_space<hbm>> -> memref<1x256x40xf32, #tpu.memory_space<hbm>>
    %dma_wait3A_116 = tpu.memref_squeeze %dma_wait3A_115 : memref<1x256x40xf32, #tpu.memory_space<hbm>> -> memref<256x40xf32, #tpu.memory_space<hbm>>
    %dma_wait3A_117 = arith.constant 0 : i32
    %dma_wait3A_118 = tpu.memref_slice %arg6[%select_n3A, %add3A_88, %dma_wait3A_117] : memref<16x2048x40xf32, #tpu.memory_space<hbm>> -> memref<1x256x40xf32, #tpu.memory_space<hbm>>
    %dma_wait3A_119 = tpu.memref_squeeze %dma_wait3A_118 : memref<1x256x40xf32, #tpu.memory_space<hbm>> -> memref<256x40xf32, #tpu.memory_space<hbm>>
    tpu.wait_dma2 semaphore(%arg14 : memref<!tpu.dma_semaphore, #tpu.memory_space<semaphore_mem>>) src(%arg12 : memref<256x40xf32, #tpu.memory_space<vmem>>) dst(%dma_wait3A_119 : memref<256x40xf32, #tpu.memory_space<hbm>>)
    %scan3A_120 = arith.constant 0 : i32
    %scan3A_121 = arith.constant 0 : i32
    %scan3A_122 = arith.constant 16 : i32
    %scan3A_123 = arith.addi %scan3A_121, %scan3A_122 : i32
    %scan3A_124 = arith.constant 1 : i32
    scf.for %scan3A_146 = %scan3A_121 to %scan3A_123 step %scan3A_124  : i32 {
      %mul3A_147 = arith.constant 16 : i32
      %mul3A_148 = arith.muli %scan3A_146, %mul3A_147 : i32
      %add3A_149 = arith.constant 768 : i32
      %add3A_150 = arith.addi %add3A_149, %mul3A_148 : i32
      %get3A_151 = arith.index_cast %add3A_150 : i32 to index
      %get3A_152 = tpu.vector_load %arg7[%get3A_151] {strides = array<i32>} : memref<1024xf32, #tpu.memory_space<vmem>>, vector<16xf32>,
      %get3A_153 = vector.shape_cast %get3A_152 : vector<16xf32> to vector<16xf32>
      %add3A_154 = arith.constant 768 : i32
      %add3A_155 = arith.addi %add3A_154, %mul3A_148 : i32
      %get3A_156 = arith.index_cast %add3A_155 : i32 to index
      %get3A_157 = tpu.vector_load %arg8[%get3A_156] {strides = array<i32>} : memref<1024xf32, #tpu.memory_space<vmem>>, vector<16xf32>,
      %get3A_158 = vector.shape_cast %get3A_157 : vector<16xf32> to vector<16xf32>
      %add3A_159 = arith.constant 768 : i32
      %add3A_160 = arith.addi %add3A_159, %mul3A_148 : i32
      %get3A_161 = arith.index_cast %add3A_160 : i32 to index
      %get3A_162 = tpu.vector_load %arg9[%get3A_161] {strides = array<i32>} : memref<1024xf32, #tpu.memory_space<vmem>>, vector<16xf32>,
      %get3A_163 = vector.shape_cast %get3A_162 : vector<16xf32> to vector<16xf32>
      %slice3A = vector.extract_strided_slice %get3A_153 {offsets = [0], sizes = [1], strides = [1]} : vector<16xf32> to vector<1xf32>
      %squeeze3A = vector.extract %slice3A[0] : f32 from vector<1xf32>
      %broadcast_in_dim3A_164 = vector.broadcast %squeeze3A : f32 to vector<16xf32>
      %slice3A_165 = vector.extract_strided_slice %get3A_158 {offsets = [0], sizes = [1], strides = [1]} : vector<16xf32> to vector<1xf32>
      %squeeze3A_166 = vector.extract %slice3A_165[0] : f32 from vector<1xf32>
      %broadcast_in_dim3A_167 = vector.broadcast %squeeze3A_166 : f32 to vector<16xf32>
      %slice3A_168 = vector.extract_strided_slice %get3A_163 {offsets = [0], sizes = [1], strides = [1]} : vector<16xf32> to vector<1xf32>
      %squeeze3A_169 = vector.extract %slice3A_168[0] : f32 from vector<1xf32>
      %broadcast_in_dim3A_170 = vector.broadcast %squeeze3A_169 : f32 to vector<16xf32>
      %mul3A_171 = arith.mulf %broadcast_in_dim3A_164, %get3A_34 : vector<16xf32>
      %add3A_172 = arith.addf %mul3A_171, %get3A_43 : vector<16xf32>
      %mul3A_173 = arith.mulf %broadcast_in_dim3A_167, %get3A_37 : vector<16xf32>
      %add3A_174 = arith.addf %add3A_172, %mul3A_173 : vector<16xf32>
      %mul3A_175 = arith.mulf %broadcast_in_dim3A_170, %get3A_40 : vector<16xf32>
      %add3A_176 = arith.addf %add3A_174, %mul3A_175 : vector<16xf32>
      %max3A = arith.maximumf %add3A_176, %broadcast_in_dim3A_68 : vector<16xf32>
      %add3A_177 = arith.constant 0 : i32
      %add3A_178 = arith.addi %mul3A_148, %add3A_177 : i32
      %swap3A = arith.index_cast %add3A_178 : i32 to index
      %swap3A_179 = arith.constant 0 : index
      %swap3A_180 = tpu.vector_load %arg12[%swap3A, %swap3A_179] {strides = array<i32>} : memref<256x40xf32, #tpu.memory_space<vmem>>, vector<1x16xf32>,
      %swap3A_181 = vector.shape_cast %swap3A_180 : vector<1x16xf32> to vector<16xf32>
      %swap3A_182 = vector.shape_cast %max3A : vector<16xf32> to vector<1x16xf32>
      tpu.vector_store %arg12[%swap3A, %swap3A_179], %swap3A_182 {strides = array<i32>} : memref<256x40xf32, #tpu.memory_space<vmem>>, vector<1x16xf32>,
      %mul3A_183 = arith.mulf %broadcast_in_dim3A_164, %get3A_46 : vector<16xf32>
      %add3A_184 = arith.addf %mul3A_183, %get3A_55 : vector<16xf32>
      %mul3A_185 = arith.mulf %broadcast_in_dim3A_167, %get3A_49 : vector<16xf32>
      %add3A_186 = arith.addf %add3A_184, %mul3A_185 : vector<16xf32>
      %mul3A_187 = arith.mulf %broadcast_in_dim3A_170, %get3A_52 : vector<16xf32>
      %add3A_188 = arith.addf %add3A_186, %mul3A_187 : vector<16xf32>
      %max3A_189 = arith.maximumf %add3A_188, %broadcast_in_dim3A_68 : vector<16xf32>
      %add3A_190 = arith.constant 0 : i32
      %add3A_191 = arith.addi %mul3A_148, %add3A_190 : i32
      %swap3A_192 = arith.index_cast %add3A_191 : i32 to index
      %swap3A_193 = arith.constant 16 : index
      %swap3A_194 = tpu.vector_load %arg12[%swap3A_192, %swap3A_193] {strides = array<i32>} : memref<256x40xf32, #tpu.memory_space<vmem>>, vector<1x16xf32>,
      %swap3A_195 = vector.shape_cast %swap3A_194 : vector<1x16xf32> to vector<16xf32>
      %swap3A_196 = vector.shape_cast %max3A_189 : vector<16xf32> to vector<1x16xf32>
      tpu.vector_store %arg12[%swap3A_192, %swap3A_193], %swap3A_196 {strides = array<i32>} : memref<256x40xf32, #tpu.memory_space<vmem>>, vector<1x16xf32>,
      %mul3A_197 = arith.mulf %broadcast_in_dim3A_164, %get3A_58 : vector<16xf32>
      %add3A_198 = arith.addf %mul3A_197, %get3A_67 : vector<16xf32>
      %mul3A_199 = arith.mulf %broadcast_in_dim3A_167, %get3A_61 : vector<16xf32>
      %add3A_200 = arith.addf %add3A_198, %mul3A_199 : vector<16xf32>
      %mul3A_201 = arith.mulf %broadcast_in_dim3A_170, %get3A_64 : vector<16xf32>
      %add3A_202 = arith.addf %add3A_200, %mul3A_201 : vector<16xf32>
      %max3A_203 = arith.maximumf %add3A_202, %broadcast_in_dim3A_68 : vector<16xf32>
      %add3A_204 = arith.constant 0 : i32
      %add3A_205 = arith.addi %mul3A_148, %add3A_204 : i32
      %swap3A_206 = arith.index_cast %add3A_205 : i32 to index
      %swap3A_207 = arith.constant 24 : index
      %swap3A_208 = tpu.vector_load %arg12[%swap3A_206, %swap3A_207] {strides = array<i32>} : memref<256x40xf32, #tpu.memory_space<vmem>>, vector<1x16xf32>,
      %swap3A_209 = vector.shape_cast %swap3A_208 : vector<1x16xf32> to vector<16xf32>
      %swap3A_210 = vector.shape_cast %max3A_203 : vector<16xf32> to vector<1x16xf32>
      tpu.vector_store %arg12[%swap3A_206, %swap3A_207], %swap3A_210 {strides = array<i32>} : memref<256x40xf32, #tpu.memory_space<vmem>>, vector<1x16xf32>,
      %slice3A_211 = vector.extract_strided_slice %get3A_153 {offsets = [1], sizes = [1], strides = [1]} : vector<16xf32> to vector<1xf32>
      %squeeze3A_212 = vector.extract %slice3A_211[0] : f32 from vector<1xf32>
      %broadcast_in_dim3A_213 = vector.broadcast %squeeze3A_212 : f32 to vector<16xf32>
      %slice3A_214 = vector.extract_strided_slice %get3A_158 {offsets = [1], sizes = [1], strides = [1]} : vector<16xf32> to vector<1xf32>
      %squeeze3A_215 = vector.extract %slice3A_214[0] : f32 from vector<1xf32>
      %broadcast_in_dim3A_216 = vector.broadcast %squeeze3A_215 : f32 to vector<16xf32>
      %slice3A_217 = vector.extract_strided_slice %get3A_163 {offsets = [1], sizes = [1], strides = [1]} : vector<16xf32> to vector<1xf32>
      %squeeze3A_218 = vector.extract %slice3A_217[0] : f32 from vector<1xf32>
      %broadcast_in_dim3A_219 = vector.broadcast %squeeze3A_218 : f32 to vector<16xf32>
      %mul3A_220 = arith.mulf %broadcast_in_dim3A_213, %get3A_34 : vector<16xf32>
      %add3A_221 = arith.addf %mul3A_220, %get3A_43 : vector<16xf32>
      %mul3A_222 = arith.mulf %broadcast_in_dim3A_216, %get3A_37 : vector<16xf32>
      %add3A_223 = arith.addf %add3A_221, %mul3A_222 : vector<16xf32>
      %mul3A_224 = arith.mulf %broadcast_in_dim3A_219, %get3A_40 : vector<16xf32>
      %add3A_225 = arith.addf %add3A_223, %mul3A_224 : vector<16xf32>
      %max3A_226 = arith.maximumf %add3A_225, %broadcast_in_dim3A_68 : vector<16xf32>
      %add3A_227 = arith.constant 1 : i32
      %add3A_228 = arith.addi %mul3A_148, %add3A_227 : i32
      %swap3A_229 = arith.index_cast %add3A_228 : i32 to index
      %swap3A_230 = arith.constant 0 : index
      %swap3A_231 = tpu.vector_load %arg12[%swap3A_229, %swap3A_230] {strides = array<i32>} : memref<256x40xf32, #tpu.memory_space<vmem>>, vector<1x16xf32>,
      %swap3A_232 = vector.shape_cast %swap3A_231 : vector<1x16xf32> to vector<16xf32>
      %swap3A_233 = vector.shape_cast %max3A_226 : vector<16xf32> to vector<1x16xf32>
      tpu.vector_store %arg12[%swap3A_229, %swap3A_230], %swap3A_233 {strides = array<i32>} : memref<256x40xf32, #tpu.memory_space<vmem>>, vector<1x16xf32>,
      %mul3A_234 = arith.mulf %broadcast_in_dim3A_213, %get3A_46 : vector<16xf32>
      %add3A_235 = arith.addf %mul3A_234, %get3A_55 : vector<16xf32>
      %mul3A_236 = arith.mulf %broadcast_in_dim3A_216, %get3A_49 : vector<16xf32>
      %add3A_237 = arith.addf %add3A_235, %mul3A_236 : vector<16xf32>
      %mul3A_238 = arith.mulf %broadcast_in_dim3A_219, %get3A_52 : vector<16xf32>
      %add3A_239 = arith.addf %add3A_237, %mul3A_238 : vector<16xf32>
      %max3A_240 = arith.maximumf %add3A_239, %broadcast_in_dim3A_68 : vector<16xf32>
      %add3A_241 = arith.constant 1 : i32
      %add3A_242 = arith.addi %mul3A_148, %add3A_241 : i32
      %swap3A_243 = arith.index_cast %add3A_242 : i32 to index
      %swap3A_244 = arith.constant 16 : index
      %swap3A_245 = tpu.vector_load %arg12[%swap3A_243, %swap3A_244] {strides = array<i32>} : memref<256x40xf32, #tpu.memory_space<vmem>>, vector<1x16xf32>,
      %swap3A_246 = vector.shape_cast %swap3A_245 : vector<1x16xf32> to vector<16xf32>
      %swap3A_247 = vector.shape_cast %max3A_240 : vector<16xf32> to vector<1x16xf32>
      tpu.vector_store %arg12[%swap3A_243, %swap3A_244], %swap3A_247 {strides = array<i32>} : memref<256x40xf32, #tpu.memory_space<vmem>>, vector<1x16xf32>,
      %mul3A_248 = arith.mulf %broadcast_in_dim3A_213, %get3A_58 : vector<16xf32>
      %add3A_249 = arith.addf %mul3A_248, %get3A_67 : vector<16xf32>
      %mul3A_250 = arith.mulf %broadcast_in_dim3A_216, %get3A_61 : vector<16xf32>
      %add3A_251 = arith.addf %add3A_249, %mul3A_250 : vector<16xf32>
      %mul3A_252 = arith.mulf %broadcast_in_dim3A_219, %get3A_64 : vector<16xf32>
      %add3A_253 = arith.addf %add3A_251, %mul3A_252 : vector<16xf32>
      %max3A_254 = arith.maximumf %add3A_253, %broadcast_in_dim3A_68 : vector<16xf32>
      %add3A_255 = arith.constant 1 : i32
      %add3A_256 = arith.addi %mul3A_148, %add3A_255 : i32
      %swap3A_257 = arith.index_cast %add3A_256 : i32 to index
      %swap3A_258 = arith.constant 24 : index
      %swap3A_259 = tpu.vector_load %arg12[%swap3A_257, %swap3A_258] {strides = array<i32>} : memref<256x40xf32, #tpu.memory_space<vmem>>, vector<1x16xf32>,
      %swap3A_260 = vector.shape_cast %swap3A_259 : vector<1x16xf32> to vector<16xf32>
      %swap3A_261 = vector.shape_cast %max3A_254 : vector<16xf32> to vector<1x16xf32>
      tpu.vector_store %arg12[%swap3A_257, %swap3A_258], %swap3A_261 {strides = array<i32>} : memref<256x40xf32, #tpu.memory_space<vmem>>, vector<1x16xf32>,
      %slice3A_262 = vector.extract_strided_slice %get3A_153 {offsets = [2], sizes = [1], strides = [1]} : vector<16xf32> to vector<1xf32>
      %squeeze3A_263 = vector.extract %slice3A_262[0] : f32 from vector<1xf32>
      %broadcast_in_dim3A_264 = vector.broadcast %squeeze3A_263 : f32 to vector<16xf32>
      %slice3A_265 = vector.extract_strided_slice %get3A_158 {offsets = [2], sizes = [1], strides = [1]} : vector<16xf32> to vector<1xf32>
      %squeeze3A_266 = vector.extract %slice3A_265[0] : f32 from vector<1xf32>
      %broadcast_in_dim3A_267 = vector.broadcast %squeeze3A_266 : f32 to vector<16xf32>
      %slice3A_268 = vector.extract_strided_slice %get3A_163 {offsets = [2], sizes = [1], strides = [1]} : vector<16xf32> to vector<1xf32>
      %squeeze3A_269 = vector.extract %slice3A_268[0] : f32 from vector<1xf32>
      %broadcast_in_dim3A_270 = vector.broadcast %squeeze3A_269 : f32 to vector<16xf32>
      %mul3A_271 = arith.mulf %broadcast_in_dim3A_264, %get3A_34 : vector<16xf32>
      %add3A_272 = arith.addf %mul3A_271, %get3A_43 : vector<16xf32>
      %mul3A_273 = arith.mulf %broadcast_in_dim3A_267, %get3A_37 : vector<16xf32>
      %add3A_274 = arith.addf %add3A_272, %mul3A_273 : vector<16xf32>
      %mul3A_275 = arith.mulf %broadcast_in_dim3A_270, %get3A_40 : vector<16xf32>
      %add3A_276 = arith.addf %add3A_274, %mul3A_275 : vector<16xf32>
      %max3A_277 = arith.maximumf %add3A_276, %broadcast_in_dim3A_68 : vector<16xf32>
      %add3A_278 = arith.constant 2 : i32
      %add3A_279 = arith.addi %mul3A_148, %add3A_278 : i32
      %swap3A_280 = arith.index_cast %add3A_279 : i32 to index
      %swap3A_281 = arith.constant 0 : index
      %swap3A_282 = tpu.vector_load %arg12[%swap3A_280, %swap3A_281] {strides = array<i32>} : memref<256x40xf32, #tpu.memory_space<vmem>>, vector<1x16xf32>,
      %swap3A_283 = vector.shape_cast %swap3A_282 : vector<1x16xf32> to vector<16xf32>
      %swap3A_284 = vector.shape_cast %max3A_277 : vector<16xf32> to vector<1x16xf32>
      tpu.vector_store %arg12[%swap3A_280, %swap3A_281], %swap3A_284 {strides = array<i32>} : memref<256x40xf32, #tpu.memory_space<vmem>>, vector<1x16xf32>,
      %mul3A_285 = arith.mulf %broadcast_in_dim3A_264, %get3A_46 : vector<16xf32>
      %add3A_286 = arith.addf %mul3A_285, %get3A_55 : vector<16xf32>
      %mul3A_287 = arith.mulf %broadcast_in_dim3A_267, %get3A_49 : vector<16xf32>
      %add3A_288 = arith.addf %add3A_286, %mul3A_287 : vector<16xf32>
      %mul3A_289 = arith.mulf %broadcast_in_dim3A_270, %get3A_52 : vector<16xf32>
      %add3A_290 = arith.addf %add3A_288, %mul3A_289 : vector<16xf32>
      %max3A_291 = arith.maximumf %add3A_290, %broadcast_in_dim3A_68 : vector<16xf32>
      %add3A_292 = arith.constant 2 : i32
      %add3A_293 = arith.addi %mul3A_148, %add3A_292 : i32
      %swap3A_294 = arith.index_cast %add3A_293 : i32 to index
      %swap3A_295 = arith.constant 16 : index
      %swap3A_296 = tpu.vector_load %arg12[%swap3A_294, %swap3A_295] {strides = array<i32>} : memref<256x40xf32, #tpu.memory_space<vmem>>, vector<1x16xf32>,
      %swap3A_297 = vector.shape_cast %swap3A_296 : vector<1x16xf32> to vector<16xf32>
      %swap3A_298 = vector.shape_cast %max3A_291 : vector<16xf32> to vector<1x16xf32>
      tpu.vector_store %arg12[%swap3A_294, %swap3A_295], %swap3A_298 {strides = array<i32>} : memref<256x40xf32, #tpu.memory_space<vmem>>, vector<1x16xf32>,
      %mul3A_299 = arith.mulf %broadcast_in_dim3A_264, %get3A_58 : vector<16xf32>
      %add3A_300 = arith.addf %mul3A_299, %get3A_67 : vector<16xf32>
      %mul3A_301 = arith.mulf %broadcast_in_dim3A_267, %get3A_61 : vector<16xf32>
      %add3A_302 = arith.addf %add3A_300, %mul3A_301 : vector<16xf32>
      %mul3A_303 = arith.mulf %broadcast_in_dim3A_270, %get3A_64 : vector<16xf32>
      %add3A_304 = arith.addf %add3A_302, %mul3A_303 : vector<16xf32>
      %max3A_305 = arith.maximumf %add3A_304, %broadcast_in_dim3A_68 : vector<16xf32>
      %add3A_306 = arith.constant 2 : i32
      %add3A_307 = arith.addi %mul3A_148, %add3A_306 : i32
      %swap3A_308 = arith.index_cast %add3A_307 : i32 to index
      %swap3A_309 = arith.constant 24 : index
      %swap3A_310 = tpu.vector_load %arg12[%swap3A_308, %swap3A_309] {strides = array<i32>} : memref<256x40xf32, #tpu.memory_space<vmem>>, vector<1x16xf32>,
      %swap3A_311 = vector.shape_cast %swap3A_310 : vector<1x16xf32> to vector<16xf32>
      %swap3A_312 = vector.shape_cast %max3A_305 : vector<16xf32> to vector<1x16xf32>
      tpu.vector_store %arg12[%swap3A_308, %swap3A_309], %swap3A_312 {strides = array<i32>} : memref<256x40xf32, #tpu.memory_space<vmem>>, vector<1x16xf32>,
      %slice3A_313 = vector.extract_strided_slice %get3A_153 {offsets = [3], sizes = [1], strides = [1]} : vector<16xf32> to vector<1xf32>
      %squeeze3A_314 = vector.extract %slice3A_313[0] : f32 from vector<1xf32>
      %broadcast_in_dim3A_315 = vector.broadcast %squeeze3A_314 : f32 to vector<16xf32>
      %slice3A_316 = vector.extract_strided_slice %get3A_158 {offsets = [3], sizes = [1], strides = [1]} : vector<16xf32> to vector<1xf32>
      %squeeze3A_317 = vector.extract %slice3A_316[0] : f32 from vector<1xf32>
      %broadcast_in_dim3A_318 = vector.broadcast %squeeze3A_317 : f32 to vector<16xf32>
      %slice3A_319 = vector.extract_strided_slice %get3A_163 {offsets = [3], sizes = [1], strides = [1]} : vector<16xf32> to vector<1xf32>
      %squeeze3A_320 = vector.extract %slice3A_319[0] : f32 from vector<1xf32>
      %broadcast_in_dim3A_321 = vector.broadcast %squeeze3A_320 : f32 to vector<16xf32>
      %mul3A_322 = arith.mulf %broadcast_in_dim3A_315, %get3A_34 : vector<16xf32>
      %add3A_323 = arith.addf %mul3A_322, %get3A_43 : vector<16xf32>
      %mul3A_324 = arith.mulf %broadcast_in_dim3A_318, %get3A_37 : vector<16xf32>
      %add3A_325 = arith.addf %add3A_323, %mul3A_324 : vector<16xf32>
      %mul3A_326 = arith.mulf %broadcast_in_dim3A_321, %get3A_40 : vector<16xf32>
      %add3A_327 = arith.addf %add3A_325, %mul3A_326 : vector<16xf32>
      %max3A_328 = arith.maximumf %add3A_327, %broadcast_in_dim3A_68 : vector<16xf32>
      %add3A_329 = arith.constant 3 : i32
      %add3A_330 = arith.addi %mul3A_148, %add3A_329 : i32
      %swap3A_331 = arith.index_cast %add3A_330 : i32 to index
      %swap3A_332 = arith.constant 0 : index
      %swap3A_333 = tpu.vector_load %arg12[%swap3A_331, %swap3A_332] {strides = array<i32>} : memref<256x40xf32, #tpu.memory_space<vmem>>, vector<1x16xf32>,
      %swap3A_334 = vector.shape_cast %swap3A_333 : vector<1x16xf32> to vector<16xf32>
      %swap3A_335 = vector.shape_cast %max3A_328 : vector<16xf32> to vector<1x16xf32>
      tpu.vector_store %arg12[%swap3A_331, %swap3A_332], %swap3A_335 {strides = array<i32>} : memref<256x40xf32, #tpu.memory_space<vmem>>, vector<1x16xf32>,
      %mul3A_336 = arith.mulf %broadcast_in_dim3A_315, %get3A_46 : vector<16xf32>
      %add3A_337 = arith.addf %mul3A_336, %get3A_55 : vector<16xf32>
      %mul3A_338 = arith.mulf %broadcast_in_dim3A_318, %get3A_49 : vector<16xf32>
      %add3A_339 = arith.addf %add3A_337, %mul3A_338 : vector<16xf32>
      %mul3A_340 = arith.mulf %broadcast_in_dim3A_321, %get3A_52 : vector<16xf32>
      %add3A_341 = arith.addf %add3A_339, %mul3A_340 : vector<16xf32>
      %max3A_342 = arith.maximumf %add3A_341, %broadcast_in_dim3A_68 : vector<16xf32>
      %add3A_343 = arith.constant 3 : i32
      %add3A_344 = arith.addi %mul3A_148, %add3A_343 : i32
      %swap3A_345 = arith.index_cast %add3A_344 : i32 to index
      %swap3A_346 = arith.constant 16 : index
      %swap3A_347 = tpu.vector_load %arg12[%swap3A_345, %swap3A_346] {strides = array<i32>} : memref<256x40xf32, #tpu.memory_space<vmem>>, vector<1x16xf32>,
      %swap3A_348 = vector.shape_cast %swap3A_347 : vector<1x16xf32> to vector<16xf32>
      %swap3A_349 = vector.shape_cast %max3A_342 : vector<16xf32> to vector<1x16xf32>
      tpu.vector_store %arg12[%swap3A_345, %swap3A_346], %swap3A_349 {strides = array<i32>} : memref<256x40xf32, #tpu.memory_space<vmem>>, vector<1x16xf32>,
      %mul3A_350 = arith.mulf %broadcast_in_dim3A_315, %get3A_58 : vector<16xf32>
      %add3A_351 = arith.addf %mul3A_350, %get3A_67 : vector<16xf32>
      %mul3A_352 = arith.mulf %broadcast_in_dim3A_318, %get3A_61 : vector<16xf32>
      %add3A_353 = arith.addf %add3A_351, %mul3A_352 : vector<16xf32>
      %mul3A_354 = arith.mulf %broadcast_in_dim3A_321, %get3A_64 : vector<16xf32>
      %add3A_355 = arith.addf %add3A_353, %mul3A_354 : vector<16xf32>
      %max3A_356 = arith.maximumf %add3A_355, %broadcast_in_dim3A_68 : vector<16xf32>
      %add3A_357 = arith.constant 3 : i32
      %add3A_358 = arith.addi %mul3A_148, %add3A_357 : i32
      %swap3A_359 = arith.index_cast %add3A_358 : i32 to index
      %swap3A_360 = arith.constant 24 : index
      %swap3A_361 = tpu.vector_load %arg12[%swap3A_359, %swap3A_360] {strides = array<i32>} : memref<256x40xf32, #tpu.memory_space<vmem>>, vector<1x16xf32>,
      %swap3A_362 = vector.shape_cast %swap3A_361 : vector<1x16xf32> to vector<16xf32>
      %swap3A_363 = vector.shape_cast %max3A_356 : vector<16xf32> to vector<1x16xf32>
      tpu.vector_store %arg12[%swap3A_359, %swap3A_360], %swap3A_363 {strides = array<i32>} : memref<256x40xf32, #tpu.memory_space<vmem>>, vector<1x16xf32>,
      %slice3A_364 = vector.extract_strided_slice %get3A_153 {offsets = [4], sizes = [1], strides = [1]} : vector<16xf32> to vector<1xf32>
      %squeeze3A_365 = vector.extract %slice3A_364[0] : f32 from vector<1xf32>
      %broadcast_in_dim3A_366 = vector.broadcast %squeeze3A_365 : f32 to vector<16xf32>
      %slice3A_367 = vector.extract_strided_slice %get3A_158 {offsets = [4], sizes = [1], strides = [1]} : vector<16xf32> to vector<1xf32>
      %squeeze3A_368 = vector.extract %slice3A_367[0] : f32 from vector<1xf32>
      %broadcast_in_dim3A_369 = vector.broadcast %squeeze3A_368 : f32 to vector<16xf32>
      %slice3A_370 = vector.extract_strided_slice %get3A_163 {offsets = [4], sizes = [1], strides = [1]} : vector<16xf32> to vector<1xf32>
      %squeeze3A_371 = vector.extract %slice3A_370[0] : f32 from vector<1xf32>
      %broadcast_in_dim3A_372 = vector.broadcast %squeeze3A_371 : f32 to vector<16xf32>
      %mul3A_373 = arith.mulf %broadcast_in_dim3A_366, %get3A_34 : vector<16xf32>
      %add3A_374 = arith.addf %mul3A_373, %get3A_43 : vector<16xf32>
      %mul3A_375 = arith.mulf %broadcast_in_dim3A_369, %get3A_37 : vector<16xf32>
      %add3A_376 = arith.addf %add3A_374, %mul3A_375 : vector<16xf32>
      %mul3A_377 = arith.mulf %broadcast_in_dim3A_372, %get3A_40 : vector<16xf32>
      %add3A_378 = arith.addf %add3A_376, %mul3A_377 : vector<16xf32>
      %max3A_379 = arith.maximumf %add3A_378, %broadcast_in_dim3A_68 : vector<16xf32>
      %add3A_380 = arith.constant 4 : i32
      %add3A_381 = arith.addi %mul3A_148, %add3A_380 : i32
      %swap3A_382 = arith.index_cast %add3A_381 : i32 to index
      %swap3A_383 = arith.constant 0 : index
      %swap3A_384 = tpu.vector_load %arg12[%swap3A_382, %swap3A_383] {strides = array<i32>} : memref<256x40xf32, #tpu.memory_space<vmem>>, vector<1x16xf32>,
      %swap3A_385 = vector.shape_cast %swap3A_384 : vector<1x16xf32> to vector<16xf32>
      %swap3A_386 = vector.shape_cast %max3A_379 : vector<16xf32> to vector<1x16xf32>
      tpu.vector_store %arg12[%swap3A_382, %swap3A_383], %swap3A_386 {strides = array<i32>} : memref<256x40xf32, #tpu.memory_space<vmem>>, vector<1x16xf32>,
      %mul3A_387 = arith.mulf %broadcast_in_dim3A_366, %get3A_46 : vector<16xf32>
      %add3A_388 = arith.addf %mul3A_387, %get3A_55 : vector<16xf32>
      %mul3A_389 = arith.mulf %broadcast_in_dim3A_369, %get3A_49 : vector<16xf32>
      %add3A_390 = arith.addf %add3A_388, %mul3A_389 : vector<16xf32>
      %mul3A_391 = arith.mulf %broadcast_in_dim3A_372, %get3A_52 : vector<16xf32>
      %add3A_392 = arith.addf %add3A_390, %mul3A_391 : vector<16xf32>
      %max3A_393 = arith.maximumf %add3A_392, %broadcast_in_dim3A_68 : vector<16xf32>
      %add3A_394 = arith.constant 4 : i32
      %add3A_395 = arith.addi %mul3A_148, %add3A_394 : i32
      %swap3A_396 = arith.index_cast %add3A_395 : i32 to index
      %swap3A_397 = arith.constant 16 : index
      %swap3A_398 = tpu.vector_load %arg12[%swap3A_396, %swap3A_397] {strides = array<i32>} : memref<256x40xf32, #tpu.memory_space<vmem>>, vector<1x16xf32>,
      %swap3A_399 = vector.shape_cast %swap3A_398 : vector<1x16xf32> to vector<16xf32>
      %swap3A_400 = vector.shape_cast %max3A_393 : vector<16xf32> to vector<1x16xf32>
      tpu.vector_store %arg12[%swap3A_396, %swap3A_397], %swap3A_400 {strides = array<i32>} : memref<256x40xf32, #tpu.memory_space<vmem>>, vector<1x16xf32>,
      %mul3A_401 = arith.mulf %broadcast_in_dim3A_366, %get3A_58 : vector<16xf32>
      %add3A_402 = arith.addf %mul3A_401, %get3A_67 : vector<16xf32>
      %mul3A_403 = arith.mulf %broadcast_in_dim3A_369, %get3A_61 : vector<16xf32>
      %add3A_404 = arith.addf %add3A_402, %mul3A_403 : vector<16xf32>
      %mul3A_405 = arith.mulf %broadcast_in_dim3A_372, %get3A_64 : vector<16xf32>
      %add3A_406 = arith.addf %add3A_404, %mul3A_405 : vector<16xf32>
      %max3A_407 = arith.maximumf %add3A_406, %broadcast_in_dim3A_68 : vector<16xf32>
      %add3A_408 = arith.constant 4 : i32
      %add3A_409 = arith.addi %mul3A_148, %add3A_408 : i32
      %swap3A_410 = arith.index_cast %add3A_409 : i32 to index
      %swap3A_411 = arith.constant 24 : index
      %swap3A_412 = tpu.vector_load %arg12[%swap3A_410, %swap3A_411] {strides = array<i32>} : memref<256x40xf32, #tpu.memory_space<vmem>>, vector<1x16xf32>,
      %swap3A_413 = vector.shape_cast %swap3A_412 : vector<1x16xf32> to vector<16xf32>
      %swap3A_414 = vector.shape_cast %max3A_407 : vector<16xf32> to vector<1x16xf32>
      tpu.vector_store %arg12[%swap3A_410, %swap3A_411], %swap3A_414 {strides = array<i32>} : memref<256x40xf32, #tpu.memory_space<vmem>>, vector<1x16xf32>,
      %slice3A_415 = vector.extract_strided_slice %get3A_153 {offsets = [5], sizes = [1], strides = [1]} : vector<16xf32> to vector<1xf32>
      %squeeze3A_416 = vector.extract %slice3A_415[0] : f32 from vector<1xf32>
      %broadcast_in_dim3A_417 = vector.broadcast %squeeze3A_416 : f32 to vector<16xf32>
      %slice3A_418 = vector.extract_strided_slice %get3A_158 {offsets = [5], sizes = [1], strides = [1]} : vector<16xf32> to vector<1xf32>
      %squeeze3A_419 = vector.extract %slice3A_418[0] : f32 from vector<1xf32>
      %broadcast_in_dim3A_420 = vector.broadcast %squeeze3A_419 : f32 to vector<16xf32>
      %slice3A_421 = vector.extract_strided_slice %get3A_163 {offsets = [5], sizes = [1], strides = [1]} : vector<16xf32> to vector<1xf32>
      %squeeze3A_422 = vector.extract %slice3A_421[0] : f32 from vector<1xf32>
      %broadcast_in_dim3A_423 = vector.broadcast %squeeze3A_422 : f32 to vector<16xf32>
      %mul3A_424 = arith.mulf %broadcast_in_dim3A_417, %get3A_34 : vector<16xf32>
      %add3A_425 = arith.addf %mul3A_424, %get3A_43 : vector<16xf32>
      %mul3A_426 = arith.mulf %broadcast_in_dim3A_420, %get3A_37 : vector<16xf32>
      %add3A_427 = arith.addf %add3A_425, %mul3A_426 : vector<16xf32>
      %mul3A_428 = arith.mulf %broadcast_in_dim3A_423, %get3A_40 : vector<16xf32>
      %add3A_429 = arith.addf %add3A_427, %mul3A_428 : vector<16xf32>
      %max3A_430 = arith.maximumf %add3A_429, %broadcast_in_dim3A_68 : vector<16xf32>
      %add3A_431 = arith.constant 5 : i32
      %add3A_432 = arith.addi %mul3A_148, %add3A_431 : i32
      %swap3A_433 = arith.index_cast %add3A_432 : i32 to index
      %swap3A_434 = arith.constant 0 : index
      %swap3A_435 = tpu.vector_load %arg12[%swap3A_433, %swap3A_434] {strides = array<i32>} : memref<256x40xf32, #tpu.memory_space<vmem>>, vector<1x16xf32>,
      %swap3A_436 = vector.shape_cast %swap3A_435 : vector<1x16xf32> to vector<16xf32>
      %swap3A_437 = vector.shape_cast %max3A_430 : vector<16xf32> to vector<1x16xf32>
      tpu.vector_store %arg12[%swap3A_433, %swap3A_434], %swap3A_437 {strides = array<i32>} : memref<256x40xf32, #tpu.memory_space<vmem>>, vector<1x16xf32>,
      %mul3A_438 = arith.mulf %broadcast_in_dim3A_417, %get3A_46 : vector<16xf32>
      %add3A_439 = arith.addf %mul3A_438, %get3A_55 : vector<16xf32>
      %mul3A_440 = arith.mulf %broadcast_in_dim3A_420, %get3A_49 : vector<16xf32>
      %add3A_441 = arith.addf %add3A_439, %mul3A_440 : vector<16xf32>
      %mul3A_442 = arith.mulf %broadcast_in_dim3A_423, %get3A_52 : vector<16xf32>
      %add3A_443 = arith.addf %add3A_441, %mul3A_442 : vector<16xf32>
      %max3A_444 = arith.maximumf %add3A_443, %broadcast_in_dim3A_68 : vector<16xf32>
      %add3A_445 = arith.constant 5 : i32
      %add3A_446 = arith.addi %mul3A_148, %add3A_445 : i32
      %swap3A_447 = arith.index_cast %add3A_446 : i32 to index
      %swap3A_448 = arith.constant 16 : index
      %swap3A_449 = tpu.vector_load %arg12[%swap3A_447, %swap3A_448] {strides = array<i32>} : memref<256x40xf32, #tpu.memory_space<vmem>>, vector<1x16xf32>,
      %swap3A_450 = vector.shape_cast %swap3A_449 : vector<1x16xf32> to vector<16xf32>
      %swap3A_451 = vector.shape_cast %max3A_444 : vector<16xf32> to vector<1x16xf32>
      tpu.vector_store %arg12[%swap3A_447, %swap3A_448], %swap3A_451 {strides = array<i32>} : memref<256x40xf32, #tpu.memory_space<vmem>>, vector<1x16xf32>,
      %mul3A_452 = arith.mulf %broadcast_in_dim3A_417, %get3A_58 : vector<16xf32>
      %add3A_453 = arith.addf %mul3A_452, %get3A_67 : vector<16xf32>
      %mul3A_454 = arith.mulf %broadcast_in_dim3A_420, %get3A_61 : vector<16xf32>
      %add3A_455 = arith.addf %add3A_453, %mul3A_454 : vector<16xf32>
      %mul3A_456 = arith.mulf %broadcast_in_dim3A_423, %get3A_64 : vector<16xf32>
      %add3A_457 = arith.addf %add3A_455, %mul3A_456 : vector<16xf32>
      %max3A_458 = arith.maximumf %add3A_457, %broadcast_in_dim3A_68 : vector<16xf32>
      %add3A_459 = arith.constant 5 : i32
      %add3A_460 = arith.addi %mul3A_148, %add3A_459 : i32
      %swap3A_461 = arith.index_cast %add3A_460 : i32 to index
      %swap3A_462 = arith.constant 24 : index
      %swap3A_463 = tpu.vector_load %arg12[%swap3A_461, %swap3A_462] {strides = array<i32>} : memref<256x40xf32, #tpu.memory_space<vmem>>, vector<1x16xf32>,
      %swap3A_464 = vector.shape_cast %swap3A_463 : vector<1x16xf32> to vector<16xf32>
      %swap3A_465 = vector.shape_cast %max3A_458 : vector<16xf32> to vector<1x16xf32>
      tpu.vector_store %arg12[%swap3A_461, %swap3A_462], %swap3A_465 {strides = array<i32>} : memref<256x40xf32, #tpu.memory_space<vmem>>, vector<1x16xf32>,
      %slice3A_466 = vector.extract_strided_slice %get3A_153 {offsets = [6], sizes = [1], strides = [1]} : vector<16xf32> to vector<1xf32>
      %squeeze3A_467 = vector.extract %slice3A_466[0] : f32 from vector<1xf32>
      %broadcast_in_dim3A_468 = vector.broadcast %squeeze3A_467 : f32 to vector<16xf32>
      %slice3A_469 = vector.extract_strided_slice %get3A_158 {offsets = [6], sizes = [1], strides = [1]} : vector<16xf32> to vector<1xf32>
      %squeeze3A_470 = vector.extract %slice3A_469[0] : f32 from vector<1xf32>
      %broadcast_in_dim3A_471 = vector.broadcast %squeeze3A_470 : f32 to vector<16xf32>
      %slice3A_472 = vector.extract_strided_slice %get3A_163 {offsets = [6], sizes = [1], strides = [1]} : vector<16xf32> to vector<1xf32>
      %squeeze3A_473 = vector.extract %slice3A_472[0] : f32 from vector<1xf32>
      %broadcast_in_dim3A_474 = vector.broadcast %squeeze3A_473 : f32 to vector<16xf32>
      %mul3A_475 = arith.mulf %broadcast_in_dim3A_468, %get3A_34 : vector<16xf32>
      %add3A_476 = arith.addf %mul3A_475, %get3A_43 : vector<16xf32>
      %mul3A_477 = arith.mulf %broadcast_in_dim3A_471, %get3A_37 : vector<16xf32>
      %add3A_478 = arith.addf %add3A_476, %mul3A_477 : vector<16xf32>
      %mul3A_479 = arith.mulf %broadcast_in_dim3A_474, %get3A_40 : vector<16xf32>
      %add3A_480 = arith.addf %add3A_478, %mul3A_479 : vector<16xf32>
      %max3A_481 = arith.maximumf %add3A_480, %broadcast_in_dim3A_68 : vector<16xf32>
      %add3A_482 = arith.constant 6 : i32
      %add3A_483 = arith.addi %mul3A_148, %add3A_482 : i32
      %swap3A_484 = arith.index_cast %add3A_483 : i32 to index
      %swap3A_485 = arith.constant 0 : index
      %swap3A_486 = tpu.vector_load %arg12[%swap3A_484, %swap3A_485] {strides = array<i32>} : memref<256x40xf32, #tpu.memory_space<vmem>>, vector<1x16xf32>,
      %swap3A_487 = vector.shape_cast %swap3A_486 : vector<1x16xf32> to vector<16xf32>
      %swap3A_488 = vector.shape_cast %max3A_481 : vector<16xf32> to vector<1x16xf32>
      tpu.vector_store %arg12[%swap3A_484, %swap3A_485], %swap3A_488 {strides = array<i32>} : memref<256x40xf32, #tpu.memory_space<vmem>>, vector<1x16xf32>,
      %mul3A_489 = arith.mulf %broadcast_in_dim3A_468, %get3A_46 : vector<16xf32>
      %add3A_490 = arith.addf %mul3A_489, %get3A_55 : vector<16xf32>
      %mul3A_491 = arith.mulf %broadcast_in_dim3A_471, %get3A_49 : vector<16xf32>
      %add3A_492 = arith.addf %add3A_490, %mul3A_491 : vector<16xf32>
      %mul3A_493 = arith.mulf %broadcast_in_dim3A_474, %get3A_52 : vector<16xf32>
      %add3A_494 = arith.addf %add3A_492, %mul3A_493 : vector<16xf32>
      %max3A_495 = arith.maximumf %add3A_494, %broadcast_in_dim3A_68 : vector<16xf32>
      %add3A_496 = arith.constant 6 : i32
      %add3A_497 = arith.addi %mul3A_148, %add3A_496 : i32
      %swap3A_498 = arith.index_cast %add3A_497 : i32 to index
      %swap3A_499 = arith.constant 16 : index
      %swap3A_500 = tpu.vector_load %arg12[%swap3A_498, %swap3A_499] {strides = array<i32>} : memref<256x40xf32, #tpu.memory_space<vmem>>, vector<1x16xf32>,
      %swap3A_501 = vector.shape_cast %swap3A_500 : vector<1x16xf32> to vector<16xf32>
      %swap3A_502 = vector.shape_cast %max3A_495 : vector<16xf32> to vector<1x16xf32>
      tpu.vector_store %arg12[%swap3A_498, %swap3A_499], %swap3A_502 {strides = array<i32>} : memref<256x40xf32, #tpu.memory_space<vmem>>, vector<1x16xf32>,
      %mul3A_503 = arith.mulf %broadcast_in_dim3A_468, %get3A_58 : vector<16xf32>
      %add3A_504 = arith.addf %mul3A_503, %get3A_67 : vector<16xf32>
      %mul3A_505 = arith.mulf %broadcast_in_dim3A_471, %get3A_61 : vector<16xf32>
      %add3A_506 = arith.addf %add3A_504, %mul3A_505 : vector<16xf32>
      %mul3A_507 = arith.mulf %broadcast_in_dim3A_474, %get3A_64 : vector<16xf32>
      %add3A_508 = arith.addf %add3A_506, %mul3A_507 : vector<16xf32>
      %max3A_509 = arith.maximumf %add3A_508, %broadcast_in_dim3A_68 : vector<16xf32>
      %add3A_510 = arith.constant 6 : i32
      %add3A_511 = arith.addi %mul3A_148, %add3A_510 : i32
      %swap3A_512 = arith.index_cast %add3A_511 : i32 to index
      %swap3A_513 = arith.constant 24 : index
      %swap3A_514 = tpu.vector_load %arg12[%swap3A_512, %swap3A_513] {strides = array<i32>} : memref<256x40xf32, #tpu.memory_space<vmem>>, vector<1x16xf32>,
      %swap3A_515 = vector.shape_cast %swap3A_514 : vector<1x16xf32> to vector<16xf32>
      %swap3A_516 = vector.shape_cast %max3A_509 : vector<16xf32> to vector<1x16xf32>
      tpu.vector_store %arg12[%swap3A_512, %swap3A_513], %swap3A_516 {strides = array<i32>} : memref<256x40xf32, #tpu.memory_space<vmem>>, vector<1x16xf32>,
      %slice3A_517 = vector.extract_strided_slice %get3A_153 {offsets = [7], sizes = [1], strides = [1]} : vector<16xf32> to vector<1xf32>
      %squeeze3A_518 = vector.extract %slice3A_517[0] : f32 from vector<1xf32>
      %broadcast_in_dim3A_519 = vector.broadcast %squeeze3A_518 : f32 to vector<16xf32>
      %slice3A_520 = vector.extract_strided_slice %get3A_158 {offsets = [7], sizes = [1], strides = [1]} : vector<16xf32> to vector<1xf32>
      %squeeze3A_521 = vector.extract %slice3A_520[0] : f32 from vector<1xf32>
      %broadcast_in_dim3A_522 = vector.broadcast %squeeze3A_521 : f32 to vector<16xf32>
      %slice3A_523 = vector.extract_strided_slice %get3A_163 {offsets = [7], sizes = [1], strides = [1]} : vector<16xf32> to vector<1xf32>
      %squeeze3A_524 = vector.extract %slice3A_523[0] : f32 from vector<1xf32>
      %broadcast_in_dim3A_525 = vector.broadcast %squeeze3A_524 : f32 to vector<16xf32>
      %mul3A_526 = arith.mulf %broadcast_in_dim3A_519, %get3A_34 : vector<16xf32>
      %add3A_527 = arith.addf %mul3A_526, %get3A_43 : vector<16xf32>
      %mul3A_528 = arith.mulf %broadcast_in_dim3A_522, %get3A_37 : vector<16xf32>
      %add3A_529 = arith.addf %add3A_527, %mul3A_528 : vector<16xf32>
      %mul3A_530 = arith.mulf %broadcast_in_dim3A_525, %get3A_40 : vector<16xf32>
      %add3A_531 = arith.addf %add3A_529, %mul3A_530 : vector<16xf32>
      %max3A_532 = arith.maximumf %add3A_531, %broadcast_in_dim3A_68 : vector<16xf32>
      %add3A_533 = arith.constant 7 : i32
      %add3A_534 = arith.addi %mul3A_148, %add3A_533 : i32
      %swap3A_535 = arith.index_cast %add3A_534 : i32 to index
      %swap3A_536 = arith.constant 0 : index
      %swap3A_537 = tpu.vector_load %arg12[%swap3A_535, %swap3A_536] {strides = array<i32>} : memref<256x40xf32, #tpu.memory_space<vmem>>, vector<1x16xf32>,
      %swap3A_538 = vector.shape_cast %swap3A_537 : vector<1x16xf32> to vector<16xf32>
      %swap3A_539 = vector.shape_cast %max3A_532 : vector<16xf32> to vector<1x16xf32>
      tpu.vector_store %arg12[%swap3A_535, %swap3A_536], %swap3A_539 {strides = array<i32>} : memref<256x40xf32, #tpu.memory_space<vmem>>, vector<1x16xf32>,
      %mul3A_540 = arith.mulf %broadcast_in_dim3A_519, %get3A_46 : vector<16xf32>
      %add3A_541 = arith.addf %mul3A_540, %get3A_55 : vector<16xf32>
      %mul3A_542 = arith.mulf %broadcast_in_dim3A_522, %get3A_49 : vector<16xf32>
      %add3A_543 = arith.addf %add3A_541, %mul3A_542 : vector<16xf32>
      %mul3A_544 = arith.mulf %broadcast_in_dim3A_525, %get3A_52 : vector<16xf32>
      %add3A_545 = arith.addf %add3A_543, %mul3A_544 : vector<16xf32>
      %max3A_546 = arith.maximumf %add3A_545, %broadcast_in_dim3A_68 : vector<16xf32>
      %add3A_547 = arith.constant 7 : i32
      %add3A_548 = arith.addi %mul3A_148, %add3A_547 : i32
      %swap3A_549 = arith.index_cast %add3A_548 : i32 to index
      %swap3A_550 = arith.constant 16 : index
      %swap3A_551 = tpu.vector_load %arg12[%swap3A_549, %swap3A_550] {strides = array<i32>} : memref<256x40xf32, #tpu.memory_space<vmem>>, vector<1x16xf32>,
      %swap3A_552 = vector.shape_cast %swap3A_551 : vector<1x16xf32> to vector<16xf32>
      %swap3A_553 = vector.shape_cast %max3A_546 : vector<16xf32> to vector<1x16xf32>
      tpu.vector_store %arg12[%swap3A_549, %swap3A_550], %swap3A_553 {strides = array<i32>} : memref<256x40xf32, #tpu.memory_space<vmem>>, vector<1x16xf32>,
      %mul3A_554 = arith.mulf %broadcast_in_dim3A_519, %get3A_58 : vector<16xf32>
      %add3A_555 = arith.addf %mul3A_554, %get3A_67 : vector<16xf32>
      %mul3A_556 = arith.mulf %broadcast_in_dim3A_522, %get3A_61 : vector<16xf32>
      %add3A_557 = arith.addf %add3A_555, %mul3A_556 : vector<16xf32>
      %mul3A_558 = arith.mulf %broadcast_in_dim3A_525, %get3A_64 : vector<16xf32>
      %add3A_559 = arith.addf %add3A_557, %mul3A_558 : vector<16xf32>
      %max3A_560 = arith.maximumf %add3A_559, %broadcast_in_dim3A_68 : vector<16xf32>
      %add3A_561 = arith.constant 7 : i32
      %add3A_562 = arith.addi %mul3A_148, %add3A_561 : i32
      %swap3A_563 = arith.index_cast %add3A_562 : i32 to index
      %swap3A_564 = arith.constant 24 : index
      %swap3A_565 = tpu.vector_load %arg12[%swap3A_563, %swap3A_564] {strides = array<i32>} : memref<256x40xf32, #tpu.memory_space<vmem>>, vector<1x16xf32>,
      %swap3A_566 = vector.shape_cast %swap3A_565 : vector<1x16xf32> to vector<16xf32>
      %swap3A_567 = vector.shape_cast %max3A_560 : vector<16xf32> to vector<1x16xf32>
      tpu.vector_store %arg12[%swap3A_563, %swap3A_564], %swap3A_567 {strides = array<i32>} : memref<256x40xf32, #tpu.memory_space<vmem>>, vector<1x16xf32>,
      %slice3A_568 = vector.extract_strided_slice %get3A_153 {offsets = [8], sizes = [1], strides = [1]} : vector<16xf32> to vector<1xf32>
      %squeeze3A_569 = vector.extract %slice3A_568[0] : f32 from vector<1xf32>
      %broadcast_in_dim3A_570 = vector.broadcast %squeeze3A_569 : f32 to vector<16xf32>
      %slice3A_571 = vector.extract_strided_slice %get3A_158 {offsets = [8], sizes = [1], strides = [1]} : vector<16xf32> to vector<1xf32>
      %squeeze3A_572 = vector.extract %slice3A_571[0] : f32 from vector<1xf32>
      %broadcast_in_dim3A_573 = vector.broadcast %squeeze3A_572 : f32 to vector<16xf32>
      %slice3A_574 = vector.extract_strided_slice %get3A_163 {offsets = [8], sizes = [1], strides = [1]} : vector<16xf32> to vector<1xf32>
      %squeeze3A_575 = vector.extract %slice3A_574[0] : f32 from vector<1xf32>
      %broadcast_in_dim3A_576 = vector.broadcast %squeeze3A_575 : f32 to vector<16xf32>
      %mul3A_577 = arith.mulf %broadcast_in_dim3A_570, %get3A_34 : vector<16xf32>
      %add3A_578 = arith.addf %mul3A_577, %get3A_43 : vector<16xf32>
      %mul3A_579 = arith.mulf %broadcast_in_dim3A_573, %get3A_37 : vector<16xf32>
      %add3A_580 = arith.addf %add3A_578, %mul3A_579 : vector<16xf32>
      %mul3A_581 = arith.mulf %broadcast_in_dim3A_576, %get3A_40 : vector<16xf32>
      %add3A_582 = arith.addf %add3A_580, %mul3A_581 : vector<16xf32>
      %max3A_583 = arith.maximumf %add3A_582, %broadcast_in_dim3A_68 : vector<16xf32>
      %add3A_584 = arith.constant 8 : i32
      %add3A_585 = arith.addi %mul3A_148, %add3A_584 : i32
      %swap3A_586 = arith.index_cast %add3A_585 : i32 to index
      %swap3A_587 = arith.constant 0 : index
      %swap3A_588 = tpu.vector_load %arg12[%swap3A_586, %swap3A_587] {strides = array<i32>} : memref<256x40xf32, #tpu.memory_space<vmem>>, vector<1x16xf32>,
      %swap3A_589 = vector.shape_cast %swap3A_588 : vector<1x16xf32> to vector<16xf32>
      %swap3A_590 = vector.shape_cast %max3A_583 : vector<16xf32> to vector<1x16xf32>
      tpu.vector_store %arg12[%swap3A_586, %swap3A_587], %swap3A_590 {strides = array<i32>} : memref<256x40xf32, #tpu.memory_space<vmem>>, vector<1x16xf32>,
      %mul3A_591 = arith.mulf %broadcast_in_dim3A_570, %get3A_46 : vector<16xf32>
      %add3A_592 = arith.addf %mul3A_591, %get3A_55 : vector<16xf32>
      %mul3A_593 = arith.mulf %broadcast_in_dim3A_573, %get3A_49 : vector<16xf32>
      %add3A_594 = arith.addf %add3A_592, %mul3A_593 : vector<16xf32>
      %mul3A_595 = arith.mulf %broadcast_in_dim3A_576, %get3A_52 : vector<16xf32>
      %add3A_596 = arith.addf %add3A_594, %mul3A_595 : vector<16xf32>
      %max3A_597 = arith.maximumf %add3A_596, %broadcast_in_dim3A_68 : vector<16xf32>
      %add3A_598 = arith.constant 8 : i32
      %add3A_599 = arith.addi %mul3A_148, %add3A_598 : i32
      %swap3A_600 = arith.index_cast %add3A_599 : i32 to index
      %swap3A_601 = arith.constant 16 : index
      %swap3A_602 = tpu.vector_load %arg12[%swap3A_600, %swap3A_601] {strides = array<i32>} : memref<256x40xf32, #tpu.memory_space<vmem>>, vector<1x16xf32>,
      %swap3A_603 = vector.shape_cast %swap3A_602 : vector<1x16xf32> to vector<16xf32>
      %swap3A_604 = vector.shape_cast %max3A_597 : vector<16xf32> to vector<1x16xf32>
      tpu.vector_store %arg12[%swap3A_600, %swap3A_601], %swap3A_604 {strides = array<i32>} : memref<256x40xf32, #tpu.memory_space<vmem>>, vector<1x16xf32>,
      %mul3A_605 = arith.mulf %broadcast_in_dim3A_570, %get3A_58 : vector<16xf32>
      %add3A_606 = arith.addf %mul3A_605, %get3A_67 : vector<16xf32>
      %mul3A_607 = arith.mulf %broadcast_in_dim3A_573, %get3A_61 : vector<16xf32>
      %add3A_608 = arith.addf %add3A_606, %mul3A_607 : vector<16xf32>
      %mul3A_609 = arith.mulf %broadcast_in_dim3A_576, %get3A_64 : vector<16xf32>
      %add3A_610 = arith.addf %add3A_608, %mul3A_609 : vector<16xf32>
      %max3A_611 = arith.maximumf %add3A_610, %broadcast_in_dim3A_68 : vector<16xf32>
      %add3A_612 = arith.constant 8 : i32
      %add3A_613 = arith.addi %mul3A_148, %add3A_612 : i32
      %swap3A_614 = arith.index_cast %add3A_613 : i32 to index
      %swap3A_615 = arith.constant 24 : index
      %swap3A_616 = tpu.vector_load %arg12[%swap3A_614, %swap3A_615] {strides = array<i32>} : memref<256x40xf32, #tpu.memory_space<vmem>>, vector<1x16xf32>,
      %swap3A_617 = vector.shape_cast %swap3A_616 : vector<1x16xf32> to vector<16xf32>
      %swap3A_618 = vector.shape_cast %max3A_611 : vector<16xf32> to vector<1x16xf32>
      tpu.vector_store %arg12[%swap3A_614, %swap3A_615], %swap3A_618 {strides = array<i32>} : memref<256x40xf32, #tpu.memory_space<vmem>>, vector<1x16xf32>,
      %slice3A_619 = vector.extract_strided_slice %get3A_153 {offsets = [9], sizes = [1], strides = [1]} : vector<16xf32> to vector<1xf32>
      %squeeze3A_620 = vector.extract %slice3A_619[0] : f32 from vector<1xf32>
      %broadcast_in_dim3A_621 = vector.broadcast %squeeze3A_620 : f32 to vector<16xf32>
      %slice3A_622 = vector.extract_strided_slice %get3A_158 {offsets = [9], sizes = [1], strides = [1]} : vector<16xf32> to vector<1xf32>
      %squeeze3A_623 = vector.extract %slice3A_622[0] : f32 from vector<1xf32>
      %broadcast_in_dim3A_624 = vector.broadcast %squeeze3A_623 : f32 to vector<16xf32>
      %slice3A_625 = vector.extract_strided_slice %get3A_163 {offsets = [9], sizes = [1], strides = [1]} : vector<16xf32> to vector<1xf32>
      %squeeze3A_626 = vector.extract %slice3A_625[0] : f32 from vector<1xf32>
      %broadcast_in_dim3A_627 = vector.broadcast %squeeze3A_626 : f32 to vector<16xf32>
      %mul3A_628 = arith.mulf %broadcast_in_dim3A_621, %get3A_34 : vector<16xf32>
      %add3A_629 = arith.addf %mul3A_628, %get3A_43 : vector<16xf32>
      %mul3A_630 = arith.mulf %broadcast_in_dim3A_624, %get3A_37 : vector<16xf32>
      %add3A_631 = arith.addf %add3A_629, %mul3A_630 : vector<16xf32>
      %mul3A_632 = arith.mulf %broadcast_in_dim3A_627, %get3A_40 : vector<16xf32>
      %add3A_633 = arith.addf %add3A_631, %mul3A_632 : vector<16xf32>
      %max3A_634 = arith.maximumf %add3A_633, %broadcast_in_dim3A_68 : vector<16xf32>
      %add3A_635 = arith.constant 9 : i32
      %add3A_636 = arith.addi %mul3A_148, %add3A_635 : i32
      %swap3A_637 = arith.index_cast %add3A_636 : i32 to index
      %swap3A_638 = arith.constant 0 : index
      %swap3A_639 = tpu.vector_load %arg12[%swap3A_637, %swap3A_638] {strides = array<i32>} : memref<256x40xf32, #tpu.memory_space<vmem>>, vector<1x16xf32>,
      %swap3A_640 = vector.shape_cast %swap3A_639 : vector<1x16xf32> to vector<16xf32>
      %swap3A_641 = vector.shape_cast %max3A_634 : vector<16xf32> to vector<1x16xf32>
      tpu.vector_store %arg12[%swap3A_637, %swap3A_638], %swap3A_641 {strides = array<i32>} : memref<256x40xf32, #tpu.memory_space<vmem>>, vector<1x16xf32>,
      %mul3A_642 = arith.mulf %broadcast_in_dim3A_621, %get3A_46 : vector<16xf32>
      %add3A_643 = arith.addf %mul3A_642, %get3A_55 : vector<16xf32>
      %mul3A_644 = arith.mulf %broadcast_in_dim3A_624, %get3A_49 : vector<16xf32>
      %add3A_645 = arith.addf %add3A_643, %mul3A_644 : vector<16xf32>
      %mul3A_646 = arith.mulf %broadcast_in_dim3A_627, %get3A_52 : vector<16xf32>
      %add3A_647 = arith.addf %add3A_645, %mul3A_646 : vector<16xf32>
      %max3A_648 = arith.maximumf %add3A_647, %broadcast_in_dim3A_68 : vector<16xf32>
      %add3A_649 = arith.constant 9 : i32
      %add3A_650 = arith.addi %mul3A_148, %add3A_649 : i32
      %swap3A_651 = arith.index_cast %add3A_650 : i32 to index
      %swap3A_652 = arith.constant 16 : index
      %swap3A_653 = tpu.vector_load %arg12[%swap3A_651, %swap3A_652] {strides = array<i32>} : memref<256x40xf32, #tpu.memory_space<vmem>>, vector<1x16xf32>,
      %swap3A_654 = vector.shape_cast %swap3A_653 : vector<1x16xf32> to vector<16xf32>
      %swap3A_655 = vector.shape_cast %max3A_648 : vector<16xf32> to vector<1x16xf32>
      tpu.vector_store %arg12[%swap3A_651, %swap3A_652], %swap3A_655 {strides = array<i32>} : memref<256x40xf32, #tpu.memory_space<vmem>>, vector<1x16xf32>,
      %mul3A_656 = arith.mulf %broadcast_in_dim3A_621, %get3A_58 : vector<16xf32>
      %add3A_657 = arith.addf %mul3A_656, %get3A_67 : vector<16xf32>
      %mul3A_658 = arith.mulf %broadcast_in_dim3A_624, %get3A_61 : vector<16xf32>
      %add3A_659 = arith.addf %add3A_657, %mul3A_658 : vector<16xf32>
      %mul3A_660 = arith.mulf %broadcast_in_dim3A_627, %get3A_64 : vector<16xf32>
      %add3A_661 = arith.addf %add3A_659, %mul3A_660 : vector<16xf32>
      %max3A_662 = arith.maximumf %add3A_661, %broadcast_in_dim3A_68 : vector<16xf32>
      %add3A_663 = arith.constant 9 : i32
      %add3A_664 = arith.addi %mul3A_148, %add3A_663 : i32
      %swap3A_665 = arith.index_cast %add3A_664 : i32 to index
      %swap3A_666 = arith.constant 24 : index
      %swap3A_667 = tpu.vector_load %arg12[%swap3A_665, %swap3A_666] {strides = array<i32>} : memref<256x40xf32, #tpu.memory_space<vmem>>, vector<1x16xf32>,
      %swap3A_668 = vector.shape_cast %swap3A_667 : vector<1x16xf32> to vector<16xf32>
      %swap3A_669 = vector.shape_cast %max3A_662 : vector<16xf32> to vector<1x16xf32>
      tpu.vector_store %arg12[%swap3A_665, %swap3A_666], %swap3A_669 {strides = array<i32>} : memref<256x40xf32, #tpu.memory_space<vmem>>, vector<1x16xf32>,
      %slice3A_670 = vector.extract_strided_slice %get3A_153 {offsets = [10], sizes = [1], strides = [1]} : vector<16xf32> to vector<1xf32>
      %squeeze3A_671 = vector.extract %slice3A_670[0] : f32 from vector<1xf32>
      %broadcast_in_dim3A_672 = vector.broadcast %squeeze3A_671 : f32 to vector<16xf32>
      %slice3A_673 = vector.extract_strided_slice %get3A_158 {offsets = [10], sizes = [1], strides = [1]} : vector<16xf32> to vector<1xf32>
      %squeeze3A_674 = vector.extract %slice3A_673[0] : f32 from vector<1xf32>
      %broadcast_in_dim3A_675 = vector.broadcast %squeeze3A_674 : f32 to vector<16xf32>
      %slice3A_676 = vector.extract_strided_slice %get3A_163 {offsets = [10], sizes = [1], strides = [1]} : vector<16xf32> to vector<1xf32>
      %squeeze3A_677 = vector.extract %slice3A_676[0] : f32 from vector<1xf32>
      %broadcast_in_dim3A_678 = vector.broadcast %squeeze3A_677 : f32 to vector<16xf32>
      %mul3A_679 = arith.mulf %broadcast_in_dim3A_672, %get3A_34 : vector<16xf32>
      %add3A_680 = arith.addf %mul3A_679, %get3A_43 : vector<16xf32>
      %mul3A_681 = arith.mulf %broadcast_in_dim3A_675, %get3A_37 : vector<16xf32>
      %add3A_682 = arith.addf %add3A_680, %mul3A_681 : vector<16xf32>
      %mul3A_683 = arith.mulf %broadcast_in_dim3A_678, %get3A_40 : vector<16xf32>
      %add3A_684 = arith.addf %add3A_682, %mul3A_683 : vector<16xf32>
      %max3A_685 = arith.maximumf %add3A_684, %broadcast_in_dim3A_68 : vector<16xf32>
      %add3A_686 = arith.constant 10 : i32
      %add3A_687 = arith.addi %mul3A_148, %add3A_686 : i32
      %swap3A_688 = arith.index_cast %add3A_687 : i32 to index
      %swap3A_689 = arith.constant 0 : index
      %swap3A_690 = tpu.vector_load %arg12[%swap3A_688, %swap3A_689] {strides = array<i32>} : memref<256x40xf32, #tpu.memory_space<vmem>>, vector<1x16xf32>,
      %swap3A_691 = vector.shape_cast %swap3A_690 : vector<1x16xf32> to vector<16xf32>
      %swap3A_692 = vector.shape_cast %max3A_685 : vector<16xf32> to vector<1x16xf32>
      tpu.vector_store %arg12[%swap3A_688, %swap3A_689], %swap3A_692 {strides = array<i32>} : memref<256x40xf32, #tpu.memory_space<vmem>>, vector<1x16xf32>,
      %mul3A_693 = arith.mulf %broadcast_in_dim3A_672, %get3A_46 : vector<16xf32>
      %add3A_694 = arith.addf %mul3A_693, %get3A_55 : vector<16xf32>
      %mul3A_695 = arith.mulf %broadcast_in_dim3A_675, %get3A_49 : vector<16xf32>
      %add3A_696 = arith.addf %add3A_694, %mul3A_695 : vector<16xf32>
      %mul3A_697 = arith.mulf %broadcast_in_dim3A_678, %get3A_52 : vector<16xf32>
      %add3A_698 = arith.addf %add3A_696, %mul3A_697 : vector<16xf32>
      %max3A_699 = arith.maximumf %add3A_698, %broadcast_in_dim3A_68 : vector<16xf32>
      %add3A_700 = arith.constant 10 : i32
      %add3A_701 = arith.addi %mul3A_148, %add3A_700 : i32
      %swap3A_702 = arith.index_cast %add3A_701 : i32 to index
      %swap3A_703 = arith.constant 16 : index
      %swap3A_704 = tpu.vector_load %arg12[%swap3A_702, %swap3A_703] {strides = array<i32>} : memref<256x40xf32, #tpu.memory_space<vmem>>, vector<1x16xf32>,
      %swap3A_705 = vector.shape_cast %swap3A_704 : vector<1x16xf32> to vector<16xf32>
      %swap3A_706 = vector.shape_cast %max3A_699 : vector<16xf32> to vector<1x16xf32>
      tpu.vector_store %arg12[%swap3A_702, %swap3A_703], %swap3A_706 {strides = array<i32>} : memref<256x40xf32, #tpu.memory_space<vmem>>, vector<1x16xf32>,
      %mul3A_707 = arith.mulf %broadcast_in_dim3A_672, %get3A_58 : vector<16xf32>
      %add3A_708 = arith.addf %mul3A_707, %get3A_67 : vector<16xf32>
      %mul3A_709 = arith.mulf %broadcast_in_dim3A_675, %get3A_61 : vector<16xf32>
      %add3A_710 = arith.addf %add3A_708, %mul3A_709 : vector<16xf32>
      %mul3A_711 = arith.mulf %broadcast_in_dim3A_678, %get3A_64 : vector<16xf32>
      %add3A_712 = arith.addf %add3A_710, %mul3A_711 : vector<16xf32>
      %max3A_713 = arith.maximumf %add3A_712, %broadcast_in_dim3A_68 : vector<16xf32>
      %add3A_714 = arith.constant 10 : i32
      %add3A_715 = arith.addi %mul3A_148, %add3A_714 : i32
      %swap3A_716 = arith.index_cast %add3A_715 : i32 to index
      %swap3A_717 = arith.constant 24 : index
      %swap3A_718 = tpu.vector_load %arg12[%swap3A_716, %swap3A_717] {strides = array<i32>} : memref<256x40xf32, #tpu.memory_space<vmem>>, vector<1x16xf32>,
      %swap3A_719 = vector.shape_cast %swap3A_718 : vector<1x16xf32> to vector<16xf32>
      %swap3A_720 = vector.shape_cast %max3A_713 : vector<16xf32> to vector<1x16xf32>
      tpu.vector_store %arg12[%swap3A_716, %swap3A_717], %swap3A_720 {strides = array<i32>} : memref<256x40xf32, #tpu.memory_space<vmem>>, vector<1x16xf32>,
      %slice3A_721 = vector.extract_strided_slice %get3A_153 {offsets = [11], sizes = [1], strides = [1]} : vector<16xf32> to vector<1xf32>
      %squeeze3A_722 = vector.extract %slice3A_721[0] : f32 from vector<1xf32>
      %broadcast_in_dim3A_723 = vector.broadcast %squeeze3A_722 : f32 to vector<16xf32>
      %slice3A_724 = vector.extract_strided_slice %get3A_158 {offsets = [11], sizes = [1], strides = [1]} : vector<16xf32> to vector<1xf32>
      %squeeze3A_725 = vector.extract %slice3A_724[0] : f32 from vector<1xf32>
      %broadcast_in_dim3A_726 = vector.broadcast %squeeze3A_725 : f32 to vector<16xf32>
      %slice3A_727 = vector.extract_strided_slice %get3A_163 {offsets = [11], sizes = [1], strides = [1]} : vector<16xf32> to vector<1xf32>
      %squeeze3A_728 = vector.extract %slice3A_727[0] : f32 from vector<1xf32>
      %broadcast_in_dim3A_729 = vector.broadcast %squeeze3A_728 : f32 to vector<16xf32>
      %mul3A_730 = arith.mulf %broadcast_in_dim3A_723, %get3A_34 : vector<16xf32>
      %add3A_731 = arith.addf %mul3A_730, %get3A_43 : vector<16xf32>
      %mul3A_732 = arith.mulf %broadcast_in_dim3A_726, %get3A_37 : vector<16xf32>
      %add3A_733 = arith.addf %add3A_731, %mul3A_732 : vector<16xf32>
      %mul3A_734 = arith.mulf %broadcast_in_dim3A_729, %get3A_40 : vector<16xf32>
      %add3A_735 = arith.addf %add3A_733, %mul3A_734 : vector<16xf32>
      %max3A_736 = arith.maximumf %add3A_735, %broadcast_in_dim3A_68 : vector<16xf32>
      %add3A_737 = arith.constant 11 : i32
      %add3A_738 = arith.addi %mul3A_148, %add3A_737 : i32
      %swap3A_739 = arith.index_cast %add3A_738 : i32 to index
      %swap3A_740 = arith.constant 0 : index
      %swap3A_741 = tpu.vector_load %arg12[%swap3A_739, %swap3A_740] {strides = array<i32>} : memref<256x40xf32, #tpu.memory_space<vmem>>, vector<1x16xf32>,
      %swap3A_742 = vector.shape_cast %swap3A_741 : vector<1x16xf32> to vector<16xf32>
      %swap3A_743 = vector.shape_cast %max3A_736 : vector<16xf32> to vector<1x16xf32>
      tpu.vector_store %arg12[%swap3A_739, %swap3A_740], %swap3A_743 {strides = array<i32>} : memref<256x40xf32, #tpu.memory_space<vmem>>, vector<1x16xf32>,
      %mul3A_744 = arith.mulf %broadcast_in_dim3A_723, %get3A_46 : vector<16xf32>
      %add3A_745 = arith.addf %mul3A_744, %get3A_55 : vector<16xf32>
      %mul3A_746 = arith.mulf %broadcast_in_dim3A_726, %get3A_49 : vector<16xf32>
      %add3A_747 = arith.addf %add3A_745, %mul3A_746 : vector<16xf32>
      %mul3A_748 = arith.mulf %broadcast_in_dim3A_729, %get3A_52 : vector<16xf32>
      %add3A_749 = arith.addf %add3A_747, %mul3A_748 : vector<16xf32>
      %max3A_750 = arith.maximumf %add3A_749, %broadcast_in_dim3A_68 : vector<16xf32>
      %add3A_751 = arith.constant 11 : i32
      %add3A_752 = arith.addi %mul3A_148, %add3A_751 : i32
      %swap3A_753 = arith.index_cast %add3A_752 : i32 to index
      %swap3A_754 = arith.constant 16 : index
      %swap3A_755 = tpu.vector_load %arg12[%swap3A_753, %swap3A_754] {strides = array<i32>} : memref<256x40xf32, #tpu.memory_space<vmem>>, vector<1x16xf32>,
      %swap3A_756 = vector.shape_cast %swap3A_755 : vector<1x16xf32> to vector<16xf32>
      %swap3A_757 = vector.shape_cast %max3A_750 : vector<16xf32> to vector<1x16xf32>
      tpu.vector_store %arg12[%swap3A_753, %swap3A_754], %swap3A_757 {strides = array<i32>} : memref<256x40xf32, #tpu.memory_space<vmem>>, vector<1x16xf32>,
      %mul3A_758 = arith.mulf %broadcast_in_dim3A_723, %get3A_58 : vector<16xf32>
      %add3A_759 = arith.addf %mul3A_758, %get3A_67 : vector<16xf32>
      %mul3A_760 = arith.mulf %broadcast_in_dim3A_726, %get3A_61 : vector<16xf32>
      %add3A_761 = arith.addf %add3A_759, %mul3A_760 : vector<16xf32>
      %mul3A_762 = arith.mulf %broadcast_in_dim3A_729, %get3A_64 : vector<16xf32>
      %add3A_763 = arith.addf %add3A_761, %mul3A_762 : vector<16xf32>
      %max3A_764 = arith.maximumf %add3A_763, %broadcast_in_dim3A_68 : vector<16xf32>
      %add3A_765 = arith.constant 11 : i32
      %add3A_766 = arith.addi %mul3A_148, %add3A_765 : i32
      %swap3A_767 = arith.index_cast %add3A_766 : i32 to index
      %swap3A_768 = arith.constant 24 : index
      %swap3A_769 = tpu.vector_load %arg12[%swap3A_767, %swap3A_768] {strides = array<i32>} : memref<256x40xf32, #tpu.memory_space<vmem>>, vector<1x16xf32>,
      %swap3A_770 = vector.shape_cast %swap3A_769 : vector<1x16xf32> to vector<16xf32>
      %swap3A_771 = vector.shape_cast %max3A_764 : vector<16xf32> to vector<1x16xf32>
      tpu.vector_store %arg12[%swap3A_767, %swap3A_768], %swap3A_771 {strides = array<i32>} : memref<256x40xf32, #tpu.memory_space<vmem>>, vector<1x16xf32>,
      %slice3A_772 = vector.extract_strided_slice %get3A_153 {offsets = [12], sizes = [1], strides = [1]} : vector<16xf32> to vector<1xf32>
      %squeeze3A_773 = vector.extract %slice3A_772[0] : f32 from vector<1xf32>
      %broadcast_in_dim3A_774 = vector.broadcast %squeeze3A_773 : f32 to vector<16xf32>
      %slice3A_775 = vector.extract_strided_slice %get3A_158 {offsets = [12], sizes = [1], strides = [1]} : vector<16xf32> to vector<1xf32>
      %squeeze3A_776 = vector.extract %slice3A_775[0] : f32 from vector<1xf32>
      %broadcast_in_dim3A_777 = vector.broadcast %squeeze3A_776 : f32 to vector<16xf32>
      %slice3A_778 = vector.extract_strided_slice %get3A_163 {offsets = [12], sizes = [1], strides = [1]} : vector<16xf32> to vector<1xf32>
      %squeeze3A_779 = vector.extract %slice3A_778[0] : f32 from vector<1xf32>
      %broadcast_in_dim3A_780 = vector.broadcast %squeeze3A_779 : f32 to vector<16xf32>
      %mul3A_781 = arith.mulf %broadcast_in_dim3A_774, %get3A_34 : vector<16xf32>
      %add3A_782 = arith.addf %mul3A_781, %get3A_43 : vector<16xf32>
      %mul3A_783 = arith.mulf %broadcast_in_dim3A_777, %get3A_37 : vector<16xf32>
      %add3A_784 = arith.addf %add3A_782, %mul3A_783 : vector<16xf32>
      %mul3A_785 = arith.mulf %broadcast_in_dim3A_780, %get3A_40 : vector<16xf32>
      %add3A_786 = arith.addf %add3A_784, %mul3A_785 : vector<16xf32>
      %max3A_787 = arith.maximumf %add3A_786, %broadcast_in_dim3A_68 : vector<16xf32>
      %add3A_788 = arith.constant 12 : i32
      %add3A_789 = arith.addi %mul3A_148, %add3A_788 : i32
      %swap3A_790 = arith.index_cast %add3A_789 : i32 to index
      %swap3A_791 = arith.constant 0 : index
      %swap3A_792 = tpu.vector_load %arg12[%swap3A_790, %swap3A_791] {strides = array<i32>} : memref<256x40xf32, #tpu.memory_space<vmem>>, vector<1x16xf32>,
      %swap3A_793 = vector.shape_cast %swap3A_792 : vector<1x16xf32> to vector<16xf32>
      %swap3A_794 = vector.shape_cast %max3A_787 : vector<16xf32> to vector<1x16xf32>
      tpu.vector_store %arg12[%swap3A_790, %swap3A_791], %swap3A_794 {strides = array<i32>} : memref<256x40xf32, #tpu.memory_space<vmem>>, vector<1x16xf32>,
      %mul3A_795 = arith.mulf %broadcast_in_dim3A_774, %get3A_46 : vector<16xf32>
      %add3A_796 = arith.addf %mul3A_795, %get3A_55 : vector<16xf32>
      %mul3A_797 = arith.mulf %broadcast_in_dim3A_777, %get3A_49 : vector<16xf32>
      %add3A_798 = arith.addf %add3A_796, %mul3A_797 : vector<16xf32>
      %mul3A_799 = arith.mulf %broadcast_in_dim3A_780, %get3A_52 : vector<16xf32>
      %add3A_800 = arith.addf %add3A_798, %mul3A_799 : vector<16xf32>
      %max3A_801 = arith.maximumf %add3A_800, %broadcast_in_dim3A_68 : vector<16xf32>
      %add3A_802 = arith.constant 12 : i32
      %add3A_803 = arith.addi %mul3A_148, %add3A_802 : i32
      %swap3A_804 = arith.index_cast %add3A_803 : i32 to index
      %swap3A_805 = arith.constant 16 : index
      %swap3A_806 = tpu.vector_load %arg12[%swap3A_804, %swap3A_805] {strides = array<i32>} : memref<256x40xf32, #tpu.memory_space<vmem>>, vector<1x16xf32>,
      %swap3A_807 = vector.shape_cast %swap3A_806 : vector<1x16xf32> to vector<16xf32>
      %swap3A_808 = vector.shape_cast %max3A_801 : vector<16xf32> to vector<1x16xf32>
      tpu.vector_store %arg12[%swap3A_804, %swap3A_805], %swap3A_808 {strides = array<i32>} : memref<256x40xf32, #tpu.memory_space<vmem>>, vector<1x16xf32>,
      %mul3A_809 = arith.mulf %broadcast_in_dim3A_774, %get3A_58 : vector<16xf32>
      %add3A_810 = arith.addf %mul3A_809, %get3A_67 : vector<16xf32>
      %mul3A_811 = arith.mulf %broadcast_in_dim3A_777, %get3A_61 : vector<16xf32>
      %add3A_812 = arith.addf %add3A_810, %mul3A_811 : vector<16xf32>
      %mul3A_813 = arith.mulf %broadcast_in_dim3A_780, %get3A_64 : vector<16xf32>
      %add3A_814 = arith.addf %add3A_812, %mul3A_813 : vector<16xf32>
      %max3A_815 = arith.maximumf %add3A_814, %broadcast_in_dim3A_68 : vector<16xf32>
      %add3A_816 = arith.constant 12 : i32
      %add3A_817 = arith.addi %mul3A_148, %add3A_816 : i32
      %swap3A_818 = arith.index_cast %add3A_817 : i32 to index
      %swap3A_819 = arith.constant 24 : index
      %swap3A_820 = tpu.vector_load %arg12[%swap3A_818, %swap3A_819] {strides = array<i32>} : memref<256x40xf32, #tpu.memory_space<vmem>>, vector<1x16xf32>,
      %swap3A_821 = vector.shape_cast %swap3A_820 : vector<1x16xf32> to vector<16xf32>
      %swap3A_822 = vector.shape_cast %max3A_815 : vector<16xf32> to vector<1x16xf32>
      tpu.vector_store %arg12[%swap3A_818, %swap3A_819], %swap3A_822 {strides = array<i32>} : memref<256x40xf32, #tpu.memory_space<vmem>>, vector<1x16xf32>,
      %slice3A_823 = vector.extract_strided_slice %get3A_153 {offsets = [13], sizes = [1], strides = [1]} : vector<16xf32> to vector<1xf32>
      %squeeze3A_824 = vector.extract %slice3A_823[0] : f32 from vector<1xf32>
      %broadcast_in_dim3A_825 = vector.broadcast %squeeze3A_824 : f32 to vector<16xf32>
      %slice3A_826 = vector.extract_strided_slice %get3A_158 {offsets = [13], sizes = [1], strides = [1]} : vector<16xf32> to vector<1xf32>
      %squeeze3A_827 = vector.extract %slice3A_826[0] : f32 from vector<1xf32>
      %broadcast_in_dim3A_828 = vector.broadcast %squeeze3A_827 : f32 to vector<16xf32>
      %slice3A_829 = vector.extract_strided_slice %get3A_163 {offsets = [13], sizes = [1], strides = [1]} : vector<16xf32> to vector<1xf32>
      %squeeze3A_830 = vector.extract %slice3A_829[0] : f32 from vector<1xf32>
      %broadcast_in_dim3A_831 = vector.broadcast %squeeze3A_830 : f32 to vector<16xf32>
      %mul3A_832 = arith.mulf %broadcast_in_dim3A_825, %get3A_34 : vector<16xf32>
      %add3A_833 = arith.addf %mul3A_832, %get3A_43 : vector<16xf32>
      %mul3A_834 = arith.mulf %broadcast_in_dim3A_828, %get3A_37 : vector<16xf32>
      %add3A_835 = arith.addf %add3A_833, %mul3A_834 : vector<16xf32>
      %mul3A_836 = arith.mulf %broadcast_in_dim3A_831, %get3A_40 : vector<16xf32>
      %add3A_837 = arith.addf %add3A_835, %mul3A_836 : vector<16xf32>
      %max3A_838 = arith.maximumf %add3A_837, %broadcast_in_dim3A_68 : vector<16xf32>
      %add3A_839 = arith.constant 13 : i32
      %add3A_840 = arith.addi %mul3A_148, %add3A_839 : i32
      %swap3A_841 = arith.index_cast %add3A_840 : i32 to index
      %swap3A_842 = arith.constant 0 : index
      %swap3A_843 = tpu.vector_load %arg12[%swap3A_841, %swap3A_842] {strides = array<i32>} : memref<256x40xf32, #tpu.memory_space<vmem>>, vector<1x16xf32>,
      %swap3A_844 = vector.shape_cast %swap3A_843 : vector<1x16xf32> to vector<16xf32>
      %swap3A_845 = vector.shape_cast %max3A_838 : vector<16xf32> to vector<1x16xf32>
      tpu.vector_store %arg12[%swap3A_841, %swap3A_842], %swap3A_845 {strides = array<i32>} : memref<256x40xf32, #tpu.memory_space<vmem>>, vector<1x16xf32>,
      %mul3A_846 = arith.mulf %broadcast_in_dim3A_825, %get3A_46 : vector<16xf32>
      %add3A_847 = arith.addf %mul3A_846, %get3A_55 : vector<16xf32>
      %mul3A_848 = arith.mulf %broadcast_in_dim3A_828, %get3A_49 : vector<16xf32>
      %add3A_849 = arith.addf %add3A_847, %mul3A_848 : vector<16xf32>
      %mul3A_850 = arith.mulf %broadcast_in_dim3A_831, %get3A_52 : vector<16xf32>
      %add3A_851 = arith.addf %add3A_849, %mul3A_850 : vector<16xf32>
      %max3A_852 = arith.maximumf %add3A_851, %broadcast_in_dim3A_68 : vector<16xf32>
      %add3A_853 = arith.constant 13 : i32
      %add3A_854 = arith.addi %mul3A_148, %add3A_853 : i32
      %swap3A_855 = arith.index_cast %add3A_854 : i32 to index
      %swap3A_856 = arith.constant 16 : index
      %swap3A_857 = tpu.vector_load %arg12[%swap3A_855, %swap3A_856] {strides = array<i32>} : memref<256x40xf32, #tpu.memory_space<vmem>>, vector<1x16xf32>,
      %swap3A_858 = vector.shape_cast %swap3A_857 : vector<1x16xf32> to vector<16xf32>
      %swap3A_859 = vector.shape_cast %max3A_852 : vector<16xf32> to vector<1x16xf32>
      tpu.vector_store %arg12[%swap3A_855, %swap3A_856], %swap3A_859 {strides = array<i32>} : memref<256x40xf32, #tpu.memory_space<vmem>>, vector<1x16xf32>,
      %mul3A_860 = arith.mulf %broadcast_in_dim3A_825, %get3A_58 : vector<16xf32>
      %add3A_861 = arith.addf %mul3A_860, %get3A_67 : vector<16xf32>
      %mul3A_862 = arith.mulf %broadcast_in_dim3A_828, %get3A_61 : vector<16xf32>
      %add3A_863 = arith.addf %add3A_861, %mul3A_862 : vector<16xf32>
      %mul3A_864 = arith.mulf %broadcast_in_dim3A_831, %get3A_64 : vector<16xf32>
      %add3A_865 = arith.addf %add3A_863, %mul3A_864 : vector<16xf32>
      %max3A_866 = arith.maximumf %add3A_865, %broadcast_in_dim3A_68 : vector<16xf32>
      %add3A_867 = arith.constant 13 : i32
      %add3A_868 = arith.addi %mul3A_148, %add3A_867 : i32
      %swap3A_869 = arith.index_cast %add3A_868 : i32 to index
      %swap3A_870 = arith.constant 24 : index
      %swap3A_871 = tpu.vector_load %arg12[%swap3A_869, %swap3A_870] {strides = array<i32>} : memref<256x40xf32, #tpu.memory_space<vmem>>, vector<1x16xf32>,
      %swap3A_872 = vector.shape_cast %swap3A_871 : vector<1x16xf32> to vector<16xf32>
      %swap3A_873 = vector.shape_cast %max3A_866 : vector<16xf32> to vector<1x16xf32>
      tpu.vector_store %arg12[%swap3A_869, %swap3A_870], %swap3A_873 {strides = array<i32>} : memref<256x40xf32, #tpu.memory_space<vmem>>, vector<1x16xf32>,
      %slice3A_874 = vector.extract_strided_slice %get3A_153 {offsets = [14], sizes = [1], strides = [1]} : vector<16xf32> to vector<1xf32>
      %squeeze3A_875 = vector.extract %slice3A_874[0] : f32 from vector<1xf32>
      %broadcast_in_dim3A_876 = vector.broadcast %squeeze3A_875 : f32 to vector<16xf32>
      %slice3A_877 = vector.extract_strided_slice %get3A_158 {offsets = [14], sizes = [1], strides = [1]} : vector<16xf32> to vector<1xf32>
      %squeeze3A_878 = vector.extract %slice3A_877[0] : f32 from vector<1xf32>
      %broadcast_in_dim3A_879 = vector.broadcast %squeeze3A_878 : f32 to vector<16xf32>
      %slice3A_880 = vector.extract_strided_slice %get3A_163 {offsets = [14], sizes = [1], strides = [1]} : vector<16xf32> to vector<1xf32>
      %squeeze3A_881 = vector.extract %slice3A_880[0] : f32 from vector<1xf32>
      %broadcast_in_dim3A_882 = vector.broadcast %squeeze3A_881 : f32 to vector<16xf32>
      %mul3A_883 = arith.mulf %broadcast_in_dim3A_876, %get3A_34 : vector<16xf32>
      %add3A_884 = arith.addf %mul3A_883, %get3A_43 : vector<16xf32>
      %mul3A_885 = arith.mulf %broadcast_in_dim3A_879, %get3A_37 : vector<16xf32>
      %add3A_886 = arith.addf %add3A_884, %mul3A_885 : vector<16xf32>
      %mul3A_887 = arith.mulf %broadcast_in_dim3A_882, %get3A_40 : vector<16xf32>
      %add3A_888 = arith.addf %add3A_886, %mul3A_887 : vector<16xf32>
      %max3A_889 = arith.maximumf %add3A_888, %broadcast_in_dim3A_68 : vector<16xf32>
      %add3A_890 = arith.constant 14 : i32
      %add3A_891 = arith.addi %mul3A_148, %add3A_890 : i32
      %swap3A_892 = arith.index_cast %add3A_891 : i32 to index
      %swap3A_893 = arith.constant 0 : index
      %swap3A_894 = tpu.vector_load %arg12[%swap3A_892, %swap3A_893] {strides = array<i32>} : memref<256x40xf32, #tpu.memory_space<vmem>>, vector<1x16xf32>,
      %swap3A_895 = vector.shape_cast %swap3A_894 : vector<1x16xf32> to vector<16xf32>
      %swap3A_896 = vector.shape_cast %max3A_889 : vector<16xf32> to vector<1x16xf32>
      tpu.vector_store %arg12[%swap3A_892, %swap3A_893], %swap3A_896 {strides = array<i32>} : memref<256x40xf32, #tpu.memory_space<vmem>>, vector<1x16xf32>,
      %mul3A_897 = arith.mulf %broadcast_in_dim3A_876, %get3A_46 : vector<16xf32>
      %add3A_898 = arith.addf %mul3A_897, %get3A_55 : vector<16xf32>
      %mul3A_899 = arith.mulf %broadcast_in_dim3A_879, %get3A_49 : vector<16xf32>
      %add3A_900 = arith.addf %add3A_898, %mul3A_899 : vector<16xf32>
      %mul3A_901 = arith.mulf %broadcast_in_dim3A_882, %get3A_52 : vector<16xf32>
      %add3A_902 = arith.addf %add3A_900, %mul3A_901 : vector<16xf32>
      %max3A_903 = arith.maximumf %add3A_902, %broadcast_in_dim3A_68 : vector<16xf32>
      %add3A_904 = arith.constant 14 : i32
      %add3A_905 = arith.addi %mul3A_148, %add3A_904 : i32
      %swap3A_906 = arith.index_cast %add3A_905 : i32 to index
      %swap3A_907 = arith.constant 16 : index
      %swap3A_908 = tpu.vector_load %arg12[%swap3A_906, %swap3A_907] {strides = array<i32>} : memref<256x40xf32, #tpu.memory_space<vmem>>, vector<1x16xf32>,
      %swap3A_909 = vector.shape_cast %swap3A_908 : vector<1x16xf32> to vector<16xf32>
      %swap3A_910 = vector.shape_cast %max3A_903 : vector<16xf32> to vector<1x16xf32>
      tpu.vector_store %arg12[%swap3A_906, %swap3A_907], %swap3A_910 {strides = array<i32>} : memref<256x40xf32, #tpu.memory_space<vmem>>, vector<1x16xf32>,
      %mul3A_911 = arith.mulf %broadcast_in_dim3A_876, %get3A_58 : vector<16xf32>
      %add3A_912 = arith.addf %mul3A_911, %get3A_67 : vector<16xf32>
      %mul3A_913 = arith.mulf %broadcast_in_dim3A_879, %get3A_61 : vector<16xf32>
      %add3A_914 = arith.addf %add3A_912, %mul3A_913 : vector<16xf32>
      %mul3A_915 = arith.mulf %broadcast_in_dim3A_882, %get3A_64 : vector<16xf32>
      %add3A_916 = arith.addf %add3A_914, %mul3A_915 : vector<16xf32>
      %max3A_917 = arith.maximumf %add3A_916, %broadcast_in_dim3A_68 : vector<16xf32>
      %add3A_918 = arith.constant 14 : i32
      %add3A_919 = arith.addi %mul3A_148, %add3A_918 : i32
      %swap3A_920 = arith.index_cast %add3A_919 : i32 to index
      %swap3A_921 = arith.constant 24 : index
      %swap3A_922 = tpu.vector_load %arg12[%swap3A_920, %swap3A_921] {strides = array<i32>} : memref<256x40xf32, #tpu.memory_space<vmem>>, vector<1x16xf32>,
      %swap3A_923 = vector.shape_cast %swap3A_922 : vector<1x16xf32> to vector<16xf32>
      %swap3A_924 = vector.shape_cast %max3A_917 : vector<16xf32> to vector<1x16xf32>
      tpu.vector_store %arg12[%swap3A_920, %swap3A_921], %swap3A_924 {strides = array<i32>} : memref<256x40xf32, #tpu.memory_space<vmem>>, vector<1x16xf32>,
      %slice3A_925 = vector.extract_strided_slice %get3A_153 {offsets = [15], sizes = [1], strides = [1]} : vector<16xf32> to vector<1xf32>
      %squeeze3A_926 = vector.extract %slice3A_925[0] : f32 from vector<1xf32>
      %broadcast_in_dim3A_927 = vector.broadcast %squeeze3A_926 : f32 to vector<16xf32>
      %slice3A_928 = vector.extract_strided_slice %get3A_158 {offsets = [15], sizes = [1], strides = [1]} : vector<16xf32> to vector<1xf32>
      %squeeze3A_929 = vector.extract %slice3A_928[0] : f32 from vector<1xf32>
      %broadcast_in_dim3A_930 = vector.broadcast %squeeze3A_929 : f32 to vector<16xf32>
      %slice3A_931 = vector.extract_strided_slice %get3A_163 {offsets = [15], sizes = [1], strides = [1]} : vector<16xf32> to vector<1xf32>
      %squeeze3A_932 = vector.extract %slice3A_931[0] : f32 from vector<1xf32>
      %broadcast_in_dim3A_933 = vector.broadcast %squeeze3A_932 : f32 to vector<16xf32>
      %mul3A_934 = arith.mulf %broadcast_in_dim3A_927, %get3A_34 : vector<16xf32>
      %add3A_935 = arith.addf %mul3A_934, %get3A_43 : vector<16xf32>
      %mul3A_936 = arith.mulf %broadcast_in_dim3A_930, %get3A_37 : vector<16xf32>
      %add3A_937 = arith.addf %add3A_935, %mul3A_936 : vector<16xf32>
      %mul3A_938 = arith.mulf %broadcast_in_dim3A_933, %get3A_40 : vector<16xf32>
      %add3A_939 = arith.addf %add3A_937, %mul3A_938 : vector<16xf32>
      %max3A_940 = arith.maximumf %add3A_939, %broadcast_in_dim3A_68 : vector<16xf32>
      %add3A_941 = arith.constant 15 : i32
      %add3A_942 = arith.addi %mul3A_148, %add3A_941 : i32
      %swap3A_943 = arith.index_cast %add3A_942 : i32 to index
      %swap3A_944 = arith.constant 0 : index
      %swap3A_945 = tpu.vector_load %arg12[%swap3A_943, %swap3A_944] {strides = array<i32>} : memref<256x40xf32, #tpu.memory_space<vmem>>, vector<1x16xf32>,
      %swap3A_946 = vector.shape_cast %swap3A_945 : vector<1x16xf32> to vector<16xf32>
      %swap3A_947 = vector.shape_cast %max3A_940 : vector<16xf32> to vector<1x16xf32>
      tpu.vector_store %arg12[%swap3A_943, %swap3A_944], %swap3A_947 {strides = array<i32>} : memref<256x40xf32, #tpu.memory_space<vmem>>, vector<1x16xf32>,
      %mul3A_948 = arith.mulf %broadcast_in_dim3A_927, %get3A_46 : vector<16xf32>
      %add3A_949 = arith.addf %mul3A_948, %get3A_55 : vector<16xf32>
      %mul3A_950 = arith.mulf %broadcast_in_dim3A_930, %get3A_49 : vector<16xf32>
      %add3A_951 = arith.addf %add3A_949, %mul3A_950 : vector<16xf32>
      %mul3A_952 = arith.mulf %broadcast_in_dim3A_933, %get3A_52 : vector<16xf32>
      %add3A_953 = arith.addf %add3A_951, %mul3A_952 : vector<16xf32>
      %max3A_954 = arith.maximumf %add3A_953, %broadcast_in_dim3A_68 : vector<16xf32>
      %add3A_955 = arith.constant 15 : i32
      %add3A_956 = arith.addi %mul3A_148, %add3A_955 : i32
      %swap3A_957 = arith.index_cast %add3A_956 : i32 to index
      %swap3A_958 = arith.constant 16 : index
      %swap3A_959 = tpu.vector_load %arg12[%swap3A_957, %swap3A_958] {strides = array<i32>} : memref<256x40xf32, #tpu.memory_space<vmem>>, vector<1x16xf32>,
      %swap3A_960 = vector.shape_cast %swap3A_959 : vector<1x16xf32> to vector<16xf32>
      %swap3A_961 = vector.shape_cast %max3A_954 : vector<16xf32> to vector<1x16xf32>
      tpu.vector_store %arg12[%swap3A_957, %swap3A_958], %swap3A_961 {strides = array<i32>} : memref<256x40xf32, #tpu.memory_space<vmem>>, vector<1x16xf32>,
      %mul3A_962 = arith.mulf %broadcast_in_dim3A_927, %get3A_58 : vector<16xf32>
      %add3A_963 = arith.addf %mul3A_962, %get3A_67 : vector<16xf32>
      %mul3A_964 = arith.mulf %broadcast_in_dim3A_930, %get3A_61 : vector<16xf32>
      %add3A_965 = arith.addf %add3A_963, %mul3A_964 : vector<16xf32>
      %mul3A_966 = arith.mulf %broadcast_in_dim3A_933, %get3A_64 : vector<16xf32>
      %add3A_967 = arith.addf %add3A_965, %mul3A_966 : vector<16xf32>
      %max3A_968 = arith.maximumf %add3A_967, %broadcast_in_dim3A_68 : vector<16xf32>
      %add3A_969 = arith.constant 15 : i32
      %add3A_970 = arith.addi %mul3A_148, %add3A_969 : i32
      %swap3A_971 = arith.index_cast %add3A_970 : i32 to index
      %swap3A_972 = arith.constant 24 : index
      %swap3A_973 = tpu.vector_load %arg12[%swap3A_971, %swap3A_972] {strides = array<i32>} : memref<256x40xf32, #tpu.memory_space<vmem>>, vector<1x16xf32>,
      %swap3A_974 = vector.shape_cast %swap3A_973 : vector<1x16xf32> to vector<16xf32>
      %swap3A_975 = vector.shape_cast %max3A_968 : vector<16xf32> to vector<1x16xf32>
      tpu.vector_store %arg12[%swap3A_971, %swap3A_972], %swap3A_975 {strides = array<i32>} : memref<256x40xf32, #tpu.memory_space<vmem>>, vector<1x16xf32>,
    }
    %scan3A_125 = arith.constant 16 : i32
    %add3A_126 = arith.constant 768 : i32
    %add3A_127 = arith.addi %mul3A_32, %add3A_126 : i32
    %dma_start3A_128 = arith.constant 0 : i32
    %dma_start3A_129 = tpu.memref_slice %arg6[%select_n3A, %add3A_127, %dma_start3A_128] : memref<16x2048x40xf32, #tpu.memory_space<hbm>> -> memref<1x256x40xf32, #tpu.memory_space<hbm>>
    %dma_start3A_130 = tpu.memref_squeeze %dma_start3A_129 : memref<1x256x40xf32, #tpu.memory_space<hbm>> -> memref<256x40xf32, #tpu.memory_space<hbm>>
    %dma_start3A_131 = arith.constant 0 : i32
    %dma_start3A_132 = tpu.memref_slice %arg6[%select_n3A, %add3A_127, %dma_start3A_131] : memref<16x2048x40xf32, #tpu.memory_space<hbm>> -> memref<1x256x40xf32, #tpu.memory_space<hbm>>
    %dma_start3A_133 = tpu.memref_squeeze %dma_start3A_132 : memref<1x256x40xf32, #tpu.memory_space<hbm>> -> memref<256x40xf32, #tpu.memory_space<hbm>>
    tpu.enqueue_dma source(%arg12 : memref<256x40xf32, #tpu.memory_space<vmem>>) target(%dma_start3A_133 : memref<256x40xf32, #tpu.memory_space<hbm>>) target_semaphore(%arg14 : memref<!tpu.dma_semaphore, #tpu.memory_space<semaphore_mem>>)
    %dma_wait3A_134 = arith.constant 0 : i32
    %dma_wait3A_135 = tpu.memref_slice %arg6[%select_n3A, %add3A_107, %dma_wait3A_134] : memref<16x2048x40xf32, #tpu.memory_space<hbm>> -> memref<1x256x40xf32, #tpu.memory_space<hbm>>
    %dma_wait3A_136 = tpu.memref_squeeze %dma_wait3A_135 : memref<1x256x40xf32, #tpu.memory_space<hbm>> -> memref<256x40xf32, #tpu.memory_space<hbm>>
    %dma_wait3A_137 = arith.constant 0 : i32
    %dma_wait3A_138 = tpu.memref_slice %arg6[%select_n3A, %add3A_107, %dma_wait3A_137] : memref<16x2048x40xf32, #tpu.memory_space<hbm>> -> memref<1x256x40xf32, #tpu.memory_space<hbm>>
    %dma_wait3A_139 = tpu.memref_squeeze %dma_wait3A_138 : memref<1x256x40xf32, #tpu.memory_space<hbm>> -> memref<256x40xf32, #tpu.memory_space<hbm>>
    tpu.wait_dma2 semaphore(%arg13 : memref<!tpu.dma_semaphore, #tpu.memory_space<semaphore_mem>>) src(%arg11 : memref<256x40xf32, #tpu.memory_space<vmem>>) dst(%dma_wait3A_139 : memref<256x40xf32, #tpu.memory_space<hbm>>)
    %dma_wait3A_140 = arith.constant 0 : i32
    %dma_wait3A_141 = tpu.memref_slice %arg6[%select_n3A, %add3A_127, %dma_wait3A_140] : memref<16x2048x40xf32, #tpu.memory_space<hbm>> -> memref<1x256x40xf32, #tpu.memory_space<hbm>>
    %dma_wait3A_142 = tpu.memref_squeeze %dma_wait3A_141 : memref<1x256x40xf32, #tpu.memory_space<hbm>> -> memref<256x40xf32, #tpu.memory_space<hbm>>
    %dma_wait3A_143 = arith.constant 0 : i32
    %dma_wait3A_144 = tpu.memref_slice %arg6[%select_n3A, %add3A_127, %dma_wait3A_143] : memref<16x2048x40xf32, #tpu.memory_space<hbm>> -> memref<1x256x40xf32, #tpu.memory_space<hbm>>
    %dma_wait3A_145 = tpu.memref_squeeze %dma_wait3A_144 : memref<1x256x40xf32, #tpu.memory_space<hbm>> -> memref<256x40xf32, #tpu.memory_space<hbm>>
    tpu.wait_dma2 semaphore(%arg14 : memref<!tpu.dma_semaphore, #tpu.memory_space<semaphore_mem>>) src(%arg12 : memref<256x40xf32, #tpu.memory_space<vmem>>) dst(%dma_wait3A_145 : memref<256x40xf32, #tpu.memory_space<hbm>>)
    return
  }
}

</mosaic_0001>

<sc_bundles>
// kernel: kernel.3.cloned.1.call-start
scs
__scs_entry_jumppad:
0x0: {  	(pc) =	sbr.rel $0x88, $3  }
0x1: {  	(tag) =	ssettag $0x0;
	lr =	simm.s32 $0x1  }
0x2: {  	[smem:$0x3F9C] =	sst lr;
	_ =	strace $0xD0000000  }
0x3: {  	_ = 	snop  }
0x4: {  	_ = 	snop  }
0x5: {  	_ = 	snop  }
0x6: {  	_ = 	snop  }
0x7: {  	_ = 	snop  }
__scs_overlays_trampoline_lowered:
0x8: {  	[smem:$0x3FAB] =	sst s0  }
0x9: {  	[smem:$0x3FAC] =	sst s1  }
0xa: {  	[smem:$0x3FAD] =	sst s2  }
0xb: {  	[smem:$0x3FAE] =	sst s3  }
0xc: {  	[smem:$0x3FAF] =	sst s4  }
0xd: {  	[smem:$0x3FB0] =	sst s5  }
0xe: {  	[smem:$0x3FB1] =	sst s6  }
0xf: {  	[smem:$0x3FB2] =	sst s7  }
0x10: {  	[smem:$0x3FB3] =	sst s8  }
0x11: {  	[smem:$0x3FB4] =	sst s9;
	s0 =	simm.s32 @!p0 $0x0  }
0x12: {  	s1 =	sld [smem:$0x3F9A];
	s0 =	simm.s32 @p0 $0x1  }
0x13: {  	[smem:$0x3FB5] =	sst s0;
	s0 =	simm.s32 @!p1 $0x0  }
0x14: {  	s2 =	sld [smem:$0x3F99];
	s0 =	simm.s32 @p1 $0x1  }
0x15: {  	[smem:$0x3FB6] =	sst s0;
	s0 =	simm.s32 @!p2 $0x0  }
0x16: {  	s3 =	sld [smem:$0x3FDB];
	s0 =	simm.s32 @p2 $0x1  }
0x17: {  	s4 =	simm.s32 $0x1BF5;
	[smem:$0x3FB8] =	sst s0  }
0x18: {  	s0 =	sld [smem:$0x3F9B];
	_ =	swait.ge [sflag:s4], $0x0  }
0x19: {  	s7 =	sld [smem:$0x3F9C]  }
0x1a: {  	s8 =	sadd.s32 $0xFFFFE003, lr  }
0x1b: {  	s9 =	sadd.s32 $0xFFFFFEF7, lr;
	s5 =	simm.s32 $0xFFFFFFFF;
	p2 =	slt.u32 s8, $0xFFFFF086  }
0x1c: {  	p1 =	slt.u32 s9, $0xF7A;
	s5 =	simm.s32 @!p2 $0x0  }
0x1d: {  	s5 =	simm.s32 @p1 $0x1;
	p0 =	seq.s32 s7, s2  }
0x1e: {  	s7 =	smul.u32 @!p0 $0xF7A, s2;
	p2 =	seq.s32 @!p0 s5, $0x0  }
0x1f: {  	s9 =	smul.u32 $0xF7A, s1;
	s8 =	simm.s32 @!p0 $0x1BF5;
	p2 =	por !p2, p0  }
0x20: {  	[sflag:s8] =	ssyncset.s32 @!p0 $0xFFFFF086;
	s6 =	sadd.s32 @!p0 s3, s7;
	s7 =	simm.s32 @!p0 $0x108  }
0x21: {  	s3 =	sadd.s32 s3, s9;
	s6 =	sadd.s32 @!p0 $0x88, s6;
	s7 =	simm.s32 @p2 $0x1082  }
0x22: {  	[simem:s7], [sflag:s8] =	dma.local @!p0 [hbm:s6], $0xF7A  }
0x23: {  	s9 =	sor.u32 $0xD0000000, s2;
	s6 =	simm.s32 $0x108;
	_ =	swait.ge @!p0 [sflag:s8], $0x0  }
0x24: {  	s3 =	sadd.s32 $0x88, s3;
	s6 =	simm.s32 @!p1 $0x1082;
	[sflag:s4] =	ssyncset.s32 $0xFFFFF086  }
0x25: {  	[simem:s6], [sflag:s4] =	dma.local [hbm:s3], $0xF7A  }
0x26: {  	[smem:$0x3F9C] =	sst s1;
	(tag) =	ssettag s2;
	_ =	strace s9  }
0x27: {  	s1 =	sld [smem:$0x3FAC]  }
0x28: {  	s2 =	sld [smem:$0x3FAD]  }
0x29: {  	s4 =	sld [smem:$0x3FAF]  }
0x2a: {  	p0 =	seq.s32 s5, $0x0;
	s5 =	sld [smem:$0x3FB0]  }
0x2b: {  	s6 =	sld [smem:$0x3FB1]  }
0x2c: {  	s7 =	sld [smem:$0x3FB2]  }
0x2d: {  	s3 =	simm.s32 $0x108;
	s8 =	sld [smem:$0x3FB3]  }
0x2e: {  	s3 =	simm.s32 @!p0 $0x1082;
	s9 =	sld [smem:$0x3FB4]  }
0x2f: {  	lr =	sadd.s32 s0, s3;
	s0 =	sld [smem:$0x3FAB]  }
0x30: {  	s3 =	sld [smem:$0x3FAE]  }
0x31: {  	[smem:$0x3FB7] =	sst s10  }
0x32: {  	s10 =	sld [smem:$0x3FB5];
	_ =	sdelay $0x3  }
0x33: {  	p0 =	seq.s32 s10, $0x1;
	s10 =	sld [smem:$0x3FB7];
	_ =	sdelay $0x3  }
0x34: {  	[smem:$0x3FB7] =	sst s10  }
0x35: {  	s10 =	sld [smem:$0x3FB6];
	_ =	sdelay $0x3  }
0x36: {  	p1 =	seq.s32 s10, $0x1;
	s10 =	sld [smem:$0x3FB7];
	_ =	sdelay $0x3  }
0x37: {  	[smem:$0x3FB7] =	sst s10  }
0x38: {  	s10 =	sld [smem:$0x3FB8]  }
0x39: {  	_ = 	snop;
	(pc) =	sbr.ind lr, $3  }
0x3a: {  	_ = 	snop  }
0x3b: {  	_ = 	snop  }
0x3c: {  	p2 =	seq.s32 s10, $0x1;
	s10 =	sld [smem:$0x3FB7]  }
0x3d: {  	_ =	shalt  }
0x3e: {  	_ =	shalt  }
0x3f: {  	_ =	shalt  }
0x40: {  	_ =	shalt  }
0x41: {  	_ =	shalt  }
0x42: {  	_ =	shalt  }
0x43: {  	_ =	shalt  }
0x44: {  	_ =	shalt  }
0x45: {  	_ =	shalt  }
0x46: {  	_ =	shalt  }
0x47: {  	_ =	shalt  }
0x48: {  	_ =	shalt  }
0x49: {  	_ =	shalt  }
0x4a: {  	_ =	shalt  }
0x4b: {  	_ =	shalt  }
0x4c: {  	_ =	shalt  }
0x4d: {  	_ =	shalt  }
0x4e: {  	_ =	shalt  }
0x4f: {  	_ =	shalt  }
0x50: {  	_ =	shalt  }
0x51: {  	_ =	shalt  }
0x52: {  	_ =	shalt  }
0x53: {  	_ =	shalt  }
0x54: {  	_ =	shalt  }
0x55: {  	_ =	shalt  }
0x56: {  	_ =	shalt  }
0x57: {  	_ =	shalt  }
0x58: {  	_ =	shalt  }
0x59: {  	_ =	shalt  }
0x5a: {  	_ =	shalt  }
0x5b: {  	_ =	shalt  }
0x5c: {  	_ =	shalt  }
0x5d: {  	_ =	shalt  }
0x5e: {  	_ =	shalt  }
0x5f: {  	_ =	shalt  }
0x60: {  	_ =	shalt  }
0x61: {  	_ =	shalt  }
0x62: {  	_ =	shalt  }
0x63: {  	_ =	shalt  }
0x64: {  	_ =	shalt  }
0x65: {  	_ =	shalt  }
0x66: {  	_ =	shalt  }
0x67: {  	_ =	shalt  }
0x68: {  	_ =	shalt  }
0x69: {  	_ =	shalt  }
0x6a: {  	_ =	shalt  }
0x6b: {  	_ =	shalt  }
0x6c: {  	_ =	shalt  }
0x6d: {  	_ =	shalt  }
0x6e: {  	_ =	shalt  }
0x6f: {  	_ =	shalt  }
0x70: {  	_ =	shalt  }
0x71: {  	_ =	shalt  }
0x72: {  	_ =	shalt  }
0x73: {  	_ =	shalt  }
0x74: {  	_ =	shalt  }
0x75: {  	_ =	shalt  }
0x76: {  	_ =	shalt  }
0x77: {  	_ =	shalt  }
0x78: {  	_ =	shalt  }
0x79: {  	_ =	shalt  }
0x7a: {  	_ =	shalt  }
0x7b: {  	_ =	shalt  }
0x7c: {  	_ =	shalt  }
0x7d: {  	_ =	shalt  }
0x7e: {  	_ =	shalt  }
0x7f: {  	_ =	shalt  }
0x80: {  	_ =	shalt  }
0x81: {  	_ =	shalt  }
0x82: {  	_ =	shalt  }
0x83: {  	_ =	shalt  }
0x84: {  	_ =	shalt  }
0x85: {  	_ =	shalt  }
0x86: {  	_ =	shalt  }
0x87: {  	_ =	shalt  }
.Lfunc_end0:
.L_simem_size_0:
called_computation_lowered:
.L_overlay_start_0:
0x88: {  	s2 =	sld [smem:$0x3FD9]  }
0x89: {  	s3 =	sld [smem:$0x3FFE];
	_ =	sdelay $0x1  }
0x8a: {  	s1 =	srdreg.scid  }
0x8b: {  	s0 =	sand.u32 $0x1, s1  }
0x8c: {  	s17 =	sshll.u32 s0, $0xA;
	s2 =	sadd.s32 s3, s2  }
0x8d: {  	s2 =	sadd.s32 s2, s17  }
0x8e: {  	[smem:$0x3FC3] =	sst s2  }
0x8f: {  	_ = 	snop  }
0x90: {  	s2 =	sld [smem:$0x3FD0];
	(tm) =	ssettm $0x1  }
0x91: {  	s18 =	sld [smem:$0x3FFB];
	_ =	sdelay $0x3  }
0x92: {  	_ =	strace s18  }
0x93: {  	s3 =	sld [smem:$0x3FFC];
	_ =	sdelay $0x3  }
0x94: {  	_ =	strace s3  }
0x95: {  	s3 =	sld [smem:$0x3FFD];
	_ =	sdelay $0x3  }
0x96: {  	_ =	strace s3  }
0x97: {  	_ =	strace $0x8FFFFFFF  }
0x98: {  	s19 =	sld [smem:$0x3FDB];
	_ =	sdelay $0x1  }
0x99: {  	s4 =	simm.s32 $_scs_section_size  }
0x9a: {  	s5 =	simm.s32 $_size__tile_overlayer_lowered;
	s6 =	simm.s32 $_tile_overlayer_lowered  }
0x9b: {  	s22 =	simm.s32 $0x1BFF;
	s21 =	sshll.u32 s6, $0x1;
	s3 =	sadd.s32 s4, s19  }
0x9c: {  	s7 =	simm.s32 $0x0;
	s20 =	sshll.u32 s5, $0x1;
	s5 =	sadd.s32 s21, s3  }
0x9d: {  	[timem:s7], [sflag:s22] =	dma.local [hbm:s5], s20  }
0x9e: {  	_ =	swait.ge [sflag:s22], s20  }
0x9f: {  	s4 =	ssub.s32 $0x0, s20;
	[sflag:s22] =	ssyncset.done $0x0  }
0xa0: {  	[sflag:s22] =	ssyncadd.s32 s4;
	_ =	sdelay $0x1  }
0xa1: {  	s23 =	simm.s32 $0x1B8B  }
0xa2: {  	_ =	swait.ge [sflag:s23], $0x1  }
0xa3: {  	[sflag:s23] =	ssyncset.done $0x0  }
0xa4: {  	s25 =	simm.s32 $0x1B8E;
	s24 =	sld [smem:$0x3FFE];
	[sflag:s23] =	ssyncadd.s32 $0xFFFFFFFF  }
0xa5: {  	s26 =	simm.s32 $execute0_lowered;
	[smem:$0x3FD2] =	sst s25  }
0xa6: {  	s5 =	sshll.u32 s26, $0x1;
	_ =	strace $0x80000046;
	[dreg:$0x1] =	wrdreg $0xFFFFFFFF  }
0xa7: {  	s28 =	simm.s32 $_size_execute0_lowered;
	s3 =	sadd.s32 s3, s5;
	[dreg:$0x0] =	wrdreg $0x0  }
0xa8: {  	s5 =	sshll.u32 s28, $0x1;
	[dreg:$0x2] =	wrdreg s3  }
0xa9: {  	[dreg:$0x3] =	wrdreg s5  }
0xaa: {  	[dreg:$0x4] =	wrdreg $0xC0  }
0xab: {  	_ =	task [dreg:s7], $0x5FFFF  }
0xac: {  	[dreg:$0x1] =	wrdreg $0xFFFFFFFF  }
0xad: {  	[dreg:$0x0] =	wrdreg $0x60  }
0xae: {  	[dreg:$0x2] =	wrdreg s24  }
0xaf: {  	[dreg:$0x3] =	wrdreg s2  }
0xb0: {  	[dreg:$0x4] =	wrdreg $0x9  }
0xb1: {  	_ =	task.clear_ibuf [dreg:s7], $0x5FFFF;
	_ =	strace $0x90000046  }
0xb2: {  	s29 =	simm.s32 $0x9;
	_ =	strace $0x80000048  }
0xb3: {  	_ =	swait.ge [sflag:s29], $0x1  }
0xb4: {  	[sflag:s29] =	ssyncadd.s32 $0xFFFFFFFF  }
0xb5: {  	_ =	strace $0x90000048  }
0xb6: {  	_ =	sfence  }
0xb7: {  	s30 =	sld [smem:$0x0];
	_ =	sdelay $0x2  }
0xb8: {  	s31 =	sshll.u32 s1, $0xD;
	s1 =	sshrl.u32 s1, $0x2  }
0xb9: {  	s3 =	sand.u32 $0x4000, s31;
	s1 =	sadd.s32 s1, s30  }
0xba: {  	s0 =	sor.u32 s3, s0;
	s1 =	sshll.u32 s1, $0x11  }
0xbb: {  	s0 =	sor.u32 s1, s0  }
0xbc: {  	s0 =	sadd.s32 $0x8F2B, s0  }
0xbd: {  	[sflag:s0] =	ssyncadd.remote.s32 $0x1  }
0xbe: {  	_ =	sfence.sel $0xFFFF  }
0xbf: {  	[dreg:$0x0] =	wrdreg $0xFFFFFFFF;
	(pc) =	sbr.abs _section_cstart, $3  }
0xc0: {  	[dreg:$0x1] =	wrdreg $0xFFFFFFFF  }
0xc1: {  	_ =	task.clear_ibuf [dreg:s7], $0x2FFFF;
	_ =	strace $0x9FFFFFFF  }
0xc2: {  	(tm) =	ssettm $0x7FFFFFFF  }
0xc3: {  	_ =	shalt  }
tec
execute0_lowered:
.L_overlay_start_1:
0x0: {  	(tag) =	ssettag $0x1  }
0x1: {  	s1 =	srdreg.scid;
	s5 =	rddreg [dreg:$0x0]  }
0x2: {  	s0 =	stileid.u32;
	s3 =	simm.s32 $0x1;
	s7 =	rddreg [dreg:$0x1]  }
0x3: {  	s2 =	simm.s32 $0x0;
	s13 =	simm.s32 $0x80;
	s14 =	simm.s32 $0x400  }
0x4: {  	s15 =	simm.s32 $0x3;
	s16 =	simm.s32 $0x800;
	s4 =	sand.u32 $0x1, s1  }
0x5: {  	s17 =	simm.s32 $0xC00;
	s18 =	simm.s32 $0xD00;
	s1 =	sor.u32 s4, s0  }
0x6: {  	s19 =	simm.s32 $0x8D00;
	p1 =	seq.s32 s4, $0x1;
	p0 =	seq.s32 s1, $0x0  }
0x7: {  	s20 =	simm.s32 $0x2;
	s21 =	simm.s32 $0x0;
	p0 =	por !p0, !p1  }
0x8: {  	[smem:$0x7FF] =	sst s2;
	s8 =	sshll.u32 s4, $0xD;
	p0 =	por !p0, !p0  }
0x9: {  	s26 =	sshll.u32 s4, $0x11;
	s30 =	ssub.s32 $0x2, s4;
	s3 =	simm.s32 @!p0 $0x0  }
0xa: {  	s4 =	sadd.s32 $0x2A00, s5;
	s1 =	rddreg [dreg:$0x2];
	s3 =	ssub.s32 s0, s3  }
0xb: {  	_ =	strace $0x80000047;
	s31 =	sshrl.u32 s30, $0x1;
	s6 =	sshll.u32 s3, $0xB  }
0xc: {  	s12 =	ssub.s32 s30, s31;
	s9 =	sshll.u32 s3, $0x7;
	s6 =	sand.u32 $0xFFFFC000, s6  }
0xd: {  	s25 =	sshll.u32 s3, $0x12;
	s24 =	sand.u32 $0x380, s9;
	s6 =	sor.u32 s8, s6  }
0xe: {  	s12 =	smax.u32 s12, $0x1;
	s28 =	sor.u32 s26, s25;
	s6 =	sor.u32 s24, s6  }
0xf: {  	s3 =	simm.s32 $0x1;
	s10 =	sshrl.u32 s6, $0x3;
	s6 =	sshrl.u32 s28, $0x3  }
0x10: {  	s29 =	sadd.s32 s10, s5;
	s11 =	sadd.s32 s6, s5;
	s7 =	sadd.s32 s7, s10  }
0x11: {  	s5 =	sadd.s32 $0x1A00, s29;
	s6 =	sadd.s32 $0xA00, s29;
	s8 =	sadd.s32 $0x2C00, s11  }
0x12: {  	s9 =	sadd.s32 $0x3C00, s11;
	s10 =	sadd.s32 $0x4C00, s11;
	s11 =	sadd.s32 $0x5C00, s11  }
.LBB2_1:
0x13: {  	[tilespmem:s2], [sflag:$0x3] =	stream.strided.gather [hbm4b:s5+s13], $0x400, s14, s13, $0x38;
	[tilespmem:$0x10D00] =	vst v63  }
0x14: {  	_ =	swait.ge [sflag:s15], $0x400  }
0x15: {  	[sflag:s15] =	ssyncset.done $0x0  }
0x16: {  	[sflag:s15] =	ssyncadd.s32 $0xFFFFFC00  }
0x17: {  	[tilespmem:s14], [sflag:$0x3] =	stream.strided.gather [hbm4b:s6+s13], $0x400, s14, s13, $0x38;
	[tilespmem:$0x10D00] =	vst v63  }
0x18: {  	_ =	swait.ge [sflag:s15], $0x400  }
0x19: {  	[sflag:s15] =	ssyncset.done $0x0  }
0x1a: {  	[sflag:s15] =	ssyncadd.s32 $0xFFFFFC00  }
0x1b: {  	[tilespmem:s16], [sflag:$0x3] =	stream.strided.gather [hbm4b:s7+s13], $0x400, s14, s13, $0x38;
	[tilespmem:$0x10D00] =	vst v63  }
0x1c: {  	_ =	swait.ge [sflag:s15], $0x400  }
0x1d: {  	[sflag:s15] =	ssyncset.done $0x0  }
0x1e: {  	[sflag:s15] =	ssyncadd.s32 $0xFFFFFC00  }
0x1f: {  	[tilespmem:s17], [sflag:$0x3] =	stream.linear.gather [hbm4b:s4+s2], $0x100, $0x38;
	[tilespmem:$0x10D00] =	vst v63  }
0x20: {  	_ =	swait.ge [sflag:s15], $0x100  }
0x21: {  	[sflag:s15] =	ssyncset.done $0x0  }
0x22: {  	[sflag:s15] =	ssyncadd.s32 $0xFFFFFF00  }
0x23: {  	v0 =	vld [tilespmem:$0xC00]  }
0x24: {  	v1 =	vld [tilespmem:$0xC28]  }
0x25: {  	v2 =	vld [tilespmem:$0xC50]  }
0x26: {  	v3 =	vld [tilespmem:$0xC78]  }
0x27: {  	v4 =	vld [tilespmem:$0xC10]  }
0x28: {  	v5 =	vld [tilespmem:$0xC38]  }
0x29: {  	v6 =	vld [tilespmem:$0xC60]  }
0x2a: {  	v7 =	vld [tilespmem:$0xC88]  }
0x2b: {  	v8 =	vld [tilespmem:$0xC18]  }
0x2c: {  	v9 =	vld [tilespmem:$0xC40]  }
0x2d: {  	v10 =	vld [tilespmem:$0xC68]  }
0x2e: {  	s22 =	simm.s32 $0x1100;
	s23 =	simm.s32 $0x0;
	v11 =	vld [tilespmem:$0xC90]  }
.LBB2_2:
0x2f: {  	s24 =	sshra.s32 s23, $0x2  }
0x30: {  	v14 =	vld [tilespmem:s24+$0x0]  }
0x31: {  	v13 =	vld [tilespmem:s24+$0x400]  }
0x32: {  	v12 =	vld [tilespmem:s24+$0x800];
	_ =	sdelay $0x3  }
0x33: {  	v15 =	vbroadcast v14, $0x0  }
0x34: {  	v16 =	vbroadcast v13, $0x0;
	v19 =	vbroadcast v12, $0x0  }
0x35: {  	v23 =	vbroadcast v14, $0x1;
	v35 =	vbroadcast v13, $0x1  }
0x36: {  	v38 =	vbroadcast v12, $0x1;
	v26 =	vbroadcast v14, $0x2  }
0x37: {  	v44 =	vbroadcast v13, $0x2;
	v47 =	vbroadcast v12, $0x2  }
0x38: {  	v29 =	vbroadcast v14, $0x3;
	v54 =	vbroadcast v13, $0x3  }
0x39: {  	v58 =	vbroadcast v12, $0x3;
	v63 =	vbroadcast v13, $0x4  }
0x3a: {  	v17 =	vmul.f32 v15, v0;
	v18 =	vmul.f32 v15, v4  }
0x3b: {  	v20 =	vmul.f32 v16, v1;
	v21 =	vmul.f32 v16, v5  }
0x3c: {  	v31 =	vmul.f32 v19, v2;
	v22 =	vmul.f32 v15, v8  }
0x3d: {  	v32 =	vmul.f32 v19, v6;
	v34 =	vmul.f32 v16, v9  }
0x3e: {  	v36 =	vmul.f32 v23, v0;
	v19 =	vmul.f32 v19, v10  }
0x3f: {  	v37 =	vmul.f32 v23, v4;
	v24 =	vmul.f32 v35, v1  }
0x40: {  	v40 =	vmul.f32 v35, v5;
	v41 =	vmul.f32 v38, v2  }
0x41: {  	v23 =	vmul.f32 v23, v8;
	v25 =	vmul.f32 v38, v6  }
0x42: {  	v43 =	vmul.f32 v35, v9;
	v45 =	vmul.f32 v26, v0  }
0x43: {  	v46 =	vmul.f32 v26, v4;
	v28 =	vmul.f32 v44, v1  }
0x44: {  	v49 =	vmul.f32 v44, v5;
	v51 =	vmul.f32 v47, v2  }
0x45: {  	v26 =	vmul.f32 v26, v8;
	v52 =	vmul.f32 v47, v6  }
0x46: {  	v55 =	vmul.f32 v29, v0;
	v56 =	vmul.f32 v47, v10  }
0x47: {  	v57 =	vmul.f32 v29, v4;
	v17 =	vadd.f32 v17, v3;
	v18 =	vadd.f32 v18, v7  }
0x48: {  	v30 =	vmul.f32 v54, v1;
	v33 =	vadd.f32 v22, v11;
	v39 =	vadd.f32 v37, v7  }
0x49: {  	v29 =	vmul.f32 v29, v8;
	v42 =	vadd.f32 v23, v11;
	v27 =	vadd.f32 v45, v3  }
0x4a: {  	v60 =	vmul.f32 v54, v5;
	v48 =	vadd.f32 v46, v7;
	v53 =	vadd.f32 v26, v11  }
0x4b: {  	v61 =	vmul.f32 v58, v2;
	v59 =	vadd.f32 v57, v7;
	v62 =	vadd.f32 v29, v11  }
0x4c: {  	v47 =	vbroadcast v12, $0x5;
	v17 =	vadd.f32 v20, v17;
	v18 =	vadd.f32 v21, v18  }
0x4d: {  	v26 =	vmul.f32 v54, v9;
	v21 =	vadd.f32 v36, v3;
	v20 =	vadd.f32 v40, v39  }
0x4e: {  	v22 =	vmul.f32 v38, v10;
	v50 =	vadd.f32 v28, v27;
	v27 =	vadd.f32 v55, v3  }
0x4f: {  	v38 =	vbroadcast v12, $0x4;
	v26 =	vadd.f32 v26, v62;
	v15 =	vadd.f32 v31, v17  }
0x50: {  	v36 =	vmul.f32 v58, v10;
	v16 =	vadd.f32 v32, v18;
	v17 =	vadd.f32 v34, v33  }
0x51: {  	v40 =	vmul.f32 v63, v5;
	v21 =	vadd.f32 v24, v21;
	v18 =	vadd.f32 v25, v20  }
0x52: {  	v24 =	vmul.f32 v44, v9;
	v27 =	vadd.f32 v30, v27;
	v31 =	vmul.f32 v58, v6  }
0x53: {  	v25 =	vadd.f32 v60, v59;
	v32 =	vbroadcast v14, $0x4;
	v33 =	vmul.f32 v63, v1  }
0x54: {  	v26 =	vadd.f32 v36, v26;
	v34 =	vmul.f32 v38, v6;
	v44 =	vbroadcast v13, $0x5  }
0x55: {  	v17 =	vadd.f32 v19, v17;
	v19 =	vadd.f32 v41, v21;
	v35 =	vmul.f32 v32, v0  }
0x56: {  	v21 =	vadd.f32 v43, v42;
	v37 =	vmul.f32 v32, v4;
	v41 =	vmul.f32 v38, v2  }
0x57: {  	v23 =	vadd.f32 v24, v53;
	v32 =	vmul.f32 v32, v8;
	v43 =	vmul.f32 v63, v9  }
0x58: {  	v25 =	vadd.f32 v31, v25;
	v31 =	vmul.f32 v38, v10;
	v36 =	vmul.f32 v44, v1  }
0x59: {  	v24 =	vadd.f32 v61, v27;
	v38 =	vbroadcast v14, $0x6;
	v53 =	vbroadcast v13, $0x6  }
0x5a: {  	v63 =	vbroadcast v13, $0x7;
	v15 =	vmax.f32 v15, $0.0e+00;
	v16 =	vmax.f32 v16, $0.0e+00  }
0x5b: {  	[tilespmem:s22+$0xFFFFFC10] =	vst v16;
	v16 =	vbroadcast v13, $0xC;
	v20 =	vadd.f32 v22, v21;
	v22 =	vadd.f32 v49, v48  }
0x5c: {  	v21 =	vadd.f32 v51, v50;
	v30 =	vadd.f32 v35, v3;
	v35 =	vbroadcast v14, $0x5  }
0x5d: {  	v23 =	vadd.f32 v56, v23;
	v49 =	vmul.f32 v44, v5;
	v50 =	vmul.f32 v47, v2  }
0x5e: {  	v39 =	vadd.f32 v37, v7;
	v37 =	vmul.f32 v47, v6;
	v54 =	vmul.f32 v38, v0  }
0x5f: {  	v42 =	vadd.f32 v32, v11;
	v55 =	vmul.f32 v38, v4;
	v56 =	vbroadcast v12, $0x6  }
0x60: {  	v58 =	vmul.f32 v53, v5;
	v38 =	vmul.f32 v38, v8;
	v22 =	vadd.f32 v52, v22  }
0x61: {  	v30 =	vadd.f32 v33, v30;
	v45 =	vmul.f32 v35, v0;
	v46 =	vmul.f32 v35, v4  }
0x62: {  	v27 =	vadd.f32 v40, v39;
	v35 =	vmul.f32 v35, v8;
	v52 =	vmul.f32 v44, v9  }
0x63: {  	v39 =	vadd.f32 v54, v3;
	v40 =	vmul.f32 v53, v1;
	v57 =	vadd.f32 v55, v7  }
0x64: {  	v60 =	vmul.f32 v56, v2;
	v61 =	vmul.f32 v56, v6;
	v62 =	vadd.f32 v38, v11  }
0x65: {  	v44 =	vbroadcast v14, $0x8;
	v38 =	vmul.f32 v63, v9;
	v28 =	vadd.f32 v41, v30  }
0x66: {  	v54 =	vbroadcast v13, $0x8;
	v29 =	vadd.f32 v34, v27;
	v30 =	vadd.f32 v43, v42  }
0x67: {  	v33 =	vadd.f32 v45, v3;
	v48 =	vadd.f32 v46, v7;
	v34 =	vmul.f32 v47, v10  }
0x68: {  	v51 =	vadd.f32 v35, v11;
	v41 =	vbroadcast v14, $0x7;
	v47 =	vmul.f32 v56, v10  }
0x69: {  	v59 =	vadd.f32 v40, v39;
	v42 =	vmul.f32 v63, v1;
	v55 =	vmul.f32 v44, v0  }
0x6a: {  	v45 =	vmul.f32 v54, v1;
	v30 =	vadd.f32 v31, v30;
	v33 =	vadd.f32 v36, v33  }
0x6b: {  	v32 =	vadd.f32 v49, v48;
	v36 =	vmul.f32 v53, v9;
	v46 =	vmul.f32 v41, v0  }
0x6c: {  	v48 =	vmul.f32 v41, v4;
	v49 =	vbroadcast v12, $0x7;
	v31 =	vadd.f32 v50, v33  }
0x6d: {  	v41 =	vmul.f32 v41, v8;
	v27 =	vadd.f32 v37, v32;
	v33 =	vadd.f32 v52, v51  }
0x6e: {  	v28 =	vmax.f32 v28, $0.0e+00;
	v35 =	vadd.f32 v36, v62;
	v39 =	vadd.f32 v46, v3  }
0x6f: {  	v50 =	vadd.f32 v48, v7;
	v51 =	vmul.f32 v63, v5;
	v52 =	vmul.f32 v49, v2  }
0x70: {  	v43 =	vmul.f32 v49, v6;
	v53 =	vadd.f32 v41, v11;
	v56 =	vmul.f32 v49, v10  }
0x71: {  	v41 =	vmul.f32 v54, v9;
	v32 =	vadd.f32 v34, v33;
	v34 =	vadd.f32 v58, v57  }
0x72: {  	v63 =	vbroadcast v13, $0x9;
	v33 =	vadd.f32 v60, v59;
	v35 =	vadd.f32 v47, v35  }
0x73: {  	v39 =	vadd.f32 v42, v39;
	v37 =	vadd.f32 v51, v50;
	v57 =	vmul.f32 v44, v4  }
0x74: {  	v38 =	vadd.f32 v38, v53;
	v58 =	vbroadcast v12, $0x8;
	v60 =	vmul.f32 v54, v5  }
0x75: {  	v42 =	vadd.f32 v55, v3;
	v44 =	vmul.f32 v44, v8;
	v47 =	vbroadcast v14, $0x9  }
0x76: {  	v54 =	vbroadcast v12, $0x9;
	v48 =	vmul.f32 v63, v1;
	v34 =	vadd.f32 v61, v34  }
0x77: {  	v50 =	vbroadcast v14, $0xA;
	v36 =	vadd.f32 v52, v39;
	v37 =	vadd.f32 v43, v37  }
0x78: {  	v38 =	vadd.f32 v56, v38;
	v61 =	vmul.f32 v58, v2;
	v46 =	vmul.f32 v58, v6  }
0x79: {  	v59 =	vadd.f32 v57, v7;
	v51 =	vmul.f32 v47, v0;
	v52 =	vmul.f32 v58, v10  }
0x7a: {  	v42 =	vadd.f32 v45, v42;
	v53 =	vmul.f32 v47, v4;
	v56 =	vmul.f32 v63, v5  }
0x7b: {  	v62 =	vadd.f32 v44, v11;
	v57 =	vmul.f32 v54, v2;
	v47 =	vmul.f32 v47, v8  }
0x7c: {  	v49 =	vmul.f32 v54, v6;
	v40 =	vadd.f32 v60, v59;
	v39 =	vadd.f32 v61, v42  }
0x7d: {  	v44 =	vmul.f32 v63, v9;
	v41 =	vadd.f32 v41, v62;
	v45 =	vadd.f32 v51, v3  }
0x7e: {  	v58 =	vadd.f32 v47, v11;
	v47 =	vbroadcast v13, $0xA;
	v59 =	vmul.f32 v50, v0  }
0x7f: {  	v55 =	vadd.f32 v53, v7;
	v60 =	vmul.f32 v54, v10;
	v61 =	vmul.f32 v50, v4  }
0x80: {  	v62 =	vbroadcast v12, $0xA;
	v40 =	vadd.f32 v46, v40;
	v41 =	vadd.f32 v52, v41  }
0x81: {  	v50 =	vmul.f32 v50, v8;
	v45 =	vadd.f32 v48, v45;
	v42 =	vadd.f32 v56, v55  }
0x82: {  	v44 =	vadd.f32 v44, v58;
	v48 =	vadd.f32 v59, v3;
	v51 =	vmul.f32 v47, v1  }
0x83: {  	v63 =	vadd.f32 v61, v7;
	v56 =	vmul.f32 v47, v5;
	v52 =	vbroadcast v14, $0xB  }
0x84: {  	v53 =	vmul.f32 v62, v6;
	v58 =	vbroadcast v13, $0xB;
	v50 =	vadd.f32 v50, v11  }
0x85: {  	v47 =	vmul.f32 v47, v9;
	v43 =	vadd.f32 v57, v45;
	v42 =	vadd.f32 v49, v42  }
0x86: {  	v44 =	vadd.f32 v60, v44;
	v57 =	vmul.f32 v62, v2;
	v59 =	vmul.f32 v52, v0  }
0x87: {  	v48 =	vadd.f32 v51, v48;
	v60 =	vbroadcast v12, $0xB;
	v54 =	vmul.f32 v58, v1  }
0x88: {  	v46 =	vadd.f32 v56, v63;
	v49 =	vmul.f32 v62, v10;
	v61 =	vmul.f32 v52, v4  }
0x89: {  	v47 =	vadd.f32 v47, v50;
	v52 =	vmul.f32 v52, v8;
	v63 =	vmul.f32 v58, v5  }
0x8a: {  	v51 =	vmul.f32 v58, v9;
	v58 =	vmax.f32 v19, $0.0e+00;
	v45 =	vadd.f32 v57, v48  }
0x8b: {  	v46 =	vadd.f32 v53, v46;
	v48 =	vadd.f32 v59, v3;
	v55 =	vmul.f32 v60, v2  }
0x8c: {  	v62 =	vadd.f32 v61, v7;
	v52 =	vadd.f32 v52, v11;
	v57 =	vmax.f32 v17, $0.0e+00  }
0x8d: {  	v59 =	vmul.f32 v60, v10;
	v61 =	vmax.f32 v18, $0.0e+00;
	v17 =	vbroadcast v12, $0xC  }
0x8e: {  	v53 =	vmax.f32 v21, $0.0e+00;
	[tilespmem:s22+$0xFFFFFC90] =	vst v61;
	v61 =	vmax.f32 v26, $0.0e+00;
	v54 =	vadd.f32 v54, v48  }
0x8f: {  	[tilespmem:s22+$0xFFFFFD00] =	vst v53;
	v53 =	vmax.f32 v30, $0.0e+00;
	v48 =	vadd.f32 v49, v47;
	v49 =	vadd.f32 v63, v62  }
0x90: {  	[tilespmem:s22+$0xFFFFFC00] =	vst v15;
	v56 =	vadd.f32 v51, v52;
	v51 =	vbroadcast v14, $0xC;
	v62 =	vmax.f32 v20, $0.0e+00  }
0x91: {  	[tilespmem:s22+$0xFFFFFC18] =	vst v57;
	v52 =	vmul.f32 v16, v1;
	v57 =	vmul.f32 v17, v2;
	v47 =	vadd.f32 v55, v54  }
0x92: {  	[tilespmem:s22+$0xFFFFFE00] =	vst v28;
	v55 =	vmul.f32 v60, v6;
	v60 =	vmul.f32 v51, v0;
	v19 =	vadd.f32 v59, v56  }
0x93: {  	[tilespmem:s22+$0xFFFFFC80] =	vst v58;
	v54 =	vmax.f32 v22, $0.0e+00;
	v58 =	vmul.f32 v51, v4;
	v50 =	vmul.f32 v51, v8  }
0x94: {  	v59 =	vmax.f32 v24, $0.0e+00;
	v51 =	vmul.f32 v17, v6;
	v17 =	vmul.f32 v17, v10;
	[tilespmem:s22+$0xFFFFFD10] =	vst v54  }
0x95: {  	[tilespmem:s22+$0xFFFFFD80] =	vst v59;
	v54 =	vbroadcast v13, $0xD;
	v59 =	vmax.f32 v32, $0.0e+00;
	v32 =	vmax.f32 v34, $0.0e+00  }
0x96: {  	[tilespmem:s22+$0xFFFFFC98] =	vst v62;
	v15 =	vadd.f32 v55, v49;
	v63 =	vadd.f32 v60, v3;
	v55 =	vmax.f32 v23, $0.0e+00  }
0x97: {  	v60 =	vmax.f32 v25, $0.0e+00;
	v62 =	vadd.f32 v58, v7;
	v49 =	vmax.f32 v29, $0.0e+00;
	[tilespmem:s22+$0xFFFFFF10] =	vst v32  }
0x98: {  	v26 =	vadd.f32 v50, v11;
	v25 =	vbroadcast v12, $0xD;
	v58 =	vmax.f32 v27, $0.0e+00;
	[tilespmem:s22+$0xFFFFFD90] =	vst v60  }
0x99: {  	v50 =	vmax.f32 v37, $0.0e+00;
	[tilespmem:s22+$0xFFFFFE90] =	vst v58;
	v21 =	vmul.f32 v54, v9;
	v58 =	vbroadcast v12, $0xE  }
0x9a: {  	[tilespmem:s22+$0xFFFFFE10] =	vst v49;
	v12 =	vbroadcast v12, $0xF;
	v56 =	vadd.f32 v52, v63;
	v63 =	vmul.f32 v16, v5  }
0x9b: {  	v49 =	vmax.f32 v36, $0.0e+00;
	v52 =	vbroadcast v14, $0xD;
	[tilespmem:s22+$0xFFFFFD98] =	vst v61;
	v16 =	vmul.f32 v16, v9  }
0x9c: {  	[tilespmem:s22+$0xFFFFFE18] =	vst v53;
	v61 =	vmul.f32 v25, v2;
	v53 =	vmax.f32 v38, $0.0e+00;
	v15 =	vmax.f32 v15, $0.0e+00  }
0x9d: {  	[tilespmem:s22+$0xFFFFFD18] =	vst v55;
	v18 =	vadd.f32 v57, v56;
	v20 =	vadd.f32 v63, v62;
	v55 =	vmul.f32 v52, v0  }
0x9e: {  	[tilespmem:s22+$0xFFFFFF90] =	vst v50;
	v57 =	vmul.f32 v54, v1;
	v62 =	vmul.f32 v52, v4;
	v63 =	vmax.f32 v33, $0.0e+00  }
0x9f: {  	[tilespmem:s22+$0xFFFFFE98] =	vst v59;
	v33 =	vmax.f32 v35, $0.0e+00;
	v35 =	vmul.f32 v54, v5;
	v24 =	vmul.f32 v52, v8  }
0xa0: {  	[tilespmem:s22+$0xFFFFFF80] =	vst v49;
	v56 =	vmax.f32 v31, $0.0e+00;
	v52 =	vbroadcast v14, $0xE;
	v54 =	vbroadcast v13, $0xE  }
0xa1: {  	v16 =	vadd.f32 v16, v26;
	v14 =	vbroadcast v14, $0xF;
	v13 =	vbroadcast v13, $0xF;
	[tilespmem:s22+$0xFFFFFE80] =	vst v56  }
0xa2: {  	[tilespmem:s22+$0xFFFFFF00] =	vst v63;
	v56 =	vmax.f32 v39, $0.0e+00;
	v63 =	vmul.f32 v58, v2;
	v39 =	vmax.f32 v45, $0.0e+00  }
0xa3: {  	[tilespmem:s22+$0xFFFFFF98] =	vst v53;
	v45 =	vmax.f32 v19, $0.0e+00;
	v20 =	vadd.f32 v51, v20;
	v22 =	vadd.f32 v55, v3  }
0xa4: {  	[tilespmem:s22+$0x190] =	vst v15;
	v16 =	vadd.f32 v17, v16;
	v34 =	vadd.f32 v62, v7;
	v51 =	vmul.f32 v25, v6  }
0xa5: {  	[tilespmem:s22+$0xFFFFFF18] =	vst v33;
	v24 =	vadd.f32 v24, v11;
	v55 =	vmul.f32 v52, v0;
	v25 =	vmul.f32 v25, v10  }
0xa6: {  	[tilespmem:s22+$0x0] =	vst v56;
	v62 =	vmax.f32 v43, $0.0e+00;
	v33 =	vmul.f32 v52, v4;
	v38 =	vmul.f32 v54, v5  }
0xa7: {  	v28 =	vmul.f32 v52, v8;
	[tilespmem:s22+$0x100] =	vst v39;
	v23 =	vmul.f32 v54, v9;
	v43 =	vmax.f32 v47, $0.0e+00  }
0xa8: {  	v18 =	vmax.f32 v18, $0.0e+00;
	[tilespmem:s22+$0x198] =	vst v45;
	v52 =	vmul.f32 v14, v4;
	v56 =	vmul.f32 v13, v5  }
0xa9: {  	[tilespmem:s22+$0x80] =	vst v62;
	v60 =	vadd.f32 v57, v22;
	v22 =	vadd.f32 v35, v34;
	v57 =	vmax.f32 v40, $0.0e+00  }
0xaa: {  	[tilespmem:s22+$0x180] =	vst v43;
	v21 =	vadd.f32 v21, v24;
	v59 =	vadd.f32 v55, v3;
	v34 =	vmax.f32 v42, $0.0e+00  }
0xab: {  	[tilespmem:s22+$0x200] =	vst v18;
	v35 =	vmax.f32 v44, $0.0e+00;
	v37 =	vadd.f32 v33, v7;
	v40 =	vmax.f32 v46, $0.0e+00  }
0xac: {  	v42 =	vmul.f32 v58, v6;
	v28 =	vadd.f32 v28, v11;
	v44 =	vmul.f32 v14, v0;
	[tilespmem:s22+$0x10] =	vst v57  }
0xad: {  	v46 =	vmul.f32 v58, v10;
	v50 =	vmax.f32 v20, $0.0e+00;
	v16 =	vmax.f32 v16, $0.0e+00;
	[tilespmem:s22+$0x90] =	vst v34  }
0xae: {  	v14 =	vmul.f32 v14, v8;
	v55 =	vadd.f32 v52, v7;
	[tilespmem:s22+$0x110] =	vst v40;
	v17 =	vadd.f32 v61, v60  }
0xaf: {  	[tilespmem:s22+$0x210] =	vst v50;
	v22 =	vadd.f32 v51, v22;
	v60 =	vmul.f32 v54, v1;
	v61 =	vmax.f32 v41, $0.0e+00  }
0xb0: {  	v21 =	vadd.f32 v25, v21;
	[tilespmem:s22+$0x98] =	vst v35;
	v41 =	vmax.f32 v48, $0.0e+00;
	v47 =	vadd.f32 v44, v3  }
0xb1: {  	v48 =	vmul.f32 v13, v1;
	v51 =	vmul.f32 v12, v2;
	[tilespmem:s22+$0x218] =	vst v16;
	v14 =	vadd.f32 v14, v11  }
0xb2: {  	v13 =	vmul.f32 v13, v9;
	v16 =	vadd.f32 v56, v55;
	[tilespmem:s22+$0x18] =	vst v61;
	v26 =	vadd.f32 v60, v59  }
0xb3: {  	[tilespmem:s22+$0x118] =	vst v41;
	v15 =	vadd.f32 v48, v47;
	v53 =	vmax.f32 v17, $0.0e+00;
	v54 =	vmax.f32 v22, $0.0e+00  }
0xb4: {  	v57 =	vmax.f32 v21, $0.0e+00;
	v59 =	vmul.f32 v12, v6;
	[tilespmem:s22+$0x280] =	vst v53;
	v36 =	vadd.f32 v63, v26  }
0xb5: {  	v13 =	vadd.f32 v13, v14;
	v12 =	vmul.f32 v12, v10;
	[tilespmem:s22+$0x290] =	vst v54;
	v15 =	vadd.f32 v51, v15  }
0xb6: {  	v26 =	vadd.f32 v38, v37;
	[tilespmem:s22+$0x298] =	vst v57;
	v16 =	vadd.f32 v59, v16;
	v58 =	vmax.f32 v36, $0.0e+00  }
0xb7: {  	p0 =	sne.s32 s23, $0x3C0;
	v23 =	vadd.f32 v23, v28;
	v12 =	vadd.f32 v12, v13;
	v62 =	vmax.f32 v15, $0.0e+00;
	[tilespmem:s22+$0x300] =	vst v58  }
.Ltmp0:
0xb8: {  	v26 =	vadd.f32 v42, v26;
	v63 =	vmax.f32 v16, $0.0e+00;
	[tilespmem:s22+$0x380] =	vst v62;
	(pc) =	sbr.rel @p0 .LBB2_2-.Ltmp0, $4  }
0xb9: {  	v49 =	vadd.f32 v46, v23;
	v12 =	vmax.f32 v12, $0.0e+00;
	[tilespmem:s22+$0x390] =	vst v63  }
0xba: {  	v60 =	vmax.f32 v26, $0.0e+00;
	[tilespmem:s22+$0x398] =	vst v12  }
0xbb: {  	v61 =	vmax.f32 v49, $0.0e+00;
	[tilespmem:s22+$0x310] =	vst v60  }
0xbc: {  	s23 =	sadd.s32 $0x40, s23;
	[tilespmem:s22+$0x318] =	vst v61;
	s22 =	sadd.s32 $0x800, s22  }
0xbd: {  	s22 =	simm.s32 $0x0;
	s23 =	simm.s32 $0x9100  }
0xbe: {  	[hbm4b:s8+s22] =	stream.linear.scatter [tilespmem:s18], [sflag:$0x1], $0x8000, $0x38;
	[tilespmem:$0x10D00] =	vst v63  }
.LBB2_4:
0xbf: {  	s24 =	sshra.s32 s22, $0x2  }
0xc0: {  	v14 =	vld [tilespmem:s24+$0x100]  }
0xc1: {  	v13 =	vld [tilespmem:s24+$0x500]  }
0xc2: {  	v12 =	vld [tilespmem:s24+$0x900];
	_ =	sdelay $0x3  }
0xc3: {  	v15 =	vbroadcast v14, $0x0  }
0xc4: {  	v16 =	vbroadcast v13, $0x0;
	v19 =	vbroadcast v12, $0x0  }
0xc5: {  	v23 =	vbroadcast v14, $0x1;
	v35 =	vbroadcast v13, $0x1  }
0xc6: {  	v38 =	vbroadcast v12, $0x1;
	v26 =	vbroadcast v14, $0x2  }
0xc7: {  	v44 =	vbroadcast v13, $0x2;
	v47 =	vbroadcast v12, $0x2  }
0xc8: {  	v29 =	vbroadcast v14, $0x3;
	v54 =	vbroadcast v13, $0x3  }
0xc9: {  	v58 =	vbroadcast v12, $0x3;
	v63 =	vbroadcast v13, $0x4  }
0xca: {  	v17 =	vmul.f32 v15, v0;
	v18 =	vmul.f32 v15, v4  }
0xcb: {  	v20 =	vmul.f32 v16, v1;
	v21 =	vmul.f32 v16, v5  }
0xcc: {  	v31 =	vmul.f32 v19, v2;
	v22 =	vmul.f32 v15, v8  }
0xcd: {  	v32 =	vmul.f32 v19, v6;
	v34 =	vmul.f32 v16, v9  }
0xce: {  	v36 =	vmul.f32 v23, v0;
	v19 =	vmul.f32 v19, v10  }
0xcf: {  	v37 =	vmul.f32 v23, v4;
	v24 =	vmul.f32 v35, v1  }
0xd0: {  	v40 =	vmul.f32 v35, v5;
	v41 =	vmul.f32 v38, v2  }
0xd1: {  	v23 =	vmul.f32 v23, v8;
	v25 =	vmul.f32 v38, v6  }
0xd2: {  	v43 =	vmul.f32 v35, v9;
	v45 =	vmul.f32 v26, v0  }
0xd3: {  	v46 =	vmul.f32 v26, v4;
	v28 =	vmul.f32 v44, v1  }
0xd4: {  	v49 =	vmul.f32 v44, v5;
	v51 =	vmul.f32 v47, v2  }
0xd5: {  	v26 =	vmul.f32 v26, v8;
	v52 =	vmul.f32 v47, v6  }
0xd6: {  	v55 =	vmul.f32 v29, v0;
	v56 =	vmul.f32 v47, v10  }
0xd7: {  	v57 =	vmul.f32 v29, v4;
	v17 =	vadd.f32 v17, v3;
	v18 =	vadd.f32 v18, v7  }
0xd8: {  	v30 =	vmul.f32 v54, v1;
	v33 =	vadd.f32 v22, v11;
	v39 =	vadd.f32 v37, v7  }
0xd9: {  	v29 =	vmul.f32 v29, v8;
	v42 =	vadd.f32 v23, v11;
	v27 =	vadd.f32 v45, v3  }
0xda: {  	v60 =	vmul.f32 v54, v5;
	v48 =	vadd.f32 v46, v7;
	v53 =	vadd.f32 v26, v11  }
0xdb: {  	v61 =	vmul.f32 v58, v2;
	v59 =	vadd.f32 v57, v7;
	v62 =	vadd.f32 v29, v11  }
0xdc: {  	v47 =	vbroadcast v12, $0x5;
	v17 =	vadd.f32 v20, v17;
	v18 =	vadd.f32 v21, v18  }
0xdd: {  	v26 =	vmul.f32 v54, v9;
	v21 =	vadd.f32 v36, v3;
	v20 =	vadd.f32 v40, v39  }
0xde: {  	v22 =	vmul.f32 v38, v10;
	v50 =	vadd.f32 v28, v27;
	v27 =	vadd.f32 v55, v3  }
0xdf: {  	v38 =	vbroadcast v12, $0x4;
	v26 =	vadd.f32 v26, v62;
	v15 =	vadd.f32 v31, v17  }
0xe0: {  	v36 =	vmul.f32 v58, v10;
	v16 =	vadd.f32 v32, v18;
	v17 =	vadd.f32 v34, v33  }
0xe1: {  	v40 =	vmul.f32 v63, v5;
	v21 =	vadd.f32 v24, v21;
	v18 =	vadd.f32 v25, v20  }
0xe2: {  	v24 =	vmul.f32 v44, v9;
	v27 =	vadd.f32 v30, v27;
	v31 =	vmul.f32 v58, v6  }
0xe3: {  	v25 =	vadd.f32 v60, v59;
	v32 =	vbroadcast v14, $0x4;
	v33 =	vmul.f32 v63, v1  }
0xe4: {  	v26 =	vadd.f32 v36, v26;
	v34 =	vmul.f32 v38, v6;
	v44 =	vbroadcast v13, $0x5  }
0xe5: {  	v17 =	vadd.f32 v19, v17;
	v19 =	vadd.f32 v41, v21;
	v35 =	vmul.f32 v32, v0  }
0xe6: {  	v21 =	vadd.f32 v43, v42;
	v37 =	vmul.f32 v32, v4;
	v41 =	vmul.f32 v38, v2  }
0xe7: {  	v23 =	vadd.f32 v24, v53;
	v32 =	vmul.f32 v32, v8;
	v43 =	vmul.f32 v63, v9  }
0xe8: {  	v25 =	vadd.f32 v31, v25;
	v31 =	vmul.f32 v38, v10;
	v36 =	vmul.f32 v44, v1  }
0xe9: {  	v24 =	vadd.f32 v61, v27;
	v38 =	vbroadcast v14, $0x6;
	v53 =	vbroadcast v13, $0x6  }
0xea: {  	v63 =	vbroadcast v13, $0x7;
	v15 =	vmax.f32 v15, $0.0e+00;
	v16 =	vmax.f32 v16, $0.0e+00  }
0xeb: {  	[tilespmem:s23+$0xFFFFFC10] =	vst v16;
	v16 =	vbroadcast v13, $0xC;
	v20 =	vadd.f32 v22, v21;
	v22 =	vadd.f32 v49, v48  }
0xec: {  	v21 =	vadd.f32 v51, v50;
	v30 =	vadd.f32 v35, v3;
	v35 =	vbroadcast v14, $0x5  }
0xed: {  	v23 =	vadd.f32 v56, v23;
	v49 =	vmul.f32 v44, v5;
	v50 =	vmul.f32 v47, v2  }
0xee: {  	v39 =	vadd.f32 v37, v7;
	v37 =	vmul.f32 v47, v6;
	v54 =	vmul.f32 v38, v0  }
0xef: {  	v42 =	vadd.f32 v32, v11;
	v55 =	vmul.f32 v38, v4;
	v56 =	vbroadcast v12, $0x6  }
0xf0: {  	v58 =	vmul.f32 v53, v5;
	v38 =	vmul.f32 v38, v8;
	v22 =	vadd.f32 v52, v22  }
0xf1: {  	v30 =	vadd.f32 v33, v30;
	v45 =	vmul.f32 v35, v0;
	v46 =	vmul.f32 v35, v4  }
0xf2: {  	v27 =	vadd.f32 v40, v39;
	v35 =	vmul.f32 v35, v8;
	v52 =	vmul.f32 v44, v9  }
0xf3: {  	v39 =	vadd.f32 v54, v3;
	v40 =	vmul.f32 v53, v1;
	v57 =	vadd.f32 v55, v7  }
0xf4: {  	v60 =	vmul.f32 v56, v2;
	v61 =	vmul.f32 v56, v6;
	v62 =	vadd.f32 v38, v11  }
0xf5: {  	v44 =	vbroadcast v14, $0x8;
	v38 =	vmul.f32 v63, v9;
	v28 =	vadd.f32 v41, v30  }
0xf6: {  	v54 =	vbroadcast v13, $0x8;
	v29 =	vadd.f32 v34, v27;
	v30 =	vadd.f32 v43, v42  }
0xf7: {  	v33 =	vadd.f32 v45, v3;
	v48 =	vadd.f32 v46, v7;
	v34 =	vmul.f32 v47, v10  }
0xf8: {  	v51 =	vadd.f32 v35, v11;
	v41 =	vbroadcast v14, $0x7;
	v47 =	vmul.f32 v56, v10  }
0xf9: {  	v59 =	vadd.f32 v40, v39;
	v42 =	vmul.f32 v63, v1;
	v55 =	vmul.f32 v44, v0  }
0xfa: {  	v45 =	vmul.f32 v54, v1;
	v30 =	vadd.f32 v31, v30;
	v33 =	vadd.f32 v36, v33  }
0xfb: {  	v32 =	vadd.f32 v49, v48;
	v36 =	vmul.f32 v53, v9;
	v46 =	vmul.f32 v41, v0  }
0xfc: {  	v48 =	vmul.f32 v41, v4;
	v49 =	vbroadcast v12, $0x7;
	v31 =	vadd.f32 v50, v33  }
0xfd: {  	v41 =	vmul.f32 v41, v8;
	v27 =	vadd.f32 v37, v32;
	v33 =	vadd.f32 v52, v51  }
0xfe: {  	v28 =	vmax.f32 v28, $0.0e+00;
	v35 =	vadd.f32 v36, v62;
	v39 =	vadd.f32 v46, v3  }
0xff: {  	v50 =	vadd.f32 v48, v7;
	v51 =	vmul.f32 v63, v5;
	v52 =	vmul.f32 v49, v2  }
0x100: {  	v43 =	vmul.f32 v49, v6;
	v53 =	vadd.f32 v41, v11;
	v56 =	vmul.f32 v49, v10  }
0x101: {  	v41 =	vmul.f32 v54, v9;
	v32 =	vadd.f32 v34, v33;
	v34 =	vadd.f32 v58, v57  }
0x102: {  	v63 =	vbroadcast v13, $0x9;
	v33 =	vadd.f32 v60, v59;
	v35 =	vadd.f32 v47, v35  }
0x103: {  	v39 =	vadd.f32 v42, v39;
	v37 =	vadd.f32 v51, v50;
	v57 =	vmul.f32 v44, v4  }
0x104: {  	v38 =	vadd.f32 v38, v53;
	v58 =	vbroadcast v12, $0x8;
	v60 =	vmul.f32 v54, v5  }
0x105: {  	v42 =	vadd.f32 v55, v3;
	v44 =	vmul.f32 v44, v8;
	v47 =	vbroadcast v14, $0x9  }
0x106: {  	v54 =	vbroadcast v12, $0x9;
	v48 =	vmul.f32 v63, v1;
	v34 =	vadd.f32 v61, v34  }
0x107: {  	v50 =	vbroadcast v14, $0xA;
	v36 =	vadd.f32 v52, v39;
	v37 =	vadd.f32 v43, v37  }
0x108: {  	v38 =	vadd.f32 v56, v38;
	v61 =	vmul.f32 v58, v2;
	v46 =	vmul.f32 v58, v6  }
0x109: {  	v59 =	vadd.f32 v57, v7;
	v51 =	vmul.f32 v47, v0;
	v52 =	vmul.f32 v58, v10  }
0x10a: {  	v42 =	vadd.f32 v45, v42;
	v53 =	vmul.f32 v47, v4;
	v56 =	vmul.f32 v63, v5  }
0x10b: {  	v62 =	vadd.f32 v44, v11;
	v57 =	vmul.f32 v54, v2;
	v47 =	vmul.f32 v47, v8  }
0x10c: {  	v49 =	vmul.f32 v54, v6;
	v40 =	vadd.f32 v60, v59;
	v39 =	vadd.f32 v61, v42  }
0x10d: {  	v44 =	vmul.f32 v63, v9;
	v41 =	vadd.f32 v41, v62;
	v45 =	vadd.f32 v51, v3  }
0x10e: {  	v58 =	vadd.f32 v47, v11;
	v47 =	vbroadcast v13, $0xA;
	v59 =	vmul.f32 v50, v0  }
0x10f: {  	v55 =	vadd.f32 v53, v7;
	v60 =	vmul.f32 v54, v10;
	v61 =	vmul.f32 v50, v4  }
0x110: {  	v62 =	vbroadcast v12, $0xA;
	v40 =	vadd.f32 v46, v40;
	v41 =	vadd.f32 v52, v41  }
0x111: {  	v50 =	vmul.f32 v50, v8;
	v45 =	vadd.f32 v48, v45;
	v42 =	vadd.f32 v56, v55  }
0x112: {  	v44 =	vadd.f32 v44, v58;
	v48 =	vadd.f32 v59, v3;
	v51 =	vmul.f32 v47, v1  }
0x113: {  	v63 =	vadd.f32 v61, v7;
	v56 =	vmul.f32 v47, v5;
	v52 =	vbroadcast v14, $0xB  }
0x114: {  	v53 =	vmul.f32 v62, v6;
	v58 =	vbroadcast v13, $0xB;
	v50 =	vadd.f32 v50, v11  }
0x115: {  	v47 =	vmul.f32 v47, v9;
	v43 =	vadd.f32 v57, v45;
	v42 =	vadd.f32 v49, v42  }
0x116: {  	v44 =	vadd.f32 v60, v44;
	v57 =	vmul.f32 v62, v2;
	v59 =	vmul.f32 v52, v0  }
0x117: {  	v48 =	vadd.f32 v51, v48;
	v60 =	vbroadcast v12, $0xB;
	v54 =	vmul.f32 v58, v1  }
0x118: {  	v46 =	vadd.f32 v56, v63;
	v49 =	vmul.f32 v62, v10;
	v61 =	vmul.f32 v52, v4  }
0x119: {  	v47 =	vadd.f32 v47, v50;
	v52 =	vmul.f32 v52, v8;
	v63 =	vmul.f32 v58, v5  }
0x11a: {  	v51 =	vmul.f32 v58, v9;
	v58 =	vmax.f32 v19, $0.0e+00;
	v45 =	vadd.f32 v57, v48  }
0x11b: {  	v46 =	vadd.f32 v53, v46;
	v48 =	vadd.f32 v59, v3;
	v55 =	vmul.f32 v60, v2  }
0x11c: {  	v62 =	vadd.f32 v61, v7;
	v52 =	vadd.f32 v52, v11;
	v57 =	vmax.f32 v17, $0.0e+00  }
0x11d: {  	v59 =	vmul.f32 v60, v10;
	v61 =	vmax.f32 v18, $0.0e+00;
	v17 =	vbroadcast v12, $0xC  }
0x11e: {  	v53 =	vmax.f32 v21, $0.0e+00;
	[tilespmem:s23+$0xFFFFFC90] =	vst v61;
	v61 =	vmax.f32 v26, $0.0e+00;
	v54 =	vadd.f32 v54, v48  }
0x11f: {  	[tilespmem:s23+$0xFFFFFD00] =	vst v53;
	v53 =	vmax.f32 v30, $0.0e+00;
	v48 =	vadd.f32 v49, v47;
	v49 =	vadd.f32 v63, v62  }
0x120: {  	[tilespmem:s23+$0xFFFFFC00] =	vst v15;
	v56 =	vadd.f32 v51, v52;
	v51 =	vbroadcast v14, $0xC;
	v62 =	vmax.f32 v20, $0.0e+00  }
0x121: {  	[tilespmem:s23+$0xFFFFFC18] =	vst v57;
	v52 =	vmul.f32 v16, v1;
	v57 =	vmul.f32 v17, v2;
	v47 =	vadd.f32 v55, v54  }
0x122: {  	[tilespmem:s23+$0xFFFFFE00] =	vst v28;
	v55 =	vmul.f32 v60, v6;
	v60 =	vmul.f32 v51, v0;
	v19 =	vadd.f32 v59, v56  }
0x123: {  	[tilespmem:s23+$0xFFFFFC80] =	vst v58;
	v54 =	vmax.f32 v22, $0.0e+00;
	v58 =	vmul.f32 v51, v4;
	v50 =	vmul.f32 v51, v8  }
0x124: {  	v59 =	vmax.f32 v24, $0.0e+00;
	v51 =	vmul.f32 v17, v6;
	v17 =	vmul.f32 v17, v10;
	[tilespmem:s23+$0xFFFFFD10] =	vst v54  }
0x125: {  	[tilespmem:s23+$0xFFFFFD80] =	vst v59;
	v54 =	vbroadcast v13, $0xD;
	v59 =	vmax.f32 v32, $0.0e+00;
	v32 =	vmax.f32 v34, $0.0e+00  }
0x126: {  	[tilespmem:s23+$0xFFFFFC98] =	vst v62;
	v15 =	vadd.f32 v55, v49;
	v63 =	vadd.f32 v60, v3;
	v55 =	vmax.f32 v23, $0.0e+00  }
0x127: {  	v60 =	vmax.f32 v25, $0.0e+00;
	v62 =	vadd.f32 v58, v7;
	v49 =	vmax.f32 v29, $0.0e+00;
	[tilespmem:s23+$0xFFFFFF10] =	vst v32  }
0x128: {  	v26 =	vadd.f32 v50, v11;
	v25 =	vbroadcast v12, $0xD;
	v58 =	vmax.f32 v27, $0.0e+00;
	[tilespmem:s23+$0xFFFFFD90] =	vst v60  }
0x129: {  	v50 =	vmax.f32 v37, $0.0e+00;
	[tilespmem:s23+$0xFFFFFE90] =	vst v58;
	v21 =	vmul.f32 v54, v9;
	v58 =	vbroadcast v12, $0xE  }
0x12a: {  	[tilespmem:s23+$0xFFFFFE10] =	vst v49;
	v12 =	vbroadcast v12, $0xF;
	v56 =	vadd.f32 v52, v63;
	v63 =	vmul.f32 v16, v5  }
0x12b: {  	v49 =	vmax.f32 v36, $0.0e+00;
	v52 =	vbroadcast v14, $0xD;
	[tilespmem:s23+$0xFFFFFD98] =	vst v61;
	v16 =	vmul.f32 v16, v9  }
0x12c: {  	[tilespmem:s23+$0xFFFFFE18] =	vst v53;
	v61 =	vmul.f32 v25, v2;
	v53 =	vmax.f32 v38, $0.0e+00;
	v15 =	vmax.f32 v15, $0.0e+00  }
0x12d: {  	[tilespmem:s23+$0xFFFFFD18] =	vst v55;
	v18 =	vadd.f32 v57, v56;
	v20 =	vadd.f32 v63, v62;
	v55 =	vmul.f32 v52, v0  }
0x12e: {  	[tilespmem:s23+$0xFFFFFF90] =	vst v50;
	v57 =	vmul.f32 v54, v1;
	v62 =	vmul.f32 v52, v4;
	v63 =	vmax.f32 v33, $0.0e+00  }
0x12f: {  	[tilespmem:s23+$0xFFFFFE98] =	vst v59;
	v33 =	vmax.f32 v35, $0.0e+00;
	v35 =	vmul.f32 v54, v5;
	v24 =	vmul.f32 v52, v8  }
0x130: {  	[tilespmem:s23+$0xFFFFFF80] =	vst v49;
	v56 =	vmax.f32 v31, $0.0e+00;
	v52 =	vbroadcast v14, $0xE;
	v54 =	vbroadcast v13, $0xE  }
0x131: {  	v16 =	vadd.f32 v16, v26;
	v14 =	vbroadcast v14, $0xF;
	v13 =	vbroadcast v13, $0xF;
	[tilespmem:s23+$0xFFFFFE80] =	vst v56  }
0x132: {  	[tilespmem:s23+$0xFFFFFF00] =	vst v63;
	v56 =	vmax.f32 v39, $0.0e+00;
	v63 =	vmul.f32 v58, v2;
	v39 =	vmax.f32 v45, $0.0e+00  }
0x133: {  	[tilespmem:s23+$0xFFFFFF98] =	vst v53;
	v45 =	vmax.f32 v19, $0.0e+00;
	v20 =	vadd.f32 v51, v20;
	v22 =	vadd.f32 v55, v3  }
0x134: {  	[tilespmem:s23+$0x190] =	vst v15;
	v16 =	vadd.f32 v17, v16;
	v34 =	vadd.f32 v62, v7;
	v51 =	vmul.f32 v25, v6  }
0x135: {  	[tilespmem:s23+$0xFFFFFF18] =	vst v33;
	v24 =	vadd.f32 v24, v11;
	v55 =	vmul.f32 v52, v0;
	v25 =	vmul.f32 v25, v10  }
0x136: {  	[tilespmem:s23+$0x0] =	vst v56;
	v62 =	vmax.f32 v43, $0.0e+00;
	v33 =	vmul.f32 v52, v4;
	v38 =	vmul.f32 v54, v5  }
0x137: {  	v28 =	vmul.f32 v52, v8;
	[tilespmem:s23+$0x100] =	vst v39;
	v23 =	vmul.f32 v54, v9;
	v43 =	vmax.f32 v47, $0.0e+00  }
0x138: {  	v18 =	vmax.f32 v18, $0.0e+00;
	[tilespmem:s23+$0x198] =	vst v45;
	v52 =	vmul.f32 v14, v4;
	v56 =	vmul.f32 v13, v5  }
0x139: {  	[tilespmem:s23+$0x80] =	vst v62;
	v60 =	vadd.f32 v57, v22;
	v22 =	vadd.f32 v35, v34;
	v57 =	vmax.f32 v40, $0.0e+00  }
0x13a: {  	[tilespmem:s23+$0x180] =	vst v43;
	v21 =	vadd.f32 v21, v24;
	v59 =	vadd.f32 v55, v3;
	v34 =	vmax.f32 v42, $0.0e+00  }
0x13b: {  	[tilespmem:s23+$0x200] =	vst v18;
	v35 =	vmax.f32 v44, $0.0e+00;
	v37 =	vadd.f32 v33, v7;
	v40 =	vmax.f32 v46, $0.0e+00  }
0x13c: {  	v42 =	vmul.f32 v58, v6;
	v28 =	vadd.f32 v28, v11;
	v44 =	vmul.f32 v14, v0;
	[tilespmem:s23+$0x10] =	vst v57  }
0x13d: {  	v46 =	vmul.f32 v58, v10;
	v50 =	vmax.f32 v20, $0.0e+00;
	v16 =	vmax.f32 v16, $0.0e+00;
	[tilespmem:s23+$0x90] =	vst v34  }
0x13e: {  	v14 =	vmul.f32 v14, v8;
	v55 =	vadd.f32 v52, v7;
	[tilespmem:s23+$0x110] =	vst v40;
	v17 =	vadd.f32 v61, v60  }
0x13f: {  	[tilespmem:s23+$0x210] =	vst v50;
	v22 =	vadd.f32 v51, v22;
	v60 =	vmul.f32 v54, v1;
	v61 =	vmax.f32 v41, $0.0e+00  }
0x140: {  	v21 =	vadd.f32 v25, v21;
	[tilespmem:s23+$0x98] =	vst v35;
	v41 =	vmax.f32 v48, $0.0e+00;
	v47 =	vadd.f32 v44, v3  }
0x141: {  	v48 =	vmul.f32 v13, v1;
	v51 =	vmul.f32 v12, v2;
	[tilespmem:s23+$0x218] =	vst v16;
	v14 =	vadd.f32 v14, v11  }
0x142: {  	v13 =	vmul.f32 v13, v9;
	v16 =	vadd.f32 v56, v55;
	[tilespmem:s23+$0x18] =	vst v61;
	v26 =	vadd.f32 v60, v59  }
0x143: {  	[tilespmem:s23+$0x118] =	vst v41;
	v15 =	vadd.f32 v48, v47;
	v53 =	vmax.f32 v17, $0.0e+00;
	v54 =	vmax.f32 v22, $0.0e+00  }
0x144: {  	v57 =	vmax.f32 v21, $0.0e+00;
	v59 =	vmul.f32 v12, v6;
	[tilespmem:s23+$0x280] =	vst v53;
	v36 =	vadd.f32 v63, v26  }
0x145: {  	v13 =	vadd.f32 v13, v14;
	v12 =	vmul.f32 v12, v10;
	[tilespmem:s23+$0x290] =	vst v54;
	v15 =	vadd.f32 v51, v15  }
0x146: {  	v26 =	vadd.f32 v38, v37;
	[tilespmem:s23+$0x298] =	vst v57;
	v16 =	vadd.f32 v59, v16;
	v58 =	vmax.f32 v36, $0.0e+00  }
0x147: {  	p0 =	sne.s32 s22, $0x3C0;
	v23 =	vadd.f32 v23, v28;
	v12 =	vadd.f32 v12, v13;
	v62 =	vmax.f32 v15, $0.0e+00;
	[tilespmem:s23+$0x300] =	vst v58  }
.Ltmp1:
0x148: {  	v26 =	vadd.f32 v42, v26;
	v63 =	vmax.f32 v16, $0.0e+00;
	[tilespmem:s23+$0x380] =	vst v62;
	(pc) =	sbr.rel @p0 .LBB2_4-.Ltmp1, $4  }
0x149: {  	v49 =	vadd.f32 v46, v23;
	v12 =	vmax.f32 v12, $0.0e+00;
	[tilespmem:s23+$0x390] =	vst v63  }
0x14a: {  	v60 =	vmax.f32 v26, $0.0e+00;
	[tilespmem:s23+$0x398] =	vst v12  }
0x14b: {  	v61 =	vmax.f32 v49, $0.0e+00;
	[tilespmem:s23+$0x310] =	vst v60  }
0x14c: {  	s22 =	sadd.s32 $0x40, s22;
	[tilespmem:s23+$0x318] =	vst v61;
	s23 =	sadd.s32 $0x800, s23  }
0x14d: {  	s22 =	simm.s32 $0x0  }
0x14e: {  	[hbm4b:s9+s22] =	stream.linear.scatter [tilespmem:s19], [sflag:$0x2], $0x8000, $0x38;
	[tilespmem:$0x10D00] =	vst v63  }
0x14f: {  	_ =	swait.ge [sflag:s3], $0x8000  }
0x150: {  	[sflag:s3] =	ssyncset.done $0x0  }
0x151: {  	s23 =	simm.s32 $0x1100;
	[sflag:s3] =	ssyncadd.s32 $0xFFFF8000  }
.LBB2_6:
0x152: {  	s24 =	sshra.s32 s22, $0x2  }
0x153: {  	v14 =	vld [tilespmem:s24+$0x200]  }
0x154: {  	v13 =	vld [tilespmem:s24+$0x600]  }
0x155: {  	v12 =	vld [tilespmem:s24+$0xA00];
	_ =	sdelay $0x3  }
0x156: {  	v15 =	vbroadcast v14, $0x0  }
0x157: {  	v16 =	vbroadcast v13, $0x0;
	v19 =	vbroadcast v12, $0x0  }
0x158: {  	v23 =	vbroadcast v14, $0x1;
	v35 =	vbroadcast v13, $0x1  }
0x159: {  	v38 =	vbroadcast v12, $0x1;
	v26 =	vbroadcast v14, $0x2  }
0x15a: {  	v44 =	vbroadcast v13, $0x2;
	v47 =	vbroadcast v12, $0x2  }
0x15b: {  	v29 =	vbroadcast v14, $0x3;
	v54 =	vbroadcast v13, $0x3  }
0x15c: {  	v58 =	vbroadcast v12, $0x3;
	v63 =	vbroadcast v13, $0x4  }
0x15d: {  	v17 =	vmul.f32 v15, v0;
	v18 =	vmul.f32 v15, v4  }
0x15e: {  	v20 =	vmul.f32 v16, v1;
	v21 =	vmul.f32 v16, v5  }
0x15f: {  	v31 =	vmul.f32 v19, v2;
	v22 =	vmul.f32 v15, v8  }
0x160: {  	v32 =	vmul.f32 v19, v6;
	v34 =	vmul.f32 v16, v9  }
0x161: {  	v36 =	vmul.f32 v23, v0;
	v19 =	vmul.f32 v19, v10  }
0x162: {  	v37 =	vmul.f32 v23, v4;
	v24 =	vmul.f32 v35, v1  }
0x163: {  	v40 =	vmul.f32 v35, v5;
	v41 =	vmul.f32 v38, v2  }
0x164: {  	v23 =	vmul.f32 v23, v8;
	v25 =	vmul.f32 v38, v6  }
0x165: {  	v43 =	vmul.f32 v35, v9;
	v45 =	vmul.f32 v26, v0  }
0x166: {  	v46 =	vmul.f32 v26, v4;
	v28 =	vmul.f32 v44, v1  }
0x167: {  	v49 =	vmul.f32 v44, v5;
	v51 =	vmul.f32 v47, v2  }
0x168: {  	v26 =	vmul.f32 v26, v8;
	v52 =	vmul.f32 v47, v6  }
0x169: {  	v55 =	vmul.f32 v29, v0;
	v56 =	vmul.f32 v47, v10  }
0x16a: {  	v57 =	vmul.f32 v29, v4;
	v17 =	vadd.f32 v17, v3;
	v18 =	vadd.f32 v18, v7  }
0x16b: {  	v30 =	vmul.f32 v54, v1;
	v33 =	vadd.f32 v22, v11;
	v39 =	vadd.f32 v37, v7  }
0x16c: {  	v29 =	vmul.f32 v29, v8;
	v42 =	vadd.f32 v23, v11;
	v27 =	vadd.f32 v45, v3  }
0x16d: {  	v60 =	vmul.f32 v54, v5;
	v48 =	vadd.f32 v46, v7;
	v53 =	vadd.f32 v26, v11  }
0x16e: {  	v61 =	vmul.f32 v58, v2;
	v59 =	vadd.f32 v57, v7;
	v62 =	vadd.f32 v29, v11  }
0x16f: {  	v47 =	vbroadcast v12, $0x5;
	v17 =	vadd.f32 v20, v17;
	v18 =	vadd.f32 v21, v18  }
0x170: {  	v26 =	vmul.f32 v54, v9;
	v21 =	vadd.f32 v36, v3;
	v20 =	vadd.f32 v40, v39  }
0x171: {  	v22 =	vmul.f32 v38, v10;
	v50 =	vadd.f32 v28, v27;
	v27 =	vadd.f32 v55, v3  }
0x172: {  	v38 =	vbroadcast v12, $0x4;
	v26 =	vadd.f32 v26, v62;
	v15 =	vadd.f32 v31, v17  }
0x173: {  	v36 =	vmul.f32 v58, v10;
	v16 =	vadd.f32 v32, v18;
	v17 =	vadd.f32 v34, v33  }
0x174: {  	v40 =	vmul.f32 v63, v5;
	v21 =	vadd.f32 v24, v21;
	v18 =	vadd.f32 v25, v20  }
0x175: {  	v24 =	vmul.f32 v44, v9;
	v27 =	vadd.f32 v30, v27;
	v31 =	vmul.f32 v58, v6  }
0x176: {  	v25 =	vadd.f32 v60, v59;
	v32 =	vbroadcast v14, $0x4;
	v33 =	vmul.f32 v63, v1  }
0x177: {  	v26 =	vadd.f32 v36, v26;
	v34 =	vmul.f32 v38, v6;
	v44 =	vbroadcast v13, $0x5  }
0x178: {  	v17 =	vadd.f32 v19, v17;
	v19 =	vadd.f32 v41, v21;
	v35 =	vmul.f32 v32, v0  }
0x179: {  	v21 =	vadd.f32 v43, v42;
	v37 =	vmul.f32 v32, v4;
	v41 =	vmul.f32 v38, v2  }
0x17a: {  	v23 =	vadd.f32 v24, v53;
	v32 =	vmul.f32 v32, v8;
	v43 =	vmul.f32 v63, v9  }
0x17b: {  	v25 =	vadd.f32 v31, v25;
	v31 =	vmul.f32 v38, v10;
	v36 =	vmul.f32 v44, v1  }
0x17c: {  	v24 =	vadd.f32 v61, v27;
	v38 =	vbroadcast v14, $0x6;
	v53 =	vbroadcast v13, $0x6  }
0x17d: {  	v63 =	vbroadcast v13, $0x7;
	v15 =	vmax.f32 v15, $0.0e+00;
	v16 =	vmax.f32 v16, $0.0e+00  }
0x17e: {  	[tilespmem:s23+$0xFFFFFC10] =	vst v16;
	v16 =	vbroadcast v13, $0xC;
	v20 =	vadd.f32 v22, v21;
	v22 =	vadd.f32 v49, v48  }
0x17f: {  	v21 =	vadd.f32 v51, v50;
	v30 =	vadd.f32 v35, v3;
	v35 =	vbroadcast v14, $0x5  }
0x180: {  	v23 =	vadd.f32 v56, v23;
	v49 =	vmul.f32 v44, v5;
	v50 =	vmul.f32 v47, v2  }
0x181: {  	v39 =	vadd.f32 v37, v7;
	v37 =	vmul.f32 v47, v6;
	v54 =	vmul.f32 v38, v0  }
0x182: {  	v42 =	vadd.f32 v32, v11;
	v55 =	vmul.f32 v38, v4;
	v56 =	vbroadcast v12, $0x6  }
0x183: {  	v58 =	vmul.f32 v53, v5;
	v38 =	vmul.f32 v38, v8;
	v22 =	vadd.f32 v52, v22  }
0x184: {  	v30 =	vadd.f32 v33, v30;
	v45 =	vmul.f32 v35, v0;
	v46 =	vmul.f32 v35, v4  }
0x185: {  	v27 =	vadd.f32 v40, v39;
	v35 =	vmul.f32 v35, v8;
	v52 =	vmul.f32 v44, v9  }
0x186: {  	v39 =	vadd.f32 v54, v3;
	v40 =	vmul.f32 v53, v1;
	v57 =	vadd.f32 v55, v7  }
0x187: {  	v60 =	vmul.f32 v56, v2;
	v61 =	vmul.f32 v56, v6;
	v62 =	vadd.f32 v38, v11  }
0x188: {  	v44 =	vbroadcast v14, $0x8;
	v38 =	vmul.f32 v63, v9;
	v28 =	vadd.f32 v41, v30  }
0x189: {  	v54 =	vbroadcast v13, $0x8;
	v29 =	vadd.f32 v34, v27;
	v30 =	vadd.f32 v43, v42  }
0x18a: {  	v33 =	vadd.f32 v45, v3;
	v48 =	vadd.f32 v46, v7;
	v34 =	vmul.f32 v47, v10  }
0x18b: {  	v51 =	vadd.f32 v35, v11;
	v41 =	vbroadcast v14, $0x7;
	v47 =	vmul.f32 v56, v10  }
0x18c: {  	v59 =	vadd.f32 v40, v39;
	v42 =	vmul.f32 v63, v1;
	v55 =	vmul.f32 v44, v0  }
0x18d: {  	v45 =	vmul.f32 v54, v1;
	v30 =	vadd.f32 v31, v30;
	v33 =	vadd.f32 v36, v33  }
0x18e: {  	v32 =	vadd.f32 v49, v48;
	v36 =	vmul.f32 v53, v9;
	v46 =	vmul.f32 v41, v0  }
0x18f: {  	v48 =	vmul.f32 v41, v4;
	v49 =	vbroadcast v12, $0x7;
	v31 =	vadd.f32 v50, v33  }
0x190: {  	v41 =	vmul.f32 v41, v8;
	v27 =	vadd.f32 v37, v32;
	v33 =	vadd.f32 v52, v51  }
0x191: {  	v28 =	vmax.f32 v28, $0.0e+00;
	v35 =	vadd.f32 v36, v62;
	v39 =	vadd.f32 v46, v3  }
0x192: {  	v50 =	vadd.f32 v48, v7;
	v51 =	vmul.f32 v63, v5;
	v52 =	vmul.f32 v49, v2  }
0x193: {  	v43 =	vmul.f32 v49, v6;
	v53 =	vadd.f32 v41, v11;
	v56 =	vmul.f32 v49, v10  }
0x194: {  	v41 =	vmul.f32 v54, v9;
	v32 =	vadd.f32 v34, v33;
	v34 =	vadd.f32 v58, v57  }
0x195: {  	v63 =	vbroadcast v13, $0x9;
	v33 =	vadd.f32 v60, v59;
	v35 =	vadd.f32 v47, v35  }
0x196: {  	v39 =	vadd.f32 v42, v39;
	v37 =	vadd.f32 v51, v50;
	v57 =	vmul.f32 v44, v4  }
0x197: {  	v38 =	vadd.f32 v38, v53;
	v58 =	vbroadcast v12, $0x8;
	v60 =	vmul.f32 v54, v5  }
0x198: {  	v42 =	vadd.f32 v55, v3;
	v44 =	vmul.f32 v44, v8;
	v47 =	vbroadcast v14, $0x9  }
0x199: {  	v54 =	vbroadcast v12, $0x9;
	v48 =	vmul.f32 v63, v1;
	v34 =	vadd.f32 v61, v34  }
0x19a: {  	v50 =	vbroadcast v14, $0xA;
	v36 =	vadd.f32 v52, v39;
	v37 =	vadd.f32 v43, v37  }
0x19b: {  	v38 =	vadd.f32 v56, v38;
	v61 =	vmul.f32 v58, v2;
	v46 =	vmul.f32 v58, v6  }
0x19c: {  	v59 =	vadd.f32 v57, v7;
	v51 =	vmul.f32 v47, v0;
	v52 =	vmul.f32 v58, v10  }
0x19d: {  	v42 =	vadd.f32 v45, v42;
	v53 =	vmul.f32 v47, v4;
	v56 =	vmul.f32 v63, v5  }
0x19e: {  	v62 =	vadd.f32 v44, v11;
	v57 =	vmul.f32 v54, v2;
	v47 =	vmul.f32 v47, v8  }
0x19f: {  	v49 =	vmul.f32 v54, v6;
	v40 =	vadd.f32 v60, v59;
	v39 =	vadd.f32 v61, v42  }
0x1a0: {  	v44 =	vmul.f32 v63, v9;
	v41 =	vadd.f32 v41, v62;
	v45 =	vadd.f32 v51, v3  }
0x1a1: {  	v58 =	vadd.f32 v47, v11;
	v47 =	vbroadcast v13, $0xA;
	v59 =	vmul.f32 v50, v0  }
0x1a2: {  	v55 =	vadd.f32 v53, v7;
	v60 =	vmul.f32 v54, v10;
	v61 =	vmul.f32 v50, v4  }
0x1a3: {  	v62 =	vbroadcast v12, $0xA;
	v40 =	vadd.f32 v46, v40;
	v41 =	vadd.f32 v52, v41  }
0x1a4: {  	v50 =	vmul.f32 v50, v8;
	v45 =	vadd.f32 v48, v45;
	v42 =	vadd.f32 v56, v55  }
0x1a5: {  	v44 =	vadd.f32 v44, v58;
	v48 =	vadd.f32 v59, v3;
	v51 =	vmul.f32 v47, v1  }
0x1a6: {  	v63 =	vadd.f32 v61, v7;
	v56 =	vmul.f32 v47, v5;
	v52 =	vbroadcast v14, $0xB  }
0x1a7: {  	v53 =	vmul.f32 v62, v6;
	v58 =	vbroadcast v13, $0xB;
	v50 =	vadd.f32 v50, v11  }
0x1a8: {  	v47 =	vmul.f32 v47, v9;
	v43 =	vadd.f32 v57, v45;
	v42 =	vadd.f32 v49, v42  }
0x1a9: {  	v44 =	vadd.f32 v60, v44;
	v57 =	vmul.f32 v62, v2;
	v59 =	vmul.f32 v52, v0  }
0x1aa: {  	v48 =	vadd.f32 v51, v48;
	v60 =	vbroadcast v12, $0xB;
	v54 =	vmul.f32 v58, v1  }
0x1ab: {  	v46 =	vadd.f32 v56, v63;
	v49 =	vmul.f32 v62, v10;
	v61 =	vmul.f32 v52, v4  }
0x1ac: {  	v47 =	vadd.f32 v47, v50;
	v52 =	vmul.f32 v52, v8;
	v63 =	vmul.f32 v58, v5  }
0x1ad: {  	v51 =	vmul.f32 v58, v9;
	v58 =	vmax.f32 v19, $0.0e+00;
	v45 =	vadd.f32 v57, v48  }
0x1ae: {  	v46 =	vadd.f32 v53, v46;
	v48 =	vadd.f32 v59, v3;
	v55 =	vmul.f32 v60, v2  }
0x1af: {  	v62 =	vadd.f32 v61, v7;
	v52 =	vadd.f32 v52, v11;
	v57 =	vmax.f32 v17, $0.0e+00  }
0x1b0: {  	v59 =	vmul.f32 v60, v10;
	v61 =	vmax.f32 v18, $0.0e+00;
	v17 =	vbroadcast v12, $0xC  }
0x1b1: {  	v53 =	vmax.f32 v21, $0.0e+00;
	[tilespmem:s23+$0xFFFFFC90] =	vst v61;
	v61 =	vmax.f32 v26, $0.0e+00;
	v54 =	vadd.f32 v54, v48  }
0x1b2: {  	[tilespmem:s23+$0xFFFFFD00] =	vst v53;
	v53 =	vmax.f32 v30, $0.0e+00;
	v48 =	vadd.f32 v49, v47;
	v49 =	vadd.f32 v63, v62  }
0x1b3: {  	[tilespmem:s23+$0xFFFFFC00] =	vst v15;
	v56 =	vadd.f32 v51, v52;
	v51 =	vbroadcast v14, $0xC;
	v62 =	vmax.f32 v20, $0.0e+00  }
0x1b4: {  	[tilespmem:s23+$0xFFFFFC18] =	vst v57;
	v52 =	vmul.f32 v16, v1;
	v57 =	vmul.f32 v17, v2;
	v47 =	vadd.f32 v55, v54  }
0x1b5: {  	[tilespmem:s23+$0xFFFFFE00] =	vst v28;
	v55 =	vmul.f32 v60, v6;
	v60 =	vmul.f32 v51, v0;
	v19 =	vadd.f32 v59, v56  }
0x1b6: {  	[tilespmem:s23+$0xFFFFFC80] =	vst v58;
	v54 =	vmax.f32 v22, $0.0e+00;
	v58 =	vmul.f32 v51, v4;
	v50 =	vmul.f32 v51, v8  }
0x1b7: {  	v59 =	vmax.f32 v24, $0.0e+00;
	v51 =	vmul.f32 v17, v6;
	v17 =	vmul.f32 v17, v10;
	[tilespmem:s23+$0xFFFFFD10] =	vst v54  }
0x1b8: {  	[tilespmem:s23+$0xFFFFFD80] =	vst v59;
	v54 =	vbroadcast v13, $0xD;
	v59 =	vmax.f32 v32, $0.0e+00;
	v32 =	vmax.f32 v34, $0.0e+00  }
0x1b9: {  	[tilespmem:s23+$0xFFFFFC98] =	vst v62;
	v15 =	vadd.f32 v55, v49;
	v63 =	vadd.f32 v60, v3;
	v55 =	vmax.f32 v23, $0.0e+00  }
0x1ba: {  	v60 =	vmax.f32 v25, $0.0e+00;
	v62 =	vadd.f32 v58, v7;
	v49 =	vmax.f32 v29, $0.0e+00;
	[tilespmem:s23+$0xFFFFFF10] =	vst v32  }
0x1bb: {  	v26 =	vadd.f32 v50, v11;
	v25 =	vbroadcast v12, $0xD;
	v58 =	vmax.f32 v27, $0.0e+00;
	[tilespmem:s23+$0xFFFFFD90] =	vst v60  }
0x1bc: {  	v50 =	vmax.f32 v37, $0.0e+00;
	[tilespmem:s23+$0xFFFFFE90] =	vst v58;
	v21 =	vmul.f32 v54, v9;
	v58 =	vbroadcast v12, $0xE  }
0x1bd: {  	[tilespmem:s23+$0xFFFFFE10] =	vst v49;
	v12 =	vbroadcast v12, $0xF;
	v56 =	vadd.f32 v52, v63;
	v63 =	vmul.f32 v16, v5  }
0x1be: {  	v49 =	vmax.f32 v36, $0.0e+00;
	v52 =	vbroadcast v14, $0xD;
	[tilespmem:s23+$0xFFFFFD98] =	vst v61;
	v16 =	vmul.f32 v16, v9  }
0x1bf: {  	[tilespmem:s23+$0xFFFFFE18] =	vst v53;
	v61 =	vmul.f32 v25, v2;
	v53 =	vmax.f32 v38, $0.0e+00;
	v15 =	vmax.f32 v15, $0.0e+00  }
0x1c0: {  	[tilespmem:s23+$0xFFFFFD18] =	vst v55;
	v18 =	vadd.f32 v57, v56;
	v20 =	vadd.f32 v63, v62;
	v55 =	vmul.f32 v52, v0  }
0x1c1: {  	[tilespmem:s23+$0xFFFFFF90] =	vst v50;
	v57 =	vmul.f32 v54, v1;
	v62 =	vmul.f32 v52, v4;
	v63 =	vmax.f32 v33, $0.0e+00  }
0x1c2: {  	[tilespmem:s23+$0xFFFFFE98] =	vst v59;
	v33 =	vmax.f32 v35, $0.0e+00;
	v35 =	vmul.f32 v54, v5;
	v24 =	vmul.f32 v52, v8  }
0x1c3: {  	[tilespmem:s23+$0xFFFFFF80] =	vst v49;
	v56 =	vmax.f32 v31, $0.0e+00;
	v52 =	vbroadcast v14, $0xE;
	v54 =	vbroadcast v13, $0xE  }
0x1c4: {  	v16 =	vadd.f32 v16, v26;
	v14 =	vbroadcast v14, $0xF;
	v13 =	vbroadcast v13, $0xF;
	[tilespmem:s23+$0xFFFFFE80] =	vst v56  }
0x1c5: {  	[tilespmem:s23+$0xFFFFFF00] =	vst v63;
	v56 =	vmax.f32 v39, $0.0e+00;
	v63 =	vmul.f32 v58, v2;
	v39 =	vmax.f32 v45, $0.0e+00  }
0x1c6: {  	[tilespmem:s23+$0xFFFFFF98] =	vst v53;
	v45 =	vmax.f32 v19, $0.0e+00;
	v20 =	vadd.f32 v51, v20;
	v22 =	vadd.f32 v55, v3  }
0x1c7: {  	[tilespmem:s23+$0x190] =	vst v15;
	v16 =	vadd.f32 v17, v16;
	v34 =	vadd.f32 v62, v7;
	v51 =	vmul.f32 v25, v6  }
0x1c8: {  	[tilespmem:s23+$0xFFFFFF18] =	vst v33;
	v24 =	vadd.f32 v24, v11;
	v55 =	vmul.f32 v52, v0;
	v25 =	vmul.f32 v25, v10  }
0x1c9: {  	[tilespmem:s23+$0x0] =	vst v56;
	v62 =	vmax.f32 v43, $0.0e+00;
	v33 =	vmul.f32 v52, v4;
	v38 =	vmul.f32 v54, v5  }
0x1ca: {  	v28 =	vmul.f32 v52, v8;
	[tilespmem:s23+$0x100] =	vst v39;
	v23 =	vmul.f32 v54, v9;
	v43 =	vmax.f32 v47, $0.0e+00  }
0x1cb: {  	v18 =	vmax.f32 v18, $0.0e+00;
	[tilespmem:s23+$0x198] =	vst v45;
	v52 =	vmul.f32 v14, v4;
	v56 =	vmul.f32 v13, v5  }
0x1cc: {  	[tilespmem:s23+$0x80] =	vst v62;
	v60 =	vadd.f32 v57, v22;
	v22 =	vadd.f32 v35, v34;
	v57 =	vmax.f32 v40, $0.0e+00  }
0x1cd: {  	[tilespmem:s23+$0x180] =	vst v43;
	v21 =	vadd.f32 v21, v24;
	v59 =	vadd.f32 v55, v3;
	v34 =	vmax.f32 v42, $0.0e+00  }
0x1ce: {  	[tilespmem:s23+$0x200] =	vst v18;
	v35 =	vmax.f32 v44, $0.0e+00;
	v37 =	vadd.f32 v33, v7;
	v40 =	vmax.f32 v46, $0.0e+00  }
0x1cf: {  	v42 =	vmul.f32 v58, v6;
	v28 =	vadd.f32 v28, v11;
	v44 =	vmul.f32 v14, v0;
	[tilespmem:s23+$0x10] =	vst v57  }
0x1d0: {  	v46 =	vmul.f32 v58, v10;
	v50 =	vmax.f32 v20, $0.0e+00;
	v16 =	vmax.f32 v16, $0.0e+00;
	[tilespmem:s23+$0x90] =	vst v34  }
0x1d1: {  	v14 =	vmul.f32 v14, v8;
	v55 =	vadd.f32 v52, v7;
	[tilespmem:s23+$0x110] =	vst v40;
	v17 =	vadd.f32 v61, v60  }
0x1d2: {  	[tilespmem:s23+$0x210] =	vst v50;
	v22 =	vadd.f32 v51, v22;
	v60 =	vmul.f32 v54, v1;
	v61 =	vmax.f32 v41, $0.0e+00  }
0x1d3: {  	v21 =	vadd.f32 v25, v21;
	[tilespmem:s23+$0x98] =	vst v35;
	v41 =	vmax.f32 v48, $0.0e+00;
	v47 =	vadd.f32 v44, v3  }
0x1d4: {  	v48 =	vmul.f32 v13, v1;
	v51 =	vmul.f32 v12, v2;
	[tilespmem:s23+$0x218] =	vst v16;
	v14 =	vadd.f32 v14, v11  }
0x1d5: {  	v13 =	vmul.f32 v13, v9;
	v16 =	vadd.f32 v56, v55;
	[tilespmem:s23+$0x18] =	vst v61;
	v26 =	vadd.f32 v60, v59  }
0x1d6: {  	[tilespmem:s23+$0x118] =	vst v41;
	v15 =	vadd.f32 v48, v47;
	v53 =	vmax.f32 v17, $0.0e+00;
	v54 =	vmax.f32 v22, $0.0e+00  }
0x1d7: {  	v57 =	vmax.f32 v21, $0.0e+00;
	v59 =	vmul.f32 v12, v6;
	[tilespmem:s23+$0x280] =	vst v53;
	v36 =	vadd.f32 v63, v26  }
0x1d8: {  	v13 =	vadd.f32 v13, v14;
	v12 =	vmul.f32 v12, v10;
	[tilespmem:s23+$0x290] =	vst v54;
	v15 =	vadd.f32 v51, v15  }
0x1d9: {  	v26 =	vadd.f32 v38, v37;
	[tilespmem:s23+$0x298] =	vst v57;
	v16 =	vadd.f32 v59, v16;
	v58 =	vmax.f32 v36, $0.0e+00  }
0x1da: {  	p0 =	sne.s32 s22, $0x3C0;
	v23 =	vadd.f32 v23, v28;
	v12 =	vadd.f32 v12, v13;
	v62 =	vmax.f32 v15, $0.0e+00;
	[tilespmem:s23+$0x300] =	vst v58  }
.Ltmp2:
0x1db: {  	v26 =	vadd.f32 v42, v26;
	v63 =	vmax.f32 v16, $0.0e+00;
	[tilespmem:s23+$0x380] =	vst v62;
	(pc) =	sbr.rel @p0 .LBB2_6-.Ltmp2, $4  }
0x1dc: {  	v49 =	vadd.f32 v46, v23;
	v12 =	vmax.f32 v12, $0.0e+00;
	[tilespmem:s23+$0x390] =	vst v63  }
0x1dd: {  	v60 =	vmax.f32 v26, $0.0e+00;
	[tilespmem:s23+$0x398] =	vst v12  }
0x1de: {  	v61 =	vmax.f32 v49, $0.0e+00;
	[tilespmem:s23+$0x310] =	vst v60  }
0x1df: {  	s22 =	sadd.s32 $0x40, s22;
	[tilespmem:s23+$0x318] =	vst v61;
	s23 =	sadd.s32 $0x800, s23  }
0x1e0: {  	s22 =	simm.s32 $0x0  }
0x1e1: {  	[hbm4b:s10+s22] =	stream.linear.scatter [tilespmem:s18], [sflag:$0x1], $0x8000, $0x38;
	[tilespmem:$0x10D00] =	vst v63  }
0x1e2: {  	_ =	swait.ge [sflag:s20], $0x8000  }
0x1e3: {  	[sflag:s20] =	ssyncset.done $0x0  }
0x1e4: {  	s23 =	simm.s32 $0x9100;
	[sflag:s20] =	ssyncadd.s32 $0xFFFF8000  }
.LBB2_8:
0x1e5: {  	s24 =	sshra.s32 s22, $0x2  }
0x1e6: {  	v14 =	vld [tilespmem:s24+$0x300]  }
0x1e7: {  	v13 =	vld [tilespmem:s24+$0x700]  }
0x1e8: {  	v12 =	vld [tilespmem:s24+$0xB00];
	_ =	sdelay $0x3  }
0x1e9: {  	v15 =	vbroadcast v14, $0x0  }
0x1ea: {  	v16 =	vbroadcast v13, $0x0;
	v19 =	vbroadcast v12, $0x0  }
0x1eb: {  	v23 =	vbroadcast v14, $0x1;
	v35 =	vbroadcast v13, $0x1  }
0x1ec: {  	v38 =	vbroadcast v12, $0x1;
	v26 =	vbroadcast v14, $0x2  }
0x1ed: {  	v44 =	vbroadcast v13, $0x2;
	v47 =	vbroadcast v12, $0x2  }
0x1ee: {  	v29 =	vbroadcast v14, $0x3;
	v54 =	vbroadcast v13, $0x3  }
0x1ef: {  	v58 =	vbroadcast v12, $0x3;
	v63 =	vbroadcast v13, $0x4  }
0x1f0: {  	v17 =	vmul.f32 v15, v0;
	v18 =	vmul.f32 v15, v4  }
0x1f1: {  	v20 =	vmul.f32 v16, v1;
	v21 =	vmul.f32 v16, v5  }
0x1f2: {  	v31 =	vmul.f32 v19, v2;
	v22 =	vmul.f32 v15, v8  }
0x1f3: {  	v32 =	vmul.f32 v19, v6;
	v34 =	vmul.f32 v16, v9  }
0x1f4: {  	v36 =	vmul.f32 v23, v0;
	v19 =	vmul.f32 v19, v10  }
0x1f5: {  	v37 =	vmul.f32 v23, v4;
	v24 =	vmul.f32 v35, v1  }
0x1f6: {  	v40 =	vmul.f32 v35, v5;
	v41 =	vmul.f32 v38, v2  }
0x1f7: {  	v23 =	vmul.f32 v23, v8;
	v25 =	vmul.f32 v38, v6  }
0x1f8: {  	v43 =	vmul.f32 v35, v9;
	v45 =	vmul.f32 v26, v0  }
0x1f9: {  	v46 =	vmul.f32 v26, v4;
	v28 =	vmul.f32 v44, v1  }
0x1fa: {  	v49 =	vmul.f32 v44, v5;
	v51 =	vmul.f32 v47, v2  }
0x1fb: {  	v26 =	vmul.f32 v26, v8;
	v52 =	vmul.f32 v47, v6  }
0x1fc: {  	v55 =	vmul.f32 v29, v0;
	v56 =	vmul.f32 v47, v10  }
0x1fd: {  	v57 =	vmul.f32 v29, v4;
	v17 =	vadd.f32 v17, v3;
	v18 =	vadd.f32 v18, v7  }
0x1fe: {  	v30 =	vmul.f32 v54, v1;
	v33 =	vadd.f32 v22, v11;
	v39 =	vadd.f32 v37, v7  }
0x1ff: {  	v29 =	vmul.f32 v29, v8;
	v42 =	vadd.f32 v23, v11;
	v27 =	vadd.f32 v45, v3  }
0x200: {  	v60 =	vmul.f32 v54, v5;
	v48 =	vadd.f32 v46, v7;
	v53 =	vadd.f32 v26, v11  }
0x201: {  	v61 =	vmul.f32 v58, v2;
	v59 =	vadd.f32 v57, v7;
	v62 =	vadd.f32 v29, v11  }
0x202: {  	v47 =	vbroadcast v12, $0x5;
	v17 =	vadd.f32 v20, v17;
	v18 =	vadd.f32 v21, v18  }
0x203: {  	v26 =	vmul.f32 v54, v9;
	v21 =	vadd.f32 v36, v3;
	v20 =	vadd.f32 v40, v39  }
0x204: {  	v22 =	vmul.f32 v38, v10;
	v50 =	vadd.f32 v28, v27;
	v27 =	vadd.f32 v55, v3  }
0x205: {  	v38 =	vbroadcast v12, $0x4;
	v26 =	vadd.f32 v26, v62;
	v15 =	vadd.f32 v31, v17  }
0x206: {  	v36 =	vmul.f32 v58, v10;
	v16 =	vadd.f32 v32, v18;
	v17 =	vadd.f32 v34, v33  }
0x207: {  	v40 =	vmul.f32 v63, v5;
	v21 =	vadd.f32 v24, v21;
	v18 =	vadd.f32 v25, v20  }
0x208: {  	v24 =	vmul.f32 v44, v9;
	v27 =	vadd.f32 v30, v27;
	v31 =	vmul.f32 v58, v6  }
0x209: {  	v25 =	vadd.f32 v60, v59;
	v32 =	vbroadcast v14, $0x4;
	v33 =	vmul.f32 v63, v1  }
0x20a: {  	v26 =	vadd.f32 v36, v26;
	v34 =	vmul.f32 v38, v6;
	v44 =	vbroadcast v13, $0x5  }
0x20b: {  	v17 =	vadd.f32 v19, v17;
	v19 =	vadd.f32 v41, v21;
	v35 =	vmul.f32 v32, v0  }
0x20c: {  	v21 =	vadd.f32 v43, v42;
	v37 =	vmul.f32 v32, v4;
	v41 =	vmul.f32 v38, v2  }
0x20d: {  	v23 =	vadd.f32 v24, v53;
	v32 =	vmul.f32 v32, v8;
	v43 =	vmul.f32 v63, v9  }
0x20e: {  	v25 =	vadd.f32 v31, v25;
	v31 =	vmul.f32 v38, v10;
	v36 =	vmul.f32 v44, v1  }
0x20f: {  	v24 =	vadd.f32 v61, v27;
	v38 =	vbroadcast v14, $0x6;
	v53 =	vbroadcast v13, $0x6  }
0x210: {  	v63 =	vbroadcast v13, $0x7;
	v15 =	vmax.f32 v15, $0.0e+00;
	v16 =	vmax.f32 v16, $0.0e+00  }
0x211: {  	[tilespmem:s23+$0xFFFFFC10] =	vst v16;
	v16 =	vbroadcast v13, $0xC;
	v20 =	vadd.f32 v22, v21;
	v22 =	vadd.f32 v49, v48  }
0x212: {  	v21 =	vadd.f32 v51, v50;
	v30 =	vadd.f32 v35, v3;
	v35 =	vbroadcast v14, $0x5  }
0x213: {  	v23 =	vadd.f32 v56, v23;
	v49 =	vmul.f32 v44, v5;
	v50 =	vmul.f32 v47, v2  }
0x214: {  	v39 =	vadd.f32 v37, v7;
	v37 =	vmul.f32 v47, v6;
	v54 =	vmul.f32 v38, v0  }
0x215: {  	v42 =	vadd.f32 v32, v11;
	v55 =	vmul.f32 v38, v4;
	v56 =	vbroadcast v12, $0x6  }
0x216: {  	v58 =	vmul.f32 v53, v5;
	v38 =	vmul.f32 v38, v8;
	v22 =	vadd.f32 v52, v22  }
0x217: {  	v30 =	vadd.f32 v33, v30;
	v45 =	vmul.f32 v35, v0;
	v46 =	vmul.f32 v35, v4  }
0x218: {  	v27 =	vadd.f32 v40, v39;
	v35 =	vmul.f32 v35, v8;
	v52 =	vmul.f32 v44, v9  }
0x219: {  	v39 =	vadd.f32 v54, v3;
	v40 =	vmul.f32 v53, v1;
	v57 =	vadd.f32 v55, v7  }
0x21a: {  	v60 =	vmul.f32 v56, v2;
	v61 =	vmul.f32 v56, v6;
	v62 =	vadd.f32 v38, v11  }
0x21b: {  	v44 =	vbroadcast v14, $0x8;
	v38 =	vmul.f32 v63, v9;
	v28 =	vadd.f32 v41, v30  }
0x21c: {  	v54 =	vbroadcast v13, $0x8;
	v29 =	vadd.f32 v34, v27;
	v30 =	vadd.f32 v43, v42  }
0x21d: {  	v33 =	vadd.f32 v45, v3;
	v48 =	vadd.f32 v46, v7;
	v34 =	vmul.f32 v47, v10  }
0x21e: {  	v51 =	vadd.f32 v35, v11;
	v41 =	vbroadcast v14, $0x7;
	v47 =	vmul.f32 v56, v10  }
0x21f: {  	v59 =	vadd.f32 v40, v39;
	v42 =	vmul.f32 v63, v1;
	v55 =	vmul.f32 v44, v0  }
0x220: {  	v45 =	vmul.f32 v54, v1;
	v30 =	vadd.f32 v31, v30;
	v33 =	vadd.f32 v36, v33  }
0x221: {  	v32 =	vadd.f32 v49, v48;
	v36 =	vmul.f32 v53, v9;
	v46 =	vmul.f32 v41, v0  }
0x222: {  	v48 =	vmul.f32 v41, v4;
	v49 =	vbroadcast v12, $0x7;
	v31 =	vadd.f32 v50, v33  }
0x223: {  	v41 =	vmul.f32 v41, v8;
	v27 =	vadd.f32 v37, v32;
	v33 =	vadd.f32 v52, v51  }
0x224: {  	v28 =	vmax.f32 v28, $0.0e+00;
	v35 =	vadd.f32 v36, v62;
	v39 =	vadd.f32 v46, v3  }
0x225: {  	v50 =	vadd.f32 v48, v7;
	v51 =	vmul.f32 v63, v5;
	v52 =	vmul.f32 v49, v2  }
0x226: {  	v43 =	vmul.f32 v49, v6;
	v53 =	vadd.f32 v41, v11;
	v56 =	vmul.f32 v49, v10  }
0x227: {  	v41 =	vmul.f32 v54, v9;
	v32 =	vadd.f32 v34, v33;
	v34 =	vadd.f32 v58, v57  }
0x228: {  	v63 =	vbroadcast v13, $0x9;
	v33 =	vadd.f32 v60, v59;
	v35 =	vadd.f32 v47, v35  }
0x229: {  	v39 =	vadd.f32 v42, v39;
	v37 =	vadd.f32 v51, v50;
	v57 =	vmul.f32 v44, v4  }
0x22a: {  	v38 =	vadd.f32 v38, v53;
	v58 =	vbroadcast v12, $0x8;
	v60 =	vmul.f32 v54, v5  }
0x22b: {  	v42 =	vadd.f32 v55, v3;
	v44 =	vmul.f32 v44, v8;
	v47 =	vbroadcast v14, $0x9  }
0x22c: {  	v54 =	vbroadcast v12, $0x9;
	v48 =	vmul.f32 v63, v1;
	v34 =	vadd.f32 v61, v34  }
0x22d: {  	v50 =	vbroadcast v14, $0xA;
	v36 =	vadd.f32 v52, v39;
	v37 =	vadd.f32 v43, v37  }
0x22e: {  	v38 =	vadd.f32 v56, v38;
	v61 =	vmul.f32 v58, v2;
	v46 =	vmul.f32 v58, v6  }
0x22f: {  	v59 =	vadd.f32 v57, v7;
	v51 =	vmul.f32 v47, v0;
	v52 =	vmul.f32 v58, v10  }
0x230: {  	v42 =	vadd.f32 v45, v42;
	v53 =	vmul.f32 v47, v4;
	v56 =	vmul.f32 v63, v5  }
0x231: {  	v62 =	vadd.f32 v44, v11;
	v57 =	vmul.f32 v54, v2;
	v47 =	vmul.f32 v47, v8  }
0x232: {  	v49 =	vmul.f32 v54, v6;
	v40 =	vadd.f32 v60, v59;
	v39 =	vadd.f32 v61, v42  }
0x233: {  	v44 =	vmul.f32 v63, v9;
	v41 =	vadd.f32 v41, v62;
	v45 =	vadd.f32 v51, v3  }
0x234: {  	v58 =	vadd.f32 v47, v11;
	v47 =	vbroadcast v13, $0xA;
	v59 =	vmul.f32 v50, v0  }
0x235: {  	v55 =	vadd.f32 v53, v7;
	v60 =	vmul.f32 v54, v10;
	v61 =	vmul.f32 v50, v4  }
0x236: {  	v62 =	vbroadcast v12, $0xA;
	v40 =	vadd.f32 v46, v40;
	v41 =	vadd.f32 v52, v41  }
0x237: {  	v50 =	vmul.f32 v50, v8;
	v45 =	vadd.f32 v48, v45;
	v42 =	vadd.f32 v56, v55  }
0x238: {  	v44 =	vadd.f32 v44, v58;
	v48 =	vadd.f32 v59, v3;
	v51 =	vmul.f32 v47, v1  }
0x239: {  	v63 =	vadd.f32 v61, v7;
	v56 =	vmul.f32 v47, v5;
	v52 =	vbroadcast v14, $0xB  }
0x23a: {  	v53 =	vmul.f32 v62, v6;
	v58 =	vbroadcast v13, $0xB;
	v50 =	vadd.f32 v50, v11  }
0x23b: {  	v47 =	vmul.f32 v47, v9;
	v43 =	vadd.f32 v57, v45;
	v42 =	vadd.f32 v49, v42  }
0x23c: {  	v44 =	vadd.f32 v60, v44;
	v57 =	vmul.f32 v62, v2;
	v59 =	vmul.f32 v52, v0  }
0x23d: {  	v48 =	vadd.f32 v51, v48;
	v60 =	vbroadcast v12, $0xB;
	v54 =	vmul.f32 v58, v1  }
0x23e: {  	v46 =	vadd.f32 v56, v63;
	v49 =	vmul.f32 v62, v10;
	v61 =	vmul.f32 v52, v4  }
0x23f: {  	v47 =	vadd.f32 v47, v50;
	v52 =	vmul.f32 v52, v8;
	v63 =	vmul.f32 v58, v5  }
0x240: {  	v51 =	vmul.f32 v58, v9;
	v58 =	vmax.f32 v19, $0.0e+00;
	v45 =	vadd.f32 v57, v48  }
0x241: {  	v46 =	vadd.f32 v53, v46;
	v48 =	vadd.f32 v59, v3;
	v55 =	vmul.f32 v60, v2  }
0x242: {  	v62 =	vadd.f32 v61, v7;
	v52 =	vadd.f32 v52, v11;
	v57 =	vmax.f32 v17, $0.0e+00  }
0x243: {  	v59 =	vmul.f32 v60, v10;
	v61 =	vmax.f32 v18, $0.0e+00;
	v17 =	vbroadcast v12, $0xC  }
0x244: {  	v53 =	vmax.f32 v21, $0.0e+00;
	[tilespmem:s23+$0xFFFFFC90] =	vst v61;
	v61 =	vmax.f32 v26, $0.0e+00;
	v54 =	vadd.f32 v54, v48  }
0x245: {  	[tilespmem:s23+$0xFFFFFD00] =	vst v53;
	v53 =	vmax.f32 v30, $0.0e+00;
	v48 =	vadd.f32 v49, v47;
	v49 =	vadd.f32 v63, v62  }
0x246: {  	[tilespmem:s23+$0xFFFFFC00] =	vst v15;
	v56 =	vadd.f32 v51, v52;
	v51 =	vbroadcast v14, $0xC;
	v62 =	vmax.f32 v20, $0.0e+00  }
0x247: {  	[tilespmem:s23+$0xFFFFFC18] =	vst v57;
	v52 =	vmul.f32 v16, v1;
	v57 =	vmul.f32 v17, v2;
	v47 =	vadd.f32 v55, v54  }
0x248: {  	[tilespmem:s23+$0xFFFFFE00] =	vst v28;
	v55 =	vmul.f32 v60, v6;
	v60 =	vmul.f32 v51, v0;
	v19 =	vadd.f32 v59, v56  }
0x249: {  	[tilespmem:s23+$0xFFFFFC80] =	vst v58;
	v54 =	vmax.f32 v22, $0.0e+00;
	v58 =	vmul.f32 v51, v4;
	v50 =	vmul.f32 v51, v8  }
0x24a: {  	v59 =	vmax.f32 v24, $0.0e+00;
	v51 =	vmul.f32 v17, v6;
	v17 =	vmul.f32 v17, v10;
	[tilespmem:s23+$0xFFFFFD10] =	vst v54  }
0x24b: {  	[tilespmem:s23+$0xFFFFFD80] =	vst v59;
	v54 =	vbroadcast v13, $0xD;
	v59 =	vmax.f32 v32, $0.0e+00;
	v32 =	vmax.f32 v34, $0.0e+00  }
0x24c: {  	[tilespmem:s23+$0xFFFFFC98] =	vst v62;
	v15 =	vadd.f32 v55, v49;
	v63 =	vadd.f32 v60, v3;
	v55 =	vmax.f32 v23, $0.0e+00  }
0x24d: {  	v60 =	vmax.f32 v25, $0.0e+00;
	v62 =	vadd.f32 v58, v7;
	v49 =	vmax.f32 v29, $0.0e+00;
	[tilespmem:s23+$0xFFFFFF10] =	vst v32  }
0x24e: {  	v26 =	vadd.f32 v50, v11;
	v25 =	vbroadcast v12, $0xD;
	v58 =	vmax.f32 v27, $0.0e+00;
	[tilespmem:s23+$0xFFFFFD90] =	vst v60  }
0x24f: {  	v50 =	vmax.f32 v37, $0.0e+00;
	[tilespmem:s23+$0xFFFFFE90] =	vst v58;
	v21 =	vmul.f32 v54, v9;
	v58 =	vbroadcast v12, $0xE  }
0x250: {  	[tilespmem:s23+$0xFFFFFE10] =	vst v49;
	v12 =	vbroadcast v12, $0xF;
	v56 =	vadd.f32 v52, v63;
	v63 =	vmul.f32 v16, v5  }
0x251: {  	v49 =	vmax.f32 v36, $0.0e+00;
	v52 =	vbroadcast v14, $0xD;
	[tilespmem:s23+$0xFFFFFD98] =	vst v61;
	v16 =	vmul.f32 v16, v9  }
0x252: {  	[tilespmem:s23+$0xFFFFFE18] =	vst v53;
	v61 =	vmul.f32 v25, v2;
	v53 =	vmax.f32 v38, $0.0e+00;
	v15 =	vmax.f32 v15, $0.0e+00  }
0x253: {  	[tilespmem:s23+$0xFFFFFD18] =	vst v55;
	v18 =	vadd.f32 v57, v56;
	v20 =	vadd.f32 v63, v62;
	v55 =	vmul.f32 v52, v0  }
0x254: {  	[tilespmem:s23+$0xFFFFFF90] =	vst v50;
	v57 =	vmul.f32 v54, v1;
	v62 =	vmul.f32 v52, v4;
	v63 =	vmax.f32 v33, $0.0e+00  }
0x255: {  	[tilespmem:s23+$0xFFFFFE98] =	vst v59;
	v33 =	vmax.f32 v35, $0.0e+00;
	v35 =	vmul.f32 v54, v5;
	v24 =	vmul.f32 v52, v8  }
0x256: {  	[tilespmem:s23+$0xFFFFFF80] =	vst v49;
	v56 =	vmax.f32 v31, $0.0e+00;
	v52 =	vbroadcast v14, $0xE;
	v54 =	vbroadcast v13, $0xE  }
0x257: {  	v16 =	vadd.f32 v16, v26;
	v14 =	vbroadcast v14, $0xF;
	v13 =	vbroadcast v13, $0xF;
	[tilespmem:s23+$0xFFFFFE80] =	vst v56  }
0x258: {  	[tilespmem:s23+$0xFFFFFF00] =	vst v63;
	v56 =	vmax.f32 v39, $0.0e+00;
	v63 =	vmul.f32 v58, v2;
	v39 =	vmax.f32 v45, $0.0e+00  }
0x259: {  	[tilespmem:s23+$0xFFFFFF98] =	vst v53;
	v45 =	vmax.f32 v19, $0.0e+00;
	v20 =	vadd.f32 v51, v20;
	v22 =	vadd.f32 v55, v3  }
0x25a: {  	[tilespmem:s23+$0x190] =	vst v15;
	v16 =	vadd.f32 v17, v16;
	v34 =	vadd.f32 v62, v7;
	v51 =	vmul.f32 v25, v6  }
0x25b: {  	[tilespmem:s23+$0xFFFFFF18] =	vst v33;
	v24 =	vadd.f32 v24, v11;
	v55 =	vmul.f32 v52, v0;
	v25 =	vmul.f32 v25, v10  }
0x25c: {  	[tilespmem:s23+$0x0] =	vst v56;
	v62 =	vmax.f32 v43, $0.0e+00;
	v33 =	vmul.f32 v52, v4;
	v38 =	vmul.f32 v54, v5  }
0x25d: {  	v28 =	vmul.f32 v52, v8;
	[tilespmem:s23+$0x100] =	vst v39;
	v23 =	vmul.f32 v54, v9;
	v43 =	vmax.f32 v47, $0.0e+00  }
0x25e: {  	v18 =	vmax.f32 v18, $0.0e+00;
	[tilespmem:s23+$0x198] =	vst v45;
	v52 =	vmul.f32 v14, v4;
	v56 =	vmul.f32 v13, v5  }
0x25f: {  	[tilespmem:s23+$0x80] =	vst v62;
	v60 =	vadd.f32 v57, v22;
	v22 =	vadd.f32 v35, v34;
	v57 =	vmax.f32 v40, $0.0e+00  }
0x260: {  	[tilespmem:s23+$0x180] =	vst v43;
	v21 =	vadd.f32 v21, v24;
	v59 =	vadd.f32 v55, v3;
	v34 =	vmax.f32 v42, $0.0e+00  }
0x261: {  	[tilespmem:s23+$0x200] =	vst v18;
	v35 =	vmax.f32 v44, $0.0e+00;
	v37 =	vadd.f32 v33, v7;
	v40 =	vmax.f32 v46, $0.0e+00  }
0x262: {  	v42 =	vmul.f32 v58, v6;
	v28 =	vadd.f32 v28, v11;
	v44 =	vmul.f32 v14, v0;
	[tilespmem:s23+$0x10] =	vst v57  }
0x263: {  	v46 =	vmul.f32 v58, v10;
	v50 =	vmax.f32 v20, $0.0e+00;
	v16 =	vmax.f32 v16, $0.0e+00;
	[tilespmem:s23+$0x90] =	vst v34  }
0x264: {  	v14 =	vmul.f32 v14, v8;
	v55 =	vadd.f32 v52, v7;
	[tilespmem:s23+$0x110] =	vst v40;
	v17 =	vadd.f32 v61, v60  }
0x265: {  	[tilespmem:s23+$0x210] =	vst v50;
	v22 =	vadd.f32 v51, v22;
	v60 =	vmul.f32 v54, v1;
	v61 =	vmax.f32 v41, $0.0e+00  }
0x266: {  	v21 =	vadd.f32 v25, v21;
	[tilespmem:s23+$0x98] =	vst v35;
	v41 =	vmax.f32 v48, $0.0e+00;
	v47 =	vadd.f32 v44, v3  }
0x267: {  	v48 =	vmul.f32 v13, v1;
	v51 =	vmul.f32 v12, v2;
	[tilespmem:s23+$0x218] =	vst v16;
	v14 =	vadd.f32 v14, v11  }
0x268: {  	v13 =	vmul.f32 v13, v9;
	v16 =	vadd.f32 v56, v55;
	[tilespmem:s23+$0x18] =	vst v61;
	v26 =	vadd.f32 v60, v59  }
0x269: {  	[tilespmem:s23+$0x118] =	vst v41;
	v15 =	vadd.f32 v48, v47;
	v53 =	vmax.f32 v17, $0.0e+00;
	v54 =	vmax.f32 v22, $0.0e+00  }
0x26a: {  	v57 =	vmax.f32 v21, $0.0e+00;
	v59 =	vmul.f32 v12, v6;
	[tilespmem:s23+$0x280] =	vst v53;
	v36 =	vadd.f32 v63, v26  }
0x26b: {  	v13 =	vadd.f32 v13, v14;
	v12 =	vmul.f32 v12, v10;
	[tilespmem:s23+$0x290] =	vst v54;
	v15 =	vadd.f32 v51, v15  }
0x26c: {  	v26 =	vadd.f32 v38, v37;
	[tilespmem:s23+$0x298] =	vst v57;
	v16 =	vadd.f32 v59, v16;
	v58 =	vmax.f32 v36, $0.0e+00  }
0x26d: {  	p0 =	sne.s32 s22, $0x3C0;
	v23 =	vadd.f32 v23, v28;
	v12 =	vadd.f32 v12, v13;
	v62 =	vmax.f32 v15, $0.0e+00;
	[tilespmem:s23+$0x300] =	vst v58  }
.Ltmp3:
0x26e: {  	v26 =	vadd.f32 v42, v26;
	v63 =	vmax.f32 v16, $0.0e+00;
	[tilespmem:s23+$0x380] =	vst v62;
	(pc) =	sbr.rel @p0 .LBB2_8-.Ltmp3, $4  }
0x26f: {  	v49 =	vadd.f32 v46, v23;
	v12 =	vmax.f32 v12, $0.0e+00;
	[tilespmem:s23+$0x390] =	vst v63  }
0x270: {  	v60 =	vmax.f32 v26, $0.0e+00;
	[tilespmem:s23+$0x398] =	vst v12  }
0x271: {  	v61 =	vmax.f32 v49, $0.0e+00;
	[tilespmem:s23+$0x310] =	vst v60  }
0x272: {  	s22 =	sadd.s32 $0x40, s22;
	[tilespmem:s23+$0x318] =	vst v61;
	s23 =	sadd.s32 $0x800, s23  }
0x273: {  	[hbm4b:s11+s2] =	stream.linear.scatter [tilespmem:s19], [sflag:$0x2], $0x8000, $0x38;
	[tilespmem:$0x10D00] =	vst v63  }
0x274: {  	s21 =	sadd.s32 $0x1, s21  }
0x275: {  	_ =	swait.ge [sflag:s3], $0x8000;
	p0 =	sne.s32 s21, s12  }
.Ltmp4:
0x276: {  	[sflag:s3] =	ssyncset.done $0x0;
	(pc) =	sbr.rel @p0 .LBB2_1-.Ltmp4, $4  }
0x277: {  	[sflag:s3] =	ssyncadd.s32 $0xFFFF8000  }
0x278: {  	_ =	swait.ge [sflag:s20], $0x8000  }
0x279: {  	[sflag:s20] =	ssyncset.done $0x0  }
0x27a: {  	[sflag:s20] =	ssyncadd.s32 $0xFFFF8000  }
0x27b: {  	_ =	sfence.sel $0x180000  }
0x27c: {  	[bflag:$0x0] =	sbarrier.arrive $0xFFFF  }
0x27d: {  	p0 =	sne.s32 s0, $0x0;
	_ =	strace $0x90000047  }
0x27e: {  	s0 =	sadd.s32 @!p0 $0x100000, s1;
	[bflag:$0x2] =	sbarrier.arrive $0xFFFF  }
0x27f: {  	[sflag:s0] =	ssyncadd.tile.s32 @!p0 $0x1;
	_ =	shalt  }
.Lfunc_end2:
_tile_overlayer_lowered:
.L_overlay_start_2:
0x280: {  	(tag) =	ssettag $0x2  }
0x281: {  	s0 =	rddreg [dreg:$0x0];
	s2 =	stileid.u32  }
0x282: {  	s1 =	rddreg [dreg:$0x1];
	p0 =	sne.s32 s2, $0x0  }
0x283: {  	s3 =	rddreg [dreg:$0x2];
	[bflag:$0x3] =	sbarrier.arrive $0xFFFF;
	s2 =	simm.s32 @!p0 $0x1C03  }
0x284: {  	[timem:s3], [sflag:s2] =	dma.local @!p0 [hbm:s0], s1  }
0x285: {  	s0 =	simm.s32 @!p0 $0x3  }
0x286: {  	_ =	swait.ge @!p0 [sflag:s0], s1  }
0x287: {  	s1 =	ssub.s32 @!p0 $0x0, s1;
	[sflag:s0] =	ssyncset.done @!p0 $0x0  }
0x288: {  	[sflag:s0] =	ssyncadd.s32 @!p0 s1  }
0x289: {  	[bflag:$0x3] =	sbarrier.arrive $0xFFFF  }
0x28a: {  	_ =	shalt  }

</sc_bundles>
